<compile_context>
chip_gen: v7x
topology: tpu7x:2x2x1
jax: 0.10.2.dev20260603
libtpu: 0.0.44.dev20260713+nightly
codegen_flags: <defaults>
</compile_context>

<pallas_src>
import jax
import jax.numpy as jnp
import numpy as np
from jax.experimental import pallas as pl
from jax.experimental.pallas import tpu as pltpu

UP = 4
CAPS = (34, 38, 29)
D = 56
S = 12



def _classifier_body(x48_ref, w1_ref, b1_ref, w2_ref, b2_ref, w3_ref, b3_ref,
                     w4_ref, b4_ref, w5_ref, b5_ref, fcw_ref, fcb_ref,
                     logits_ref):
    def lrelu(h):
        return jnp.where(h >= 0, h, 0.1 * h)

    h = jnp.dot(x48_ref[...], w1_ref[...],
                preferred_element_type=jnp.float32) + b1_ref[...]
    h = lrelu(h)
    h = lrelu(jnp.dot(h, w2_ref[...],
                      preferred_element_type=jnp.float32) + b2_ref[...])
    h = lrelu(jnp.dot(h, w3_ref[...],
                      preferred_element_type=jnp.float32) + b3_ref[...])
    h = lrelu(jnp.dot(h, w4_ref[...],
                      preferred_element_type=jnp.float32) + b4_ref[...])
    h = jnp.dot(h, w5_ref[...],
                preferred_element_type=jnp.float32) + b5_ref[...]
    hm = jnp.mean(h.reshape(64, 64, 32), axis=1)
    logits_ref[...] = jnp.dot(hm, fcw_ref[...],
                              preferred_element_type=jnp.float32) + fcb_ref[...]


def _run_classifier(x, cls):
    x48 = x.reshape(64, 3, 8, 4, 8, 4).transpose(0, 2, 4, 3, 5, 1).reshape(4096, 48)
    w1 = cls['w1'].transpose(2, 3, 1, 0).reshape(48, 128)
    fcw = cls['fc_w'].T
    args = (x48, w1, cls['b1'][None, :], cls['w2'][:, :, 0, 0].T,
            cls['b2'][None, :], cls['w3'][:, :, 0, 0].T, cls['b3'][None, :],
            cls['w4'][:, :, 0, 0].T, cls['b4'][None, :],
            cls['w5'][:, :, 0, 0].T, cls['b5'][None, :], fcw,
            cls['fc_b'][None, :])
    return pl.pallas_call(
        _classifier_body,
        out_shape=jax.ShapeDtypeStruct((64, 3), jnp.float32),
    )(*args)



PB = 4


def _shift_stack(h, k, masks):
    r = k // 2
    pieces = []
    t = 0
    for dy in range(-r, r + 1):
        for dx in range(-r, r + 1):
            off = dy * 32 + dx
            s = jnp.roll(h, -off, axis=1) if off else h
            if dy or dx:
                s = s * masks[t][None, :]
            pieces.append(s)
            t += 1
    return jnp.concatenate(pieces, axis=0)


def _fsrcnn_body(sel_ref, val_ref, x3_ref, m5_ref, m3_ref,
                 wh_ref, bh_ref, ah_ref, ws_ref, bs_ref, as_ref,
                 wm_ref, bm_ref, am_ref, we_ref, be_ref, ae_ref,
                 wd_ref, bd_ref, out_ref):
    i = pl.program_id(0)
    m5 = m5_ref[...]
    m3 = m3_ref[...]
    m3b = m3.astype(jnp.bfloat16)

    def mm(w, im):
        return jnp.dot(w, im, preferred_element_type=jnp.float32)

    def prelu(h, b, a):
        h = h + b
        return jnp.where(h >= 0, h, a * h)

    for j in range(PB):
        p = i * PB + j
        e = sel_ref[p]
        x75 = _shift_stack(x3_ref[j], 5, m5)
        h = prelu(mm(wh_ref[e], x75), bh_ref[e], ah_ref[e])
        h = prelu(mm(ws_ref[e], h), bs_ref[e], as_ref[e])
        for l in range(4):
            im = _shift_stack(h, 3, m3)
            h = prelu(mm(wm_ref[e, l], im), bm_ref[e, l], am_ref[e, l])
        h = prelu(mm(we_ref[e], h), be_ref[e], ae_ref[e])
        im = _shift_stack(h.astype(jnp.bfloat16), 3, m3b)
        y = mm(wd_ref[e], im) + bd_ref[e]
        v = val_ref[p].astype(jnp.float32)
        out_ref[j] = y * v


def _make_masks():
    yy, xx = np.mgrid[0:32, 0:32]
    def mk(k):
        r = k // 2
        ms = []
        for dy in range(-r, r + 1):
            for dx in range(-r, r + 1):
                ok = ((yy + dy >= 0) & (yy + dy < 32) &
                      (xx + dx >= 0) & (xx + dx < 32))
                ms.append(ok.reshape(-1))
        return jnp.asarray(np.stack(ms).astype(np.float32))
    return mk(5), mk(3)


def _expert_offsets(d):
    order = [('w_head', d * 75), ('b_head', d), ('a_head', d),
             ('w_shrink', 12 * d), ('b_shrink', 12), ('a_shrink', 12)]
    for l in range(4):
        order.append(('w_map%d' % l, 1296))
    for l in range(4):
        order.append(('b_map%d' % l, 12))
    for l in range(4):
        order.append(('a_map%d' % l, 12))
    order += [('w_expand', d * 12), ('b_expand', d), ('a_expand', d),
              ('w_deconv', 3 * d * 81), ('b_deconv', 3)]
    offs, t = {}, 0
    for name, sz in order:
        offs[name] = t
        t += sz
    return offs, t


def _pack_indices():
    d_list = (16, 36, 56)
    lmax = max(_expert_offsets(d)[1] for d in d_list)
    ZERO = lmax
    per_type = {
        'Wh': np.zeros((3, D, 75), np.int32),
        'Bh': np.zeros((3, D, 1), np.int32),
        'Ah': np.zeros((3, D, 1), np.int32),
        'Ws': np.zeros((3, S, D), np.int32),
        'Bs': np.zeros((3, S, 1), np.int32),
        'As': np.zeros((3, S, 1), np.int32),
        'Wm': np.zeros((3, 4, S, 9 * S), np.int32),
        'Bm': np.zeros((3, 4, S, 1), np.int32),
        'Am': np.zeros((3, 4, S, 1), np.int32),
        'We': np.zeros((3, D, S), np.int32),
        'Be': np.zeros((3, D, 1), np.int32),
        'Ae': np.zeros((3, D, 1), np.int32),
        'Wd': np.zeros((3, 48, 9 * D), np.int32),
        'Bd': np.zeros((3, 48, 1), np.int32),
    }
    for e, d in enumerate(d_list):
        offs, _ = _expert_offsets(d)
        r56 = np.arange(D)[:, None]
        lane = np.arange(75)[None, :]
        t_l, c_l = lane // 3, lane % 3
        ky, kx = t_l // 5, t_l % 5
        per_type['Wh'][e] = np.where(
            r56 < d, offs['w_head'] + r56 * 75 + c_l * 25 + ky * 5 + kx, ZERO)
        per_type['Bh'][e] = np.where(r56 < d, offs['b_head'] + r56, ZERO)
        per_type['Ah'][e] = np.where(r56 < d, offs['a_head'] + r56, ZERO)
        o12 = np.arange(S)[:, None]
        c56 = np.arange(D)[None, :]
        per_type['Ws'][e] = np.where(
            c56 < d, offs['w_shrink'] + o12 * d + c56, ZERO)
        per_type['Bs'][e] = offs['b_shrink'] + o12
        per_type['As'][e] = offs['a_shrink'] + o12
        lane = np.arange(9 * S)[None, :]
        t_l, c_l = lane // S, lane % S
        for l in range(4):
            per_type['Wm'][e, l] = (offs['w_map%d' % l]
                                    + o12 * 108 + c_l * 9 + t_l)
            per_type['Bm'][e, l] = offs['b_map%d' % l] + o12
            per_type['Am'][e, l] = offs['a_map%d' % l] + o12
        c12 = np.arange(S)[None, :]
        per_type['We'][e] = np.where(
            r56 < d, offs['w_expand'] + r56 * 12 + c12, ZERO)
        per_type['Be'][e] = np.where(r56 < d, offs['b_expand'] + r56, ZERO)
        per_type['Ae'][e] = np.where(r56 < d, offs['a_expand'] + r56, ZERO)
        wd = np.full((48, 9 * D), ZERO, np.int64)
        for ry in range(4):
            for rx in range(4):
                for o in range(3):
                    ch = (ry * 4 + rx) * 3 + o
                    for dy in (-1, 0, 1):
                        for dx in (-1, 0, 1):
                            kyv, kxv = 4 * dy + 6 - ry, 4 * dx + 6 - rx
                            if not (0 <= kyv < 9 and 0 <= kxv < 9):
                                continue
                            t = (dy + 1) * 3 + (dx + 1)
                            c = np.arange(d)
                            wd[ch, t * D + c] = (offs['w_deconv']
                                                 + (o * d + c) * 81
                                                 + kyv * 9 + kxv)
        per_type['Wd'][e] = wd
        per_type['Bd'][e] = (offs['b_deconv']
                             + np.arange(48)[:, None] % 3)
    return per_type, lmax


_PIDX, _LMAX = _pack_indices()


def _flatten_net(p):
    leaves = ([p['w_head'], p['b_head'], p['a_head'],
               p['w_shrink'], p['b_shrink'], p['a_shrink']]
              + list(p['w_map']) + list(p['b_map']) + list(p['a_map'])
              + [p['w_expand'], p['b_expand'], p['a_expand'],
                 p['w_deconv'], p['b_deconv']])
    return jnp.concatenate([l.reshape(-1) for l in leaves])


def _pack_expert_params(nets):
    flats = [_flatten_net(p) for p in nets]
    raw = jnp.stack([jnp.pad(f, (0, _LMAX + 1 - f.shape[0])) for f in flats])
    e_i = np.arange(3)
    def g(name, extra_dims):
        idx = _PIDX[name]
        e = e_i.reshape((3,) + (1,) * extra_dims)
        return raw[e, idx]
    Wh = g('Wh', 2)
    Bh, Ah = g('Bh', 2), g('Ah', 2)
    Ws, Bs, As = g('Ws', 2), g('Bs', 2), g('As', 2)
    Wm, Bm, Am = g('Wm', 3), g('Bm', 3), g('Am', 3)
    We, Be, Ae = g('We', 2), g('Be', 2), g('Ae', 2)
    Wd = g('Wd', 2).astype(jnp.bfloat16)
    Bd = g('Bd', 2)
    return (Wh, Bh, Ah, Ws, Bs, As, Wm, Bm, Am, We, Be, Ae, Wd, Bd)


def _run_fsrcnn(x3, sel, valid, packed, m5, m3):
    (Wh, Bh, Ah, Ws, Bs, As, Wm, Bm, Am, We, Be, Ae, Wd, Bd) = packed

    def full(shape):
        zeros = (0,) * len(shape)
        return pl.BlockSpec(shape, lambda i, sel_ref, val_ref, z=zeros: z)

    grid_spec = pltpu.PrefetchScalarGridSpec(
        num_scalar_prefetch=2,
        grid=(64 // PB,),
        in_specs=[
            pl.BlockSpec((PB, 3, 1024), lambda i, s, v: (i, 0, 0)),
            full(m5.shape), full(m3.shape),
            full(Wh.shape), full(Bh.shape), full(Ah.shape),
            full(Ws.shape), full(Bs.shape), full(As.shape),
            full(Wm.shape), full(Bm.shape), full(Am.shape),
            full(We.shape), full(Be.shape), full(Ae.shape),
            full(Wd.shape), full(Bd.shape),
        ],
        out_specs=pl.BlockSpec((PB, 48, 1024), lambda i, s, v: (i, 0, 0)),
    )
    return pl.pallas_call(
        _fsrcnn_body,
        grid_spec=grid_spec,
        out_shape=jax.ShapeDtypeStruct((64, 48, 1024), jnp.float32),
    )(sel, valid, x3, m5, m3, Wh, Bh, Ah, Ws, Bs, As, Wm, Bm, Am,
      We, Be, Ae, Wd, Bd)


def kernel(x, params):
    logits = _run_classifier(x, params['cls'])

    expert = jnp.argmax(logits, axis=-1).astype(jnp.int32)
    onehot = (expert[:, None] == jnp.arange(3, dtype=jnp.int32)).astype(jnp.int32)
    ranks = jnp.cumsum(onehot, axis=0)
    caps = jnp.asarray(CAPS, jnp.int32)
    myrank = jnp.sum(ranks * onehot, axis=1)
    valid = (myrank <= caps[expert]).astype(jnp.int32)
    counts = jnp.minimum(ranks[-1], caps)

    packed = _pack_expert_params(params['nets'])
    m5, m3 = _make_masks()
    x3 = x.reshape(64, 3, 1024)
    y48 = _run_fsrcnn(x3, expert, valid, packed, m5, m3)

    y = y48.reshape(64, 4, 4, 3, 32, 32)
    y = y.transpose(0, 3, 4, 1, 5, 2).reshape(64, 3, 128, 128)
    return y, counts

# --- scband reference (transcript-rebuilt; emitter-appended) ---
"""Pipeline reference for scband-class-sr-3class-fused-fsrcnn-net-3865470566901 (READ-ONLY COPY).

The authoritative reference and input builder live on the scoring server;
editing this copy changes nothing except your own understanding.
"""

import jax, jax.numpy as jnp
import numpy as np

UP = 4
CAPS = (34, 38, 29)
D_LIST = (16, 36, 56)
S_DIM = 12
M_LAYERS = 4

def _conv(x, w, b, stride=1, padding='SAME'):
    y = jax.lax.conv_general_dilated(x, w, (stride, stride), padding,
                                     dimension_numbers=('NCHW', 'OIHW', 'NCHW'))
    return y + b[None, :, None, None]

def _prelu(x, a):
    return jnp.where(x >= 0, x, a[None, :, None, None] * x)

def _lrelu(x):
    return jnp.where(x >= 0, x, 0.1 * x)

def _classifier(x, c):
    h = _lrelu(_conv(x, c['w1'], c['b1'], stride=4, padding='VALID'))
    h = _lrelu(_conv(h, c['w2'], c['b2']))
    h = _lrelu(_conv(h, c['w3'], c['b3']))
    h = _lrelu(_conv(h, c['w4'], c['b4']))
    h = _conv(h, c['w5'], c['b5'])
    h = jnp.mean(h, axis=(2, 3))
    return h @ c['fc_w'].T + c['fc_b']

def _fsrcnn(x, p):
    h = _prelu(_conv(x, p['w_head'], p['b_head']), p['a_head'])
    h = _prelu(_conv(h, p['w_shrink'], p['b_shrink']), p['a_shrink'])
    for i in range(M_LAYERS):
        h = _prelu(_conv(h, p['w_map'][i], p['b_map'][i]), p['a_map'][i])
    h = _prelu(_conv(h, p['w_expand'], p['b_expand']), p['a_expand'])
    y = jax.lax.conv_transpose(h, p['w_deconv'], (UP, UP), 'SAME',
                               dimension_numbers=('NCHW', 'OIHW', 'NCHW'))
    return y + p['b_deconv'][None, :, None, None]

def _forward(x, params):
    # classifier -> per-patch 3-class routing weights
    logits = _classifier(x, params['cls'])
    weights = jax.nn.softmax(logits, axis=-1)
    # ScatterRouter(protocol='topk', top_k=1): route each patch to its argmax subnet
    expert = jnp.argmax(weights, axis=-1)
    B, _, H, W = x.shape
    out = jnp.zeros((B, 3, H * UP, W * UP), jnp.float32)
    counts = []
    for e in range(3):
        mask = expert == e
        # stable sort brings selected patch indices to the front (fused fixed-capacity batch)
        order = jnp.argsort(jnp.where(mask, 0, 1))
        idx = order[:CAPS[e]]
        valid = mask[idx]
        xe = x[idx]
        ye = _fsrcnn(xe, params['nets'][e])
        # GatherRouter(fabric='combine'): restore only the real (valid) outputs
        out = out.at[idx].add(ye * valid[:, None, None, None].astype(ye.dtype))
        counts.append(jnp.minimum(jnp.sum(mask), CAPS[e]))
    return out, jnp.stack(counts)

def _make_fsrcnn_params(key, d):
    ks = jax.random.split(key, 8)
    p = {
        'w_head': jax.random.normal(ks[0], (d, 3, 5, 5), jnp.float32) * 0.05,
        'b_head': jnp.zeros((d,), jnp.float32),
        'a_head': jnp.full((d,), 0.25, jnp.float32),
        'w_shrink': jax.random.normal(ks[1], (S_DIM, d, 1, 1), jnp.float32) * 0.05,
        'b_shrink': jnp.zeros((S_DIM,), jnp.float32),
        'a_shrink': jnp.full((S_DIM,), 0.25, jnp.float32),
        'w_map': [jax.random.normal(ks[2 + i], (S_DIM, S_DIM, 3, 3), jnp.float32) * 0.05 for i in range(M_LAYERS)],
        'b_map': [jnp.zeros((S_DIM,), jnp.float32) for _ in range(M_LAYERS)],
        'a_map': [jnp.full((S_DIM,), 0.25, jnp.float32) for _ in range(M_LAYERS)],
        'w_expand': jax.random.normal(ks[6], (d, S_DIM, 1, 1), jnp.float32) * 0.05,
        'b_expand': jnp.zeros((d,), jnp.float32),
        'a_expand': jnp.full((d,), 0.25, jnp.float32),
        'w_deconv': jax.random.normal(ks[7], (3, d, 9, 9), jnp.float32) * 0.05,
        'b_deconv': jnp.zeros((3,), jnp.float32),
    }
    return p

def setup_inputs(seed: int = 0):
    key = jax.random.key(seed)
    kx, kc, k1, k2, k3 = jax.random.split(key, 5)
    x = jax.random.normal(kx, (64, 3, 32, 32), jnp.float32)
    cks = jax.random.split(kc, 6)
    cls = {
        'w1': jax.random.normal(cks[0], (128, 3, 4, 4), jnp.float32) * 0.05,
        'b1': jnp.zeros((128,), jnp.float32),
        'w2': jax.random.normal(cks[1], (32, 128, 1, 1), jnp.float32) * 0.05,
        'b2': jnp.zeros((32,), jnp.float32),
        'w3': jax.random.normal(cks[2], (32, 32, 1, 1), jnp.float32) * 0.05,
        'b3': jnp.zeros((32,), jnp.float32),
        'w4': jax.random.normal(cks[3], (32, 32, 1, 1), jnp.float32) * 0.05,
        'b4': jnp.zeros((32,), jnp.float32),
        'w5': jax.random.normal(cks[4], (32, 32, 1, 1), jnp.float32) * 0.05,
        'b5': jnp.zeros((32,), jnp.float32),
        'fc_w': jax.random.normal(cks[5], (3, 32), jnp.float32) * 0.05,
        'fc_b': jnp.zeros((3,), jnp.float32),
    }
    nets = [_make_fsrcnn_params(k, d) for k, d in zip((k1, k2, k3), D_LIST)]
    params = {'cls': cls, 'nets': nets}
    return {'x': x, 'params': params}

def reference(x, params):
    return _forward(x, params)

if __name__ == "__main__":
    import jax
    _d = setup_inputs()
    print(jax.jit(kernel)(*tuple(_d.values())))

</pallas_src>

<mosaic_0001>
module attributes {stable_mosaic.version = 14 : i64} {
  func.func @_classifier_body(%arg0: memref<4096x48xf32, #tpu.memory_space<vmem>>, %arg1: memref<48x128xf32, #tpu.memory_space<vmem>>, %arg2: memref<1x128xf32, #tpu.memory_space<vmem>>, %arg3: memref<128x32xf32, #tpu.memory_space<vmem>>, %arg4: memref<1x32xf32, #tpu.memory_space<vmem>>, %arg5: memref<32x32xf32, #tpu.memory_space<vmem>>, %arg6: memref<1x32xf32, #tpu.memory_space<vmem>>, %arg7: memref<32x32xf32, #tpu.memory_space<vmem>>, %arg8: memref<1x32xf32, #tpu.memory_space<vmem>>, %arg9: memref<32x32xf32, #tpu.memory_space<vmem>>, %arg10: memref<1x32xf32, #tpu.memory_space<vmem>>, %arg11: memref<32x3xf32, #tpu.memory_space<vmem>>, %arg12: memref<1x3xf32, #tpu.memory_space<vmem>>, %arg13: memref<64x3xf32, #tpu.memory_space<vmem>>) attributes {dimension_semantics = [], scalar_prefetch = 0 : i64, scratch_operands = 0 : i64, tpu.core_type = #tpu.core_type<tc>} {
    %get3A = arith.constant 0 : index
    %get3A_0 = arith.constant 0 : index
    %get3A_1 = vector.load %arg0[%get3A, %get3A_0] : memref<4096x48xf32, #tpu.memory_space<vmem>>, vector<4096x48xf32>
    %get3A_2 = arith.constant 0 : index
    %get3A_3 = arith.constant 0 : index
    %get3A_4 = vector.load %arg1[%get3A_2, %get3A_3] : memref<48x128xf32, #tpu.memory_space<vmem>>, vector<48x128xf32>
    %dot_general3A = arith.constant dense<0.000000e+00> : vector<4096x128xf32>
    %dot_general3A_5 = tpu.matmul %get3A_1, %get3A_4, %dot_general3A {dimension_numbers = #tpu.dot_dimension_numbers<[1], [0], [0], [1], [0, 0, 1, 1], [], []>, transpose_lhs_hint = false} : vector<4096x48xf32>, vector<48x128xf32>, vector<4096x128xf32> -> vector<4096x128xf32>
    %get3A_6 = arith.constant 0 : index
    %get3A_7 = arith.constant 0 : index
    %get3A_8 = vector.load %arg2[%get3A_6, %get3A_7] : memref<1x128xf32, #tpu.memory_space<vmem>>, vector<1x128xf32>
    %add3A = vector.broadcast %get3A_8 : vector<1x128xf32> to vector<4096x128xf32>
    %add3A_9 = arith.addf %dot_general3A_5, %add3A : vector<4096x128xf32>
    %ge3A = arith.constant 0.000000e+00 : f32
    %ge3A_10 = vector.broadcast %ge3A : f32 to vector<4096x128xf32>
    %ge3A_11 = arith.cmpf oge, %add3A_9, %ge3A_10 : vector<4096x128xf32>
    %mul3A = arith.constant 1.000000e-01 : f32
    %mul3A_12 = vector.broadcast %mul3A : f32 to vector<4096x128xf32>
    %mul3A_13 = arith.mulf %mul3A_12, %add3A_9 : vector<4096x128xf32>
    %select_n3A = arith.select %ge3A_11, %add3A_9, %mul3A_13 : vector<4096x128xi1>, vector<4096x128xf32>
    %get3A_14 = arith.constant 0 : index
    %get3A_15 = arith.constant 0 : index
    %get3A_16 = vector.load %arg3[%get3A_14, %get3A_15] : memref<128x32xf32, #tpu.memory_space<vmem>>, vector<128x32xf32>
    %dot_general3A_17 = arith.constant dense<0.000000e+00> : vector<4096x32xf32>
    %dot_general3A_18 = tpu.matmul %select_n3A, %get3A_16, %dot_general3A_17 {dimension_numbers = #tpu.dot_dimension_numbers<[1], [0], [0], [1], [0, 0, 1, 1], [], []>, transpose_lhs_hint = false} : vector<4096x128xf32>, vector<128x32xf32>, vector<4096x32xf32> -> vector<4096x32xf32>
    %get3A_19 = arith.constant 0 : index
    %get3A_20 = arith.constant 0 : index
    %get3A_21 = vector.load %arg4[%get3A_19, %get3A_20] : memref<1x32xf32, #tpu.memory_space<vmem>>, vector<1x32xf32>
    %add3A_22 = vector.broadcast %get3A_21 : vector<1x32xf32> to vector<4096x32xf32>
    %add3A_23 = arith.addf %dot_general3A_18, %add3A_22 : vector<4096x32xf32>
    %ge3A_24 = arith.constant 0.000000e+00 : f32
    %ge3A_25 = vector.broadcast %ge3A_24 : f32 to vector<4096x32xf32>
    %ge3A_26 = arith.cmpf oge, %add3A_23, %ge3A_25 : vector<4096x32xf32>
    %mul3A_27 = arith.constant 1.000000e-01 : f32
    %mul3A_28 = vector.broadcast %mul3A_27 : f32 to vector<4096x32xf32>
    %mul3A_29 = arith.mulf %mul3A_28, %add3A_23 : vector<4096x32xf32>
    %select_n3A_30 = arith.select %ge3A_26, %add3A_23, %mul3A_29 : vector<4096x32xi1>, vector<4096x32xf32>
    %get3A_31 = arith.constant 0 : index
    %get3A_32 = arith.constant 0 : index
    %get3A_33 = vector.load %arg5[%get3A_31, %get3A_32] : memref<32x32xf32, #tpu.memory_space<vmem>>, vector<32x32xf32>
    %dot_general3A_34 = arith.constant dense<0.000000e+00> : vector<4096x32xf32>
    %dot_general3A_35 = tpu.matmul %select_n3A_30, %get3A_33, %dot_general3A_34 {dimension_numbers = #tpu.dot_dimension_numbers<[1], [0], [0], [1], [0, 0, 1, 1], [], []>, transpose_lhs_hint = false} : vector<4096x32xf32>, vector<32x32xf32>, vector<4096x32xf32> -> vector<4096x32xf32>
    %get3A_36 = arith.constant 0 : index
    %get3A_37 = arith.constant 0 : index
    %get3A_38 = vector.load %arg6[%get3A_36, %get3A_37] : memref<1x32xf32, #tpu.memory_space<vmem>>, vector<1x32xf32>
    %add3A_39 = vector.broadcast %get3A_38 : vector<1x32xf32> to vector<4096x32xf32>
    %add3A_40 = arith.addf %dot_general3A_35, %add3A_39 : vector<4096x32xf32>
    %ge3A_41 = arith.constant 0.000000e+00 : f32
    %ge3A_42 = vector.broadcast %ge3A_41 : f32 to vector<4096x32xf32>
    %ge3A_43 = arith.cmpf oge, %add3A_40, %ge3A_42 : vector<4096x32xf32>
    %mul3A_44 = arith.constant 1.000000e-01 : f32
    %mul3A_45 = vector.broadcast %mul3A_44 : f32 to vector<4096x32xf32>
    %mul3A_46 = arith.mulf %mul3A_45, %add3A_40 : vector<4096x32xf32>
    %select_n3A_47 = arith.select %ge3A_43, %add3A_40, %mul3A_46 : vector<4096x32xi1>, vector<4096x32xf32>
    %get3A_48 = arith.constant 0 : index
    %get3A_49 = arith.constant 0 : index
    %get3A_50 = vector.load %arg7[%get3A_48, %get3A_49] : memref<32x32xf32, #tpu.memory_space<vmem>>, vector<32x32xf32>
    %dot_general3A_51 = arith.constant dense<0.000000e+00> : vector<4096x32xf32>
    %dot_general3A_52 = tpu.matmul %select_n3A_47, %get3A_50, %dot_general3A_51 {dimension_numbers = #tpu.dot_dimension_numbers<[1], [0], [0], [1], [0, 0, 1, 1], [], []>, transpose_lhs_hint = false} : vector<4096x32xf32>, vector<32x32xf32>, vector<4096x32xf32> -> vector<4096x32xf32>
    %get3A_53 = arith.constant 0 : index
    %get3A_54 = arith.constant 0 : index
    %get3A_55 = vector.load %arg8[%get3A_53, %get3A_54] : memref<1x32xf32, #tpu.memory_space<vmem>>, vector<1x32xf32>
    %add3A_56 = vector.broadcast %get3A_55 : vector<1x32xf32> to vector<4096x32xf32>
    %add3A_57 = arith.addf %dot_general3A_52, %add3A_56 : vector<4096x32xf32>
    %ge3A_58 = arith.constant 0.000000e+00 : f32
    %ge3A_59 = vector.broadcast %ge3A_58 : f32 to vector<4096x32xf32>
    %ge3A_60 = arith.cmpf oge, %add3A_57, %ge3A_59 : vector<4096x32xf32>
    %mul3A_61 = arith.constant 1.000000e-01 : f32
    %mul3A_62 = vector.broadcast %mul3A_61 : f32 to vector<4096x32xf32>
    %mul3A_63 = arith.mulf %mul3A_62, %add3A_57 : vector<4096x32xf32>
    %select_n3A_64 = arith.select %ge3A_60, %add3A_57, %mul3A_63 : vector<4096x32xi1>, vector<4096x32xf32>
    %get3A_65 = arith.constant 0 : index
    %get3A_66 = arith.constant 0 : index
    %get3A_67 = vector.load %arg9[%get3A_65, %get3A_66] : memref<32x32xf32, #tpu.memory_space<vmem>>, vector<32x32xf32>
    %dot_general3A_68 = arith.constant dense<0.000000e+00> : vector<4096x32xf32>
    %dot_general3A_69 = tpu.matmul %select_n3A_64, %get3A_67, %dot_general3A_68 {dimension_numbers = #tpu.dot_dimension_numbers<[1], [0], [0], [1], [0, 0, 1, 1], [], []>, transpose_lhs_hint = false} : vector<4096x32xf32>, vector<32x32xf32>, vector<4096x32xf32> -> vector<4096x32xf32>
    %get3A_70 = arith.constant 0 : index
    %get3A_71 = arith.constant 0 : index
    %get3A_72 = vector.load %arg10[%get3A_70, %get3A_71] : memref<1x32xf32, #tpu.memory_space<vmem>>, vector<1x32xf32>
    %add3A_73 = vector.broadcast %get3A_72 : vector<1x32xf32> to vector<4096x32xf32>
    %add3A_74 = arith.addf %dot_general3A_69, %add3A_73 : vector<4096x32xf32>
    %reshape3A = vector.shape_cast %add3A_74 : vector<4096x32xf32> to vector<64x64x32xf32>
    %reduce_sum3A = arith.constant dense<0.000000e+00> : vector<64x32xf32>
    %reduce_sum3A_75 = vector.multi_reduction <add>, %reshape3A, %reduce_sum3A [1] : vector<64x64x32xf32> to vector<64x32xf32>
    %div3A = arith.constant 6.400000e+01 : f32
    %div3A_76 = vector.broadcast %div3A : f32 to vector<64x32xf32>
    %div3A_77 = arith.divf %reduce_sum3A_75, %div3A_76 : vector<64x32xf32>
    %get3A_78 = arith.constant 0 : index
    %get3A_79 = arith.constant 0 : index
    %get3A_80 = vector.load %arg11[%get3A_78, %get3A_79] : memref<32x3xf32, #tpu.memory_space<vmem>>, vector<32x3xf32>
    %dot_general3A_81 = arith.constant dense<0.000000e+00> : vector<64x3xf32>
    %dot_general3A_82 = tpu.matmul %div3A_77, %get3A_80, %dot_general3A_81 {dimension_numbers = #tpu.dot_dimension_numbers<[1], [0], [0], [1], [0, 0, 1, 1], [], []>, transpose_lhs_hint = false} : vector<64x32xf32>, vector<32x3xf32>, vector<64x3xf32> -> vector<64x3xf32>
    %get3A_83 = arith.constant 0 : index
    %get3A_84 = arith.constant 0 : index
    %get3A_85 = vector.load %arg12[%get3A_83, %get3A_84] : memref<1x3xf32, #tpu.memory_space<vmem>>, vector<1x3xf32>
    %add3A_86 = vector.broadcast %get3A_85 : vector<1x3xf32> to vector<64x3xf32>
    %add3A_87 = arith.addf %dot_general3A_82, %add3A_86 : vector<64x3xf32>
    %swap3A = arith.constant 0 : index
    %swap3A_88 = arith.constant 0 : index
    %swap3A_89 = vector.load %arg13[%swap3A, %swap3A_88] : memref<64x3xf32, #tpu.memory_space<vmem>>, vector<64x3xf32>
    tpu.vector_store %arg13[%swap3A, %swap3A_88], %add3A_87 {strides = array<i32>} : memref<64x3xf32, #tpu.memory_space<vmem>>, vector<64x3xf32>,
    return
  }
}

module attributes {stable_mosaic.version = 14 : i64} {
  func.func @_fsrcnn_body(%arg0: i32, %arg1: memref<64xi32, #tpu.memory_space<smem>>, %arg2: memref<64xi32, #tpu.memory_space<smem>>, %arg3: memref<4x3x1024xf32, #tpu.memory_space<vmem>>, %arg4: memref<25x1024xf32, #tpu.memory_space<vmem>>, %arg5: memref<9x1024xf32, #tpu.memory_space<vmem>>, %arg6: memref<3x56x75xf32, #tpu.memory_space<vmem>>, %arg7: memref<3x56x1xf32, #tpu.memory_space<vmem>>, %arg8: memref<3x56x1xf32, #tpu.memory_space<vmem>>, %arg9: memref<3x12x56xf32, #tpu.memory_space<vmem>>, %arg10: memref<3x12x1xf32, #tpu.memory_space<vmem>>, %arg11: memref<3x12x1xf32, #tpu.memory_space<vmem>>, %arg12: memref<3x4x12x108xf32, #tpu.memory_space<vmem>>, %arg13: memref<3x4x12x1xf32, #tpu.memory_space<vmem>>, %arg14: memref<3x4x12x1xf32, #tpu.memory_space<vmem>>, %arg15: memref<3x56x12xf32, #tpu.memory_space<vmem>>, %arg16: memref<3x56x1xf32, #tpu.memory_space<vmem>>, %arg17: memref<3x56x1xf32, #tpu.memory_space<vmem>>, %arg18: memref<3x48x504xbf16, #tpu.memory_space<vmem>>, %arg19: memref<3x48x1xf32, #tpu.memory_space<vmem>>, %arg20: memref<4x48x1024xf32, #tpu.memory_space<vmem>>) attributes {dimension_semantics = [#tpu.dimension_semantics<arbitrary>], iteration_bounds = array<i64: 16>, scalar_prefetch = 2 : i64, scratch_operands = 0 : i64, tpu.core_type = #tpu.core_type<tc>, window_params = [{transform_indices = @transform_0, window_bounds = array<i64: 4, 3, 1024>}, {pipeline_mode = #tpu.pipeline_mode<synchronous>, transform_indices = @transform_1, window_bounds = array<i64: 25, 1024>}, {pipeline_mode = #tpu.pipeline_mode<synchronous>, transform_indices = @transform_2, window_bounds = array<i64: 9, 1024>}, {pipeline_mode = #tpu.pipeline_mode<synchronous>, transform_indices = @transform_3, window_bounds = array<i64: 3, 56, 75>}, {pipeline_mode = #tpu.pipeline_mode<synchronous>, transform_indices = @transform_4, window_bounds = array<i64: 3, 56, 1>}, {pipeline_mode = #tpu.pipeline_mode<synchronous>, transform_indices = @transform_5, window_bounds = array<i64: 3, 56, 1>}, {pipeline_mode = #tpu.pipeline_mode<synchronous>, transform_indices = @transform_6, window_bounds = array<i64: 3, 12, 56>}, {pipeline_mode = #tpu.pipeline_mode<synchronous>, transform_indices = @transform_7, window_bounds = array<i64: 3, 12, 1>}, {pipeline_mode = #tpu.pipeline_mode<synchronous>, transform_indices = @transform_8, window_bounds = array<i64: 3, 12, 1>}, {pipeline_mode = #tpu.pipeline_mode<synchronous>, transform_indices = @transform_9, window_bounds = array<i64: 3, 4, 12, 108>}, {pipeline_mode = #tpu.pipeline_mode<synchronous>, transform_indices = @transform_10, window_bounds = array<i64: 3, 4, 12, 1>}, {pipeline_mode = #tpu.pipeline_mode<synchronous>, transform_indices = @transform_11, window_bounds = array<i64: 3, 4, 12, 1>}, {pipeline_mode = #tpu.pipeline_mode<synchronous>, transform_indices = @transform_12, window_bounds = array<i64: 3, 56, 12>}, {pipeline_mode = #tpu.pipeline_mode<synchronous>, transform_indices = @transform_13, window_bounds = array<i64: 3, 56, 1>}, {pipeline_mode = #tpu.pipeline_mode<synchronous>, transform_indices = @transform_14, window_bounds = array<i64: 3, 56, 1>}, {pipeline_mode = #tpu.pipeline_mode<synchronous>, transform_indices = @transform_15, window_bounds = array<i64: 3, 48, 504>}, {pipeline_mode = #tpu.pipeline_mode<synchronous>, transform_indices = @transform_16, window_bounds = array<i64: 3, 48, 1>}, {transform_indices = @transform_17, window_bounds = array<i64: 4, 48, 1024>}]} {
    %get3A = arith.constant 0 : index
    %get3A_0 = arith.constant 0 : index
    %get3A_1 = vector.load %arg4[%get3A, %get3A_0] : memref<25x1024xf32, #tpu.memory_space<vmem>>, vector<25x1024xf32>
    %get3A_2 = arith.constant 0 : index
    %get3A_3 = arith.constant 0 : index
    %get3A_4 = vector.load %arg5[%get3A_2, %get3A_3] : memref<9x1024xf32, #tpu.memory_space<vmem>>, vector<9x1024xf32>
    %convert_element_type3A = arith.truncf %get3A_4 : vector<9x1024xf32> to vector<9x1024xbf16>
    %mul3A = arith.constant 4 : i32
    %mul3A_5 = arith.muli %arg0, %mul3A : i32
    %add3A = arith.constant 0 : i32
    %add3A_6 = arith.addi %mul3A_5, %add3A : i32
    %get3A_7 = arith.index_cast %add3A_6 : i32 to index
    %get3A_8 = memref.load %arg1[%get3A_7] : memref<64xi32, #tpu.memory_space<smem>>
    %get3A_9 = arith.constant 0 : index
    %get3A_10 = arith.constant 0 : index
    %get3A_11 = arith.constant 0 : index
    %get3A_12 = vector.load %arg3[%get3A_9, %get3A_10, %get3A_11] : memref<4x3x1024xf32, #tpu.memory_space<vmem>>, vector<1x3x1024xf32>
    %get3A_13 = vector.shape_cast %get3A_12 : vector<1x3x1024xf32> to vector<3x1024xf32>
    %slice3A = vector.extract_strided_slice %get3A_13 {offsets = [0, 958], sizes = [3, 66], strides = [1, 1]} : vector<3x1024xf32> to vector<3x66xf32>
    %slice3A_14 = vector.extract_strided_slice %get3A_13 {offsets = [0, 0], sizes = [3, 958], strides = [1, 1]} : vector<3x1024xf32> to vector<3x958xf32>
    %concatenate3A = tpu.concatenate %slice3A, %slice3A_14 in 1 : vector<3x66xf32>, vector<3x958xf32> -> vector<3x1024xf32>
    %slice3A_15 = vector.extract_strided_slice %get3A_1 {offsets = [0, 0], sizes = [1, 1024], strides = [1, 1]} : vector<25x1024xf32> to vector<1x1024xf32>
    %squeeze3A = vector.shape_cast %slice3A_15 : vector<1x1024xf32> to vector<1024xf32>
    %broadcast_in_dim3A = vector.shape_cast %squeeze3A : vector<1024xf32> to vector<1x1024xf32>
    %mul3A_16 = vector.broadcast %broadcast_in_dim3A : vector<1x1024xf32> to vector<3x1024xf32>
    %mul3A_17 = arith.mulf %concatenate3A, %mul3A_16 : vector<3x1024xf32>
    %slice3A_18 = vector.extract_strided_slice %get3A_13 {offsets = [0, 959], sizes = [3, 65], strides = [1, 1]} : vector<3x1024xf32> to vector<3x65xf32>
    %slice3A_19 = vector.extract_strided_slice %get3A_13 {offsets = [0, 0], sizes = [3, 959], strides = [1, 1]} : vector<3x1024xf32> to vector<3x959xf32>
    %concatenate3A_20 = tpu.concatenate %slice3A_18, %slice3A_19 in 1 : vector<3x65xf32>, vector<3x959xf32> -> vector<3x1024xf32>
    %slice3A_21 = vector.extract_strided_slice %get3A_1 {offsets = [1, 0], sizes = [1, 1024], strides = [1, 1]} : vector<25x1024xf32> to vector<1x1024xf32>
    %squeeze3A_22 = vector.shape_cast %slice3A_21 : vector<1x1024xf32> to vector<1024xf32>
    %broadcast_in_dim3A_23 = vector.shape_cast %squeeze3A_22 : vector<1024xf32> to vector<1x1024xf32>
    %mul3A_24 = vector.broadcast %broadcast_in_dim3A_23 : vector<1x1024xf32> to vector<3x1024xf32>
    %mul3A_25 = arith.mulf %concatenate3A_20, %mul3A_24 : vector<3x1024xf32>
    %slice3A_26 = vector.extract_strided_slice %get3A_13 {offsets = [0, 960], sizes = [3, 64], strides = [1, 1]} : vector<3x1024xf32> to vector<3x64xf32>
    %slice3A_27 = vector.extract_strided_slice %get3A_13 {offsets = [0, 0], sizes = [3, 960], strides = [1, 1]} : vector<3x1024xf32> to vector<3x960xf32>
    %concatenate3A_28 = tpu.concatenate %slice3A_26, %slice3A_27 in 1 : vector<3x64xf32>, vector<3x960xf32> -> vector<3x1024xf32>
    %slice3A_29 = vector.extract_strided_slice %get3A_1 {offsets = [2, 0], sizes = [1, 1024], strides = [1, 1]} : vector<25x1024xf32> to vector<1x1024xf32>
    %squeeze3A_30 = vector.shape_cast %slice3A_29 : vector<1x1024xf32> to vector<1024xf32>
    %broadcast_in_dim3A_31 = vector.shape_cast %squeeze3A_30 : vector<1024xf32> to vector<1x1024xf32>
    %mul3A_32 = vector.broadcast %broadcast_in_dim3A_31 : vector<1x1024xf32> to vector<3x1024xf32>
    %mul3A_33 = arith.mulf %concatenate3A_28, %mul3A_32 : vector<3x1024xf32>
    %slice3A_34 = vector.extract_strided_slice %get3A_13 {offsets = [0, 961], sizes = [3, 63], strides = [1, 1]} : vector<3x1024xf32> to vector<3x63xf32>
    %slice3A_35 = vector.extract_strided_slice %get3A_13 {offsets = [0, 0], sizes = [3, 961], strides = [1, 1]} : vector<3x1024xf32> to vector<3x961xf32>
    %concatenate3A_36 = tpu.concatenate %slice3A_34, %slice3A_35 in 1 : vector<3x63xf32>, vector<3x961xf32> -> vector<3x1024xf32>
    %slice3A_37 = vector.extract_strided_slice %get3A_1 {offsets = [3, 0], sizes = [1, 1024], strides = [1, 1]} : vector<25x1024xf32> to vector<1x1024xf32>
    %squeeze3A_38 = vector.shape_cast %slice3A_37 : vector<1x1024xf32> to vector<1024xf32>
    %broadcast_in_dim3A_39 = vector.shape_cast %squeeze3A_38 : vector<1024xf32> to vector<1x1024xf32>
    %mul3A_40 = vector.broadcast %broadcast_in_dim3A_39 : vector<1x1024xf32> to vector<3x1024xf32>
    %mul3A_41 = arith.mulf %concatenate3A_36, %mul3A_40 : vector<3x1024xf32>
    %slice3A_42 = vector.extract_strided_slice %get3A_13 {offsets = [0, 962], sizes = [3, 62], strides = [1, 1]} : vector<3x1024xf32> to vector<3x62xf32>
    %slice3A_43 = vector.extract_strided_slice %get3A_13 {offsets = [0, 0], sizes = [3, 962], strides = [1, 1]} : vector<3x1024xf32> to vector<3x962xf32>
    %concatenate3A_44 = tpu.concatenate %slice3A_42, %slice3A_43 in 1 : vector<3x62xf32>, vector<3x962xf32> -> vector<3x1024xf32>
    %slice3A_45 = vector.extract_strided_slice %get3A_1 {offsets = [4, 0], sizes = [1, 1024], strides = [1, 1]} : vector<25x1024xf32> to vector<1x1024xf32>
    %squeeze3A_46 = vector.shape_cast %slice3A_45 : vector<1x1024xf32> to vector<1024xf32>
    %broadcast_in_dim3A_47 = vector.shape_cast %squeeze3A_46 : vector<1024xf32> to vector<1x1024xf32>
    %mul3A_48 = vector.broadcast %broadcast_in_dim3A_47 : vector<1x1024xf32> to vector<3x1024xf32>
    %mul3A_49 = arith.mulf %concatenate3A_44, %mul3A_48 : vector<3x1024xf32>
    %slice3A_50 = vector.extract_strided_slice %get3A_13 {offsets = [0, 990], sizes = [3, 34], strides = [1, 1]} : vector<3x1024xf32> to vector<3x34xf32>
    %slice3A_51 = vector.extract_strided_slice %get3A_13 {offsets = [0, 0], sizes = [3, 990], strides = [1, 1]} : vector<3x1024xf32> to vector<3x990xf32>
    %concatenate3A_52 = tpu.concatenate %slice3A_50, %slice3A_51 in 1 : vector<3x34xf32>, vector<3x990xf32> -> vector<3x1024xf32>
    %slice3A_53 = vector.extract_strided_slice %get3A_1 {offsets = [5, 0], sizes = [1, 1024], strides = [1, 1]} : vector<25x1024xf32> to vector<1x1024xf32>
    %squeeze3A_54 = vector.shape_cast %slice3A_53 : vector<1x1024xf32> to vector<1024xf32>
    %broadcast_in_dim3A_55 = vector.shape_cast %squeeze3A_54 : vector<1024xf32> to vector<1x1024xf32>
    %mul3A_56 = vector.broadcast %broadcast_in_dim3A_55 : vector<1x1024xf32> to vector<3x1024xf32>
    %mul3A_57 = arith.mulf %concatenate3A_52, %mul3A_56 : vector<3x1024xf32>
    %slice3A_58 = vector.extract_strided_slice %get3A_13 {offsets = [0, 991], sizes = [3, 33], strides = [1, 1]} : vector<3x1024xf32> to vector<3x33xf32>
    %slice3A_59 = vector.extract_strided_slice %get3A_13 {offsets = [0, 0], sizes = [3, 991], strides = [1, 1]} : vector<3x1024xf32> to vector<3x991xf32>
    %concatenate3A_60 = tpu.concatenate %slice3A_58, %slice3A_59 in 1 : vector<3x33xf32>, vector<3x991xf32> -> vector<3x1024xf32>
    %slice3A_61 = vector.extract_strided_slice %get3A_1 {offsets = [6, 0], sizes = [1, 1024], strides = [1, 1]} : vector<25x1024xf32> to vector<1x1024xf32>
    %squeeze3A_62 = vector.shape_cast %slice3A_61 : vector<1x1024xf32> to vector<1024xf32>
    %broadcast_in_dim3A_63 = vector.shape_cast %squeeze3A_62 : vector<1024xf32> to vector<1x1024xf32>
    %mul3A_64 = vector.broadcast %broadcast_in_dim3A_63 : vector<1x1024xf32> to vector<3x1024xf32>
    %mul3A_65 = arith.mulf %concatenate3A_60, %mul3A_64 : vector<3x1024xf32>
    %slice3A_66 = vector.extract_strided_slice %get3A_13 {offsets = [0, 992], sizes = [3, 32], strides = [1, 1]} : vector<3x1024xf32> to vector<3x32xf32>
    %slice3A_67 = vector.extract_strided_slice %get3A_13 {offsets = [0, 0], sizes = [3, 992], strides = [1, 1]} : vector<3x1024xf32> to vector<3x992xf32>
    %concatenate3A_68 = tpu.concatenate %slice3A_66, %slice3A_67 in 1 : vector<3x32xf32>, vector<3x992xf32> -> vector<3x1024xf32>
    %slice3A_69 = vector.extract_strided_slice %get3A_1 {offsets = [7, 0], sizes = [1, 1024], strides = [1, 1]} : vector<25x1024xf32> to vector<1x1024xf32>
    %squeeze3A_70 = vector.shape_cast %slice3A_69 : vector<1x1024xf32> to vector<1024xf32>
    %broadcast_in_dim3A_71 = vector.shape_cast %squeeze3A_70 : vector<1024xf32> to vector<1x1024xf32>
    %mul3A_72 = vector.broadcast %broadcast_in_dim3A_71 : vector<1x1024xf32> to vector<3x1024xf32>
    %mul3A_73 = arith.mulf %concatenate3A_68, %mul3A_72 : vector<3x1024xf32>
    %slice3A_74 = vector.extract_strided_slice %get3A_13 {offsets = [0, 993], sizes = [3, 31], strides = [1, 1]} : vector<3x1024xf32> to vector<3x31xf32>
    %slice3A_75 = vector.extract_strided_slice %get3A_13 {offsets = [0, 0], sizes = [3, 993], strides = [1, 1]} : vector<3x1024xf32> to vector<3x993xf32>
    %concatenate3A_76 = tpu.concatenate %slice3A_74, %slice3A_75 in 1 : vector<3x31xf32>, vector<3x993xf32> -> vector<3x1024xf32>
    %slice3A_77 = vector.extract_strided_slice %get3A_1 {offsets = [8, 0], sizes = [1, 1024], strides = [1, 1]} : vector<25x1024xf32> to vector<1x1024xf32>
    %squeeze3A_78 = vector.shape_cast %slice3A_77 : vector<1x1024xf32> to vector<1024xf32>
    %broadcast_in_dim3A_79 = vector.shape_cast %squeeze3A_78 : vector<1024xf32> to vector<1x1024xf32>
    %mul3A_80 = vector.broadcast %broadcast_in_dim3A_79 : vector<1x1024xf32> to vector<3x1024xf32>
    %mul3A_81 = arith.mulf %concatenate3A_76, %mul3A_80 : vector<3x1024xf32>
    %slice3A_82 = vector.extract_strided_slice %get3A_13 {offsets = [0, 994], sizes = [3, 30], strides = [1, 1]} : vector<3x1024xf32> to vector<3x30xf32>
    %slice3A_83 = vector.extract_strided_slice %get3A_13 {offsets = [0, 0], sizes = [3, 994], strides = [1, 1]} : vector<3x1024xf32> to vector<3x994xf32>
    %concatenate3A_84 = tpu.concatenate %slice3A_82, %slice3A_83 in 1 : vector<3x30xf32>, vector<3x994xf32> -> vector<3x1024xf32>
    %slice3A_85 = vector.extract_strided_slice %get3A_1 {offsets = [9, 0], sizes = [1, 1024], strides = [1, 1]} : vector<25x1024xf32> to vector<1x1024xf32>
    %squeeze3A_86 = vector.shape_cast %slice3A_85 : vector<1x1024xf32> to vector<1024xf32>
    %broadcast_in_dim3A_87 = vector.shape_cast %squeeze3A_86 : vector<1024xf32> to vector<1x1024xf32>
    %mul3A_88 = vector.broadcast %broadcast_in_dim3A_87 : vector<1x1024xf32> to vector<3x1024xf32>
    %mul3A_89 = arith.mulf %concatenate3A_84, %mul3A_88 : vector<3x1024xf32>
    %slice3A_90 = vector.extract_strided_slice %get3A_13 {offsets = [0, 1022], sizes = [3, 2], strides = [1, 1]} : vector<3x1024xf32> to vector<3x2xf32>
    %slice3A_91 = vector.extract_strided_slice %get3A_13 {offsets = [0, 0], sizes = [3, 1022], strides = [1, 1]} : vector<3x1024xf32> to vector<3x1022xf32>
    %concatenate3A_92 = tpu.concatenate %slice3A_90, %slice3A_91 in 1 : vector<3x2xf32>, vector<3x1022xf32> -> vector<3x1024xf32>
    %slice3A_93 = vector.extract_strided_slice %get3A_1 {offsets = [10, 0], sizes = [1, 1024], strides = [1, 1]} : vector<25x1024xf32> to vector<1x1024xf32>
    %squeeze3A_94 = vector.shape_cast %slice3A_93 : vector<1x1024xf32> to vector<1024xf32>
    %broadcast_in_dim3A_95 = vector.shape_cast %squeeze3A_94 : vector<1024xf32> to vector<1x1024xf32>
    %mul3A_96 = vector.broadcast %broadcast_in_dim3A_95 : vector<1x1024xf32> to vector<3x1024xf32>
    %mul3A_97 = arith.mulf %concatenate3A_92, %mul3A_96 : vector<3x1024xf32>
    %slice3A_98 = vector.extract_strided_slice %get3A_13 {offsets = [0, 1023], sizes = [3, 1], strides = [1, 1]} : vector<3x1024xf32> to vector<3x1xf32>
    %slice3A_99 = vector.extract_strided_slice %get3A_13 {offsets = [0, 0], sizes = [3, 1023], strides = [1, 1]} : vector<3x1024xf32> to vector<3x1023xf32>
    %concatenate3A_100 = tpu.concatenate %slice3A_98, %slice3A_99 in 1 : vector<3x1xf32>, vector<3x1023xf32> -> vector<3x1024xf32>
    %slice3A_101 = vector.extract_strided_slice %get3A_1 {offsets = [11, 0], sizes = [1, 1024], strides = [1, 1]} : vector<25x1024xf32> to vector<1x1024xf32>
    %squeeze3A_102 = vector.shape_cast %slice3A_101 : vector<1x1024xf32> to vector<1024xf32>
    %broadcast_in_dim3A_103 = vector.shape_cast %squeeze3A_102 : vector<1024xf32> to vector<1x1024xf32>
    %mul3A_104 = vector.broadcast %broadcast_in_dim3A_103 : vector<1x1024xf32> to vector<3x1024xf32>
    %mul3A_105 = arith.mulf %concatenate3A_100, %mul3A_104 : vector<3x1024xf32>
    %slice3A_106 = vector.extract_strided_slice %get3A_13 {offsets = [0, 1], sizes = [3, 1023], strides = [1, 1]} : vector<3x1024xf32> to vector<3x1023xf32>
    %slice3A_107 = vector.extract_strided_slice %get3A_13 {offsets = [0, 0], sizes = [3, 1], strides = [1, 1]} : vector<3x1024xf32> to vector<3x1xf32>
    %concatenate3A_108 = tpu.concatenate %slice3A_106, %slice3A_107 in 1 : vector<3x1023xf32>, vector<3x1xf32> -> vector<3x1024xf32>
    %slice3A_109 = vector.extract_strided_slice %get3A_1 {offsets = [13, 0], sizes = [1, 1024], strides = [1, 1]} : vector<25x1024xf32> to vector<1x1024xf32>
    %squeeze3A_110 = vector.shape_cast %slice3A_109 : vector<1x1024xf32> to vector<1024xf32>
    %broadcast_in_dim3A_111 = vector.shape_cast %squeeze3A_110 : vector<1024xf32> to vector<1x1024xf32>
    %mul3A_112 = vector.broadcast %broadcast_in_dim3A_111 : vector<1x1024xf32> to vector<3x1024xf32>
    %mul3A_113 = arith.mulf %concatenate3A_108, %mul3A_112 : vector<3x1024xf32>
    %slice3A_114 = vector.extract_strided_slice %get3A_13 {offsets = [0, 2], sizes = [3, 1022], strides = [1, 1]} : vector<3x1024xf32> to vector<3x1022xf32>
    %slice3A_115 = vector.extract_strided_slice %get3A_13 {offsets = [0, 0], sizes = [3, 2], strides = [1, 1]} : vector<3x1024xf32> to vector<3x2xf32>
    %concatenate3A_116 = tpu.concatenate %slice3A_114, %slice3A_115 in 1 : vector<3x1022xf32>, vector<3x2xf32> -> vector<3x1024xf32>
    %slice3A_117 = vector.extract_strided_slice %get3A_1 {offsets = [14, 0], sizes = [1, 1024], strides = [1, 1]} : vector<25x1024xf32> to vector<1x1024xf32>
    %squeeze3A_118 = vector.shape_cast %slice3A_117 : vector<1x1024xf32> to vector<1024xf32>
    %broadcast_in_dim3A_119 = vector.shape_cast %squeeze3A_118 : vector<1024xf32> to vector<1x1024xf32>
    %mul3A_120 = vector.broadcast %broadcast_in_dim3A_119 : vector<1x1024xf32> to vector<3x1024xf32>
    %mul3A_121 = arith.mulf %concatenate3A_116, %mul3A_120 : vector<3x1024xf32>
    %slice3A_122 = vector.extract_strided_slice %get3A_13 {offsets = [0, 30], sizes = [3, 994], strides = [1, 1]} : vector<3x1024xf32> to vector<3x994xf32>
    %slice3A_123 = vector.extract_strided_slice %get3A_13 {offsets = [0, 0], sizes = [3, 30], strides = [1, 1]} : vector<3x1024xf32> to vector<3x30xf32>
    %concatenate3A_124 = tpu.concatenate %slice3A_122, %slice3A_123 in 1 : vector<3x994xf32>, vector<3x30xf32> -> vector<3x1024xf32>
    %slice3A_125 = vector.extract_strided_slice %get3A_1 {offsets = [15, 0], sizes = [1, 1024], strides = [1, 1]} : vector<25x1024xf32> to vector<1x1024xf32>
    %squeeze3A_126 = vector.shape_cast %slice3A_125 : vector<1x1024xf32> to vector<1024xf32>
    %broadcast_in_dim3A_127 = vector.shape_cast %squeeze3A_126 : vector<1024xf32> to vector<1x1024xf32>
    %mul3A_128 = vector.broadcast %broadcast_in_dim3A_127 : vector<1x1024xf32> to vector<3x1024xf32>
    %mul3A_129 = arith.mulf %concatenate3A_124, %mul3A_128 : vector<3x1024xf32>
    %slice3A_130 = vector.extract_strided_slice %get3A_13 {offsets = [0, 31], sizes = [3, 993], strides = [1, 1]} : vector<3x1024xf32> to vector<3x993xf32>
    %slice3A_131 = vector.extract_strided_slice %get3A_13 {offsets = [0, 0], sizes = [3, 31], strides = [1, 1]} : vector<3x1024xf32> to vector<3x31xf32>
    %concatenate3A_132 = tpu.concatenate %slice3A_130, %slice3A_131 in 1 : vector<3x993xf32>, vector<3x31xf32> -> vector<3x1024xf32>
    %slice3A_133 = vector.extract_strided_slice %get3A_1 {offsets = [16, 0], sizes = [1, 1024], strides = [1, 1]} : vector<25x1024xf32> to vector<1x1024xf32>
    %squeeze3A_134 = vector.shape_cast %slice3A_133 : vector<1x1024xf32> to vector<1024xf32>
    %broadcast_in_dim3A_135 = vector.shape_cast %squeeze3A_134 : vector<1024xf32> to vector<1x1024xf32>
    %mul3A_136 = vector.broadcast %broadcast_in_dim3A_135 : vector<1x1024xf32> to vector<3x1024xf32>
    %mul3A_137 = arith.mulf %concatenate3A_132, %mul3A_136 : vector<3x1024xf32>
    %slice3A_138 = vector.extract_strided_slice %get3A_13 {offsets = [0, 32], sizes = [3, 992], strides = [1, 1]} : vector<3x1024xf32> to vector<3x992xf32>
    %slice3A_139 = vector.extract_strided_slice %get3A_13 {offsets = [0, 0], sizes = [3, 32], strides = [1, 1]} : vector<3x1024xf32> to vector<3x32xf32>
    %concatenate3A_140 = tpu.concatenate %slice3A_138, %slice3A_139 in 1 : vector<3x992xf32>, vector<3x32xf32> -> vector<3x1024xf32>
    %slice3A_141 = vector.extract_strided_slice %get3A_1 {offsets = [17, 0], sizes = [1, 1024], strides = [1, 1]} : vector<25x1024xf32> to vector<1x1024xf32>
    %squeeze3A_142 = vector.shape_cast %slice3A_141 : vector<1x1024xf32> to vector<1024xf32>
    %broadcast_in_dim3A_143 = vector.shape_cast %squeeze3A_142 : vector<1024xf32> to vector<1x1024xf32>
    %mul3A_144 = vector.broadcast %broadcast_in_dim3A_143 : vector<1x1024xf32> to vector<3x1024xf32>
    %mul3A_145 = arith.mulf %concatenate3A_140, %mul3A_144 : vector<3x1024xf32>
    %slice3A_146 = vector.extract_strided_slice %get3A_13 {offsets = [0, 33], sizes = [3, 991], strides = [1, 1]} : vector<3x1024xf32> to vector<3x991xf32>
    %slice3A_147 = vector.extract_strided_slice %get3A_13 {offsets = [0, 0], sizes = [3, 33], strides = [1, 1]} : vector<3x1024xf32> to vector<3x33xf32>
    %concatenate3A_148 = tpu.concatenate %slice3A_146, %slice3A_147 in 1 : vector<3x991xf32>, vector<3x33xf32> -> vector<3x1024xf32>
    %slice3A_149 = vector.extract_strided_slice %get3A_1 {offsets = [18, 0], sizes = [1, 1024], strides = [1, 1]} : vector<25x1024xf32> to vector<1x1024xf32>
    %squeeze3A_150 = vector.shape_cast %slice3A_149 : vector<1x1024xf32> to vector<1024xf32>
    %broadcast_in_dim3A_151 = vector.shape_cast %squeeze3A_150 : vector<1024xf32> to vector<1x1024xf32>
    %mul3A_152 = vector.broadcast %broadcast_in_dim3A_151 : vector<1x1024xf32> to vector<3x1024xf32>
    %mul3A_153 = arith.mulf %concatenate3A_148, %mul3A_152 : vector<3x1024xf32>
    %slice3A_154 = vector.extract_strided_slice %get3A_13 {offsets = [0, 34], sizes = [3, 990], strides = [1, 1]} : vector<3x1024xf32> to vector<3x990xf32>
    %slice3A_155 = vector.extract_strided_slice %get3A_13 {offsets = [0, 0], sizes = [3, 34], strides = [1, 1]} : vector<3x1024xf32> to vector<3x34xf32>
    %concatenate3A_156 = tpu.concatenate %slice3A_154, %slice3A_155 in 1 : vector<3x990xf32>, vector<3x34xf32> -> vector<3x1024xf32>
    %slice3A_157 = vector.extract_strided_slice %get3A_1 {offsets = [19, 0], sizes = [1, 1024], strides = [1, 1]} : vector<25x1024xf32> to vector<1x1024xf32>
    %squeeze3A_158 = vector.shape_cast %slice3A_157 : vector<1x1024xf32> to vector<1024xf32>
    %broadcast_in_dim3A_159 = vector.shape_cast %squeeze3A_158 : vector<1024xf32> to vector<1x1024xf32>
    %mul3A_160 = vector.broadcast %broadcast_in_dim3A_159 : vector<1x1024xf32> to vector<3x1024xf32>
    %mul3A_161 = arith.mulf %concatenate3A_156, %mul3A_160 : vector<3x1024xf32>
    %slice3A_162 = vector.extract_strided_slice %get3A_13 {offsets = [0, 62], sizes = [3, 962], strides = [1, 1]} : vector<3x1024xf32> to vector<3x962xf32>
    %slice3A_163 = vector.extract_strided_slice %get3A_13 {offsets = [0, 0], sizes = [3, 62], strides = [1, 1]} : vector<3x1024xf32> to vector<3x62xf32>
    %concatenate3A_164 = tpu.concatenate %slice3A_162, %slice3A_163 in 1 : vector<3x962xf32>, vector<3x62xf32> -> vector<3x1024xf32>
    %slice3A_165 = vector.extract_strided_slice %get3A_1 {offsets = [20, 0], sizes = [1, 1024], strides = [1, 1]} : vector<25x1024xf32> to vector<1x1024xf32>
    %squeeze3A_166 = vector.shape_cast %slice3A_165 : vector<1x1024xf32> to vector<1024xf32>
    %broadcast_in_dim3A_167 = vector.shape_cast %squeeze3A_166 : vector<1024xf32> to vector<1x1024xf32>
    %mul3A_168 = vector.broadcast %broadcast_in_dim3A_167 : vector<1x1024xf32> to vector<3x1024xf32>
    %mul3A_169 = arith.mulf %concatenate3A_164, %mul3A_168 : vector<3x1024xf32>
    %slice3A_170 = vector.extract_strided_slice %get3A_13 {offsets = [0, 63], sizes = [3, 961], strides = [1, 1]} : vector<3x1024xf32> to vector<3x961xf32>
    %slice3A_171 = vector.extract_strided_slice %get3A_13 {offsets = [0, 0], sizes = [3, 63], strides = [1, 1]} : vector<3x1024xf32> to vector<3x63xf32>
    %concatenate3A_172 = tpu.concatenate %slice3A_170, %slice3A_171 in 1 : vector<3x961xf32>, vector<3x63xf32> -> vector<3x1024xf32>
    %slice3A_173 = vector.extract_strided_slice %get3A_1 {offsets = [21, 0], sizes = [1, 1024], strides = [1, 1]} : vector<25x1024xf32> to vector<1x1024xf32>
    %squeeze3A_174 = vector.shape_cast %slice3A_173 : vector<1x1024xf32> to vector<1024xf32>
    %broadcast_in_dim3A_175 = vector.shape_cast %squeeze3A_174 : vector<1024xf32> to vector<1x1024xf32>
    %mul3A_176 = vector.broadcast %broadcast_in_dim3A_175 : vector<1x1024xf32> to vector<3x1024xf32>
    %mul3A_177 = arith.mulf %concatenate3A_172, %mul3A_176 : vector<3x1024xf32>
    %slice3A_178 = vector.extract_strided_slice %get3A_13 {offsets = [0, 64], sizes = [3, 960], strides = [1, 1]} : vector<3x1024xf32> to vector<3x960xf32>
    %slice3A_179 = vector.extract_strided_slice %get3A_13 {offsets = [0, 0], sizes = [3, 64], strides = [1, 1]} : vector<3x1024xf32> to vector<3x64xf32>
    %concatenate3A_180 = tpu.concatenate %slice3A_178, %slice3A_179 in 1 : vector<3x960xf32>, vector<3x64xf32> -> vector<3x1024xf32>
    %slice3A_181 = vector.extract_strided_slice %get3A_1 {offsets = [22, 0], sizes = [1, 1024], strides = [1, 1]} : vector<25x1024xf32> to vector<1x1024xf32>
    %squeeze3A_182 = vector.shape_cast %slice3A_181 : vector<1x1024xf32> to vector<1024xf32>
    %broadcast_in_dim3A_183 = vector.shape_cast %squeeze3A_182 : vector<1024xf32> to vector<1x1024xf32>
    %mul3A_184 = vector.broadcast %broadcast_in_dim3A_183 : vector<1x1024xf32> to vector<3x1024xf32>
    %mul3A_185 = arith.mulf %concatenate3A_180, %mul3A_184 : vector<3x1024xf32>
    %slice3A_186 = vector.extract_strided_slice %get3A_13 {offsets = [0, 65], sizes = [3, 959], strides = [1, 1]} : vector<3x1024xf32> to vector<3x959xf32>
    %slice3A_187 = vector.extract_strided_slice %get3A_13 {offsets = [0, 0], sizes = [3, 65], strides = [1, 1]} : vector<3x1024xf32> to vector<3x65xf32>
    %concatenate3A_188 = tpu.concatenate %slice3A_186, %slice3A_187 in 1 : vector<3x959xf32>, vector<3x65xf32> -> vector<3x1024xf32>
    %slice3A_189 = vector.extract_strided_slice %get3A_1 {offsets = [23, 0], sizes = [1, 1024], strides = [1, 1]} : vector<25x1024xf32> to vector<1x1024xf32>
    %squeeze3A_190 = vector.shape_cast %slice3A_189 : vector<1x1024xf32> to vector<1024xf32>
    %broadcast_in_dim3A_191 = vector.shape_cast %squeeze3A_190 : vector<1024xf32> to vector<1x1024xf32>
    %mul3A_192 = vector.broadcast %broadcast_in_dim3A_191 : vector<1x1024xf32> to vector<3x1024xf32>
    %mul3A_193 = arith.mulf %concatenate3A_188, %mul3A_192 : vector<3x1024xf32>
    %slice3A_194 = vector.extract_strided_slice %get3A_13 {offsets = [0, 66], sizes = [3, 958], strides = [1, 1]} : vector<3x1024xf32> to vector<3x958xf32>
    %slice3A_195 = vector.extract_strided_slice %get3A_13 {offsets = [0, 0], sizes = [3, 66], strides = [1, 1]} : vector<3x1024xf32> to vector<3x66xf32>
    %concatenate3A_196 = tpu.concatenate %slice3A_194, %slice3A_195 in 1 : vector<3x958xf32>, vector<3x66xf32> -> vector<3x1024xf32>
    %slice3A_197 = vector.extract_strided_slice %get3A_1 {offsets = [24, 0], sizes = [1, 1024], strides = [1, 1]} : vector<25x1024xf32> to vector<1x1024xf32>
    %squeeze3A_198 = vector.shape_cast %slice3A_197 : vector<1x1024xf32> to vector<1024xf32>
    %broadcast_in_dim3A_199 = vector.shape_cast %squeeze3A_198 : vector<1024xf32> to vector<1x1024xf32>
    %mul3A_200 = vector.broadcast %broadcast_in_dim3A_199 : vector<1x1024xf32> to vector<3x1024xf32>
    %mul3A_201 = arith.mulf %concatenate3A_196, %mul3A_200 : vector<3x1024xf32>
    %concatenate3A_202 = tpu.concatenate %mul3A_17, %mul3A_25, %mul3A_33, %mul3A_41, %mul3A_49, %mul3A_57, %mul3A_65, %mul3A_73, %mul3A_81, %mul3A_89, %mul3A_97, %mul3A_105, %get3A_13, %mul3A_113, %mul3A_121, %mul3A_129, %mul3A_137, %mul3A_145, %mul3A_153, %mul3A_161, %mul3A_169, %mul3A_177, %mul3A_185, %mul3A_193, %mul3A_201 in 0 : vector<3x1024xf32>, vector<3x1024xf32>, vector<3x1024xf32>, vector<3x1024xf32>, vector<3x1024xf32>, vector<3x1024xf32>, vector<3x1024xf32>, vector<3x1024xf32>, vector<3x1024xf32>, vector<3x1024xf32>, vector<3x1024xf32>, vector<3x1024xf32>, vector<3x1024xf32>, vector<3x1024xf32>, vector<3x1024xf32>, vector<3x1024xf32>, vector<3x1024xf32>, vector<3x1024xf32>, vector<3x1024xf32>, vector<3x1024xf32>, vector<3x1024xf32>, vector<3x1024xf32>, vector<3x1024xf32>, vector<3x1024xf32>, vector<3x1024xf32> -> vector<75x1024xf32>
    %get3A_203 = arith.index_cast %get3A_8 : i32 to index
    %get3A_204 = arith.constant 0 : index
    %get3A_205 = arith.constant 0 : index
    %get3A_206 = vector.load %arg6[%get3A_203, %get3A_204, %get3A_205] : memref<3x56x75xf32, #tpu.memory_space<vmem>>, vector<1x56x75xf32>
    %get3A_207 = vector.shape_cast %get3A_206 : vector<1x56x75xf32> to vector<56x75xf32>
    %dot_general3A = arith.constant dense<0.000000e+00> : vector<56x1024xf32>
    %dot_general3A_208 = tpu.matmul %get3A_207, %concatenate3A_202, %dot_general3A {dimension_numbers = #tpu.dot_dimension_numbers<[1], [0], [0], [1], [0, 0, 1, 1], [], []>, transpose_lhs_hint = false} : vector<56x75xf32>, vector<75x1024xf32>, vector<56x1024xf32> -> vector<56x1024xf32>
    %get3A_209 = arith.index_cast %get3A_8 : i32 to index
    %get3A_210 = arith.constant 0 : index
    %get3A_211 = arith.constant 0 : index
    %get3A_212 = vector.load %arg7[%get3A_209, %get3A_210, %get3A_211] : memref<3x56x1xf32, #tpu.memory_space<vmem>>, vector<1x56x1xf32>
    %get3A_213 = vector.shape_cast %get3A_212 : vector<1x56x1xf32> to vector<56x1xf32>
    %get3A_214 = arith.index_cast %get3A_8 : i32 to index
    %get3A_215 = arith.constant 0 : index
    %get3A_216 = arith.constant 0 : index
    %get3A_217 = vector.load %arg8[%get3A_214, %get3A_215, %get3A_216] : memref<3x56x1xf32, #tpu.memory_space<vmem>>, vector<1x56x1xf32>
    %get3A_218 = vector.shape_cast %get3A_217 : vector<1x56x1xf32> to vector<56x1xf32>
    %add3A_219 = vector.broadcast %get3A_213 : vector<56x1xf32> to vector<56x1024xf32>
    %add3A_220 = arith.addf %dot_general3A_208, %add3A_219 : vector<56x1024xf32>
    %ge3A = arith.constant 0.000000e+00 : f32
    %ge3A_221 = vector.broadcast %ge3A : f32 to vector<56x1024xf32>
    %ge3A_222 = arith.cmpf oge, %add3A_220, %ge3A_221 : vector<56x1024xf32>
    %mul3A_223 = vector.broadcast %get3A_218 : vector<56x1xf32> to vector<56x1024xf32>
    %mul3A_224 = arith.mulf %mul3A_223, %add3A_220 : vector<56x1024xf32>
    %select_n3A = arith.select %ge3A_222, %add3A_220, %mul3A_224 : vector<56x1024xi1>, vector<56x1024xf32>
    %get3A_225 = arith.index_cast %get3A_8 : i32 to index
    %get3A_226 = arith.constant 0 : index
    %get3A_227 = arith.constant 0 : index
    %get3A_228 = vector.load %arg9[%get3A_225, %get3A_226, %get3A_227] : memref<3x12x56xf32, #tpu.memory_space<vmem>>, vector<1x12x56xf32>
    %get3A_229 = vector.shape_cast %get3A_228 : vector<1x12x56xf32> to vector<12x56xf32>
    %dot_general3A_230 = arith.constant dense<0.000000e+00> : vector<12x1024xf32>
    %dot_general3A_231 = tpu.matmul %get3A_229, %select_n3A, %dot_general3A_230 {dimension_numbers = #tpu.dot_dimension_numbers<[1], [0], [0], [1], [0, 0, 1, 1], [], []>, transpose_lhs_hint = false} : vector<12x56xf32>, vector<56x1024xf32>, vector<12x1024xf32> -> vector<12x1024xf32>
    %get3A_232 = arith.index_cast %get3A_8 : i32 to index
    %get3A_233 = arith.constant 0 : index
    %get3A_234 = arith.constant 0 : index
    %get3A_235 = vector.load %arg10[%get3A_232, %get3A_233, %get3A_234] : memref<3x12x1xf32, #tpu.memory_space<vmem>>, vector<1x12x1xf32>
    %get3A_236 = vector.shape_cast %get3A_235 : vector<1x12x1xf32> to vector<12x1xf32>
    %get3A_237 = arith.index_cast %get3A_8 : i32 to index
    %get3A_238 = arith.constant 0 : index
    %get3A_239 = arith.constant 0 : index
    %get3A_240 = vector.load %arg11[%get3A_237, %get3A_238, %get3A_239] : memref<3x12x1xf32, #tpu.memory_space<vmem>>, vector<1x12x1xf32>
    %get3A_241 = vector.shape_cast %get3A_240 : vector<1x12x1xf32> to vector<12x1xf32>
    %add3A_242 = vector.broadcast %get3A_236 : vector<12x1xf32> to vector<12x1024xf32>
    %add3A_243 = arith.addf %dot_general3A_231, %add3A_242 : vector<12x1024xf32>
    %ge3A_244 = arith.constant 0.000000e+00 : f32
    %ge3A_245 = vector.broadcast %ge3A_244 : f32 to vector<12x1024xf32>
    %ge3A_246 = arith.cmpf oge, %add3A_243, %ge3A_245 : vector<12x1024xf32>
    %mul3A_247 = vector.broadcast %get3A_241 : vector<12x1xf32> to vector<12x1024xf32>
    %mul3A_248 = arith.mulf %mul3A_247, %add3A_243 : vector<12x1024xf32>
    %select_n3A_249 = arith.select %ge3A_246, %add3A_243, %mul3A_248 : vector<12x1024xi1>, vector<12x1024xf32>
    %slice3A_250 = vector.extract_strided_slice %select_n3A_249 {offsets = [0, 991], sizes = [12, 33], strides = [1, 1]} : vector<12x1024xf32> to vector<12x33xf32>
    %slice3A_251 = vector.extract_strided_slice %select_n3A_249 {offsets = [0, 0], sizes = [12, 991], strides = [1, 1]} : vector<12x1024xf32> to vector<12x991xf32>
    %concatenate3A_252 = tpu.concatenate %slice3A_250, %slice3A_251 in 1 : vector<12x33xf32>, vector<12x991xf32> -> vector<12x1024xf32>
    %slice3A_253 = vector.extract_strided_slice %get3A_4 {offsets = [0, 0], sizes = [1, 1024], strides = [1, 1]} : vector<9x1024xf32> to vector<1x1024xf32>
    %squeeze3A_254 = vector.shape_cast %slice3A_253 : vector<1x1024xf32> to vector<1024xf32>
    %broadcast_in_dim3A_255 = vector.shape_cast %squeeze3A_254 : vector<1024xf32> to vector<1x1024xf32>
    %mul3A_256 = vector.broadcast %broadcast_in_dim3A_255 : vector<1x1024xf32> to vector<12x1024xf32>
    %mul3A_257 = arith.mulf %concatenate3A_252, %mul3A_256 : vector<12x1024xf32>
    %slice3A_258 = vector.extract_strided_slice %select_n3A_249 {offsets = [0, 992], sizes = [12, 32], strides = [1, 1]} : vector<12x1024xf32> to vector<12x32xf32>
    %slice3A_259 = vector.extract_strided_slice %select_n3A_249 {offsets = [0, 0], sizes = [12, 992], strides = [1, 1]} : vector<12x1024xf32> to vector<12x992xf32>
    %concatenate3A_260 = tpu.concatenate %slice3A_258, %slice3A_259 in 1 : vector<12x32xf32>, vector<12x992xf32> -> vector<12x1024xf32>
    %slice3A_261 = vector.extract_strided_slice %get3A_4 {offsets = [1, 0], sizes = [1, 1024], strides = [1, 1]} : vector<9x1024xf32> to vector<1x1024xf32>
    %squeeze3A_262 = vector.shape_cast %slice3A_261 : vector<1x1024xf32> to vector<1024xf32>
    %broadcast_in_dim3A_263 = vector.shape_cast %squeeze3A_262 : vector<1024xf32> to vector<1x1024xf32>
    %mul3A_264 = vector.broadcast %broadcast_in_dim3A_263 : vector<1x1024xf32> to vector<12x1024xf32>
    %mul3A_265 = arith.mulf %concatenate3A_260, %mul3A_264 : vector<12x1024xf32>
    %slice3A_266 = vector.extract_strided_slice %select_n3A_249 {offsets = [0, 993], sizes = [12, 31], strides = [1, 1]} : vector<12x1024xf32> to vector<12x31xf32>
    %slice3A_267 = vector.extract_strided_slice %select_n3A_249 {offsets = [0, 0], sizes = [12, 993], strides = [1, 1]} : vector<12x1024xf32> to vector<12x993xf32>
    %concatenate3A_268 = tpu.concatenate %slice3A_266, %slice3A_267 in 1 : vector<12x31xf32>, vector<12x993xf32> -> vector<12x1024xf32>
    %slice3A_269 = vector.extract_strided_slice %get3A_4 {offsets = [2, 0], sizes = [1, 1024], strides = [1, 1]} : vector<9x1024xf32> to vector<1x1024xf32>
    %squeeze3A_270 = vector.shape_cast %slice3A_269 : vector<1x1024xf32> to vector<1024xf32>
    %broadcast_in_dim3A_271 = vector.shape_cast %squeeze3A_270 : vector<1024xf32> to vector<1x1024xf32>
    %mul3A_272 = vector.broadcast %broadcast_in_dim3A_271 : vector<1x1024xf32> to vector<12x1024xf32>
    %mul3A_273 = arith.mulf %concatenate3A_268, %mul3A_272 : vector<12x1024xf32>
    %slice3A_274 = vector.extract_strided_slice %select_n3A_249 {offsets = [0, 1023], sizes = [12, 1], strides = [1, 1]} : vector<12x1024xf32> to vector<12x1xf32>
    %slice3A_275 = vector.extract_strided_slice %select_n3A_249 {offsets = [0, 0], sizes = [12, 1023], strides = [1, 1]} : vector<12x1024xf32> to vector<12x1023xf32>
    %concatenate3A_276 = tpu.concatenate %slice3A_274, %slice3A_275 in 1 : vector<12x1xf32>, vector<12x1023xf32> -> vector<12x1024xf32>
    %slice3A_277 = vector.extract_strided_slice %get3A_4 {offsets = [3, 0], sizes = [1, 1024], strides = [1, 1]} : vector<9x1024xf32> to vector<1x1024xf32>
    %squeeze3A_278 = vector.shape_cast %slice3A_277 : vector<1x1024xf32> to vector<1024xf32>
    %broadcast_in_dim3A_279 = vector.shape_cast %squeeze3A_278 : vector<1024xf32> to vector<1x1024xf32>
    %mul3A_280 = vector.broadcast %broadcast_in_dim3A_279 : vector<1x1024xf32> to vector<12x1024xf32>
    %mul3A_281 = arith.mulf %concatenate3A_276, %mul3A_280 : vector<12x1024xf32>
    %slice3A_282 = vector.extract_strided_slice %select_n3A_249 {offsets = [0, 1], sizes = [12, 1023], strides = [1, 1]} : vector<12x1024xf32> to vector<12x1023xf32>
    %slice3A_283 = vector.extract_strided_slice %select_n3A_249 {offsets = [0, 0], sizes = [12, 1], strides = [1, 1]} : vector<12x1024xf32> to vector<12x1xf32>
    %concatenate3A_284 = tpu.concatenate %slice3A_282, %slice3A_283 in 1 : vector<12x1023xf32>, vector<12x1xf32> -> vector<12x1024xf32>
    %slice3A_285 = vector.extract_strided_slice %get3A_4 {offsets = [5, 0], sizes = [1, 1024], strides = [1, 1]} : vector<9x1024xf32> to vector<1x1024xf32>
    %squeeze3A_286 = vector.shape_cast %slice3A_285 : vector<1x1024xf32> to vector<1024xf32>
    %broadcast_in_dim3A_287 = vector.shape_cast %squeeze3A_286 : vector<1024xf32> to vector<1x1024xf32>
    %mul3A_288 = vector.broadcast %broadcast_in_dim3A_287 : vector<1x1024xf32> to vector<12x1024xf32>
    %mul3A_289 = arith.mulf %concatenate3A_284, %mul3A_288 : vector<12x1024xf32>
    %slice3A_290 = vector.extract_strided_slice %select_n3A_249 {offsets = [0, 31], sizes = [12, 993], strides = [1, 1]} : vector<12x1024xf32> to vector<12x993xf32>
    %slice3A_291 = vector.extract_strided_slice %select_n3A_249 {offsets = [0, 0], sizes = [12, 31], strides = [1, 1]} : vector<12x1024xf32> to vector<12x31xf32>
    %concatenate3A_292 = tpu.concatenate %slice3A_290, %slice3A_291 in 1 : vector<12x993xf32>, vector<12x31xf32> -> vector<12x1024xf32>
    %slice3A_293 = vector.extract_strided_slice %get3A_4 {offsets = [6, 0], sizes = [1, 1024], strides = [1, 1]} : vector<9x1024xf32> to vector<1x1024xf32>
    %squeeze3A_294 = vector.shape_cast %slice3A_293 : vector<1x1024xf32> to vector<1024xf32>
    %broadcast_in_dim3A_295 = vector.shape_cast %squeeze3A_294 : vector<1024xf32> to vector<1x1024xf32>
    %mul3A_296 = vector.broadcast %broadcast_in_dim3A_295 : vector<1x1024xf32> to vector<12x1024xf32>
    %mul3A_297 = arith.mulf %concatenate3A_292, %mul3A_296 : vector<12x1024xf32>
    %slice3A_298 = vector.extract_strided_slice %select_n3A_249 {offsets = [0, 32], sizes = [12, 992], strides = [1, 1]} : vector<12x1024xf32> to vector<12x992xf32>
    %slice3A_299 = vector.extract_strided_slice %select_n3A_249 {offsets = [0, 0], sizes = [12, 32], strides = [1, 1]} : vector<12x1024xf32> to vector<12x32xf32>
    %concatenate3A_300 = tpu.concatenate %slice3A_298, %slice3A_299 in 1 : vector<12x992xf32>, vector<12x32xf32> -> vector<12x1024xf32>
    %slice3A_301 = vector.extract_strided_slice %get3A_4 {offsets = [7, 0], sizes = [1, 1024], strides = [1, 1]} : vector<9x1024xf32> to vector<1x1024xf32>
    %squeeze3A_302 = vector.shape_cast %slice3A_301 : vector<1x1024xf32> to vector<1024xf32>
    %broadcast_in_dim3A_303 = vector.shape_cast %squeeze3A_302 : vector<1024xf32> to vector<1x1024xf32>
    %mul3A_304 = vector.broadcast %broadcast_in_dim3A_303 : vector<1x1024xf32> to vector<12x1024xf32>
    %mul3A_305 = arith.mulf %concatenate3A_300, %mul3A_304 : vector<12x1024xf32>
    %slice3A_306 = vector.extract_strided_slice %select_n3A_249 {offsets = [0, 33], sizes = [12, 991], strides = [1, 1]} : vector<12x1024xf32> to vector<12x991xf32>
    %slice3A_307 = vector.extract_strided_slice %select_n3A_249 {offsets = [0, 0], sizes = [12, 33], strides = [1, 1]} : vector<12x1024xf32> to vector<12x33xf32>
    %concatenate3A_308 = tpu.concatenate %slice3A_306, %slice3A_307 in 1 : vector<12x991xf32>, vector<12x33xf32> -> vector<12x1024xf32>
    %slice3A_309 = vector.extract_strided_slice %get3A_4 {offsets = [8, 0], sizes = [1, 1024], strides = [1, 1]} : vector<9x1024xf32> to vector<1x1024xf32>
    %squeeze3A_310 = vector.shape_cast %slice3A_309 : vector<1x1024xf32> to vector<1024xf32>
    %broadcast_in_dim3A_311 = vector.shape_cast %squeeze3A_310 : vector<1024xf32> to vector<1x1024xf32>
    %mul3A_312 = vector.broadcast %broadcast_in_dim3A_311 : vector<1x1024xf32> to vector<12x1024xf32>
    %mul3A_313 = arith.mulf %concatenate3A_308, %mul3A_312 : vector<12x1024xf32>
    %concatenate3A_314 = tpu.concatenate %mul3A_257, %mul3A_265, %mul3A_273, %mul3A_281, %select_n3A_249, %mul3A_289, %mul3A_297, %mul3A_305, %mul3A_313 in 0 : vector<12x1024xf32>, vector<12x1024xf32>, vector<12x1024xf32>, vector<12x1024xf32>, vector<12x1024xf32>, vector<12x1024xf32>, vector<12x1024xf32>, vector<12x1024xf32>, vector<12x1024xf32> -> vector<108x1024xf32>
    %get3A_315 = arith.index_cast %get3A_8 : i32 to index
    %get3A_316 = arith.constant 0 : index
    %get3A_317 = arith.constant 0 : index
    %get3A_318 = arith.constant 0 : index
    %get3A_319 = vector.load %arg12[%get3A_315, %get3A_316, %get3A_317, %get3A_318] : memref<3x4x12x108xf32, #tpu.memory_space<vmem>>, vector<1x1x12x108xf32>
    %get3A_320 = vector.shape_cast %get3A_319 : vector<1x1x12x108xf32> to vector<12x108xf32>
    %dot_general3A_321 = arith.constant dense<0.000000e+00> : vector<12x1024xf32>
    %dot_general3A_322 = tpu.matmul %get3A_320, %concatenate3A_314, %dot_general3A_321 {dimension_numbers = #tpu.dot_dimension_numbers<[1], [0], [0], [1], [0, 0, 1, 1], [], []>, transpose_lhs_hint = false} : vector<12x108xf32>, vector<108x1024xf32>, vector<12x1024xf32> -> vector<12x1024xf32>
    %get3A_323 = arith.index_cast %get3A_8 : i32 to index
    %get3A_324 = arith.constant 0 : index
    %get3A_325 = arith.constant 0 : index
    %get3A_326 = arith.constant 0 : index
    %get3A_327 = vector.load %arg13[%get3A_323, %get3A_324, %get3A_325, %get3A_326] : memref<3x4x12x1xf32, #tpu.memory_space<vmem>>, vector<1x1x12x1xf32>
    %get3A_328 = vector.shape_cast %get3A_327 : vector<1x1x12x1xf32> to vector<12x1xf32>
    %get3A_329 = arith.index_cast %get3A_8 : i32 to index
    %get3A_330 = arith.constant 0 : index
    %get3A_331 = arith.constant 0 : index
    %get3A_332 = arith.constant 0 : index
    %get3A_333 = vector.load %arg14[%get3A_329, %get3A_330, %get3A_331, %get3A_332] : memref<3x4x12x1xf32, #tpu.memory_space<vmem>>, vector<1x1x12x1xf32>
    %get3A_334 = vector.shape_cast %get3A_333 : vector<1x1x12x1xf32> to vector<12x1xf32>
    %add3A_335 = vector.broadcast %get3A_328 : vector<12x1xf32> to vector<12x1024xf32>
    %add3A_336 = arith.addf %dot_general3A_322, %add3A_335 : vector<12x1024xf32>
    %ge3A_337 = arith.constant 0.000000e+00 : f32
    %ge3A_338 = vector.broadcast %ge3A_337 : f32 to vector<12x1024xf32>
    %ge3A_339 = arith.cmpf oge, %add3A_336, %ge3A_338 : vector<12x1024xf32>
    %mul3A_340 = vector.broadcast %get3A_334 : vector<12x1xf32> to vector<12x1024xf32>
    %mul3A_341 = arith.mulf %mul3A_340, %add3A_336 : vector<12x1024xf32>
    %select_n3A_342 = arith.select %ge3A_339, %add3A_336, %mul3A_341 : vector<12x1024xi1>, vector<12x1024xf32>
    %slice3A_343 = vector.extract_strided_slice %select_n3A_342 {offsets = [0, 991], sizes = [12, 33], strides = [1, 1]} : vector<12x1024xf32> to vector<12x33xf32>
    %slice3A_344 = vector.extract_strided_slice %select_n3A_342 {offsets = [0, 0], sizes = [12, 991], strides = [1, 1]} : vector<12x1024xf32> to vector<12x991xf32>
    %concatenate3A_345 = tpu.concatenate %slice3A_343, %slice3A_344 in 1 : vector<12x33xf32>, vector<12x991xf32> -> vector<12x1024xf32>
    %slice3A_346 = vector.extract_strided_slice %get3A_4 {offsets = [0, 0], sizes = [1, 1024], strides = [1, 1]} : vector<9x1024xf32> to vector<1x1024xf32>
    %squeeze3A_347 = vector.shape_cast %slice3A_346 : vector<1x1024xf32> to vector<1024xf32>
    %broadcast_in_dim3A_348 = vector.shape_cast %squeeze3A_347 : vector<1024xf32> to vector<1x1024xf32>
    %mul3A_349 = vector.broadcast %broadcast_in_dim3A_348 : vector<1x1024xf32> to vector<12x1024xf32>
    %mul3A_350 = arith.mulf %concatenate3A_345, %mul3A_349 : vector<12x1024xf32>
    %slice3A_351 = vector.extract_strided_slice %select_n3A_342 {offsets = [0, 992], sizes = [12, 32], strides = [1, 1]} : vector<12x1024xf32> to vector<12x32xf32>
    %slice3A_352 = vector.extract_strided_slice %select_n3A_342 {offsets = [0, 0], sizes = [12, 992], strides = [1, 1]} : vector<12x1024xf32> to vector<12x992xf32>
    %concatenate3A_353 = tpu.concatenate %slice3A_351, %slice3A_352 in 1 : vector<12x32xf32>, vector<12x992xf32> -> vector<12x1024xf32>
    %slice3A_354 = vector.extract_strided_slice %get3A_4 {offsets = [1, 0], sizes = [1, 1024], strides = [1, 1]} : vector<9x1024xf32> to vector<1x1024xf32>
    %squeeze3A_355 = vector.shape_cast %slice3A_354 : vector<1x1024xf32> to vector<1024xf32>
    %broadcast_in_dim3A_356 = vector.shape_cast %squeeze3A_355 : vector<1024xf32> to vector<1x1024xf32>
    %mul3A_357 = vector.broadcast %broadcast_in_dim3A_356 : vector<1x1024xf32> to vector<12x1024xf32>
    %mul3A_358 = arith.mulf %concatenate3A_353, %mul3A_357 : vector<12x1024xf32>
    %slice3A_359 = vector.extract_strided_slice %select_n3A_342 {offsets = [0, 993], sizes = [12, 31], strides = [1, 1]} : vector<12x1024xf32> to vector<12x31xf32>
    %slice3A_360 = vector.extract_strided_slice %select_n3A_342 {offsets = [0, 0], sizes = [12, 993], strides = [1, 1]} : vector<12x1024xf32> to vector<12x993xf32>
    %concatenate3A_361 = tpu.concatenate %slice3A_359, %slice3A_360 in 1 : vector<12x31xf32>, vector<12x993xf32> -> vector<12x1024xf32>
    %slice3A_362 = vector.extract_strided_slice %get3A_4 {offsets = [2, 0], sizes = [1, 1024], strides = [1, 1]} : vector<9x1024xf32> to vector<1x1024xf32>
    %squeeze3A_363 = vector.shape_cast %slice3A_362 : vector<1x1024xf32> to vector<1024xf32>
    %broadcast_in_dim3A_364 = vector.shape_cast %squeeze3A_363 : vector<1024xf32> to vector<1x1024xf32>
    %mul3A_365 = vector.broadcast %broadcast_in_dim3A_364 : vector<1x1024xf32> to vector<12x1024xf32>
    %mul3A_366 = arith.mulf %concatenate3A_361, %mul3A_365 : vector<12x1024xf32>
    %slice3A_367 = vector.extract_strided_slice %select_n3A_342 {offsets = [0, 1023], sizes = [12, 1], strides = [1, 1]} : vector<12x1024xf32> to vector<12x1xf32>
    %slice3A_368 = vector.extract_strided_slice %select_n3A_342 {offsets = [0, 0], sizes = [12, 1023], strides = [1, 1]} : vector<12x1024xf32> to vector<12x1023xf32>
    %concatenate3A_369 = tpu.concatenate %slice3A_367, %slice3A_368 in 1 : vector<12x1xf32>, vector<12x1023xf32> -> vector<12x1024xf32>
    %slice3A_370 = vector.extract_strided_slice %get3A_4 {offsets = [3, 0], sizes = [1, 1024], strides = [1, 1]} : vector<9x1024xf32> to vector<1x1024xf32>
    %squeeze3A_371 = vector.shape_cast %slice3A_370 : vector<1x1024xf32> to vector<1024xf32>
    %broadcast_in_dim3A_372 = vector.shape_cast %squeeze3A_371 : vector<1024xf32> to vector<1x1024xf32>
    %mul3A_373 = vector.broadcast %broadcast_in_dim3A_372 : vector<1x1024xf32> to vector<12x1024xf32>
    %mul3A_374 = arith.mulf %concatenate3A_369, %mul3A_373 : vector<12x1024xf32>
    %slice3A_375 = vector.extract_strided_slice %select_n3A_342 {offsets = [0, 1], sizes = [12, 1023], strides = [1, 1]} : vector<12x1024xf32> to vector<12x1023xf32>
    %slice3A_376 = vector.extract_strided_slice %select_n3A_342 {offsets = [0, 0], sizes = [12, 1], strides = [1, 1]} : vector<12x1024xf32> to vector<12x1xf32>
    %concatenate3A_377 = tpu.concatenate %slice3A_375, %slice3A_376 in 1 : vector<12x1023xf32>, vector<12x1xf32> -> vector<12x1024xf32>
    %slice3A_378 = vector.extract_strided_slice %get3A_4 {offsets = [5, 0], sizes = [1, 1024], strides = [1, 1]} : vector<9x1024xf32> to vector<1x1024xf32>
    %squeeze3A_379 = vector.shape_cast %slice3A_378 : vector<1x1024xf32> to vector<1024xf32>
    %broadcast_in_dim3A_380 = vector.shape_cast %squeeze3A_379 : vector<1024xf32> to vector<1x1024xf32>
    %mul3A_381 = vector.broadcast %broadcast_in_dim3A_380 : vector<1x1024xf32> to vector<12x1024xf32>
    %mul3A_382 = arith.mulf %concatenate3A_377, %mul3A_381 : vector<12x1024xf32>
    %slice3A_383 = vector.extract_strided_slice %select_n3A_342 {offsets = [0, 31], sizes = [12, 993], strides = [1, 1]} : vector<12x1024xf32> to vector<12x993xf32>
    %slice3A_384 = vector.extract_strided_slice %select_n3A_342 {offsets = [0, 0], sizes = [12, 31], strides = [1, 1]} : vector<12x1024xf32> to vector<12x31xf32>
    %concatenate3A_385 = tpu.concatenate %slice3A_383, %slice3A_384 in 1 : vector<12x993xf32>, vector<12x31xf32> -> vector<12x1024xf32>
    %slice3A_386 = vector.extract_strided_slice %get3A_4 {offsets = [6, 0], sizes = [1, 1024], strides = [1, 1]} : vector<9x1024xf32> to vector<1x1024xf32>
    %squeeze3A_387 = vector.shape_cast %slice3A_386 : vector<1x1024xf32> to vector<1024xf32>
    %broadcast_in_dim3A_388 = vector.shape_cast %squeeze3A_387 : vector<1024xf32> to vector<1x1024xf32>
    %mul3A_389 = vector.broadcast %broadcast_in_dim3A_388 : vector<1x1024xf32> to vector<12x1024xf32>
    %mul3A_390 = arith.mulf %concatenate3A_385, %mul3A_389 : vector<12x1024xf32>
    %slice3A_391 = vector.extract_strided_slice %select_n3A_342 {offsets = [0, 32], sizes = [12, 992], strides = [1, 1]} : vector<12x1024xf32> to vector<12x992xf32>
    %slice3A_392 = vector.extract_strided_slice %select_n3A_342 {offsets = [0, 0], sizes = [12, 32], strides = [1, 1]} : vector<12x1024xf32> to vector<12x32xf32>
    %concatenate3A_393 = tpu.concatenate %slice3A_391, %slice3A_392 in 1 : vector<12x992xf32>, vector<12x32xf32> -> vector<12x1024xf32>
    %slice3A_394 = vector.extract_strided_slice %get3A_4 {offsets = [7, 0], sizes = [1, 1024], strides = [1, 1]} : vector<9x1024xf32> to vector<1x1024xf32>
    %squeeze3A_395 = vector.shape_cast %slice3A_394 : vector<1x1024xf32> to vector<1024xf32>
    %broadcast_in_dim3A_396 = vector.shape_cast %squeeze3A_395 : vector<1024xf32> to vector<1x1024xf32>
    %mul3A_397 = vector.broadcast %broadcast_in_dim3A_396 : vector<1x1024xf32> to vector<12x1024xf32>
    %mul3A_398 = arith.mulf %concatenate3A_393, %mul3A_397 : vector<12x1024xf32>
    %slice3A_399 = vector.extract_strided_slice %select_n3A_342 {offsets = [0, 33], sizes = [12, 991], strides = [1, 1]} : vector<12x1024xf32> to vector<12x991xf32>
    %slice3A_400 = vector.extract_strided_slice %select_n3A_342 {offsets = [0, 0], sizes = [12, 33], strides = [1, 1]} : vector<12x1024xf32> to vector<12x33xf32>
    %concatenate3A_401 = tpu.concatenate %slice3A_399, %slice3A_400 in 1 : vector<12x991xf32>, vector<12x33xf32> -> vector<12x1024xf32>
    %slice3A_402 = vector.extract_strided_slice %get3A_4 {offsets = [8, 0], sizes = [1, 1024], strides = [1, 1]} : vector<9x1024xf32> to vector<1x1024xf32>
    %squeeze3A_403 = vector.shape_cast %slice3A_402 : vector<1x1024xf32> to vector<1024xf32>
    %broadcast_in_dim3A_404 = vector.shape_cast %squeeze3A_403 : vector<1024xf32> to vector<1x1024xf32>
    %mul3A_405 = vector.broadcast %broadcast_in_dim3A_404 : vector<1x1024xf32> to vector<12x1024xf32>
    %mul3A_406 = arith.mulf %concatenate3A_401, %mul3A_405 : vector<12x1024xf32>
    %concatenate3A_407 = tpu.concatenate %mul3A_350, %mul3A_358, %mul3A_366, %mul3A_374, %select_n3A_342, %mul3A_382, %mul3A_390, %mul3A_398, %mul3A_406 in 0 : vector<12x1024xf32>, vector<12x1024xf32>, vector<12x1024xf32>, vector<12x1024xf32>, vector<12x1024xf32>, vector<12x1024xf32>, vector<12x1024xf32>, vector<12x1024xf32>, vector<12x1024xf32> -> vector<108x1024xf32>
    %get3A_408 = arith.index_cast %get3A_8 : i32 to index
    %get3A_409 = arith.constant 1 : index
    %get3A_410 = arith.constant 0 : index
    %get3A_411 = arith.constant 0 : index
    %get3A_412 = vector.load %arg12[%get3A_408, %get3A_409, %get3A_410, %get3A_411] : memref<3x4x12x108xf32, #tpu.memory_space<vmem>>, vector<1x1x12x108xf32>
    %get3A_413 = vector.shape_cast %get3A_412 : vector<1x1x12x108xf32> to vector<12x108xf32>
    %dot_general3A_414 = arith.constant dense<0.000000e+00> : vector<12x1024xf32>
    %dot_general3A_415 = tpu.matmul %get3A_413, %concatenate3A_407, %dot_general3A_414 {dimension_numbers = #tpu.dot_dimension_numbers<[1], [0], [0], [1], [0, 0, 1, 1], [], []>, transpose_lhs_hint = false} : vector<12x108xf32>, vector<108x1024xf32>, vector<12x1024xf32> -> vector<12x1024xf32>
    %get3A_416 = arith.index_cast %get3A_8 : i32 to index
    %get3A_417 = arith.constant 1 : index
    %get3A_418 = arith.constant 0 : index
    %get3A_419 = arith.constant 0 : index
    %get3A_420 = vector.load %arg13[%get3A_416, %get3A_417, %get3A_418, %get3A_419] : memref<3x4x12x1xf32, #tpu.memory_space<vmem>>, vector<1x1x12x1xf32>
    %get3A_421 = vector.shape_cast %get3A_420 : vector<1x1x12x1xf32> to vector<12x1xf32>
    %get3A_422 = arith.index_cast %get3A_8 : i32 to index
    %get3A_423 = arith.constant 1 : index
    %get3A_424 = arith.constant 0 : index
    %get3A_425 = arith.constant 0 : index
    %get3A_426 = vector.load %arg14[%get3A_422, %get3A_423, %get3A_424, %get3A_425] : memref<3x4x12x1xf32, #tpu.memory_space<vmem>>, vector<1x1x12x1xf32>
    %get3A_427 = vector.shape_cast %get3A_426 : vector<1x1x12x1xf32> to vector<12x1xf32>
    %add3A_428 = vector.broadcast %get3A_421 : vector<12x1xf32> to vector<12x1024xf32>
    %add3A_429 = arith.addf %dot_general3A_415, %add3A_428 : vector<12x1024xf32>
    %ge3A_430 = arith.constant 0.000000e+00 : f32
    %ge3A_431 = vector.broadcast %ge3A_430 : f32 to vector<12x1024xf32>
    %ge3A_432 = arith.cmpf oge, %add3A_429, %ge3A_431 : vector<12x1024xf32>
    %mul3A_433 = vector.broadcast %get3A_427 : vector<12x1xf32> to vector<12x1024xf32>
    %mul3A_434 = arith.mulf %mul3A_433, %add3A_429 : vector<12x1024xf32>
    %select_n3A_435 = arith.select %ge3A_432, %add3A_429, %mul3A_434 : vector<12x1024xi1>, vector<12x1024xf32>
    %slice3A_436 = vector.extract_strided_slice %select_n3A_435 {offsets = [0, 991], sizes = [12, 33], strides = [1, 1]} : vector<12x1024xf32> to vector<12x33xf32>
    %slice3A_437 = vector.extract_strided_slice %select_n3A_435 {offsets = [0, 0], sizes = [12, 991], strides = [1, 1]} : vector<12x1024xf32> to vector<12x991xf32>
    %concatenate3A_438 = tpu.concatenate %slice3A_436, %slice3A_437 in 1 : vector<12x33xf32>, vector<12x991xf32> -> vector<12x1024xf32>
    %slice3A_439 = vector.extract_strided_slice %get3A_4 {offsets = [0, 0], sizes = [1, 1024], strides = [1, 1]} : vector<9x1024xf32> to vector<1x1024xf32>
    %squeeze3A_440 = vector.shape_cast %slice3A_439 : vector<1x1024xf32> to vector<1024xf32>
    %broadcast_in_dim3A_441 = vector.shape_cast %squeeze3A_440 : vector<1024xf32> to vector<1x1024xf32>
    %mul3A_442 = vector.broadcast %broadcast_in_dim3A_441 : vector<1x1024xf32> to vector<12x1024xf32>
    %mul3A_443 = arith.mulf %concatenate3A_438, %mul3A_442 : vector<12x1024xf32>
    %slice3A_444 = vector.extract_strided_slice %select_n3A_435 {offsets = [0, 992], sizes = [12, 32], strides = [1, 1]} : vector<12x1024xf32> to vector<12x32xf32>
    %slice3A_445 = vector.extract_strided_slice %select_n3A_435 {offsets = [0, 0], sizes = [12, 992], strides = [1, 1]} : vector<12x1024xf32> to vector<12x992xf32>
    %concatenate3A_446 = tpu.concatenate %slice3A_444, %slice3A_445 in 1 : vector<12x32xf32>, vector<12x992xf32> -> vector<12x1024xf32>
    %slice3A_447 = vector.extract_strided_slice %get3A_4 {offsets = [1, 0], sizes = [1, 1024], strides = [1, 1]} : vector<9x1024xf32> to vector<1x1024xf32>
    %squeeze3A_448 = vector.shape_cast %slice3A_447 : vector<1x1024xf32> to vector<1024xf32>
    %broadcast_in_dim3A_449 = vector.shape_cast %squeeze3A_448 : vector<1024xf32> to vector<1x1024xf32>
    %mul3A_450 = vector.broadcast %broadcast_in_dim3A_449 : vector<1x1024xf32> to vector<12x1024xf32>
    %mul3A_451 = arith.mulf %concatenate3A_446, %mul3A_450 : vector<12x1024xf32>
    %slice3A_452 = vector.extract_strided_slice %select_n3A_435 {offsets = [0, 993], sizes = [12, 31], strides = [1, 1]} : vector<12x1024xf32> to vector<12x31xf32>
    %slice3A_453 = vector.extract_strided_slice %select_n3A_435 {offsets = [0, 0], sizes = [12, 993], strides = [1, 1]} : vector<12x1024xf32> to vector<12x993xf32>
    %concatenate3A_454 = tpu.concatenate %slice3A_452, %slice3A_453 in 1 : vector<12x31xf32>, vector<12x993xf32> -> vector<12x1024xf32>
    %slice3A_455 = vector.extract_strided_slice %get3A_4 {offsets = [2, 0], sizes = [1, 1024], strides = [1, 1]} : vector<9x1024xf32> to vector<1x1024xf32>
    %squeeze3A_456 = vector.shape_cast %slice3A_455 : vector<1x1024xf32> to vector<1024xf32>
    %broadcast_in_dim3A_457 = vector.shape_cast %squeeze3A_456 : vector<1024xf32> to vector<1x1024xf32>
    %mul3A_458 = vector.broadcast %broadcast_in_dim3A_457 : vector<1x1024xf32> to vector<12x1024xf32>
    %mul3A_459 = arith.mulf %concatenate3A_454, %mul3A_458 : vector<12x1024xf32>
    %slice3A_460 = vector.extract_strided_slice %select_n3A_435 {offsets = [0, 1023], sizes = [12, 1], strides = [1, 1]} : vector<12x1024xf32> to vector<12x1xf32>
    %slice3A_461 = vector.extract_strided_slice %select_n3A_435 {offsets = [0, 0], sizes = [12, 1023], strides = [1, 1]} : vector<12x1024xf32> to vector<12x1023xf32>
    %concatenate3A_462 = tpu.concatenate %slice3A_460, %slice3A_461 in 1 : vector<12x1xf32>, vector<12x1023xf32> -> vector<12x1024xf32>
    %slice3A_463 = vector.extract_strided_slice %get3A_4 {offsets = [3, 0], sizes = [1, 1024], strides = [1, 1]} : vector<9x1024xf32> to vector<1x1024xf32>
    %squeeze3A_464 = vector.shape_cast %slice3A_463 : vector<1x1024xf32> to vector<1024xf32>
    %broadcast_in_dim3A_465 = vector.shape_cast %squeeze3A_464 : vector<1024xf32> to vector<1x1024xf32>
    %mul3A_466 = vector.broadcast %broadcast_in_dim3A_465 : vector<1x1024xf32> to vector<12x1024xf32>
    %mul3A_467 = arith.mulf %concatenate3A_462, %mul3A_466 : vector<12x1024xf32>
    %slice3A_468 = vector.extract_strided_slice %select_n3A_435 {offsets = [0, 1], sizes = [12, 1023], strides = [1, 1]} : vector<12x1024xf32> to vector<12x1023xf32>
    %slice3A_469 = vector.extract_strided_slice %select_n3A_435 {offsets = [0, 0], sizes = [12, 1], strides = [1, 1]} : vector<12x1024xf32> to vector<12x1xf32>
    %concatenate3A_470 = tpu.concatenate %slice3A_468, %slice3A_469 in 1 : vector<12x1023xf32>, vector<12x1xf32> -> vector<12x1024xf32>
    %slice3A_471 = vector.extract_strided_slice %get3A_4 {offsets = [5, 0], sizes = [1, 1024], strides = [1, 1]} : vector<9x1024xf32> to vector<1x1024xf32>
    %squeeze3A_472 = vector.shape_cast %slice3A_471 : vector<1x1024xf32> to vector<1024xf32>
    %broadcast_in_dim3A_473 = vector.shape_cast %squeeze3A_472 : vector<1024xf32> to vector<1x1024xf32>
    %mul3A_474 = vector.broadcast %broadcast_in_dim3A_473 : vector<1x1024xf32> to vector<12x1024xf32>
    %mul3A_475 = arith.mulf %concatenate3A_470, %mul3A_474 : vector<12x1024xf32>
    %slice3A_476 = vector.extract_strided_slice %select_n3A_435 {offsets = [0, 31], sizes = [12, 993], strides = [1, 1]} : vector<12x1024xf32> to vector<12x993xf32>
    %slice3A_477 = vector.extract_strided_slice %select_n3A_435 {offsets = [0, 0], sizes = [12, 31], strides = [1, 1]} : vector<12x1024xf32> to vector<12x31xf32>
    %concatenate3A_478 = tpu.concatenate %slice3A_476, %slice3A_477 in 1 : vector<12x993xf32>, vector<12x31xf32> -> vector<12x1024xf32>
    %slice3A_479 = vector.extract_strided_slice %get3A_4 {offsets = [6, 0], sizes = [1, 1024], strides = [1, 1]} : vector<9x1024xf32> to vector<1x1024xf32>
    %squeeze3A_480 = vector.shape_cast %slice3A_479 : vector<1x1024xf32> to vector<1024xf32>
    %broadcast_in_dim3A_481 = vector.shape_cast %squeeze3A_480 : vector<1024xf32> to vector<1x1024xf32>
    %mul3A_482 = vector.broadcast %broadcast_in_dim3A_481 : vector<1x1024xf32> to vector<12x1024xf32>
    %mul3A_483 = arith.mulf %concatenate3A_478, %mul3A_482 : vector<12x1024xf32>
    %slice3A_484 = vector.extract_strided_slice %select_n3A_435 {offsets = [0, 32], sizes = [12, 992], strides = [1, 1]} : vector<12x1024xf32> to vector<12x992xf32>
    %slice3A_485 = vector.extract_strided_slice %select_n3A_435 {offsets = [0, 0], sizes = [12, 32], strides = [1, 1]} : vector<12x1024xf32> to vector<12x32xf32>
    %concatenate3A_486 = tpu.concatenate %slice3A_484, %slice3A_485 in 1 : vector<12x992xf32>, vector<12x32xf32> -> vector<12x1024xf32>
    %slice3A_487 = vector.extract_strided_slice %get3A_4 {offsets = [7, 0], sizes = [1, 1024], strides = [1, 1]} : vector<9x1024xf32> to vector<1x1024xf32>
    %squeeze3A_488 = vector.shape_cast %slice3A_487 : vector<1x1024xf32> to vector<1024xf32>
    %broadcast_in_dim3A_489 = vector.shape_cast %squeeze3A_488 : vector<1024xf32> to vector<1x1024xf32>
    %mul3A_490 = vector.broadcast %broadcast_in_dim3A_489 : vector<1x1024xf32> to vector<12x1024xf32>
    %mul3A_491 = arith.mulf %concatenate3A_486, %mul3A_490 : vector<12x1024xf32>
    %slice3A_492 = vector.extract_strided_slice %select_n3A_435 {offsets = [0, 33], sizes = [12, 991], strides = [1, 1]} : vector<12x1024xf32> to vector<12x991xf32>
    %slice3A_493 = vector.extract_strided_slice %select_n3A_435 {offsets = [0, 0], sizes = [12, 33], strides = [1, 1]} : vector<12x1024xf32> to vector<12x33xf32>
    %concatenate3A_494 = tpu.concatenate %slice3A_492, %slice3A_493 in 1 : vector<12x991xf32>, vector<12x33xf32> -> vector<12x1024xf32>
    %slice3A_495 = vector.extract_strided_slice %get3A_4 {offsets = [8, 0], sizes = [1, 1024], strides = [1, 1]} : vector<9x1024xf32> to vector<1x1024xf32>
    %squeeze3A_496 = vector.shape_cast %slice3A_495 : vector<1x1024xf32> to vector<1024xf32>
    %broadcast_in_dim3A_497 = vector.shape_cast %squeeze3A_496 : vector<1024xf32> to vector<1x1024xf32>
    %mul3A_498 = vector.broadcast %broadcast_in_dim3A_497 : vector<1x1024xf32> to vector<12x1024xf32>
    %mul3A_499 = arith.mulf %concatenate3A_494, %mul3A_498 : vector<12x1024xf32>
    %concatenate3A_500 = tpu.concatenate %mul3A_443, %mul3A_451, %mul3A_459, %mul3A_467, %select_n3A_435, %mul3A_475, %mul3A_483, %mul3A_491, %mul3A_499 in 0 : vector<12x1024xf32>, vector<12x1024xf32>, vector<12x1024xf32>, vector<12x1024xf32>, vector<12x1024xf32>, vector<12x1024xf32>, vector<12x1024xf32>, vector<12x1024xf32>, vector<12x1024xf32> -> vector<108x1024xf32>
    %get3A_501 = arith.index_cast %get3A_8 : i32 to index
    %get3A_502 = arith.constant 2 : index
    %get3A_503 = arith.constant 0 : index
    %get3A_504 = arith.constant 0 : index
    %get3A_505 = vector.load %arg12[%get3A_501, %get3A_502, %get3A_503, %get3A_504] : memref<3x4x12x108xf32, #tpu.memory_space<vmem>>, vector<1x1x12x108xf32>
    %get3A_506 = vector.shape_cast %get3A_505 : vector<1x1x12x108xf32> to vector<12x108xf32>
    %dot_general3A_507 = arith.constant dense<0.000000e+00> : vector<12x1024xf32>
    %dot_general3A_508 = tpu.matmul %get3A_506, %concatenate3A_500, %dot_general3A_507 {dimension_numbers = #tpu.dot_dimension_numbers<[1], [0], [0], [1], [0, 0, 1, 1], [], []>, transpose_lhs_hint = false} : vector<12x108xf32>, vector<108x1024xf32>, vector<12x1024xf32> -> vector<12x1024xf32>
    %get3A_509 = arith.index_cast %get3A_8 : i32 to index
    %get3A_510 = arith.constant 2 : index
    %get3A_511 = arith.constant 0 : index
    %get3A_512 = arith.constant 0 : index
    %get3A_513 = vector.load %arg13[%get3A_509, %get3A_510, %get3A_511, %get3A_512] : memref<3x4x12x1xf32, #tpu.memory_space<vmem>>, vector<1x1x12x1xf32>
    %get3A_514 = vector.shape_cast %get3A_513 : vector<1x1x12x1xf32> to vector<12x1xf32>
    %get3A_515 = arith.index_cast %get3A_8 : i32 to index
    %get3A_516 = arith.constant 2 : index
    %get3A_517 = arith.constant 0 : index
    %get3A_518 = arith.constant 0 : index
    %get3A_519 = vector.load %arg14[%get3A_515, %get3A_516, %get3A_517, %get3A_518] : memref<3x4x12x1xf32, #tpu.memory_space<vmem>>, vector<1x1x12x1xf32>
    %get3A_520 = vector.shape_cast %get3A_519 : vector<1x1x12x1xf32> to vector<12x1xf32>
    %add3A_521 = vector.broadcast %get3A_514 : vector<12x1xf32> to vector<12x1024xf32>
    %add3A_522 = arith.addf %dot_general3A_508, %add3A_521 : vector<12x1024xf32>
    %ge3A_523 = arith.constant 0.000000e+00 : f32
    %ge3A_524 = vector.broadcast %ge3A_523 : f32 to vector<12x1024xf32>
    %ge3A_525 = arith.cmpf oge, %add3A_522, %ge3A_524 : vector<12x1024xf32>
    %mul3A_526 = vector.broadcast %get3A_520 : vector<12x1xf32> to vector<12x1024xf32>
    %mul3A_527 = arith.mulf %mul3A_526, %add3A_522 : vector<12x1024xf32>
    %select_n3A_528 = arith.select %ge3A_525, %add3A_522, %mul3A_527 : vector<12x1024xi1>, vector<12x1024xf32>
    %slice3A_529 = vector.extract_strided_slice %select_n3A_528 {offsets = [0, 991], sizes = [12, 33], strides = [1, 1]} : vector<12x1024xf32> to vector<12x33xf32>
    %slice3A_530 = vector.extract_strided_slice %select_n3A_528 {offsets = [0, 0], sizes = [12, 991], strides = [1, 1]} : vector<12x1024xf32> to vector<12x991xf32>
    %concatenate3A_531 = tpu.concatenate %slice3A_529, %slice3A_530 in 1 : vector<12x33xf32>, vector<12x991xf32> -> vector<12x1024xf32>
    %slice3A_532 = vector.extract_strided_slice %get3A_4 {offsets = [0, 0], sizes = [1, 1024], strides = [1, 1]} : vector<9x1024xf32> to vector<1x1024xf32>
    %squeeze3A_533 = vector.shape_cast %slice3A_532 : vector<1x1024xf32> to vector<1024xf32>
    %broadcast_in_dim3A_534 = vector.shape_cast %squeeze3A_533 : vector<1024xf32> to vector<1x1024xf32>
    %mul3A_535 = vector.broadcast %broadcast_in_dim3A_534 : vector<1x1024xf32> to vector<12x1024xf32>
    %mul3A_536 = arith.mulf %concatenate3A_531, %mul3A_535 : vector<12x1024xf32>
    %slice3A_537 = vector.extract_strided_slice %select_n3A_528 {offsets = [0, 992], sizes = [12, 32], strides = [1, 1]} : vector<12x1024xf32> to vector<12x32xf32>
    %slice3A_538 = vector.extract_strided_slice %select_n3A_528 {offsets = [0, 0], sizes = [12, 992], strides = [1, 1]} : vector<12x1024xf32> to vector<12x992xf32>
    %concatenate3A_539 = tpu.concatenate %slice3A_537, %slice3A_538 in 1 : vector<12x32xf32>, vector<12x992xf32> -> vector<12x1024xf32>
    %slice3A_540 = vector.extract_strided_slice %get3A_4 {offsets = [1, 0], sizes = [1, 1024], strides = [1, 1]} : vector<9x1024xf32> to vector<1x1024xf32>
    %squeeze3A_541 = vector.shape_cast %slice3A_540 : vector<1x1024xf32> to vector<1024xf32>
    %broadcast_in_dim3A_542 = vector.shape_cast %squeeze3A_541 : vector<1024xf32> to vector<1x1024xf32>
    %mul3A_543 = vector.broadcast %broadcast_in_dim3A_542 : vector<1x1024xf32> to vector<12x1024xf32>
    %mul3A_544 = arith.mulf %concatenate3A_539, %mul3A_543 : vector<12x1024xf32>
    %slice3A_545 = vector.extract_strided_slice %select_n3A_528 {offsets = [0, 993], sizes = [12, 31], strides = [1, 1]} : vector<12x1024xf32> to vector<12x31xf32>
    %slice3A_546 = vector.extract_strided_slice %select_n3A_528 {offsets = [0, 0], sizes = [12, 993], strides = [1, 1]} : vector<12x1024xf32> to vector<12x993xf32>
    %concatenate3A_547 = tpu.concatenate %slice3A_545, %slice3A_546 in 1 : vector<12x31xf32>, vector<12x993xf32> -> vector<12x1024xf32>
    %slice3A_548 = vector.extract_strided_slice %get3A_4 {offsets = [2, 0], sizes = [1, 1024], strides = [1, 1]} : vector<9x1024xf32> to vector<1x1024xf32>
    %squeeze3A_549 = vector.shape_cast %slice3A_548 : vector<1x1024xf32> to vector<1024xf32>
    %broadcast_in_dim3A_550 = vector.shape_cast %squeeze3A_549 : vector<1024xf32> to vector<1x1024xf32>
    %mul3A_551 = vector.broadcast %broadcast_in_dim3A_550 : vector<1x1024xf32> to vector<12x1024xf32>
    %mul3A_552 = arith.mulf %concatenate3A_547, %mul3A_551 : vector<12x1024xf32>
    %slice3A_553 = vector.extract_strided_slice %select_n3A_528 {offsets = [0, 1023], sizes = [12, 1], strides = [1, 1]} : vector<12x1024xf32> to vector<12x1xf32>
    %slice3A_554 = vector.extract_strided_slice %select_n3A_528 {offsets = [0, 0], sizes = [12, 1023], strides = [1, 1]} : vector<12x1024xf32> to vector<12x1023xf32>
    %concatenate3A_555 = tpu.concatenate %slice3A_553, %slice3A_554 in 1 : vector<12x1xf32>, vector<12x1023xf32> -> vector<12x1024xf32>
    %slice3A_556 = vector.extract_strided_slice %get3A_4 {offsets = [3, 0], sizes = [1, 1024], strides = [1, 1]} : vector<9x1024xf32> to vector<1x1024xf32>
    %squeeze3A_557 = vector.shape_cast %slice3A_556 : vector<1x1024xf32> to vector<1024xf32>
    %broadcast_in_dim3A_558 = vector.shape_cast %squeeze3A_557 : vector<1024xf32> to vector<1x1024xf32>
    %mul3A_559 = vector.broadcast %broadcast_in_dim3A_558 : vector<1x1024xf32> to vector<12x1024xf32>
    %mul3A_560 = arith.mulf %concatenate3A_555, %mul3A_559 : vector<12x1024xf32>
    %slice3A_561 = vector.extract_strided_slice %select_n3A_528 {offsets = [0, 1], sizes = [12, 1023], strides = [1, 1]} : vector<12x1024xf32> to vector<12x1023xf32>
    %slice3A_562 = vector.extract_strided_slice %select_n3A_528 {offsets = [0, 0], sizes = [12, 1], strides = [1, 1]} : vector<12x1024xf32> to vector<12x1xf32>
    %concatenate3A_563 = tpu.concatenate %slice3A_561, %slice3A_562 in 1 : vector<12x1023xf32>, vector<12x1xf32> -> vector<12x1024xf32>
    %slice3A_564 = vector.extract_strided_slice %get3A_4 {offsets = [5, 0], sizes = [1, 1024], strides = [1, 1]} : vector<9x1024xf32> to vector<1x1024xf32>
    %squeeze3A_565 = vector.shape_cast %slice3A_564 : vector<1x1024xf32> to vector<1024xf32>
    %broadcast_in_dim3A_566 = vector.shape_cast %squeeze3A_565 : vector<1024xf32> to vector<1x1024xf32>
    %mul3A_567 = vector.broadcast %broadcast_in_dim3A_566 : vector<1x1024xf32> to vector<12x1024xf32>
    %mul3A_568 = arith.mulf %concatenate3A_563, %mul3A_567 : vector<12x1024xf32>
    %slice3A_569 = vector.extract_strided_slice %select_n3A_528 {offsets = [0, 31], sizes = [12, 993], strides = [1, 1]} : vector<12x1024xf32> to vector<12x993xf32>
    %slice3A_570 = vector.extract_strided_slice %select_n3A_528 {offsets = [0, 0], sizes = [12, 31], strides = [1, 1]} : vector<12x1024xf32> to vector<12x31xf32>
    %concatenate3A_571 = tpu.concatenate %slice3A_569, %slice3A_570 in 1 : vector<12x993xf32>, vector<12x31xf32> -> vector<12x1024xf32>
    %slice3A_572 = vector.extract_strided_slice %get3A_4 {offsets = [6, 0], sizes = [1, 1024], strides = [1, 1]} : vector<9x1024xf32> to vector<1x1024xf32>
    %squeeze3A_573 = vector.shape_cast %slice3A_572 : vector<1x1024xf32> to vector<1024xf32>
    %broadcast_in_dim3A_574 = vector.shape_cast %squeeze3A_573 : vector<1024xf32> to vector<1x1024xf32>
    %mul3A_575 = vector.broadcast %broadcast_in_dim3A_574 : vector<1x1024xf32> to vector<12x1024xf32>
    %mul3A_576 = arith.mulf %concatenate3A_571, %mul3A_575 : vector<12x1024xf32>
    %slice3A_577 = vector.extract_strided_slice %select_n3A_528 {offsets = [0, 32], sizes = [12, 992], strides = [1, 1]} : vector<12x1024xf32> to vector<12x992xf32>
    %slice3A_578 = vector.extract_strided_slice %select_n3A_528 {offsets = [0, 0], sizes = [12, 32], strides = [1, 1]} : vector<12x1024xf32> to vector<12x32xf32>
    %concatenate3A_579 = tpu.concatenate %slice3A_577, %slice3A_578 in 1 : vector<12x992xf32>, vector<12x32xf32> -> vector<12x1024xf32>
    %slice3A_580 = vector.extract_strided_slice %get3A_4 {offsets = [7, 0], sizes = [1, 1024], strides = [1, 1]} : vector<9x1024xf32> to vector<1x1024xf32>
    %squeeze3A_581 = vector.shape_cast %slice3A_580 : vector<1x1024xf32> to vector<1024xf32>
    %broadcast_in_dim3A_582 = vector.shape_cast %squeeze3A_581 : vector<1024xf32> to vector<1x1024xf32>
    %mul3A_583 = vector.broadcast %broadcast_in_dim3A_582 : vector<1x1024xf32> to vector<12x1024xf32>
    %mul3A_584 = arith.mulf %concatenate3A_579, %mul3A_583 : vector<12x1024xf32>
    %slice3A_585 = vector.extract_strided_slice %select_n3A_528 {offsets = [0, 33], sizes = [12, 991], strides = [1, 1]} : vector<12x1024xf32> to vector<12x991xf32>
    %slice3A_586 = vector.extract_strided_slice %select_n3A_528 {offsets = [0, 0], sizes = [12, 33], strides = [1, 1]} : vector<12x1024xf32> to vector<12x33xf32>
    %concatenate3A_587 = tpu.concatenate %slice3A_585, %slice3A_586 in 1 : vector<12x991xf32>, vector<12x33xf32> -> vector<12x1024xf32>
    %slice3A_588 = vector.extract_strided_slice %get3A_4 {offsets = [8, 0], sizes = [1, 1024], strides = [1, 1]} : vector<9x1024xf32> to vector<1x1024xf32>
    %squeeze3A_589 = vector.shape_cast %slice3A_588 : vector<1x1024xf32> to vector<1024xf32>
    %broadcast_in_dim3A_590 = vector.shape_cast %squeeze3A_589 : vector<1024xf32> to vector<1x1024xf32>
    %mul3A_591 = vector.broadcast %broadcast_in_dim3A_590 : vector<1x1024xf32> to vector<12x1024xf32>
    %mul3A_592 = arith.mulf %concatenate3A_587, %mul3A_591 : vector<12x1024xf32>
    %concatenate3A_593 = tpu.concatenate %mul3A_536, %mul3A_544, %mul3A_552, %mul3A_560, %select_n3A_528, %mul3A_568, %mul3A_576, %mul3A_584, %mul3A_592 in 0 : vector<12x1024xf32>, vector<12x1024xf32>, vector<12x1024xf32>, vector<12x1024xf32>, vector<12x1024xf32>, vector<12x1024xf32>, vector<12x1024xf32>, vector<12x1024xf32>, vector<12x1024xf32> -> vector<108x1024xf32>
    %get3A_594 = arith.index_cast %get3A_8 : i32 to index
    %get3A_595 = arith.constant 3 : index
    %get3A_596 = arith.constant 0 : index
    %get3A_597 = arith.constant 0 : index
    %get3A_598 = vector.load %arg12[%get3A_594, %get3A_595, %get3A_596, %get3A_597] : memref<3x4x12x108xf32, #tpu.memory_space<vmem>>, vector<1x1x12x108xf32>
    %get3A_599 = vector.shape_cast %get3A_598 : vector<1x1x12x108xf32> to vector<12x108xf32>
    %dot_general3A_600 = arith.constant dense<0.000000e+00> : vector<12x1024xf32>
    %dot_general3A_601 = tpu.matmul %get3A_599, %concatenate3A_593, %dot_general3A_600 {dimension_numbers = #tpu.dot_dimension_numbers<[1], [0], [0], [1], [0, 0, 1, 1], [], []>, transpose_lhs_hint = false} : vector<12x108xf32>, vector<108x1024xf32>, vector<12x1024xf32> -> vector<12x1024xf32>
    %get3A_602 = arith.index_cast %get3A_8 : i32 to index
    %get3A_603 = arith.constant 3 : index
    %get3A_604 = arith.constant 0 : index
    %get3A_605 = arith.constant 0 : index
    %get3A_606 = vector.load %arg13[%get3A_602, %get3A_603, %get3A_604, %get3A_605] : memref<3x4x12x1xf32, #tpu.memory_space<vmem>>, vector<1x1x12x1xf32>
    %get3A_607 = vector.shape_cast %get3A_606 : vector<1x1x12x1xf32> to vector<12x1xf32>
    %get3A_608 = arith.index_cast %get3A_8 : i32 to index
    %get3A_609 = arith.constant 3 : index
    %get3A_610 = arith.constant 0 : index
    %get3A_611 = arith.constant 0 : index
    %get3A_612 = vector.load %arg14[%get3A_608, %get3A_609, %get3A_610, %get3A_611] : memref<3x4x12x1xf32, #tpu.memory_space<vmem>>, vector<1x1x12x1xf32>
    %get3A_613 = vector.shape_cast %get3A_612 : vector<1x1x12x1xf32> to vector<12x1xf32>
    %add3A_614 = vector.broadcast %get3A_607 : vector<12x1xf32> to vector<12x1024xf32>
    %add3A_615 = arith.addf %dot_general3A_601, %add3A_614 : vector<12x1024xf32>
    %ge3A_616 = arith.constant 0.000000e+00 : f32
    %ge3A_617 = vector.broadcast %ge3A_616 : f32 to vector<12x1024xf32>
    %ge3A_618 = arith.cmpf oge, %add3A_615, %ge3A_617 : vector<12x1024xf32>
    %mul3A_619 = vector.broadcast %get3A_613 : vector<12x1xf32> to vector<12x1024xf32>
    %mul3A_620 = arith.mulf %mul3A_619, %add3A_615 : vector<12x1024xf32>
    %select_n3A_621 = arith.select %ge3A_618, %add3A_615, %mul3A_620 : vector<12x1024xi1>, vector<12x1024xf32>
    %get3A_622 = arith.index_cast %get3A_8 : i32 to index
    %get3A_623 = arith.constant 0 : index
    %get3A_624 = arith.constant 0 : index
    %get3A_625 = vector.load %arg15[%get3A_622, %get3A_623, %get3A_624] : memref<3x56x12xf32, #tpu.memory_space<vmem>>, vector<1x56x12xf32>
    %get3A_626 = vector.shape_cast %get3A_625 : vector<1x56x12xf32> to vector<56x12xf32>
    %dot_general3A_627 = arith.constant dense<0.000000e+00> : vector<56x1024xf32>
    %dot_general3A_628 = tpu.matmul %get3A_626, %select_n3A_621, %dot_general3A_627 {dimension_numbers = #tpu.dot_dimension_numbers<[1], [0], [0], [1], [0, 0, 1, 1], [], []>, transpose_lhs_hint = false} : vector<56x12xf32>, vector<12x1024xf32>, vector<56x1024xf32> -> vector<56x1024xf32>
    %get3A_629 = arith.index_cast %get3A_8 : i32 to index
    %get3A_630 = arith.constant 0 : index
    %get3A_631 = arith.constant 0 : index
    %get3A_632 = vector.load %arg16[%get3A_629, %get3A_630, %get3A_631] : memref<3x56x1xf32, #tpu.memory_space<vmem>>, vector<1x56x1xf32>
    %get3A_633 = vector.shape_cast %get3A_632 : vector<1x56x1xf32> to vector<56x1xf32>
    %get3A_634 = arith.index_cast %get3A_8 : i32 to index
    %get3A_635 = arith.constant 0 : index
    %get3A_636 = arith.constant 0 : index
    %get3A_637 = vector.load %arg17[%get3A_634, %get3A_635, %get3A_636] : memref<3x56x1xf32, #tpu.memory_space<vmem>>, vector<1x56x1xf32>
    %get3A_638 = vector.shape_cast %get3A_637 : vector<1x56x1xf32> to vector<56x1xf32>
    %add3A_639 = vector.broadcast %get3A_633 : vector<56x1xf32> to vector<56x1024xf32>
    %add3A_640 = arith.addf %dot_general3A_628, %add3A_639 : vector<56x1024xf32>
    %ge3A_641 = arith.constant 0.000000e+00 : f32
    %ge3A_642 = vector.broadcast %ge3A_641 : f32 to vector<56x1024xf32>
    %ge3A_643 = arith.cmpf oge, %add3A_640, %ge3A_642 : vector<56x1024xf32>
    %mul3A_644 = vector.broadcast %get3A_638 : vector<56x1xf32> to vector<56x1024xf32>
    %mul3A_645 = arith.mulf %mul3A_644, %add3A_640 : vector<56x1024xf32>
    %select_n3A_646 = arith.select %ge3A_643, %add3A_640, %mul3A_645 : vector<56x1024xi1>, vector<56x1024xf32>
    %convert_element_type3A_647 = arith.truncf %select_n3A_646 : vector<56x1024xf32> to vector<56x1024xbf16>
    %slice3A_648 = vector.extract_strided_slice %convert_element_type3A_647 {offsets = [0, 991], sizes = [56, 33], strides = [1, 1]} : vector<56x1024xbf16> to vector<56x33xbf16>
    %slice3A_649 = vector.extract_strided_slice %convert_element_type3A_647 {offsets = [0, 0], sizes = [56, 991], strides = [1, 1]} : vector<56x1024xbf16> to vector<56x991xbf16>
    %concatenate3A_650 = tpu.concatenate %slice3A_648, %slice3A_649 in 1 : vector<56x33xbf16>, vector<56x991xbf16> -> vector<56x1024xbf16>
    %slice3A_651 = vector.extract_strided_slice %convert_element_type3A {offsets = [0, 0], sizes = [1, 1024], strides = [1, 1]} : vector<9x1024xbf16> to vector<1x1024xbf16>
    %squeeze3A_652 = vector.shape_cast %slice3A_651 : vector<1x1024xbf16> to vector<1024xbf16>
    %broadcast_in_dim3A_653 = vector.shape_cast %squeeze3A_652 : vector<1024xbf16> to vector<1x1024xbf16>
    %mul3A_654 = vector.broadcast %broadcast_in_dim3A_653 : vector<1x1024xbf16> to vector<56x1024xbf16>
    %mul3A_655 = arith.mulf %concatenate3A_650, %mul3A_654 : vector<56x1024xbf16>
    %slice3A_656 = vector.extract_strided_slice %convert_element_type3A_647 {offsets = [0, 992], sizes = [56, 32], strides = [1, 1]} : vector<56x1024xbf16> to vector<56x32xbf16>
    %slice3A_657 = vector.extract_strided_slice %convert_element_type3A_647 {offsets = [0, 0], sizes = [56, 992], strides = [1, 1]} : vector<56x1024xbf16> to vector<56x992xbf16>
    %concatenate3A_658 = tpu.concatenate %slice3A_656, %slice3A_657 in 1 : vector<56x32xbf16>, vector<56x992xbf16> -> vector<56x1024xbf16>
    %slice3A_659 = vector.extract_strided_slice %convert_element_type3A {offsets = [1, 0], sizes = [1, 1024], strides = [1, 1]} : vector<9x1024xbf16> to vector<1x1024xbf16>
    %squeeze3A_660 = vector.shape_cast %slice3A_659 : vector<1x1024xbf16> to vector<1024xbf16>
    %broadcast_in_dim3A_661 = vector.shape_cast %squeeze3A_660 : vector<1024xbf16> to vector<1x1024xbf16>
    %mul3A_662 = vector.broadcast %broadcast_in_dim3A_661 : vector<1x1024xbf16> to vector<56x1024xbf16>
    %mul3A_663 = arith.mulf %concatenate3A_658, %mul3A_662 : vector<56x1024xbf16>
    %slice3A_664 = vector.extract_strided_slice %convert_element_type3A_647 {offsets = [0, 993], sizes = [56, 31], strides = [1, 1]} : vector<56x1024xbf16> to vector<56x31xbf16>
    %slice3A_665 = vector.extract_strided_slice %convert_element_type3A_647 {offsets = [0, 0], sizes = [56, 993], strides = [1, 1]} : vector<56x1024xbf16> to vector<56x993xbf16>
    %concatenate3A_666 = tpu.concatenate %slice3A_664, %slice3A_665 in 1 : vector<56x31xbf16>, vector<56x993xbf16> -> vector<56x1024xbf16>
    %slice3A_667 = vector.extract_strided_slice %convert_element_type3A {offsets = [2, 0], sizes = [1, 1024], strides = [1, 1]} : vector<9x1024xbf16> to vector<1x1024xbf16>
    %squeeze3A_668 = vector.shape_cast %slice3A_667 : vector<1x1024xbf16> to vector<1024xbf16>
    %broadcast_in_dim3A_669 = vector.shape_cast %squeeze3A_668 : vector<1024xbf16> to vector<1x1024xbf16>
    %mul3A_670 = vector.broadcast %broadcast_in_dim3A_669 : vector<1x1024xbf16> to vector<56x1024xbf16>
    %mul3A_671 = arith.mulf %concatenate3A_666, %mul3A_670 : vector<56x1024xbf16>
    %slice3A_672 = vector.extract_strided_slice %convert_element_type3A_647 {offsets = [0, 1023], sizes = [56, 1], strides = [1, 1]} : vector<56x1024xbf16> to vector<56x1xbf16>
    %slice3A_673 = vector.extract_strided_slice %convert_element_type3A_647 {offsets = [0, 0], sizes = [56, 1023], strides = [1, 1]} : vector<56x1024xbf16> to vector<56x1023xbf16>
    %concatenate3A_674 = tpu.concatenate %slice3A_672, %slice3A_673 in 1 : vector<56x1xbf16>, vector<56x1023xbf16> -> vector<56x1024xbf16>
    %slice3A_675 = vector.extract_strided_slice %convert_element_type3A {offsets = [3, 0], sizes = [1, 1024], strides = [1, 1]} : vector<9x1024xbf16> to vector<1x1024xbf16>
    %squeeze3A_676 = vector.shape_cast %slice3A_675 : vector<1x1024xbf16> to vector<1024xbf16>
    %broadcast_in_dim3A_677 = vector.shape_cast %squeeze3A_676 : vector<1024xbf16> to vector<1x1024xbf16>
    %mul3A_678 = vector.broadcast %broadcast_in_dim3A_677 : vector<1x1024xbf16> to vector<56x1024xbf16>
    %mul3A_679 = arith.mulf %concatenate3A_674, %mul3A_678 : vector<56x1024xbf16>
    %slice3A_680 = vector.extract_strided_slice %convert_element_type3A_647 {offsets = [0, 1], sizes = [56, 1023], strides = [1, 1]} : vector<56x1024xbf16> to vector<56x1023xbf16>
    %slice3A_681 = vector.extract_strided_slice %convert_element_type3A_647 {offsets = [0, 0], sizes = [56, 1], strides = [1, 1]} : vector<56x1024xbf16> to vector<56x1xbf16>
    %concatenate3A_682 = tpu.concatenate %slice3A_680, %slice3A_681 in 1 : vector<56x1023xbf16>, vector<56x1xbf16> -> vector<56x1024xbf16>
    %slice3A_683 = vector.extract_strided_slice %convert_element_type3A {offsets = [5, 0], sizes = [1, 1024], strides = [1, 1]} : vector<9x1024xbf16> to vector<1x1024xbf16>
    %squeeze3A_684 = vector.shape_cast %slice3A_683 : vector<1x1024xbf16> to vector<1024xbf16>
    %broadcast_in_dim3A_685 = vector.shape_cast %squeeze3A_684 : vector<1024xbf16> to vector<1x1024xbf16>
    %mul3A_686 = vector.broadcast %broadcast_in_dim3A_685 : vector<1x1024xbf16> to vector<56x1024xbf16>
    %mul3A_687 = arith.mulf %concatenate3A_682, %mul3A_686 : vector<56x1024xbf16>
    %slice3A_688 = vector.extract_strided_slice %convert_element_type3A_647 {offsets = [0, 31], sizes = [56, 993], strides = [1, 1]} : vector<56x1024xbf16> to vector<56x993xbf16>
    %slice3A_689 = vector.extract_strided_slice %convert_element_type3A_647 {offsets = [0, 0], sizes = [56, 31], strides = [1, 1]} : vector<56x1024xbf16> to vector<56x31xbf16>
    %concatenate3A_690 = tpu.concatenate %slice3A_688, %slice3A_689 in 1 : vector<56x993xbf16>, vector<56x31xbf16> -> vector<56x1024xbf16>
    %slice3A_691 = vector.extract_strided_slice %convert_element_type3A {offsets = [6, 0], sizes = [1, 1024], strides = [1, 1]} : vector<9x1024xbf16> to vector<1x1024xbf16>
    %squeeze3A_692 = vector.shape_cast %slice3A_691 : vector<1x1024xbf16> to vector<1024xbf16>
    %broadcast_in_dim3A_693 = vector.shape_cast %squeeze3A_692 : vector<1024xbf16> to vector<1x1024xbf16>
    %mul3A_694 = vector.broadcast %broadcast_in_dim3A_693 : vector<1x1024xbf16> to vector<56x1024xbf16>
    %mul3A_695 = arith.mulf %concatenate3A_690, %mul3A_694 : vector<56x1024xbf16>
    %slice3A_696 = vector.extract_strided_slice %convert_element_type3A_647 {offsets = [0, 32], sizes = [56, 992], strides = [1, 1]} : vector<56x1024xbf16> to vector<56x992xbf16>
    %slice3A_697 = vector.extract_strided_slice %convert_element_type3A_647 {offsets = [0, 0], sizes = [56, 32], strides = [1, 1]} : vector<56x1024xbf16> to vector<56x32xbf16>
    %concatenate3A_698 = tpu.concatenate %slice3A_696, %slice3A_697 in 1 : vector<56x992xbf16>, vector<56x32xbf16> -> vector<56x1024xbf16>
    %slice3A_699 = vector.extract_strided_slice %convert_element_type3A {offsets = [7, 0], sizes = [1, 1024], strides = [1, 1]} : vector<9x1024xbf16> to vector<1x1024xbf16>
    %squeeze3A_700 = vector.shape_cast %slice3A_699 : vector<1x1024xbf16> to vector<1024xbf16>
    %broadcast_in_dim3A_701 = vector.shape_cast %squeeze3A_700 : vector<1024xbf16> to vector<1x1024xbf16>
    %mul3A_702 = vector.broadcast %broadcast_in_dim3A_701 : vector<1x1024xbf16> to vector<56x1024xbf16>
    %mul3A_703 = arith.mulf %concatenate3A_698, %mul3A_702 : vector<56x1024xbf16>
    %slice3A_704 = vector.extract_strided_slice %convert_element_type3A_647 {offsets = [0, 33], sizes = [56, 991], strides = [1, 1]} : vector<56x1024xbf16> to vector<56x991xbf16>
    %slice3A_705 = vector.extract_strided_slice %convert_element_type3A_647 {offsets = [0, 0], sizes = [56, 33], strides = [1, 1]} : vector<56x1024xbf16> to vector<56x33xbf16>
    %concatenate3A_706 = tpu.concatenate %slice3A_704, %slice3A_705 in 1 : vector<56x991xbf16>, vector<56x33xbf16> -> vector<56x1024xbf16>
    %slice3A_707 = vector.extract_strided_slice %convert_element_type3A {offsets = [8, 0], sizes = [1, 1024], strides = [1, 1]} : vector<9x1024xbf16> to vector<1x1024xbf16>
    %squeeze3A_708 = vector.shape_cast %slice3A_707 : vector<1x1024xbf16> to vector<1024xbf16>
    %broadcast_in_dim3A_709 = vector.shape_cast %squeeze3A_708 : vector<1024xbf16> to vector<1x1024xbf16>
    %mul3A_710 = vector.broadcast %broadcast_in_dim3A_709 : vector<1x1024xbf16> to vector<56x1024xbf16>
    %mul3A_711 = arith.mulf %concatenate3A_706, %mul3A_710 : vector<56x1024xbf16>
    %concatenate3A_712 = tpu.concatenate %mul3A_655, %mul3A_663, %mul3A_671, %mul3A_679, %convert_element_type3A_647, %mul3A_687, %mul3A_695, %mul3A_703, %mul3A_711 in 0 : vector<56x1024xbf16>, vector<56x1024xbf16>, vector<56x1024xbf16>, vector<56x1024xbf16>, vector<56x1024xbf16>, vector<56x1024xbf16>, vector<56x1024xbf16>, vector<56x1024xbf16>, vector<56x1024xbf16> -> vector<504x1024xbf16>
    %get3A_713 = arith.index_cast %get3A_8 : i32 to index
    %get3A_714 = arith.constant 0 : index
    %get3A_715 = arith.constant 0 : index
    %get3A_716 = vector.load %arg18[%get3A_713, %get3A_714, %get3A_715] : memref<3x48x504xbf16, #tpu.memory_space<vmem>>, vector<1x48x504xbf16>
    %get3A_717 = vector.shape_cast %get3A_716 : vector<1x48x504xbf16> to vector<48x504xbf16>
    %dot_general3A_718 = arith.constant dense<0.000000e+00> : vector<48x1024xf32>
    %dot_general3A_719 = tpu.matmul %get3A_717, %concatenate3A_712, %dot_general3A_718 {dimension_numbers = #tpu.dot_dimension_numbers<[1], [0], [0], [1], [0, 0, 1, 1], [], []>, transpose_lhs_hint = false} : vector<48x504xbf16>, vector<504x1024xbf16>, vector<48x1024xf32> -> vector<48x1024xf32>
    %get3A_720 = arith.index_cast %get3A_8 : i32 to index
    %get3A_721 = arith.constant 0 : index
    %get3A_722 = arith.constant 0 : index
    %get3A_723 = vector.load %arg19[%get3A_720, %get3A_721, %get3A_722] : memref<3x48x1xf32, #tpu.memory_space<vmem>>, vector<1x48x1xf32>
    %get3A_724 = vector.shape_cast %get3A_723 : vector<1x48x1xf32> to vector<48x1xf32>
    %add3A_725 = vector.broadcast %get3A_724 : vector<48x1xf32> to vector<48x1024xf32>
    %add3A_726 = arith.addf %dot_general3A_719, %add3A_725 : vector<48x1024xf32>
    %get3A_727 = arith.index_cast %add3A_6 : i32 to index
    %get3A_728 = memref.load %arg2[%get3A_727] : memref<64xi32, #tpu.memory_space<smem>>
    %convert_element_type3A_729 = arith.sitofp %get3A_728 : i32 to f32
    %mul3A_730 = vector.broadcast %convert_element_type3A_729 : f32 to vector<48x1024xf32>
    %mul3A_731 = arith.mulf %add3A_726, %mul3A_730 : vector<48x1024xf32>
    %swap3A = arith.constant 0 : index
    %swap3A_732 = arith.constant 0 : index
    %swap3A_733 = arith.constant 0 : index
    %swap3A_734 = vector.load %arg20[%swap3A, %swap3A_732, %swap3A_733] : memref<4x48x1024xf32, #tpu.memory_space<vmem>>, vector<1x48x1024xf32>
    %swap3A_735 = vector.shape_cast %swap3A_734 : vector<1x48x1024xf32> to vector<48x1024xf32>
    %swap3A_736 = vector.shape_cast %mul3A_731 : vector<48x1024xf32> to vector<1x48x1024xf32>
    tpu.vector_store %arg20[%swap3A, %swap3A_732, %swap3A_733], %swap3A_736 {strides = array<i32>} : memref<4x48x1024xf32, #tpu.memory_space<vmem>>, vector<1x48x1024xf32>,
    %mul3A_737 = arith.constant 4 : i32
    %mul3A_738 = arith.muli %arg0, %mul3A_737 : i32
    %add3A_739 = arith.constant 1 : i32
    %add3A_740 = arith.addi %mul3A_738, %add3A_739 : i32
    %get3A_741 = arith.index_cast %add3A_740 : i32 to index
    %get3A_742 = memref.load %arg1[%get3A_741] : memref<64xi32, #tpu.memory_space<smem>>
    %get3A_743 = arith.constant 1 : index
    %get3A_744 = arith.constant 0 : index
    %get3A_745 = arith.constant 0 : index
    %get3A_746 = vector.load %arg3[%get3A_743, %get3A_744, %get3A_745] : memref<4x3x1024xf32, #tpu.memory_space<vmem>>, vector<1x3x1024xf32>
    %get3A_747 = vector.shape_cast %get3A_746 : vector<1x3x1024xf32> to vector<3x1024xf32>
    %slice3A_748 = vector.extract_strided_slice %get3A_747 {offsets = [0, 958], sizes = [3, 66], strides = [1, 1]} : vector<3x1024xf32> to vector<3x66xf32>
    %slice3A_749 = vector.extract_strided_slice %get3A_747 {offsets = [0, 0], sizes = [3, 958], strides = [1, 1]} : vector<3x1024xf32> to vector<3x958xf32>
    %concatenate3A_750 = tpu.concatenate %slice3A_748, %slice3A_749 in 1 : vector<3x66xf32>, vector<3x958xf32> -> vector<3x1024xf32>
    %slice3A_751 = vector.extract_strided_slice %get3A_1 {offsets = [0, 0], sizes = [1, 1024], strides = [1, 1]} : vector<25x1024xf32> to vector<1x1024xf32>
    %squeeze3A_752 = vector.shape_cast %slice3A_751 : vector<1x1024xf32> to vector<1024xf32>
    %broadcast_in_dim3A_753 = vector.shape_cast %squeeze3A_752 : vector<1024xf32> to vector<1x1024xf32>
    %mul3A_754 = vector.broadcast %broadcast_in_dim3A_753 : vector<1x1024xf32> to vector<3x1024xf32>
    %mul3A_755 = arith.mulf %concatenate3A_750, %mul3A_754 : vector<3x1024xf32>
    %slice3A_756 = vector.extract_strided_slice %get3A_747 {offsets = [0, 959], sizes = [3, 65], strides = [1, 1]} : vector<3x1024xf32> to vector<3x65xf32>
    %slice3A_757 = vector.extract_strided_slice %get3A_747 {offsets = [0, 0], sizes = [3, 959], strides = [1, 1]} : vector<3x1024xf32> to vector<3x959xf32>
    %concatenate3A_758 = tpu.concatenate %slice3A_756, %slice3A_757 in 1 : vector<3x65xf32>, vector<3x959xf32> -> vector<3x1024xf32>
    %slice3A_759 = vector.extract_strided_slice %get3A_1 {offsets = [1, 0], sizes = [1, 1024], strides = [1, 1]} : vector<25x1024xf32> to vector<1x1024xf32>
    %squeeze3A_760 = vector.shape_cast %slice3A_759 : vector<1x1024xf32> to vector<1024xf32>
    %broadcast_in_dim3A_761 = vector.shape_cast %squeeze3A_760 : vector<1024xf32> to vector<1x1024xf32>
    %mul3A_762 = vector.broadcast %broadcast_in_dim3A_761 : vector<1x1024xf32> to vector<3x1024xf32>
    %mul3A_763 = arith.mulf %concatenate3A_758, %mul3A_762 : vector<3x1024xf32>
    %slice3A_764 = vector.extract_strided_slice %get3A_747 {offsets = [0, 960], sizes = [3, 64], strides = [1, 1]} : vector<3x1024xf32> to vector<3x64xf32>
    %slice3A_765 = vector.extract_strided_slice %get3A_747 {offsets = [0, 0], sizes = [3, 960], strides = [1, 1]} : vector<3x1024xf32> to vector<3x960xf32>
    %concatenate3A_766 = tpu.concatenate %slice3A_764, %slice3A_765 in 1 : vector<3x64xf32>, vector<3x960xf32> -> vector<3x1024xf32>
    %slice3A_767 = vector.extract_strided_slice %get3A_1 {offsets = [2, 0], sizes = [1, 1024], strides = [1, 1]} : vector<25x1024xf32> to vector<1x1024xf32>
    %squeeze3A_768 = vector.shape_cast %slice3A_767 : vector<1x1024xf32> to vector<1024xf32>
    %broadcast_in_dim3A_769 = vector.shape_cast %squeeze3A_768 : vector<1024xf32> to vector<1x1024xf32>
    %mul3A_770 = vector.broadcast %broadcast_in_dim3A_769 : vector<1x1024xf32> to vector<3x1024xf32>
    %mul3A_771 = arith.mulf %concatenate3A_766, %mul3A_770 : vector<3x1024xf32>
    %slice3A_772 = vector.extract_strided_slice %get3A_747 {offsets = [0, 961], sizes = [3, 63], strides = [1, 1]} : vector<3x1024xf32> to vector<3x63xf32>
    %slice3A_773 = vector.extract_strided_slice %get3A_747 {offsets = [0, 0], sizes = [3, 961], strides = [1, 1]} : vector<3x1024xf32> to vector<3x961xf32>
    %concatenate3A_774 = tpu.concatenate %slice3A_772, %slice3A_773 in 1 : vector<3x63xf32>, vector<3x961xf32> -> vector<3x1024xf32>
    %slice3A_775 = vector.extract_strided_slice %get3A_1 {offsets = [3, 0], sizes = [1, 1024], strides = [1, 1]} : vector<25x1024xf32> to vector<1x1024xf32>
    %squeeze3A_776 = vector.shape_cast %slice3A_775 : vector<1x1024xf32> to vector<1024xf32>
    %broadcast_in_dim3A_777 = vector.shape_cast %squeeze3A_776 : vector<1024xf32> to vector<1x1024xf32>
    %mul3A_778 = vector.broadcast %broadcast_in_dim3A_777 : vector<1x1024xf32> to vector<3x1024xf32>
    %mul3A_779 = arith.mulf %concatenate3A_774, %mul3A_778 : vector<3x1024xf32>
    %slice3A_780 = vector.extract_strided_slice %get3A_747 {offsets = [0, 962], sizes = [3, 62], strides = [1, 1]} : vector<3x1024xf32> to vector<3x62xf32>
    %slice3A_781 = vector.extract_strided_slice %get3A_747 {offsets = [0, 0], sizes = [3, 962], strides = [1, 1]} : vector<3x1024xf32> to vector<3x962xf32>
    %concatenate3A_782 = tpu.concatenate %slice3A_780, %slice3A_781 in 1 : vector<3x62xf32>, vector<3x962xf32> -> vector<3x1024xf32>
    %slice3A_783 = vector.extract_strided_slice %get3A_1 {offsets = [4, 0], sizes = [1, 1024], strides = [1, 1]} : vector<25x1024xf32> to vector<1x1024xf32>
    %squeeze3A_784 = vector.shape_cast %slice3A_783 : vector<1x1024xf32> to vector<1024xf32>
    %broadcast_in_dim3A_785 = vector.shape_cast %squeeze3A_784 : vector<1024xf32> to vector<1x1024xf32>
    %mul3A_786 = vector.broadcast %broadcast_in_dim3A_785 : vector<1x1024xf32> to vector<3x1024xf32>
    %mul3A_787 = arith.mulf %concatenate3A_782, %mul3A_786 : vector<3x1024xf32>
    %slice3A_788 = vector.extract_strided_slice %get3A_747 {offsets = [0, 990], sizes = [3, 34], strides = [1, 1]} : vector<3x1024xf32> to vector<3x34xf32>
    %slice3A_789 = vector.extract_strided_slice %get3A_747 {offsets = [0, 0], sizes = [3, 990], strides = [1, 1]} : vector<3x1024xf32> to vector<3x990xf32>
    %concatenate3A_790 = tpu.concatenate %slice3A_788, %slice3A_789 in 1 : vector<3x34xf32>, vector<3x990xf32> -> vector<3x1024xf32>
    %slice3A_791 = vector.extract_strided_slice %get3A_1 {offsets = [5, 0], sizes = [1, 1024], strides = [1, 1]} : vector<25x1024xf32> to vector<1x1024xf32>
    %squeeze3A_792 = vector.shape_cast %slice3A_791 : vector<1x1024xf32> to vector<1024xf32>
    %broadcast_in_dim3A_793 = vector.shape_cast %squeeze3A_792 : vector<1024xf32> to vector<1x1024xf32>
    %mul3A_794 = vector.broadcast %broadcast_in_dim3A_793 : vector<1x1024xf32> to vector<3x1024xf32>
    %mul3A_795 = arith.mulf %concatenate3A_790, %mul3A_794 : vector<3x1024xf32>
    %slice3A_796 = vector.extract_strided_slice %get3A_747 {offsets = [0, 991], sizes = [3, 33], strides = [1, 1]} : vector<3x1024xf32> to vector<3x33xf32>
    %slice3A_797 = vector.extract_strided_slice %get3A_747 {offsets = [0, 0], sizes = [3, 991], strides = [1, 1]} : vector<3x1024xf32> to vector<3x991xf32>
    %concatenate3A_798 = tpu.concatenate %slice3A_796, %slice3A_797 in 1 : vector<3x33xf32>, vector<3x991xf32> -> vector<3x1024xf32>
    %slice3A_799 = vector.extract_strided_slice %get3A_1 {offsets = [6, 0], sizes = [1, 1024], strides = [1, 1]} : vector<25x1024xf32> to vector<1x1024xf32>
    %squeeze3A_800 = vector.shape_cast %slice3A_799 : vector<1x1024xf32> to vector<1024xf32>
    %broadcast_in_dim3A_801 = vector.shape_cast %squeeze3A_800 : vector<1024xf32> to vector<1x1024xf32>
    %mul3A_802 = vector.broadcast %broadcast_in_dim3A_801 : vector<1x1024xf32> to vector<3x1024xf32>
    %mul3A_803 = arith.mulf %concatenate3A_798, %mul3A_802 : vector<3x1024xf32>
    %slice3A_804 = vector.extract_strided_slice %get3A_747 {offsets = [0, 992], sizes = [3, 32], strides = [1, 1]} : vector<3x1024xf32> to vector<3x32xf32>
    %slice3A_805 = vector.extract_strided_slice %get3A_747 {offsets = [0, 0], sizes = [3, 992], strides = [1, 1]} : vector<3x1024xf32> to vector<3x992xf32>
    %concatenate3A_806 = tpu.concatenate %slice3A_804, %slice3A_805 in 1 : vector<3x32xf32>, vector<3x992xf32> -> vector<3x1024xf32>
    %slice3A_807 = vector.extract_strided_slice %get3A_1 {offsets = [7, 0], sizes = [1, 1024], strides = [1, 1]} : vector<25x1024xf32> to vector<1x1024xf32>
    %squeeze3A_808 = vector.shape_cast %slice3A_807 : vector<1x1024xf32> to vector<1024xf32>
    %broadcast_in_dim3A_809 = vector.shape_cast %squeeze3A_808 : vector<1024xf32> to vector<1x1024xf32>
    %mul3A_810 = vector.broadcast %broadcast_in_dim3A_809 : vector<1x1024xf32> to vector<3x1024xf32>
    %mul3A_811 = arith.mulf %concatenate3A_806, %mul3A_810 : vector<3x1024xf32>
    %slice3A_812 = vector.extract_strided_slice %get3A_747 {offsets = [0, 993], sizes = [3, 31], strides = [1, 1]} : vector<3x1024xf32> to vector<3x31xf32>
    %slice3A_813 = vector.extract_strided_slice %get3A_747 {offsets = [0, 0], sizes = [3, 993], strides = [1, 1]} : vector<3x1024xf32> to vector<3x993xf32>
    %concatenate3A_814 = tpu.concatenate %slice3A_812, %slice3A_813 in 1 : vector<3x31xf32>, vector<3x993xf32> -> vector<3x1024xf32>
    %slice3A_815 = vector.extract_strided_slice %get3A_1 {offsets = [8, 0], sizes = [1, 1024], strides = [1, 1]} : vector<25x1024xf32> to vector<1x1024xf32>
    %squeeze3A_816 = vector.shape_cast %slice3A_815 : vector<1x1024xf32> to vector<1024xf32>
    %broadcast_in_dim3A_817 = vector.shape_cast %squeeze3A_816 : vector<1024xf32> to vector<1x1024xf32>
    %mul3A_818 = vector.broadcast %broadcast_in_dim3A_817 : vector<1x1024xf32> to vector<3x1024xf32>
    %mul3A_819 = arith.mulf %concatenate3A_814, %mul3A_818 : vector<3x1024xf32>
    %slice3A_820 = vector.extract_strided_slice %get3A_747 {offsets = [0, 994], sizes = [3, 30], strides = [1, 1]} : vector<3x1024xf32> to vector<3x30xf32>
    %slice3A_821 = vector.extract_strided_slice %get3A_747 {offsets = [0, 0], sizes = [3, 994], strides = [1, 1]} : vector<3x1024xf32> to vector<3x994xf32>
    %concatenate3A_822 = tpu.concatenate %slice3A_820, %slice3A_821 in 1 : vector<3x30xf32>, vector<3x994xf32> -> vector<3x1024xf32>
    %slice3A_823 = vector.extract_strided_slice %get3A_1 {offsets = [9, 0], sizes = [1, 1024], strides = [1, 1]} : vector<25x1024xf32> to vector<1x1024xf32>
    %squeeze3A_824 = vector.shape_cast %slice3A_823 : vector<1x1024xf32> to vector<1024xf32>
    %broadcast_in_dim3A_825 = vector.shape_cast %squeeze3A_824 : vector<1024xf32> to vector<1x1024xf32>
    %mul3A_826 = vector.broadcast %broadcast_in_dim3A_825 : vector<1x1024xf32> to vector<3x1024xf32>
    %mul3A_827 = arith.mulf %concatenate3A_822, %mul3A_826 : vector<3x1024xf32>
    %slice3A_828 = vector.extract_strided_slice %get3A_747 {offsets = [0, 1022], sizes = [3, 2], strides = [1, 1]} : vector<3x1024xf32> to vector<3x2xf32>
    %slice3A_829 = vector.extract_strided_slice %get3A_747 {offsets = [0, 0], sizes = [3, 1022], strides = [1, 1]} : vector<3x1024xf32> to vector<3x1022xf32>
    %concatenate3A_830 = tpu.concatenate %slice3A_828, %slice3A_829 in 1 : vector<3x2xf32>, vector<3x1022xf32> -> vector<3x1024xf32>
    %slice3A_831 = vector.extract_strided_slice %get3A_1 {offsets = [10, 0], sizes = [1, 1024], strides = [1, 1]} : vector<25x1024xf32> to vector<1x1024xf32>
    %squeeze3A_832 = vector.shape_cast %slice3A_831 : vector<1x1024xf32> to vector<1024xf32>
    %broadcast_in_dim3A_833 = vector.shape_cast %squeeze3A_832 : vector<1024xf32> to vector<1x1024xf32>
    %mul3A_834 = vector.broadcast %broadcast_in_dim3A_833 : vector<1x1024xf32> to vector<3x1024xf32>
    %mul3A_835 = arith.mulf %concatenate3A_830, %mul3A_834 : vector<3x1024xf32>
    %slice3A_836 = vector.extract_strided_slice %get3A_747 {offsets = [0, 1023], sizes = [3, 1], strides = [1, 1]} : vector<3x1024xf32> to vector<3x1xf32>
    %slice3A_837 = vector.extract_strided_slice %get3A_747 {offsets = [0, 0], sizes = [3, 1023], strides = [1, 1]} : vector<3x1024xf32> to vector<3x1023xf32>
    %concatenate3A_838 = tpu.concatenate %slice3A_836, %slice3A_837 in 1 : vector<3x1xf32>, vector<3x1023xf32> -> vector<3x1024xf32>
    %slice3A_839 = vector.extract_strided_slice %get3A_1 {offsets = [11, 0], sizes = [1, 1024], strides = [1, 1]} : vector<25x1024xf32> to vector<1x1024xf32>
    %squeeze3A_840 = vector.shape_cast %slice3A_839 : vector<1x1024xf32> to vector<1024xf32>
    %broadcast_in_dim3A_841 = vector.shape_cast %squeeze3A_840 : vector<1024xf32> to vector<1x1024xf32>
    %mul3A_842 = vector.broadcast %broadcast_in_dim3A_841 : vector<1x1024xf32> to vector<3x1024xf32>
    %mul3A_843 = arith.mulf %concatenate3A_838, %mul3A_842 : vector<3x1024xf32>
    %slice3A_844 = vector.extract_strided_slice %get3A_747 {offsets = [0, 1], sizes = [3, 1023], strides = [1, 1]} : vector<3x1024xf32> to vector<3x1023xf32>
    %slice3A_845 = vector.extract_strided_slice %get3A_747 {offsets = [0, 0], sizes = [3, 1], strides = [1, 1]} : vector<3x1024xf32> to vector<3x1xf32>
    %concatenate3A_846 = tpu.concatenate %slice3A_844, %slice3A_845 in 1 : vector<3x1023xf32>, vector<3x1xf32> -> vector<3x1024xf32>
    %slice3A_847 = vector.extract_strided_slice %get3A_1 {offsets = [13, 0], sizes = [1, 1024], strides = [1, 1]} : vector<25x1024xf32> to vector<1x1024xf32>
    %squeeze3A_848 = vector.shape_cast %slice3A_847 : vector<1x1024xf32> to vector<1024xf32>
    %broadcast_in_dim3A_849 = vector.shape_cast %squeeze3A_848 : vector<1024xf32> to vector<1x1024xf32>
    %mul3A_850 = vector.broadcast %broadcast_in_dim3A_849 : vector<1x1024xf32> to vector<3x1024xf32>
    %mul3A_851 = arith.mulf %concatenate3A_846, %mul3A_850 : vector<3x1024xf32>
    %slice3A_852 = vector.extract_strided_slice %get3A_747 {offsets = [0, 2], sizes = [3, 1022], strides = [1, 1]} : vector<3x1024xf32> to vector<3x1022xf32>
    %slice3A_853 = vector.extract_strided_slice %get3A_747 {offsets = [0, 0], sizes = [3, 2], strides = [1, 1]} : vector<3x1024xf32> to vector<3x2xf32>
    %concatenate3A_854 = tpu.concatenate %slice3A_852, %slice3A_853 in 1 : vector<3x1022xf32>, vector<3x2xf32> -> vector<3x1024xf32>
    %slice3A_855 = vector.extract_strided_slice %get3A_1 {offsets = [14, 0], sizes = [1, 1024], strides = [1, 1]} : vector<25x1024xf32> to vector<1x1024xf32>
    %squeeze3A_856 = vector.shape_cast %slice3A_855 : vector<1x1024xf32> to vector<1024xf32>
    %broadcast_in_dim3A_857 = vector.shape_cast %squeeze3A_856 : vector<1024xf32> to vector<1x1024xf32>
    %mul3A_858 = vector.broadcast %broadcast_in_dim3A_857 : vector<1x1024xf32> to vector<3x1024xf32>
    %mul3A_859 = arith.mulf %concatenate3A_854, %mul3A_858 : vector<3x1024xf32>
    %slice3A_860 = vector.extract_strided_slice %get3A_747 {offsets = [0, 30], sizes = [3, 994], strides = [1, 1]} : vector<3x1024xf32> to vector<3x994xf32>
    %slice3A_861 = vector.extract_strided_slice %get3A_747 {offsets = [0, 0], sizes = [3, 30], strides = [1, 1]} : vector<3x1024xf32> to vector<3x30xf32>
    %concatenate3A_862 = tpu.concatenate %slice3A_860, %slice3A_861 in 1 : vector<3x994xf32>, vector<3x30xf32> -> vector<3x1024xf32>
    %slice3A_863 = vector.extract_strided_slice %get3A_1 {offsets = [15, 0], sizes = [1, 1024], strides = [1, 1]} : vector<25x1024xf32> to vector<1x1024xf32>
    %squeeze3A_864 = vector.shape_cast %slice3A_863 : vector<1x1024xf32> to vector<1024xf32>
    %broadcast_in_dim3A_865 = vector.shape_cast %squeeze3A_864 : vector<1024xf32> to vector<1x1024xf32>
    %mul3A_866 = vector.broadcast %broadcast_in_dim3A_865 : vector<1x1024xf32> to vector<3x1024xf32>
    %mul3A_867 = arith.mulf %concatenate3A_862, %mul3A_866 : vector<3x1024xf32>
    %slice3A_868 = vector.extract_strided_slice %get3A_747 {offsets = [0, 31], sizes = [3, 993], strides = [1, 1]} : vector<3x1024xf32> to vector<3x993xf32>
    %slice3A_869 = vector.extract_strided_slice %get3A_747 {offsets = [0, 0], sizes = [3, 31], strides = [1, 1]} : vector<3x1024xf32> to vector<3x31xf32>
    %concatenate3A_870 = tpu.concatenate %slice3A_868, %slice3A_869 in 1 : vector<3x993xf32>, vector<3x31xf32> -> vector<3x1024xf32>
    %slice3A_871 = vector.extract_strided_slice %get3A_1 {offsets = [16, 0], sizes = [1, 1024], strides = [1, 1]} : vector<25x1024xf32> to vector<1x1024xf32>
    %squeeze3A_872 = vector.shape_cast %slice3A_871 : vector<1x1024xf32> to vector<1024xf32>
    %broadcast_in_dim3A_873 = vector.shape_cast %squeeze3A_872 : vector<1024xf32> to vector<1x1024xf32>
    %mul3A_874 = vector.broadcast %broadcast_in_dim3A_873 : vector<1x1024xf32> to vector<3x1024xf32>
    %mul3A_875 = arith.mulf %concatenate3A_870, %mul3A_874 : vector<3x1024xf32>
    %slice3A_876 = vector.extract_strided_slice %get3A_747 {offsets = [0, 32], sizes = [3, 992], strides = [1, 1]} : vector<3x1024xf32> to vector<3x992xf32>
    %slice3A_877 = vector.extract_strided_slice %get3A_747 {offsets = [0, 0], sizes = [3, 32], strides = [1, 1]} : vector<3x1024xf32> to vector<3x32xf32>
    %concatenate3A_878 = tpu.concatenate %slice3A_876, %slice3A_877 in 1 : vector<3x992xf32>, vector<3x32xf32> -> vector<3x1024xf32>
    %slice3A_879 = vector.extract_strided_slice %get3A_1 {offsets = [17, 0], sizes = [1, 1024], strides = [1, 1]} : vector<25x1024xf32> to vector<1x1024xf32>
    %squeeze3A_880 = vector.shape_cast %slice3A_879 : vector<1x1024xf32> to vector<1024xf32>
    %broadcast_in_dim3A_881 = vector.shape_cast %squeeze3A_880 : vector<1024xf32> to vector<1x1024xf32>
    %mul3A_882 = vector.broadcast %broadcast_in_dim3A_881 : vector<1x1024xf32> to vector<3x1024xf32>
    %mul3A_883 = arith.mulf %concatenate3A_878, %mul3A_882 : vector<3x1024xf32>
    %slice3A_884 = vector.extract_strided_slice %get3A_747 {offsets = [0, 33], sizes = [3, 991], strides = [1, 1]} : vector<3x1024xf32> to vector<3x991xf32>
    %slice3A_885 = vector.extract_strided_slice %get3A_747 {offsets = [0, 0], sizes = [3, 33], strides = [1, 1]} : vector<3x1024xf32> to vector<3x33xf32>
    %concatenate3A_886 = tpu.concatenate %slice3A_884, %slice3A_885 in 1 : vector<3x991xf32>, vector<3x33xf32> -> vector<3x1024xf32>
    %slice3A_887 = vector.extract_strided_slice %get3A_1 {offsets = [18, 0], sizes = [1, 1024], strides = [1, 1]} : vector<25x1024xf32> to vector<1x1024xf32>
    %squeeze3A_888 = vector.shape_cast %slice3A_887 : vector<1x1024xf32> to vector<1024xf32>
    %broadcast_in_dim3A_889 = vector.shape_cast %squeeze3A_888 : vector<1024xf32> to vector<1x1024xf32>
    %mul3A_890 = vector.broadcast %broadcast_in_dim3A_889 : vector<1x1024xf32> to vector<3x1024xf32>
    %mul3A_891 = arith.mulf %concatenate3A_886, %mul3A_890 : vector<3x1024xf32>
    %slice3A_892 = vector.extract_strided_slice %get3A_747 {offsets = [0, 34], sizes = [3, 990], strides = [1, 1]} : vector<3x1024xf32> to vector<3x990xf32>
    %slice3A_893 = vector.extract_strided_slice %get3A_747 {offsets = [0, 0], sizes = [3, 34], strides = [1, 1]} : vector<3x1024xf32> to vector<3x34xf32>
    %concatenate3A_894 = tpu.concatenate %slice3A_892, %slice3A_893 in 1 : vector<3x990xf32>, vector<3x34xf32> -> vector<3x1024xf32>
    %slice3A_895 = vector.extract_strided_slice %get3A_1 {offsets = [19, 0], sizes = [1, 1024], strides = [1, 1]} : vector<25x1024xf32> to vector<1x1024xf32>
    %squeeze3A_896 = vector.shape_cast %slice3A_895 : vector<1x1024xf32> to vector<1024xf32>
    %broadcast_in_dim3A_897 = vector.shape_cast %squeeze3A_896 : vector<1024xf32> to vector<1x1024xf32>
    %mul3A_898 = vector.broadcast %broadcast_in_dim3A_897 : vector<1x1024xf32> to vector<3x1024xf32>
    %mul3A_899 = arith.mulf %concatenate3A_894, %mul3A_898 : vector<3x1024xf32>
    %slice3A_900 = vector.extract_strided_slice %get3A_747 {offsets = [0, 62], sizes = [3, 962], strides = [1, 1]} : vector<3x1024xf32> to vector<3x962xf32>
    %slice3A_901 = vector.extract_strided_slice %get3A_747 {offsets = [0, 0], sizes = [3, 62], strides = [1, 1]} : vector<3x1024xf32> to vector<3x62xf32>
    %concatenate3A_902 = tpu.concatenate %slice3A_900, %slice3A_901 in 1 : vector<3x962xf32>, vector<3x62xf32> -> vector<3x1024xf32>
    %slice3A_903 = vector.extract_strided_slice %get3A_1 {offsets = [20, 0], sizes = [1, 1024], strides = [1, 1]} : vector<25x1024xf32> to vector<1x1024xf32>
    %squeeze3A_904 = vector.shape_cast %slice3A_903 : vector<1x1024xf32> to vector<1024xf32>
    %broadcast_in_dim3A_905 = vector.shape_cast %squeeze3A_904 : vector<1024xf32> to vector<1x1024xf32>
    %mul3A_906 = vector.broadcast %broadcast_in_dim3A_905 : vector<1x1024xf32> to vector<3x1024xf32>
    %mul3A_907 = arith.mulf %concatenate3A_902, %mul3A_906 : vector<3x1024xf32>
    %slice3A_908 = vector.extract_strided_slice %get3A_747 {offsets = [0, 63], sizes = [3, 961], strides = [1, 1]} : vector<3x1024xf32> to vector<3x961xf32>
    %slice3A_909 = vector.extract_strided_slice %get3A_747 {offsets = [0, 0], sizes = [3, 63], strides = [1, 1]} : vector<3x1024xf32> to vector<3x63xf32>
    %concatenate3A_910 = tpu.concatenate %slice3A_908, %slice3A_909 in 1 : vector<3x961xf32>, vector<3x63xf32> -> vector<3x1024xf32>
    %slice3A_911 = vector.extract_strided_slice %get3A_1 {offsets = [21, 0], sizes = [1, 1024], strides = [1, 1]} : vector<25x1024xf32> to vector<1x1024xf32>
    %squeeze3A_912 = vector.shape_cast %slice3A_911 : vector<1x1024xf32> to vector<1024xf32>
    %broadcast_in_dim3A_913 = vector.shape_cast %squeeze3A_912 : vector<1024xf32> to vector<1x1024xf32>
    %mul3A_914 = vector.broadcast %broadcast_in_dim3A_913 : vector<1x1024xf32> to vector<3x1024xf32>
    %mul3A_915 = arith.mulf %concatenate3A_910, %mul3A_914 : vector<3x1024xf32>
    %slice3A_916 = vector.extract_strided_slice %get3A_747 {offsets = [0, 64], sizes = [3, 960], strides = [1, 1]} : vector<3x1024xf32> to vector<3x960xf32>
    %slice3A_917 = vector.extract_strided_slice %get3A_747 {offsets = [0, 0], sizes = [3, 64], strides = [1, 1]} : vector<3x1024xf32> to vector<3x64xf32>
    %concatenate3A_918 = tpu.concatenate %slice3A_916, %slice3A_917 in 1 : vector<3x960xf32>, vector<3x64xf32> -> vector<3x1024xf32>
    %slice3A_919 = vector.extract_strided_slice %get3A_1 {offsets = [22, 0], sizes = [1, 1024], strides = [1, 1]} : vector<25x1024xf32> to vector<1x1024xf32>
    %squeeze3A_920 = vector.shape_cast %slice3A_919 : vector<1x1024xf32> to vector<1024xf32>
    %broadcast_in_dim3A_921 = vector.shape_cast %squeeze3A_920 : vector<1024xf32> to vector<1x1024xf32>
    %mul3A_922 = vector.broadcast %broadcast_in_dim3A_921 : vector<1x1024xf32> to vector<3x1024xf32>
    %mul3A_923 = arith.mulf %concatenate3A_918, %mul3A_922 : vector<3x1024xf32>
    %slice3A_924 = vector.extract_strided_slice %get3A_747 {offsets = [0, 65], sizes = [3, 959], strides = [1, 1]} : vector<3x1024xf32> to vector<3x959xf32>
    %slice3A_925 = vector.extract_strided_slice %get3A_747 {offsets = [0, 0], sizes = [3, 65], strides = [1, 1]} : vector<3x1024xf32> to vector<3x65xf32>
    %concatenate3A_926 = tpu.concatenate %slice3A_924, %slice3A_925 in 1 : vector<3x959xf32>, vector<3x65xf32> -> vector<3x1024xf32>
    %slice3A_927 = vector.extract_strided_slice %get3A_1 {offsets = [23, 0], sizes = [1, 1024], strides = [1, 1]} : vector<25x1024xf32> to vector<1x1024xf32>
    %squeeze3A_928 = vector.shape_cast %slice3A_927 : vector<1x1024xf32> to vector<1024xf32>
    %broadcast_in_dim3A_929 = vector.shape_cast %squeeze3A_928 : vector<1024xf32> to vector<1x1024xf32>
    %mul3A_930 = vector.broadcast %broadcast_in_dim3A_929 : vector<1x1024xf32> to vector<3x1024xf32>
    %mul3A_931 = arith.mulf %concatenate3A_926, %mul3A_930 : vector<3x1024xf32>
    %slice3A_932 = vector.extract_strided_slice %get3A_747 {offsets = [0, 66], sizes = [3, 958], strides = [1, 1]} : vector<3x1024xf32> to vector<3x958xf32>
    %slice3A_933 = vector.extract_strided_slice %get3A_747 {offsets = [0, 0], sizes = [3, 66], strides = [1, 1]} : vector<3x1024xf32> to vector<3x66xf32>
    %concatenate3A_934 = tpu.concatenate %slice3A_932, %slice3A_933 in 1 : vector<3x958xf32>, vector<3x66xf32> -> vector<3x1024xf32>
    %slice3A_935 = vector.extract_strided_slice %get3A_1 {offsets = [24, 0], sizes = [1, 1024], strides = [1, 1]} : vector<25x1024xf32> to vector<1x1024xf32>
    %squeeze3A_936 = vector.shape_cast %slice3A_935 : vector<1x1024xf32> to vector<1024xf32>
    %broadcast_in_dim3A_937 = vector.shape_cast %squeeze3A_936 : vector<1024xf32> to vector<1x1024xf32>
    %mul3A_938 = vector.broadcast %broadcast_in_dim3A_937 : vector<1x1024xf32> to vector<3x1024xf32>
    %mul3A_939 = arith.mulf %concatenate3A_934, %mul3A_938 : vector<3x1024xf32>
    %concatenate3A_940 = tpu.concatenate %mul3A_755, %mul3A_763, %mul3A_771, %mul3A_779, %mul3A_787, %mul3A_795, %mul3A_803, %mul3A_811, %mul3A_819, %mul3A_827, %mul3A_835, %mul3A_843, %get3A_747, %mul3A_851, %mul3A_859, %mul3A_867, %mul3A_875, %mul3A_883, %mul3A_891, %mul3A_899, %mul3A_907, %mul3A_915, %mul3A_923, %mul3A_931, %mul3A_939 in 0 : vector<3x1024xf32>, vector<3x1024xf32>, vector<3x1024xf32>, vector<3x1024xf32>, vector<3x1024xf32>, vector<3x1024xf32>, vector<3x1024xf32>, vector<3x1024xf32>, vector<3x1024xf32>, vector<3x1024xf32>, vector<3x1024xf32>, vector<3x1024xf32>, vector<3x1024xf32>, vector<3x1024xf32>, vector<3x1024xf32>, vector<3x1024xf32>, vector<3x1024xf32>, vector<3x1024xf32>, vector<3x1024xf32>, vector<3x1024xf32>, vector<3x1024xf32>, vector<3x1024xf32>, vector<3x1024xf32>, vector<3x1024xf32>, vector<3x1024xf32> -> vector<75x1024xf32>
    %get3A_941 = arith.index_cast %get3A_742 : i32 to index
    %get3A_942 = arith.constant 0 : index
    %get3A_943 = arith.constant 0 : index
    %get3A_944 = vector.load %arg6[%get3A_941, %get3A_942, %get3A_943] : memref<3x56x75xf32, #tpu.memory_space<vmem>>, vector<1x56x75xf32>
    %get3A_945 = vector.shape_cast %get3A_944 : vector<1x56x75xf32> to vector<56x75xf32>
    %dot_general3A_946 = arith.constant dense<0.000000e+00> : vector<56x1024xf32>
    %dot_general3A_947 = tpu.matmul %get3A_945, %concatenate3A_940, %dot_general3A_946 {dimension_numbers = #tpu.dot_dimension_numbers<[1], [0], [0], [1], [0, 0, 1, 1], [], []>, transpose_lhs_hint = false} : vector<56x75xf32>, vector<75x1024xf32>, vector<56x1024xf32> -> vector<56x1024xf32>
    %get3A_948 = arith.index_cast %get3A_742 : i32 to index
    %get3A_949 = arith.constant 0 : index
    %get3A_950 = arith.constant 0 : index
    %get3A_951 = vector.load %arg7[%get3A_948, %get3A_949, %get3A_950] : memref<3x56x1xf32, #tpu.memory_space<vmem>>, vector<1x56x1xf32>
    %get3A_952 = vector.shape_cast %get3A_951 : vector<1x56x1xf32> to vector<56x1xf32>
    %get3A_953 = arith.index_cast %get3A_742 : i32 to index
    %get3A_954 = arith.constant 0 : index
    %get3A_955 = arith.constant 0 : index
    %get3A_956 = vector.load %arg8[%get3A_953, %get3A_954, %get3A_955] : memref<3x56x1xf32, #tpu.memory_space<vmem>>, vector<1x56x1xf32>
    %get3A_957 = vector.shape_cast %get3A_956 : vector<1x56x1xf32> to vector<56x1xf32>
    %add3A_958 = vector.broadcast %get3A_952 : vector<56x1xf32> to vector<56x1024xf32>
    %add3A_959 = arith.addf %dot_general3A_947, %add3A_958 : vector<56x1024xf32>
    %ge3A_960 = arith.constant 0.000000e+00 : f32
    %ge3A_961 = vector.broadcast %ge3A_960 : f32 to vector<56x1024xf32>
    %ge3A_962 = arith.cmpf oge, %add3A_959, %ge3A_961 : vector<56x1024xf32>
    %mul3A_963 = vector.broadcast %get3A_957 : vector<56x1xf32> to vector<56x1024xf32>
    %mul3A_964 = arith.mulf %mul3A_963, %add3A_959 : vector<56x1024xf32>
    %select_n3A_965 = arith.select %ge3A_962, %add3A_959, %mul3A_964 : vector<56x1024xi1>, vector<56x1024xf32>
    %get3A_966 = arith.index_cast %get3A_742 : i32 to index
    %get3A_967 = arith.constant 0 : index
    %get3A_968 = arith.constant 0 : index
    %get3A_969 = vector.load %arg9[%get3A_966, %get3A_967, %get3A_968] : memref<3x12x56xf32, #tpu.memory_space<vmem>>, vector<1x12x56xf32>
    %get3A_970 = vector.shape_cast %get3A_969 : vector<1x12x56xf32> to vector<12x56xf32>
    %dot_general3A_971 = arith.constant dense<0.000000e+00> : vector<12x1024xf32>
    %dot_general3A_972 = tpu.matmul %get3A_970, %select_n3A_965, %dot_general3A_971 {dimension_numbers = #tpu.dot_dimension_numbers<[1], [0], [0], [1], [0, 0, 1, 1], [], []>, transpose_lhs_hint = false} : vector<12x56xf32>, vector<56x1024xf32>, vector<12x1024xf32> -> vector<12x1024xf32>
    %get3A_973 = arith.index_cast %get3A_742 : i32 to index
    %get3A_974 = arith.constant 0 : index
    %get3A_975 = arith.constant 0 : index
    %get3A_976 = vector.load %arg10[%get3A_973, %get3A_974, %get3A_975] : memref<3x12x1xf32, #tpu.memory_space<vmem>>, vector<1x12x1xf32>
    %get3A_977 = vector.shape_cast %get3A_976 : vector<1x12x1xf32> to vector<12x1xf32>
    %get3A_978 = arith.index_cast %get3A_742 : i32 to index
    %get3A_979 = arith.constant 0 : index
    %get3A_980 = arith.constant 0 : index
    %get3A_981 = vector.load %arg11[%get3A_978, %get3A_979, %get3A_980] : memref<3x12x1xf32, #tpu.memory_space<vmem>>, vector<1x12x1xf32>
    %get3A_982 = vector.shape_cast %get3A_981 : vector<1x12x1xf32> to vector<12x1xf32>
    %add3A_983 = vector.broadcast %get3A_977 : vector<12x1xf32> to vector<12x1024xf32>
    %add3A_984 = arith.addf %dot_general3A_972, %add3A_983 : vector<12x1024xf32>
    %ge3A_985 = arith.constant 0.000000e+00 : f32
    %ge3A_986 = vector.broadcast %ge3A_985 : f32 to vector<12x1024xf32>
    %ge3A_987 = arith.cmpf oge, %add3A_984, %ge3A_986 : vector<12x1024xf32>
    %mul3A_988 = vector.broadcast %get3A_982 : vector<12x1xf32> to vector<12x1024xf32>
    %mul3A_989 = arith.mulf %mul3A_988, %add3A_984 : vector<12x1024xf32>
    %select_n3A_990 = arith.select %ge3A_987, %add3A_984, %mul3A_989 : vector<12x1024xi1>, vector<12x1024xf32>
    %slice3A_991 = vector.extract_strided_slice %select_n3A_990 {offsets = [0, 991], sizes = [12, 33], strides = [1, 1]} : vector<12x1024xf32> to vector<12x33xf32>
    %slice3A_992 = vector.extract_strided_slice %select_n3A_990 {offsets = [0, 0], sizes = [12, 991], strides = [1, 1]} : vector<12x1024xf32> to vector<12x991xf32>
    %concatenate3A_993 = tpu.concatenate %slice3A_991, %slice3A_992 in 1 : vector<12x33xf32>, vector<12x991xf32> -> vector<12x1024xf32>
    %slice3A_994 = vector.extract_strided_slice %get3A_4 {offsets = [0, 0], sizes = [1, 1024], strides = [1, 1]} : vector<9x1024xf32> to vector<1x1024xf32>
    %squeeze3A_995 = vector.shape_cast %slice3A_994 : vector<1x1024xf32> to vector<1024xf32>
    %broadcast_in_dim3A_996 = vector.shape_cast %squeeze3A_995 : vector<1024xf32> to vector<1x1024xf32>
    %mul3A_997 = vector.broadcast %broadcast_in_dim3A_996 : vector<1x1024xf32> to vector<12x1024xf32>
    %mul3A_998 = arith.mulf %concatenate3A_993, %mul3A_997 : vector<12x1024xf32>
    %slice3A_999 = vector.extract_strided_slice %select_n3A_990 {offsets = [0, 992], sizes = [12, 32], strides = [1, 1]} : vector<12x1024xf32> to vector<12x32xf32>
    %slice3A_1000 = vector.extract_strided_slice %select_n3A_990 {offsets = [0, 0], sizes = [12, 992], strides = [1, 1]} : vector<12x1024xf32> to vector<12x992xf32>
    %concatenate3A_1001 = tpu.concatenate %slice3A_999, %slice3A_1000 in 1 : vector<12x32xf32>, vector<12x992xf32> -> vector<12x1024xf32>
    %slice3A_1002 = vector.extract_strided_slice %get3A_4 {offsets = [1, 0], sizes = [1, 1024], strides = [1, 1]} : vector<9x1024xf32> to vector<1x1024xf32>
    %squeeze3A_1003 = vector.shape_cast %slice3A_1002 : vector<1x1024xf32> to vector<1024xf32>
    %broadcast_in_dim3A_1004 = vector.shape_cast %squeeze3A_1003 : vector<1024xf32> to vector<1x1024xf32>
    %mul3A_1005 = vector.broadcast %broadcast_in_dim3A_1004 : vector<1x1024xf32> to vector<12x1024xf32>
    %mul3A_1006 = arith.mulf %concatenate3A_1001, %mul3A_1005 : vector<12x1024xf32>
    %slice3A_1007 = vector.extract_strided_slice %select_n3A_990 {offsets = [0, 993], sizes = [12, 31], strides = [1, 1]} : vector<12x1024xf32> to vector<12x31xf32>
    %slice3A_1008 = vector.extract_strided_slice %select_n3A_990 {offsets = [0, 0], sizes = [12, 993], strides = [1, 1]} : vector<12x1024xf32> to vector<12x993xf32>
    %concatenate3A_1009 = tpu.concatenate %slice3A_1007, %slice3A_1008 in 1 : vector<12x31xf32>, vector<12x993xf32> -> vector<12x1024xf32>
    %slice3A_1010 = vector.extract_strided_slice %get3A_4 {offsets = [2, 0], sizes = [1, 1024], strides = [1, 1]} : vector<9x1024xf32> to vector<1x1024xf32>
    %squeeze3A_1011 = vector.shape_cast %slice3A_1010 : vector<1x1024xf32> to vector<1024xf32>
    %broadcast_in_dim3A_1012 = vector.shape_cast %squeeze3A_1011 : vector<1024xf32> to vector<1x1024xf32>
    %mul3A_1013 = vector.broadcast %broadcast_in_dim3A_1012 : vector<1x1024xf32> to vector<12x1024xf32>
    %mul3A_1014 = arith.mulf %concatenate3A_1009, %mul3A_1013 : vector<12x1024xf32>
    %slice3A_1015 = vector.extract_strided_slice %select_n3A_990 {offsets = [0, 1023], sizes = [12, 1], strides = [1, 1]} : vector<12x1024xf32> to vector<12x1xf32>
    %slice3A_1016 = vector.extract_strided_slice %select_n3A_990 {offsets = [0, 0], sizes = [12, 1023], strides = [1, 1]} : vector<12x1024xf32> to vector<12x1023xf32>
    %concatenate3A_1017 = tpu.concatenate %slice3A_1015, %slice3A_1016 in 1 : vector<12x1xf32>, vector<12x1023xf32> -> vector<12x1024xf32>
    %slice3A_1018 = vector.extract_strided_slice %get3A_4 {offsets = [3, 0], sizes = [1, 1024], strides = [1, 1]} : vector<9x1024xf32> to vector<1x1024xf32>
    %squeeze3A_1019 = vector.shape_cast %slice3A_1018 : vector<1x1024xf32> to vector<1024xf32>
    %broadcast_in_dim3A_1020 = vector.shape_cast %squeeze3A_1019 : vector<1024xf32> to vector<1x1024xf32>
    %mul3A_1021 = vector.broadcast %broadcast_in_dim3A_1020 : vector<1x1024xf32> to vector<12x1024xf32>
    %mul3A_1022 = arith.mulf %concatenate3A_1017, %mul3A_1021 : vector<12x1024xf32>
    %slice3A_1023 = vector.extract_strided_slice %select_n3A_990 {offsets = [0, 1], sizes = [12, 1023], strides = [1, 1]} : vector<12x1024xf32> to vector<12x1023xf32>
    %slice3A_1024 = vector.extract_strided_slice %select_n3A_990 {offsets = [0, 0], sizes = [12, 1], strides = [1, 1]} : vector<12x1024xf32> to vector<12x1xf32>
    %concatenate3A_1025 = tpu.concatenate %slice3A_1023, %slice3A_1024 in 1 : vector<12x1023xf32>, vector<12x1xf32> -> vector<12x1024xf32>
    %slice3A_1026 = vector.extract_strided_slice %get3A_4 {offsets = [5, 0], sizes = [1, 1024], strides = [1, 1]} : vector<9x1024xf32> to vector<1x1024xf32>
    %squeeze3A_1027 = vector.shape_cast %slice3A_1026 : vector<1x1024xf32> to vector<1024xf32>
    %broadcast_in_dim3A_1028 = vector.shape_cast %squeeze3A_1027 : vector<1024xf32> to vector<1x1024xf32>
    %mul3A_1029 = vector.broadcast %broadcast_in_dim3A_1028 : vector<1x1024xf32> to vector<12x1024xf32>
    %mul3A_1030 = arith.mulf %concatenate3A_1025, %mul3A_1029 : vector<12x1024xf32>
    %slice3A_1031 = vector.extract_strided_slice %select_n3A_990 {offsets = [0, 31], sizes = [12, 993], strides = [1, 1]} : vector<12x1024xf32> to vector<12x993xf32>
    %slice3A_1032 = vector.extract_strided_slice %select_n3A_990 {offsets = [0, 0], sizes = [12, 31], strides = [1, 1]} : vector<12x1024xf32> to vector<12x31xf32>
    %concatenate3A_1033 = tpu.concatenate %slice3A_1031, %slice3A_1032 in 1 : vector<12x993xf32>, vector<12x31xf32> -> vector<12x1024xf32>
    %slice3A_1034 = vector.extract_strided_slice %get3A_4 {offsets = [6, 0], sizes = [1, 1024], strides = [1, 1]} : vector<9x1024xf32> to vector<1x1024xf32>
    %squeeze3A_1035 = vector.shape_cast %slice3A_1034 : vector<1x1024xf32> to vector<1024xf32>
    %broadcast_in_dim3A_1036 = vector.shape_cast %squeeze3A_1035 : vector<1024xf32> to vector<1x1024xf32>
    %mul3A_1037 = vector.broadcast %broadcast_in_dim3A_1036 : vector<1x1024xf32> to vector<12x1024xf32>
    %mul3A_1038 = arith.mulf %concatenate3A_1033, %mul3A_1037 : vector<12x1024xf32>
    %slice3A_1039 = vector.extract_strided_slice %select_n3A_990 {offsets = [0, 32], sizes = [12, 992], strides = [1, 1]} : vector<12x1024xf32> to vector<12x992xf32>
    %slice3A_1040 = vector.extract_strided_slice %select_n3A_990 {offsets = [0, 0], sizes = [12, 32], strides = [1, 1]} : vector<12x1024xf32> to vector<12x32xf32>
    %concatenate3A_1041 = tpu.concatenate %slice3A_1039, %slice3A_1040 in 1 : vector<12x992xf32>, vector<12x32xf32> -> vector<12x1024xf32>
    %slice3A_1042 = vector.extract_strided_slice %get3A_4 {offsets = [7, 0], sizes = [1, 1024], strides = [1, 1]} : vector<9x1024xf32> to vector<1x1024xf32>
    %squeeze3A_1043 = vector.shape_cast %slice3A_1042 : vector<1x1024xf32> to vector<1024xf32>
    %broadcast_in_dim3A_1044 = vector.shape_cast %squeeze3A_1043 : vector<1024xf32> to vector<1x1024xf32>
    %mul3A_1045 = vector.broadcast %broadcast_in_dim3A_1044 : vector<1x1024xf32> to vector<12x1024xf32>
    %mul3A_1046 = arith.mulf %concatenate3A_1041, %mul3A_1045 : vector<12x1024xf32>
    %slice3A_1047 = vector.extract_strided_slice %select_n3A_990 {offsets = [0, 33], sizes = [12, 991], strides = [1, 1]} : vector<12x1024xf32> to vector<12x991xf32>
    %slice3A_1048 = vector.extract_strided_slice %select_n3A_990 {offsets = [0, 0], sizes = [12, 33], strides = [1, 1]} : vector<12x1024xf32> to vector<12x33xf32>
    %concatenate3A_1049 = tpu.concatenate %slice3A_1047, %slice3A_1048 in 1 : vector<12x991xf32>, vector<12x33xf32> -> vector<12x1024xf32>
    %slice3A_1050 = vector.extract_strided_slice %get3A_4 {offsets = [8, 0], sizes = [1, 1024], strides = [1, 1]} : vector<9x1024xf32> to vector<1x1024xf32>
    %squeeze3A_1051 = vector.shape_cast %slice3A_1050 : vector<1x1024xf32> to vector<1024xf32>
    %broadcast_in_dim3A_1052 = vector.shape_cast %squeeze3A_1051 : vector<1024xf32> to vector<1x1024xf32>
    %mul3A_1053 = vector.broadcast %broadcast_in_dim3A_1052 : vector<1x1024xf32> to vector<12x1024xf32>
    %mul3A_1054 = arith.mulf %concatenate3A_1049, %mul3A_1053 : vector<12x1024xf32>
    %concatenate3A_1055 = tpu.concatenate %mul3A_998, %mul3A_1006, %mul3A_1014, %mul3A_1022, %select_n3A_990, %mul3A_1030, %mul3A_1038, %mul3A_1046, %mul3A_1054 in 0 : vector<12x1024xf32>, vector<12x1024xf32>, vector<12x1024xf32>, vector<12x1024xf32>, vector<12x1024xf32>, vector<12x1024xf32>, vector<12x1024xf32>, vector<12x1024xf32>, vector<12x1024xf32> -> vector<108x1024xf32>
    %get3A_1056 = arith.index_cast %get3A_742 : i32 to index
    %get3A_1057 = arith.constant 0 : index
    %get3A_1058 = arith.constant 0 : index
    %get3A_1059 = arith.constant 0 : index
    %get3A_1060 = vector.load %arg12[%get3A_1056, %get3A_1057, %get3A_1058, %get3A_1059] : memref<3x4x12x108xf32, #tpu.memory_space<vmem>>, vector<1x1x12x108xf32>
    %get3A_1061 = vector.shape_cast %get3A_1060 : vector<1x1x12x108xf32> to vector<12x108xf32>
    %dot_general3A_1062 = arith.constant dense<0.000000e+00> : vector<12x1024xf32>
    %dot_general3A_1063 = tpu.matmul %get3A_1061, %concatenate3A_1055, %dot_general3A_1062 {dimension_numbers = #tpu.dot_dimension_numbers<[1], [0], [0], [1], [0, 0, 1, 1], [], []>, transpose_lhs_hint = false} : vector<12x108xf32>, vector<108x1024xf32>, vector<12x1024xf32> -> vector<12x1024xf32>
    %get3A_1064 = arith.index_cast %get3A_742 : i32 to index
    %get3A_1065 = arith.constant 0 : index
    %get3A_1066 = arith.constant 0 : index
    %get3A_1067 = arith.constant 0 : index
    %get3A_1068 = vector.load %arg13[%get3A_1064, %get3A_1065, %get3A_1066, %get3A_1067] : memref<3x4x12x1xf32, #tpu.memory_space<vmem>>, vector<1x1x12x1xf32>
    %get3A_1069 = vector.shape_cast %get3A_1068 : vector<1x1x12x1xf32> to vector<12x1xf32>
    %get3A_1070 = arith.index_cast %get3A_742 : i32 to index
    %get3A_1071 = arith.constant 0 : index
    %get3A_1072 = arith.constant 0 : index
    %get3A_1073 = arith.constant 0 : index
    %get3A_1074 = vector.load %arg14[%get3A_1070, %get3A_1071, %get3A_1072, %get3A_1073] : memref<3x4x12x1xf32, #tpu.memory_space<vmem>>, vector<1x1x12x1xf32>
    %get3A_1075 = vector.shape_cast %get3A_1074 : vector<1x1x12x1xf32> to vector<12x1xf32>
    %add3A_1076 = vector.broadcast %get3A_1069 : vector<12x1xf32> to vector<12x1024xf32>
    %add3A_1077 = arith.addf %dot_general3A_1063, %add3A_1076 : vector<12x1024xf32>
    %ge3A_1078 = arith.constant 0.000000e+00 : f32
    %ge3A_1079 = vector.broadcast %ge3A_1078 : f32 to vector<12x1024xf32>
    %ge3A_1080 = arith.cmpf oge, %add3A_1077, %ge3A_1079 : vector<12x1024xf32>
    %mul3A_1081 = vector.broadcast %get3A_1075 : vector<12x1xf32> to vector<12x1024xf32>
    %mul3A_1082 = arith.mulf %mul3A_1081, %add3A_1077 : vector<12x1024xf32>
    %select_n3A_1083 = arith.select %ge3A_1080, %add3A_1077, %mul3A_1082 : vector<12x1024xi1>, vector<12x1024xf32>
    %slice3A_1084 = vector.extract_strided_slice %select_n3A_1083 {offsets = [0, 991], sizes = [12, 33], strides = [1, 1]} : vector<12x1024xf32> to vector<12x33xf32>
    %slice3A_1085 = vector.extract_strided_slice %select_n3A_1083 {offsets = [0, 0], sizes = [12, 991], strides = [1, 1]} : vector<12x1024xf32> to vector<12x991xf32>
    %concatenate3A_1086 = tpu.concatenate %slice3A_1084, %slice3A_1085 in 1 : vector<12x33xf32>, vector<12x991xf32> -> vector<12x1024xf32>
    %slice3A_1087 = vector.extract_strided_slice %get3A_4 {offsets = [0, 0], sizes = [1, 1024], strides = [1, 1]} : vector<9x1024xf32> to vector<1x1024xf32>
    %squeeze3A_1088 = vector.shape_cast %slice3A_1087 : vector<1x1024xf32> to vector<1024xf32>
    %broadcast_in_dim3A_1089 = vector.shape_cast %squeeze3A_1088 : vector<1024xf32> to vector<1x1024xf32>
    %mul3A_1090 = vector.broadcast %broadcast_in_dim3A_1089 : vector<1x1024xf32> to vector<12x1024xf32>
    %mul3A_1091 = arith.mulf %concatenate3A_1086, %mul3A_1090 : vector<12x1024xf32>
    %slice3A_1092 = vector.extract_strided_slice %select_n3A_1083 {offsets = [0, 992], sizes = [12, 32], strides = [1, 1]} : vector<12x1024xf32> to vector<12x32xf32>
    %slice3A_1093 = vector.extract_strided_slice %select_n3A_1083 {offsets = [0, 0], sizes = [12, 992], strides = [1, 1]} : vector<12x1024xf32> to vector<12x992xf32>
    %concatenate3A_1094 = tpu.concatenate %slice3A_1092, %slice3A_1093 in 1 : vector<12x32xf32>, vector<12x992xf32> -> vector<12x1024xf32>
    %slice3A_1095 = vector.extract_strided_slice %get3A_4 {offsets = [1, 0], sizes = [1, 1024], strides = [1, 1]} : vector<9x1024xf32> to vector<1x1024xf32>
    %squeeze3A_1096 = vector.shape_cast %slice3A_1095 : vector<1x1024xf32> to vector<1024xf32>
    %broadcast_in_dim3A_1097 = vector.shape_cast %squeeze3A_1096 : vector<1024xf32> to vector<1x1024xf32>
    %mul3A_1098 = vector.broadcast %broadcast_in_dim3A_1097 : vector<1x1024xf32> to vector<12x1024xf32>
    %mul3A_1099 = arith.mulf %concatenate3A_1094, %mul3A_1098 : vector<12x1024xf32>
    %slice3A_1100 = vector.extract_strided_slice %select_n3A_1083 {offsets = [0, 993], sizes = [12, 31], strides = [1, 1]} : vector<12x1024xf32> to vector<12x31xf32>
    %slice3A_1101 = vector.extract_strided_slice %select_n3A_1083 {offsets = [0, 0], sizes = [12, 993], strides = [1, 1]} : vector<12x1024xf32> to vector<12x993xf32>
    %concatenate3A_1102 = tpu.concatenate %slice3A_1100, %slice3A_1101 in 1 : vector<12x31xf32>, vector<12x993xf32> -> vector<12x1024xf32>
    %slice3A_1103 = vector.extract_strided_slice %get3A_4 {offsets = [2, 0], sizes = [1, 1024], strides = [1, 1]} : vector<9x1024xf32> to vector<1x1024xf32>
    %squeeze3A_1104 = vector.shape_cast %slice3A_1103 : vector<1x1024xf32> to vector<1024xf32>
    %broadcast_in_dim3A_1105 = vector.shape_cast %squeeze3A_1104 : vector<1024xf32> to vector<1x1024xf32>
    %mul3A_1106 = vector.broadcast %broadcast_in_dim3A_1105 : vector<1x1024xf32> to vector<12x1024xf32>
    %mul3A_1107 = arith.mulf %concatenate3A_1102, %mul3A_1106 : vector<12x1024xf32>
    %slice3A_1108 = vector.extract_strided_slice %select_n3A_1083 {offsets = [0, 1023], sizes = [12, 1], strides = [1, 1]} : vector<12x1024xf32> to vector<12x1xf32>
    %slice3A_1109 = vector.extract_strided_slice %select_n3A_1083 {offsets = [0, 0], sizes = [12, 1023], strides = [1, 1]} : vector<12x1024xf32> to vector<12x1023xf32>
    %concatenate3A_1110 = tpu.concatenate %slice3A_1108, %slice3A_1109 in 1 : vector<12x1xf32>, vector<12x1023xf32> -> vector<12x1024xf32>
    %slice3A_1111 = vector.extract_strided_slice %get3A_4 {offsets = [3, 0], sizes = [1, 1024], strides = [1, 1]} : vector<9x1024xf32> to vector<1x1024xf32>
    %squeeze3A_1112 = vector.shape_cast %slice3A_1111 : vector<1x1024xf32> to vector<1024xf32>
    %broadcast_in_dim3A_1113 = vector.shape_cast %squeeze3A_1112 : vector<1024xf32> to vector<1x1024xf32>
    %mul3A_1114 = vector.broadcast %broadcast_in_dim3A_1113 : vector<1x1024xf32> to vector<12x1024xf32>
    %mul3A_1115 = arith.mulf %concatenate3A_1110, %mul3A_1114 : vector<12x1024xf32>
    %slice3A_1116 = vector.extract_strided_slice %select_n3A_1083 {offsets = [0, 1], sizes = [12, 1023], strides = [1, 1]} : vector<12x1024xf32> to vector<12x1023xf32>
    %slice3A_1117 = vector.extract_strided_slice %select_n3A_1083 {offsets = [0, 0], sizes = [12, 1], strides = [1, 1]} : vector<12x1024xf32> to vector<12x1xf32>
    %concatenate3A_1118 = tpu.concatenate %slice3A_1116, %slice3A_1117 in 1 : vector<12x1023xf32>, vector<12x1xf32> -> vector<12x1024xf32>
    %slice3A_1119 = vector.extract_strided_slice %get3A_4 {offsets = [5, 0], sizes = [1, 1024], strides = [1, 1]} : vector<9x1024xf32> to vector<1x1024xf32>
    %squeeze3A_1120 = vector.shape_cast %slice3A_1119 : vector<1x1024xf32> to vector<1024xf32>
    %broadcast_in_dim3A_1121 = vector.shape_cast %squeeze3A_1120 : vector<1024xf32> to vector<1x1024xf32>
    %mul3A_1122 = vector.broadcast %broadcast_in_dim3A_1121 : vector<1x1024xf32> to vector<12x1024xf32>
    %mul3A_1123 = arith.mulf %concatenate3A_1118, %mul3A_1122 : vector<12x1024xf32>
    %slice3A_1124 = vector.extract_strided_slice %select_n3A_1083 {offsets = [0, 31], sizes = [12, 993], strides = [1, 1]} : vector<12x1024xf32> to vector<12x993xf32>
    %slice3A_1125 = vector.extract_strided_slice %select_n3A_1083 {offsets = [0, 0], sizes = [12, 31], strides = [1, 1]} : vector<12x1024xf32> to vector<12x31xf32>
    %concatenate3A_1126 = tpu.concatenate %slice3A_1124, %slice3A_1125 in 1 : vector<12x993xf32>, vector<12x31xf32> -> vector<12x1024xf32>
    %slice3A_1127 = vector.extract_strided_slice %get3A_4 {offsets = [6, 0], sizes = [1, 1024], strides = [1, 1]} : vector<9x1024xf32> to vector<1x1024xf32>
    %squeeze3A_1128 = vector.shape_cast %slice3A_1127 : vector<1x1024xf32> to vector<1024xf32>
    %broadcast_in_dim3A_1129 = vector.shape_cast %squeeze3A_1128 : vector<1024xf32> to vector<1x1024xf32>
    %mul3A_1130 = vector.broadcast %broadcast_in_dim3A_1129 : vector<1x1024xf32> to vector<12x1024xf32>
    %mul3A_1131 = arith.mulf %concatenate3A_1126, %mul3A_1130 : vector<12x1024xf32>
    %slice3A_1132 = vector.extract_strided_slice %select_n3A_1083 {offsets = [0, 32], sizes = [12, 992], strides = [1, 1]} : vector<12x1024xf32> to vector<12x992xf32>
    %slice3A_1133 = vector.extract_strided_slice %select_n3A_1083 {offsets = [0, 0], sizes = [12, 32], strides = [1, 1]} : vector<12x1024xf32> to vector<12x32xf32>
    %concatenate3A_1134 = tpu.concatenate %slice3A_1132, %slice3A_1133 in 1 : vector<12x992xf32>, vector<12x32xf32> -> vector<12x1024xf32>
    %slice3A_1135 = vector.extract_strided_slice %get3A_4 {offsets = [7, 0], sizes = [1, 1024], strides = [1, 1]} : vector<9x1024xf32> to vector<1x1024xf32>
    %squeeze3A_1136 = vector.shape_cast %slice3A_1135 : vector<1x1024xf32> to vector<1024xf32>
    %broadcast_in_dim3A_1137 = vector.shape_cast %squeeze3A_1136 : vector<1024xf32> to vector<1x1024xf32>
    %mul3A_1138 = vector.broadcast %broadcast_in_dim3A_1137 : vector<1x1024xf32> to vector<12x1024xf32>
    %mul3A_1139 = arith.mulf %concatenate3A_1134, %mul3A_1138 : vector<12x1024xf32>
    %slice3A_1140 = vector.extract_strided_slice %select_n3A_1083 {offsets = [0, 33], sizes = [12, 991], strides = [1, 1]} : vector<12x1024xf32> to vector<12x991xf32>
    %slice3A_1141 = vector.extract_strided_slice %select_n3A_1083 {offsets = [0, 0], sizes = [12, 33], strides = [1, 1]} : vector<12x1024xf32> to vector<12x33xf32>
    %concatenate3A_1142 = tpu.concatenate %slice3A_1140, %slice3A_1141 in 1 : vector<12x991xf32>, vector<12x33xf32> -> vector<12x1024xf32>
    %slice3A_1143 = vector.extract_strided_slice %get3A_4 {offsets = [8, 0], sizes = [1, 1024], strides = [1, 1]} : vector<9x1024xf32> to vector<1x1024xf32>
    %squeeze3A_1144 = vector.shape_cast %slice3A_1143 : vector<1x1024xf32> to vector<1024xf32>
    %broadcast_in_dim3A_1145 = vector.shape_cast %squeeze3A_1144 : vector<1024xf32> to vector<1x1024xf32>
    %mul3A_1146 = vector.broadcast %broadcast_in_dim3A_1145 : vector<1x1024xf32> to vector<12x1024xf32>
    %mul3A_1147 = arith.mulf %concatenate3A_1142, %mul3A_1146 : vector<12x1024xf32>
    %concatenate3A_1148 = tpu.concatenate %mul3A_1091, %mul3A_1099, %mul3A_1107, %mul3A_1115, %select_n3A_1083, %mul3A_1123, %mul3A_1131, %mul3A_1139, %mul3A_1147 in 0 : vector<12x1024xf32>, vector<12x1024xf32>, vector<12x1024xf32>, vector<12x1024xf32>, vector<12x1024xf32>, vector<12x1024xf32>, vector<12x1024xf32>, vector<12x1024xf32>, vector<12x1024xf32> -> vector<108x1024xf32>
    %get3A_1149 = arith.index_cast %get3A_742 : i32 to index
    %get3A_1150 = arith.constant 1 : index
    %get3A_1151 = arith.constant 0 : index
    %get3A_1152 = arith.constant 0 : index
    %get3A_1153 = vector.load %arg12[%get3A_1149, %get3A_1150, %get3A_1151, %get3A_1152] : memref<3x4x12x108xf32, #tpu.memory_space<vmem>>, vector<1x1x12x108xf32>
    %get3A_1154 = vector.shape_cast %get3A_1153 : vector<1x1x12x108xf32> to vector<12x108xf32>
    %dot_general3A_1155 = arith.constant dense<0.000000e+00> : vector<12x1024xf32>
    %dot_general3A_1156 = tpu.matmul %get3A_1154, %concatenate3A_1148, %dot_general3A_1155 {dimension_numbers = #tpu.dot_dimension_numbers<[1], [0], [0], [1], [0, 0, 1, 1], [], []>, transpose_lhs_hint = false} : vector<12x108xf32>, vector<108x1024xf32>, vector<12x1024xf32> -> vector<12x1024xf32>
    %get3A_1157 = arith.index_cast %get3A_742 : i32 to index
    %get3A_1158 = arith.constant 1 : index
    %get3A_1159 = arith.constant 0 : index
    %get3A_1160 = arith.constant 0 : index
    %get3A_1161 = vector.load %arg13[%get3A_1157, %get3A_1158, %get3A_1159, %get3A_1160] : memref<3x4x12x1xf32, #tpu.memory_space<vmem>>, vector<1x1x12x1xf32>
    %get3A_1162 = vector.shape_cast %get3A_1161 : vector<1x1x12x1xf32> to vector<12x1xf32>
    %get3A_1163 = arith.index_cast %get3A_742 : i32 to index
    %get3A_1164 = arith.constant 1 : index
    %get3A_1165 = arith.constant 0 : index
    %get3A_1166 = arith.constant 0 : index
    %get3A_1167 = vector.load %arg14[%get3A_1163, %get3A_1164, %get3A_1165, %get3A_1166] : memref<3x4x12x1xf32, #tpu.memory_space<vmem>>, vector<1x1x12x1xf32>
    %get3A_1168 = vector.shape_cast %get3A_1167 : vector<1x1x12x1xf32> to vector<12x1xf32>
    %add3A_1169 = vector.broadcast %get3A_1162 : vector<12x1xf32> to vector<12x1024xf32>
    %add3A_1170 = arith.addf %dot_general3A_1156, %add3A_1169 : vector<12x1024xf32>
    %ge3A_1171 = arith.constant 0.000000e+00 : f32
    %ge3A_1172 = vector.broadcast %ge3A_1171 : f32 to vector<12x1024xf32>
    %ge3A_1173 = arith.cmpf oge, %add3A_1170, %ge3A_1172 : vector<12x1024xf32>
    %mul3A_1174 = vector.broadcast %get3A_1168 : vector<12x1xf32> to vector<12x1024xf32>
    %mul3A_1175 = arith.mulf %mul3A_1174, %add3A_1170 : vector<12x1024xf32>
    %select_n3A_1176 = arith.select %ge3A_1173, %add3A_1170, %mul3A_1175 : vector<12x1024xi1>, vector<12x1024xf32>
    %slice3A_1177 = vector.extract_strided_slice %select_n3A_1176 {offsets = [0, 991], sizes = [12, 33], strides = [1, 1]} : vector<12x1024xf32> to vector<12x33xf32>
    %slice3A_1178 = vector.extract_strided_slice %select_n3A_1176 {offsets = [0, 0], sizes = [12, 991], strides = [1, 1]} : vector<12x1024xf32> to vector<12x991xf32>
    %concatenate3A_1179 = tpu.concatenate %slice3A_1177, %slice3A_1178 in 1 : vector<12x33xf32>, vector<12x991xf32> -> vector<12x1024xf32>
    %slice3A_1180 = vector.extract_strided_slice %get3A_4 {offsets = [0, 0], sizes = [1, 1024], strides = [1, 1]} : vector<9x1024xf32> to vector<1x1024xf32>
    %squeeze3A_1181 = vector.shape_cast %slice3A_1180 : vector<1x1024xf32> to vector<1024xf32>
    %broadcast_in_dim3A_1182 = vector.shape_cast %squeeze3A_1181 : vector<1024xf32> to vector<1x1024xf32>
    %mul3A_1183 = vector.broadcast %broadcast_in_dim3A_1182 : vector<1x1024xf32> to vector<12x1024xf32>
    %mul3A_1184 = arith.mulf %concatenate3A_1179, %mul3A_1183 : vector<12x1024xf32>
    %slice3A_1185 = vector.extract_strided_slice %select_n3A_1176 {offsets = [0, 992], sizes = [12, 32], strides = [1, 1]} : vector<12x1024xf32> to vector<12x32xf32>
    %slice3A_1186 = vector.extract_strided_slice %select_n3A_1176 {offsets = [0, 0], sizes = [12, 992], strides = [1, 1]} : vector<12x1024xf32> to vector<12x992xf32>
    %concatenate3A_1187 = tpu.concatenate %slice3A_1185, %slice3A_1186 in 1 : vector<12x32xf32>, vector<12x992xf32> -> vector<12x1024xf32>
    %slice3A_1188 = vector.extract_strided_slice %get3A_4 {offsets = [1, 0], sizes = [1, 1024], strides = [1, 1]} : vector<9x1024xf32> to vector<1x1024xf32>
    %squeeze3A_1189 = vector.shape_cast %slice3A_1188 : vector<1x1024xf32> to vector<1024xf32>
    %broadcast_in_dim3A_1190 = vector.shape_cast %squeeze3A_1189 : vector<1024xf32> to vector<1x1024xf32>
    %mul3A_1191 = vector.broadcast %broadcast_in_dim3A_1190 : vector<1x1024xf32> to vector<12x1024xf32>
    %mul3A_1192 = arith.mulf %concatenate3A_1187, %mul3A_1191 : vector<12x1024xf32>
    %slice3A_1193 = vector.extract_strided_slice %select_n3A_1176 {offsets = [0, 993], sizes = [12, 31], strides = [1, 1]} : vector<12x1024xf32> to vector<12x31xf32>
    %slice3A_1194 = vector.extract_strided_slice %select_n3A_1176 {offsets = [0, 0], sizes = [12, 993], strides = [1, 1]} : vector<12x1024xf32> to vector<12x993xf32>
    %concatenate3A_1195 = tpu.concatenate %slice3A_1193, %slice3A_1194 in 1 : vector<12x31xf32>, vector<12x993xf32> -> vector<12x1024xf32>
    %slice3A_1196 = vector.extract_strided_slice %get3A_4 {offsets = [2, 0], sizes = [1, 1024], strides = [1, 1]} : vector<9x1024xf32> to vector<1x1024xf32>
    %squeeze3A_1197 = vector.shape_cast %slice3A_1196 : vector<1x1024xf32> to vector<1024xf32>
    %broadcast_in_dim3A_1198 = vector.shape_cast %squeeze3A_1197 : vector<1024xf32> to vector<1x1024xf32>
    %mul3A_1199 = vector.broadcast %broadcast_in_dim3A_1198 : vector<1x1024xf32> to vector<12x1024xf32>
    %mul3A_1200 = arith.mulf %concatenate3A_1195, %mul3A_1199 : vector<12x1024xf32>
    %slice3A_1201 = vector.extract_strided_slice %select_n3A_1176 {offsets = [0, 1023], sizes = [12, 1], strides = [1, 1]} : vector<12x1024xf32> to vector<12x1xf32>
    %slice3A_1202 = vector.extract_strided_slice %select_n3A_1176 {offsets = [0, 0], sizes = [12, 1023], strides = [1, 1]} : vector<12x1024xf32> to vector<12x1023xf32>
    %concatenate3A_1203 = tpu.concatenate %slice3A_1201, %slice3A_1202 in 1 : vector<12x1xf32>, vector<12x1023xf32> -> vector<12x1024xf32>
    %slice3A_1204 = vector.extract_strided_slice %get3A_4 {offsets = [3, 0], sizes = [1, 1024], strides = [1, 1]} : vector<9x1024xf32> to vector<1x1024xf32>
    %squeeze3A_1205 = vector.shape_cast %slice3A_1204 : vector<1x1024xf32> to vector<1024xf32>
    %broadcast_in_dim3A_1206 = vector.shape_cast %squeeze3A_1205 : vector<1024xf32> to vector<1x1024xf32>
    %mul3A_1207 = vector.broadcast %broadcast_in_dim3A_1206 : vector<1x1024xf32> to vector<12x1024xf32>
    %mul3A_1208 = arith.mulf %concatenate3A_1203, %mul3A_1207 : vector<12x1024xf32>
    %slice3A_1209 = vector.extract_strided_slice %select_n3A_1176 {offsets = [0, 1], sizes = [12, 1023], strides = [1, 1]} : vector<12x1024xf32> to vector<12x1023xf32>
    %slice3A_1210 = vector.extract_strided_slice %select_n3A_1176 {offsets = [0, 0], sizes = [12, 1], strides = [1, 1]} : vector<12x1024xf32> to vector<12x1xf32>
    %concatenate3A_1211 = tpu.concatenate %slice3A_1209, %slice3A_1210 in 1 : vector<12x1023xf32>, vector<12x1xf32> -> vector<12x1024xf32>
    %slice3A_1212 = vector.extract_strided_slice %get3A_4 {offsets = [5, 0], sizes = [1, 1024], strides = [1, 1]} : vector<9x1024xf32> to vector<1x1024xf32>
    %squeeze3A_1213 = vector.shape_cast %slice3A_1212 : vector<1x1024xf32> to vector<1024xf32>
    %broadcast_in_dim3A_1214 = vector.shape_cast %squeeze3A_1213 : vector<1024xf32> to vector<1x1024xf32>
    %mul3A_1215 = vector.broadcast %broadcast_in_dim3A_1214 : vector<1x1024xf32> to vector<12x1024xf32>
    %mul3A_1216 = arith.mulf %concatenate3A_1211, %mul3A_1215 : vector<12x1024xf32>
    %slice3A_1217 = vector.extract_strided_slice %select_n3A_1176 {offsets = [0, 31], sizes = [12, 993], strides = [1, 1]} : vector<12x1024xf32> to vector<12x993xf32>
    %slice3A_1218 = vector.extract_strided_slice %select_n3A_1176 {offsets = [0, 0], sizes = [12, 31], strides = [1, 1]} : vector<12x1024xf32> to vector<12x31xf32>
    %concatenate3A_1219 = tpu.concatenate %slice3A_1217, %slice3A_1218 in 1 : vector<12x993xf32>, vector<12x31xf32> -> vector<12x1024xf32>
    %slice3A_1220 = vector.extract_strided_slice %get3A_4 {offsets = [6, 0], sizes = [1, 1024], strides = [1, 1]} : vector<9x1024xf32> to vector<1x1024xf32>
    %squeeze3A_1221 = vector.shape_cast %slice3A_1220 : vector<1x1024xf32> to vector<1024xf32>
    %broadcast_in_dim3A_1222 = vector.shape_cast %squeeze3A_1221 : vector<1024xf32> to vector<1x1024xf32>
    %mul3A_1223 = vector.broadcast %broadcast_in_dim3A_1222 : vector<1x1024xf32> to vector<12x1024xf32>
    %mul3A_1224 = arith.mulf %concatenate3A_1219, %mul3A_1223 : vector<12x1024xf32>
    %slice3A_1225 = vector.extract_strided_slice %select_n3A_1176 {offsets = [0, 32], sizes = [12, 992], strides = [1, 1]} : vector<12x1024xf32> to vector<12x992xf32>
    %slice3A_1226 = vector.extract_strided_slice %select_n3A_1176 {offsets = [0, 0], sizes = [12, 32], strides = [1, 1]} : vector<12x1024xf32> to vector<12x32xf32>
    %concatenate3A_1227 = tpu.concatenate %slice3A_1225, %slice3A_1226 in 1 : vector<12x992xf32>, vector<12x32xf32> -> vector<12x1024xf32>
    %slice3A_1228 = vector.extract_strided_slice %get3A_4 {offsets = [7, 0], sizes = [1, 1024], strides = [1, 1]} : vector<9x1024xf32> to vector<1x1024xf32>
    %squeeze3A_1229 = vector.shape_cast %slice3A_1228 : vector<1x1024xf32> to vector<1024xf32>
    %broadcast_in_dim3A_1230 = vector.shape_cast %squeeze3A_1229 : vector<1024xf32> to vector<1x1024xf32>
    %mul3A_1231 = vector.broadcast %broadcast_in_dim3A_1230 : vector<1x1024xf32> to vector<12x1024xf32>
    %mul3A_1232 = arith.mulf %concatenate3A_1227, %mul3A_1231 : vector<12x1024xf32>
    %slice3A_1233 = vector.extract_strided_slice %select_n3A_1176 {offsets = [0, 33], sizes = [12, 991], strides = [1, 1]} : vector<12x1024xf32> to vector<12x991xf32>
    %slice3A_1234 = vector.extract_strided_slice %select_n3A_1176 {offsets = [0, 0], sizes = [12, 33], strides = [1, 1]} : vector<12x1024xf32> to vector<12x33xf32>
    %concatenate3A_1235 = tpu.concatenate %slice3A_1233, %slice3A_1234 in 1 : vector<12x991xf32>, vector<12x33xf32> -> vector<12x1024xf32>
    %slice3A_1236 = vector.extract_strided_slice %get3A_4 {offsets = [8, 0], sizes = [1, 1024], strides = [1, 1]} : vector<9x1024xf32> to vector<1x1024xf32>
    %squeeze3A_1237 = vector.shape_cast %slice3A_1236 : vector<1x1024xf32> to vector<1024xf32>
    %broadcast_in_dim3A_1238 = vector.shape_cast %squeeze3A_1237 : vector<1024xf32> to vector<1x1024xf32>
    %mul3A_1239 = vector.broadcast %broadcast_in_dim3A_1238 : vector<1x1024xf32> to vector<12x1024xf32>
    %mul3A_1240 = arith.mulf %concatenate3A_1235, %mul3A_1239 : vector<12x1024xf32>
    %concatenate3A_1241 = tpu.concatenate %mul3A_1184, %mul3A_1192, %mul3A_1200, %mul3A_1208, %select_n3A_1176, %mul3A_1216, %mul3A_1224, %mul3A_1232, %mul3A_1240 in 0 : vector<12x1024xf32>, vector<12x1024xf32>, vector<12x1024xf32>, vector<12x1024xf32>, vector<12x1024xf32>, vector<12x1024xf32>, vector<12x1024xf32>, vector<12x1024xf32>, vector<12x1024xf32> -> vector<108x1024xf32>
    %get3A_1242 = arith.index_cast %get3A_742 : i32 to index
    %get3A_1243 = arith.constant 2 : index
    %get3A_1244 = arith.constant 0 : index
    %get3A_1245 = arith.constant 0 : index
    %get3A_1246 = vector.load %arg12[%get3A_1242, %get3A_1243, %get3A_1244, %get3A_1245] : memref<3x4x12x108xf32, #tpu.memory_space<vmem>>, vector<1x1x12x108xf32>
    %get3A_1247 = vector.shape_cast %get3A_1246 : vector<1x1x12x108xf32> to vector<12x108xf32>
    %dot_general3A_1248 = arith.constant dense<0.000000e+00> : vector<12x1024xf32>
    %dot_general3A_1249 = tpu.matmul %get3A_1247, %concatenate3A_1241, %dot_general3A_1248 {dimension_numbers = #tpu.dot_dimension_numbers<[1], [0], [0], [1], [0, 0, 1, 1], [], []>, transpose_lhs_hint = false} : vector<12x108xf32>, vector<108x1024xf32>, vector<12x1024xf32> -> vector<12x1024xf32>
    %get3A_1250 = arith.index_cast %get3A_742 : i32 to index
    %get3A_1251 = arith.constant 2 : index
    %get3A_1252 = arith.constant 0 : index
    %get3A_1253 = arith.constant 0 : index
    %get3A_1254 = vector.load %arg13[%get3A_1250, %get3A_1251, %get3A_1252, %get3A_1253] : memref<3x4x12x1xf32, #tpu.memory_space<vmem>>, vector<1x1x12x1xf32>
    %get3A_1255 = vector.shape_cast %get3A_1254 : vector<1x1x12x1xf32> to vector<12x1xf32>
    %get3A_1256 = arith.index_cast %get3A_742 : i32 to index
    %get3A_1257 = arith.constant 2 : index
    %get3A_1258 = arith.constant 0 : index
    %get3A_1259 = arith.constant 0 : index
    %get3A_1260 = vector.load %arg14[%get3A_1256, %get3A_1257, %get3A_1258, %get3A_1259] : memref<3x4x12x1xf32, #tpu.memory_space<vmem>>, vector<1x1x12x1xf32>
    %get3A_1261 = vector.shape_cast %get3A_1260 : vector<1x1x12x1xf32> to vector<12x1xf32>
    %add3A_1262 = vector.broadcast %get3A_1255 : vector<12x1xf32> to vector<12x1024xf32>
    %add3A_1263 = arith.addf %dot_general3A_1249, %add3A_1262 : vector<12x1024xf32>
    %ge3A_1264 = arith.constant 0.000000e+00 : f32
    %ge3A_1265 = vector.broadcast %ge3A_1264 : f32 to vector<12x1024xf32>
    %ge3A_1266 = arith.cmpf oge, %add3A_1263, %ge3A_1265 : vector<12x1024xf32>
    %mul3A_1267 = vector.broadcast %get3A_1261 : vector<12x1xf32> to vector<12x1024xf32>
    %mul3A_1268 = arith.mulf %mul3A_1267, %add3A_1263 : vector<12x1024xf32>
    %select_n3A_1269 = arith.select %ge3A_1266, %add3A_1263, %mul3A_1268 : vector<12x1024xi1>, vector<12x1024xf32>
    %slice3A_1270 = vector.extract_strided_slice %select_n3A_1269 {offsets = [0, 991], sizes = [12, 33], strides = [1, 1]} : vector<12x1024xf32> to vector<12x33xf32>
    %slice3A_1271 = vector.extract_strided_slice %select_n3A_1269 {offsets = [0, 0], sizes = [12, 991], strides = [1, 1]} : vector<12x1024xf32> to vector<12x991xf32>
    %concatenate3A_1272 = tpu.concatenate %slice3A_1270, %slice3A_1271 in 1 : vector<12x33xf32>, vector<12x991xf32> -> vector<12x1024xf32>
    %slice3A_1273 = vector.extract_strided_slice %get3A_4 {offsets = [0, 0], sizes = [1, 1024], strides = [1, 1]} : vector<9x1024xf32> to vector<1x1024xf32>
    %squeeze3A_1274 = vector.shape_cast %slice3A_1273 : vector<1x1024xf32> to vector<1024xf32>
    %broadcast_in_dim3A_1275 = vector.shape_cast %squeeze3A_1274 : vector<1024xf32> to vector<1x1024xf32>
    %mul3A_1276 = vector.broadcast %broadcast_in_dim3A_1275 : vector<1x1024xf32> to vector<12x1024xf32>
    %mul3A_1277 = arith.mulf %concatenate3A_1272, %mul3A_1276 : vector<12x1024xf32>
    %slice3A_1278 = vector.extract_strided_slice %select_n3A_1269 {offsets = [0, 992], sizes = [12, 32], strides = [1, 1]} : vector<12x1024xf32> to vector<12x32xf32>
    %slice3A_1279 = vector.extract_strided_slice %select_n3A_1269 {offsets = [0, 0], sizes = [12, 992], strides = [1, 1]} : vector<12x1024xf32> to vector<12x992xf32>
    %concatenate3A_1280 = tpu.concatenate %slice3A_1278, %slice3A_1279 in 1 : vector<12x32xf32>, vector<12x992xf32> -> vector<12x1024xf32>
    %slice3A_1281 = vector.extract_strided_slice %get3A_4 {offsets = [1, 0], sizes = [1, 1024], strides = [1, 1]} : vector<9x1024xf32> to vector<1x1024xf32>
    %squeeze3A_1282 = vector.shape_cast %slice3A_1281 : vector<1x1024xf32> to vector<1024xf32>
    %broadcast_in_dim3A_1283 = vector.shape_cast %squeeze3A_1282 : vector<1024xf32> to vector<1x1024xf32>
    %mul3A_1284 = vector.broadcast %broadcast_in_dim3A_1283 : vector<1x1024xf32> to vector<12x1024xf32>
    %mul3A_1285 = arith.mulf %concatenate3A_1280, %mul3A_1284 : vector<12x1024xf32>
    %slice3A_1286 = vector.extract_strided_slice %select_n3A_1269 {offsets = [0, 993], sizes = [12, 31], strides = [1, 1]} : vector<12x1024xf32> to vector<12x31xf32>
    %slice3A_1287 = vector.extract_strided_slice %select_n3A_1269 {offsets = [0, 0], sizes = [12, 993], strides = [1, 1]} : vector<12x1024xf32> to vector<12x993xf32>
    %concatenate3A_1288 = tpu.concatenate %slice3A_1286, %slice3A_1287 in 1 : vector<12x31xf32>, vector<12x993xf32> -> vector<12x1024xf32>
    %slice3A_1289 = vector.extract_strided_slice %get3A_4 {offsets = [2, 0], sizes = [1, 1024], strides = [1, 1]} : vector<9x1024xf32> to vector<1x1024xf32>
    %squeeze3A_1290 = vector.shape_cast %slice3A_1289 : vector<1x1024xf32> to vector<1024xf32>
    %broadcast_in_dim3A_1291 = vector.shape_cast %squeeze3A_1290 : vector<1024xf32> to vector<1x1024xf32>
    %mul3A_1292 = vector.broadcast %broadcast_in_dim3A_1291 : vector<1x1024xf32> to vector<12x1024xf32>
    %mul3A_1293 = arith.mulf %concatenate3A_1288, %mul3A_1292 : vector<12x1024xf32>
    %slice3A_1294 = vector.extract_strided_slice %select_n3A_1269 {offsets = [0, 1023], sizes = [12, 1], strides = [1, 1]} : vector<12x1024xf32> to vector<12x1xf32>
    %slice3A_1295 = vector.extract_strided_slice %select_n3A_1269 {offsets = [0, 0], sizes = [12, 1023], strides = [1, 1]} : vector<12x1024xf32> to vector<12x1023xf32>
    %concatenate3A_1296 = tpu.concatenate %slice3A_1294, %slice3A_1295 in 1 : vector<12x1xf32>, vector<12x1023xf32> -> vector<12x1024xf32>
    %slice3A_1297 = vector.extract_strided_slice %get3A_4 {offsets = [3, 0], sizes = [1, 1024], strides = [1, 1]} : vector<9x1024xf32> to vector<1x1024xf32>
    %squeeze3A_1298 = vector.shape_cast %slice3A_1297 : vector<1x1024xf32> to vector<1024xf32>
    %broadcast_in_dim3A_1299 = vector.shape_cast %squeeze3A_1298 : vector<1024xf32> to vector<1x1024xf32>
    %mul3A_1300 = vector.broadcast %broadcast_in_dim3A_1299 : vector<1x1024xf32> to vector<12x1024xf32>
    %mul3A_1301 = arith.mulf %concatenate3A_1296, %mul3A_1300 : vector<12x1024xf32>
    %slice3A_1302 = vector.extract_strided_slice %select_n3A_1269 {offsets = [0, 1], sizes = [12, 1023], strides = [1, 1]} : vector<12x1024xf32> to vector<12x1023xf32>
    %slice3A_1303 = vector.extract_strided_slice %select_n3A_1269 {offsets = [0, 0], sizes = [12, 1], strides = [1, 1]} : vector<12x1024xf32> to vector<12x1xf32>
    %concatenate3A_1304 = tpu.concatenate %slice3A_1302, %slice3A_1303 in 1 : vector<12x1023xf32>, vector<12x1xf32> -> vector<12x1024xf32>
    %slice3A_1305 = vector.extract_strided_slice %get3A_4 {offsets = [5, 0], sizes = [1, 1024], strides = [1, 1]} : vector<9x1024xf32> to vector<1x1024xf32>
    %squeeze3A_1306 = vector.shape_cast %slice3A_1305 : vector<1x1024xf32> to vector<1024xf32>
    %broadcast_in_dim3A_1307 = vector.shape_cast %squeeze3A_1306 : vector<1024xf32> to vector<1x1024xf32>
    %mul3A_1308 = vector.broadcast %broadcast_in_dim3A_1307 : vector<1x1024xf32> to vector<12x1024xf32>
    %mul3A_1309 = arith.mulf %concatenate3A_1304, %mul3A_1308 : vector<12x1024xf32>
    %slice3A_1310 = vector.extract_strided_slice %select_n3A_1269 {offsets = [0, 31], sizes = [12, 993], strides = [1, 1]} : vector<12x1024xf32> to vector<12x993xf32>
    %slice3A_1311 = vector.extract_strided_slice %select_n3A_1269 {offsets = [0, 0], sizes = [12, 31], strides = [1, 1]} : vector<12x1024xf32> to vector<12x31xf32>
    %concatenate3A_1312 = tpu.concatenate %slice3A_1310, %slice3A_1311 in 1 : vector<12x993xf32>, vector<12x31xf32> -> vector<12x1024xf32>
    %slice3A_1313 = vector.extract_strided_slice %get3A_4 {offsets = [6, 0], sizes = [1, 1024], strides = [1, 1]} : vector<9x1024xf32> to vector<1x1024xf32>
    %squeeze3A_1314 = vector.shape_cast %slice3A_1313 : vector<1x1024xf32> to vector<1024xf32>
    %broadcast_in_dim3A_1315 = vector.shape_cast %squeeze3A_1314 : vector<1024xf32> to vector<1x1024xf32>
    %mul3A_1316 = vector.broadcast %broadcast_in_dim3A_1315 : vector<1x1024xf32> to vector<12x1024xf32>
    %mul3A_1317 = arith.mulf %concatenate3A_1312, %mul3A_1316 : vector<12x1024xf32>
    %slice3A_1318 = vector.extract_strided_slice %select_n3A_1269 {offsets = [0, 32], sizes = [12, 992], strides = [1, 1]} : vector<12x1024xf32> to vector<12x992xf32>
    %slice3A_1319 = vector.extract_strided_slice %select_n3A_1269 {offsets = [0, 0], sizes = [12, 32], strides = [1, 1]} : vector<12x1024xf32> to vector<12x32xf32>
    %concatenate3A_1320 = tpu.concatenate %slice3A_1318, %slice3A_1319 in 1 : vector<12x992xf32>, vector<12x32xf32> -> vector<12x1024xf32>
    %slice3A_1321 = vector.extract_strided_slice %get3A_4 {offsets = [7, 0], sizes = [1, 1024], strides = [1, 1]} : vector<9x1024xf32> to vector<1x1024xf32>
    %squeeze3A_1322 = vector.shape_cast %slice3A_1321 : vector<1x1024xf32> to vector<1024xf32>
    %broadcast_in_dim3A_1323 = vector.shape_cast %squeeze3A_1322 : vector<1024xf32> to vector<1x1024xf32>
    %mul3A_1324 = vector.broadcast %broadcast_in_dim3A_1323 : vector<1x1024xf32> to vector<12x1024xf32>
    %mul3A_1325 = arith.mulf %concatenate3A_1320, %mul3A_1324 : vector<12x1024xf32>
    %slice3A_1326 = vector.extract_strided_slice %select_n3A_1269 {offsets = [0, 33], sizes = [12, 991], strides = [1, 1]} : vector<12x1024xf32> to vector<12x991xf32>
    %slice3A_1327 = vector.extract_strided_slice %select_n3A_1269 {offsets = [0, 0], sizes = [12, 33], strides = [1, 1]} : vector<12x1024xf32> to vector<12x33xf32>
    %concatenate3A_1328 = tpu.concatenate %slice3A_1326, %slice3A_1327 in 1 : vector<12x991xf32>, vector<12x33xf32> -> vector<12x1024xf32>
    %slice3A_1329 = vector.extract_strided_slice %get3A_4 {offsets = [8, 0], sizes = [1, 1024], strides = [1, 1]} : vector<9x1024xf32> to vector<1x1024xf32>
    %squeeze3A_1330 = vector.shape_cast %slice3A_1329 : vector<1x1024xf32> to vector<1024xf32>
    %broadcast_in_dim3A_1331 = vector.shape_cast %squeeze3A_1330 : vector<1024xf32> to vector<1x1024xf32>
    %mul3A_1332 = vector.broadcast %broadcast_in_dim3A_1331 : vector<1x1024xf32> to vector<12x1024xf32>
    %mul3A_1333 = arith.mulf %concatenate3A_1328, %mul3A_1332 : vector<12x1024xf32>
    %concatenate3A_1334 = tpu.concatenate %mul3A_1277, %mul3A_1285, %mul3A_1293, %mul3A_1301, %select_n3A_1269, %mul3A_1309, %mul3A_1317, %mul3A_1325, %mul3A_1333 in 0 : vector<12x1024xf32>, vector<12x1024xf32>, vector<12x1024xf32>, vector<12x1024xf32>, vector<12x1024xf32>, vector<12x1024xf32>, vector<12x1024xf32>, vector<12x1024xf32>, vector<12x1024xf32> -> vector<108x1024xf32>
    %get3A_1335 = arith.index_cast %get3A_742 : i32 to index
    %get3A_1336 = arith.constant 3 : index
    %get3A_1337 = arith.constant 0 : index
    %get3A_1338 = arith.constant 0 : index
    %get3A_1339 = vector.load %arg12[%get3A_1335, %get3A_1336, %get3A_1337, %get3A_1338] : memref<3x4x12x108xf32, #tpu.memory_space<vmem>>, vector<1x1x12x108xf32>
    %get3A_1340 = vector.shape_cast %get3A_1339 : vector<1x1x12x108xf32> to vector<12x108xf32>
    %dot_general3A_1341 = arith.constant dense<0.000000e+00> : vector<12x1024xf32>
    %dot_general3A_1342 = tpu.matmul %get3A_1340, %concatenate3A_1334, %dot_general3A_1341 {dimension_numbers = #tpu.dot_dimension_numbers<[1], [0], [0], [1], [0, 0, 1, 1], [], []>, transpose_lhs_hint = false} : vector<12x108xf32>, vector<108x1024xf32>, vector<12x1024xf32> -> vector<12x1024xf32>
    %get3A_1343 = arith.index_cast %get3A_742 : i32 to index
    %get3A_1344 = arith.constant 3 : index
    %get3A_1345 = arith.constant 0 : index
    %get3A_1346 = arith.constant 0 : index
    %get3A_1347 = vector.load %arg13[%get3A_1343, %get3A_1344, %get3A_1345, %get3A_1346] : memref<3x4x12x1xf32, #tpu.memory_space<vmem>>, vector<1x1x12x1xf32>
    %get3A_1348 = vector.shape_cast %get3A_1347 : vector<1x1x12x1xf32> to vector<12x1xf32>
    %get3A_1349 = arith.index_cast %get3A_742 : i32 to index
    %get3A_1350 = arith.constant 3 : index
    %get3A_1351 = arith.constant 0 : index
    %get3A_1352 = arith.constant 0 : index
    %get3A_1353 = vector.load %arg14[%get3A_1349, %get3A_1350, %get3A_1351, %get3A_1352] : memref<3x4x12x1xf32, #tpu.memory_space<vmem>>, vector<1x1x12x1xf32>
    %get3A_1354 = vector.shape_cast %get3A_1353 : vector<1x1x12x1xf32> to vector<12x1xf32>
    %add3A_1355 = vector.broadcast %get3A_1348 : vector<12x1xf32> to vector<12x1024xf32>
    %add3A_1356 = arith.addf %dot_general3A_1342, %add3A_1355 : vector<12x1024xf32>
    %ge3A_1357 = arith.constant 0.000000e+00 : f32
    %ge3A_1358 = vector.broadcast %ge3A_1357 : f32 to vector<12x1024xf32>
    %ge3A_1359 = arith.cmpf oge, %add3A_1356, %ge3A_1358 : vector<12x1024xf32>
    %mul3A_1360 = vector.broadcast %get3A_1354 : vector<12x1xf32> to vector<12x1024xf32>
    %mul3A_1361 = arith.mulf %mul3A_1360, %add3A_1356 : vector<12x1024xf32>
    %select_n3A_1362 = arith.select %ge3A_1359, %add3A_1356, %mul3A_1361 : vector<12x1024xi1>, vector<12x1024xf32>
    %get3A_1363 = arith.index_cast %get3A_742 : i32 to index
    %get3A_1364 = arith.constant 0 : index
    %get3A_1365 = arith.constant 0 : index
    %get3A_1366 = vector.load %arg15[%get3A_1363, %get3A_1364, %get3A_1365] : memref<3x56x12xf32, #tpu.memory_space<vmem>>, vector<1x56x12xf32>
    %get3A_1367 = vector.shape_cast %get3A_1366 : vector<1x56x12xf32> to vector<56x12xf32>
    %dot_general3A_1368 = arith.constant dense<0.000000e+00> : vector<56x1024xf32>
    %dot_general3A_1369 = tpu.matmul %get3A_1367, %select_n3A_1362, %dot_general3A_1368 {dimension_numbers = #tpu.dot_dimension_numbers<[1], [0], [0], [1], [0, 0, 1, 1], [], []>, transpose_lhs_hint = false} : vector<56x12xf32>, vector<12x1024xf32>, vector<56x1024xf32> -> vector<56x1024xf32>
    %get3A_1370 = arith.index_cast %get3A_742 : i32 to index
    %get3A_1371 = arith.constant 0 : index
    %get3A_1372 = arith.constant 0 : index
    %get3A_1373 = vector.load %arg16[%get3A_1370, %get3A_1371, %get3A_1372] : memref<3x56x1xf32, #tpu.memory_space<vmem>>, vector<1x56x1xf32>
    %get3A_1374 = vector.shape_cast %get3A_1373 : vector<1x56x1xf32> to vector<56x1xf32>
    %get3A_1375 = arith.index_cast %get3A_742 : i32 to index
    %get3A_1376 = arith.constant 0 : index
    %get3A_1377 = arith.constant 0 : index
    %get3A_1378 = vector.load %arg17[%get3A_1375, %get3A_1376, %get3A_1377] : memref<3x56x1xf32, #tpu.memory_space<vmem>>, vector<1x56x1xf32>
    %get3A_1379 = vector.shape_cast %get3A_1378 : vector<1x56x1xf32> to vector<56x1xf32>
    %add3A_1380 = vector.broadcast %get3A_1374 : vector<56x1xf32> to vector<56x1024xf32>
    %add3A_1381 = arith.addf %dot_general3A_1369, %add3A_1380 : vector<56x1024xf32>
    %ge3A_1382 = arith.constant 0.000000e+00 : f32
    %ge3A_1383 = vector.broadcast %ge3A_1382 : f32 to vector<56x1024xf32>
    %ge3A_1384 = arith.cmpf oge, %add3A_1381, %ge3A_1383 : vector<56x1024xf32>
    %mul3A_1385 = vector.broadcast %get3A_1379 : vector<56x1xf32> to vector<56x1024xf32>
    %mul3A_1386 = arith.mulf %mul3A_1385, %add3A_1381 : vector<56x1024xf32>
    %select_n3A_1387 = arith.select %ge3A_1384, %add3A_1381, %mul3A_1386 : vector<56x1024xi1>, vector<56x1024xf32>
    %convert_element_type3A_1388 = arith.truncf %select_n3A_1387 : vector<56x1024xf32> to vector<56x1024xbf16>
    %slice3A_1389 = vector.extract_strided_slice %convert_element_type3A_1388 {offsets = [0, 991], sizes = [56, 33], strides = [1, 1]} : vector<56x1024xbf16> to vector<56x33xbf16>
    %slice3A_1390 = vector.extract_strided_slice %convert_element_type3A_1388 {offsets = [0, 0], sizes = [56, 991], strides = [1, 1]} : vector<56x1024xbf16> to vector<56x991xbf16>
    %concatenate3A_1391 = tpu.concatenate %slice3A_1389, %slice3A_1390 in 1 : vector<56x33xbf16>, vector<56x991xbf16> -> vector<56x1024xbf16>
    %slice3A_1392 = vector.extract_strided_slice %convert_element_type3A {offsets = [0, 0], sizes = [1, 1024], strides = [1, 1]} : vector<9x1024xbf16> to vector<1x1024xbf16>
    %squeeze3A_1393 = vector.shape_cast %slice3A_1392 : vector<1x1024xbf16> to vector<1024xbf16>
    %broadcast_in_dim3A_1394 = vector.shape_cast %squeeze3A_1393 : vector<1024xbf16> to vector<1x1024xbf16>
    %mul3A_1395 = vector.broadcast %broadcast_in_dim3A_1394 : vector<1x1024xbf16> to vector<56x1024xbf16>
    %mul3A_1396 = arith.mulf %concatenate3A_1391, %mul3A_1395 : vector<56x1024xbf16>
    %slice3A_1397 = vector.extract_strided_slice %convert_element_type3A_1388 {offsets = [0, 992], sizes = [56, 32], strides = [1, 1]} : vector<56x1024xbf16> to vector<56x32xbf16>
    %slice3A_1398 = vector.extract_strided_slice %convert_element_type3A_1388 {offsets = [0, 0], sizes = [56, 992], strides = [1, 1]} : vector<56x1024xbf16> to vector<56x992xbf16>
    %concatenate3A_1399 = tpu.concatenate %slice3A_1397, %slice3A_1398 in 1 : vector<56x32xbf16>, vector<56x992xbf16> -> vector<56x1024xbf16>
    %slice3A_1400 = vector.extract_strided_slice %convert_element_type3A {offsets = [1, 0], sizes = [1, 1024], strides = [1, 1]} : vector<9x1024xbf16> to vector<1x1024xbf16>
    %squeeze3A_1401 = vector.shape_cast %slice3A_1400 : vector<1x1024xbf16> to vector<1024xbf16>
    %broadcast_in_dim3A_1402 = vector.shape_cast %squeeze3A_1401 : vector<1024xbf16> to vector<1x1024xbf16>
    %mul3A_1403 = vector.broadcast %broadcast_in_dim3A_1402 : vector<1x1024xbf16> to vector<56x1024xbf16>
    %mul3A_1404 = arith.mulf %concatenate3A_1399, %mul3A_1403 : vector<56x1024xbf16>
    %slice3A_1405 = vector.extract_strided_slice %convert_element_type3A_1388 {offsets = [0, 993], sizes = [56, 31], strides = [1, 1]} : vector<56x1024xbf16> to vector<56x31xbf16>
    %slice3A_1406 = vector.extract_strided_slice %convert_element_type3A_1388 {offsets = [0, 0], sizes = [56, 993], strides = [1, 1]} : vector<56x1024xbf16> to vector<56x993xbf16>
    %concatenate3A_1407 = tpu.concatenate %slice3A_1405, %slice3A_1406 in 1 : vector<56x31xbf16>, vector<56x993xbf16> -> vector<56x1024xbf16>
    %slice3A_1408 = vector.extract_strided_slice %convert_element_type3A {offsets = [2, 0], sizes = [1, 1024], strides = [1, 1]} : vector<9x1024xbf16> to vector<1x1024xbf16>
    %squeeze3A_1409 = vector.shape_cast %slice3A_1408 : vector<1x1024xbf16> to vector<1024xbf16>
    %broadcast_in_dim3A_1410 = vector.shape_cast %squeeze3A_1409 : vector<1024xbf16> to vector<1x1024xbf16>
    %mul3A_1411 = vector.broadcast %broadcast_in_dim3A_1410 : vector<1x1024xbf16> to vector<56x1024xbf16>
    %mul3A_1412 = arith.mulf %concatenate3A_1407, %mul3A_1411 : vector<56x1024xbf16>
    %slice3A_1413 = vector.extract_strided_slice %convert_element_type3A_1388 {offsets = [0, 1023], sizes = [56, 1], strides = [1, 1]} : vector<56x1024xbf16> to vector<56x1xbf16>
    %slice3A_1414 = vector.extract_strided_slice %convert_element_type3A_1388 {offsets = [0, 0], sizes = [56, 1023], strides = [1, 1]} : vector<56x1024xbf16> to vector<56x1023xbf16>
    %concatenate3A_1415 = tpu.concatenate %slice3A_1413, %slice3A_1414 in 1 : vector<56x1xbf16>, vector<56x1023xbf16> -> vector<56x1024xbf16>
    %slice3A_1416 = vector.extract_strided_slice %convert_element_type3A {offsets = [3, 0], sizes = [1, 1024], strides = [1, 1]} : vector<9x1024xbf16> to vector<1x1024xbf16>
    %squeeze3A_1417 = vector.shape_cast %slice3A_1416 : vector<1x1024xbf16> to vector<1024xbf16>
    %broadcast_in_dim3A_1418 = vector.shape_cast %squeeze3A_1417 : vector<1024xbf16> to vector<1x1024xbf16>
    %mul3A_1419 = vector.broadcast %broadcast_in_dim3A_1418 : vector<1x1024xbf16> to vector<56x1024xbf16>
    %mul3A_1420 = arith.mulf %concatenate3A_1415, %mul3A_1419 : vector<56x1024xbf16>
    %slice3A_1421 = vector.extract_strided_slice %convert_element_type3A_1388 {offsets = [0, 1], sizes = [56, 1023], strides = [1, 1]} : vector<56x1024xbf16> to vector<56x1023xbf16>
    %slice3A_1422 = vector.extract_strided_slice %convert_element_type3A_1388 {offsets = [0, 0], sizes = [56, 1], strides = [1, 1]} : vector<56x1024xbf16> to vector<56x1xbf16>
    %concatenate3A_1423 = tpu.concatenate %slice3A_1421, %slice3A_1422 in 1 : vector<56x1023xbf16>, vector<56x1xbf16> -> vector<56x1024xbf16>
    %slice3A_1424 = vector.extract_strided_slice %convert_element_type3A {offsets = [5, 0], sizes = [1, 1024], strides = [1, 1]} : vector<9x1024xbf16> to vector<1x1024xbf16>
    %squeeze3A_1425 = vector.shape_cast %slice3A_1424 : vector<1x1024xbf16> to vector<1024xbf16>
    %broadcast_in_dim3A_1426 = vector.shape_cast %squeeze3A_1425 : vector<1024xbf16> to vector<1x1024xbf16>
    %mul3A_1427 = vector.broadcast %broadcast_in_dim3A_1426 : vector<1x1024xbf16> to vector<56x1024xbf16>
    %mul3A_1428 = arith.mulf %concatenate3A_1423, %mul3A_1427 : vector<56x1024xbf16>
    %slice3A_1429 = vector.extract_strided_slice %convert_element_type3A_1388 {offsets = [0, 31], sizes = [56, 993], strides = [1, 1]} : vector<56x1024xbf16> to vector<56x993xbf16>
    %slice3A_1430 = vector.extract_strided_slice %convert_element_type3A_1388 {offsets = [0, 0], sizes = [56, 31], strides = [1, 1]} : vector<56x1024xbf16> to vector<56x31xbf16>
    %concatenate3A_1431 = tpu.concatenate %slice3A_1429, %slice3A_1430 in 1 : vector<56x993xbf16>, vector<56x31xbf16> -> vector<56x1024xbf16>
    %slice3A_1432 = vector.extract_strided_slice %convert_element_type3A {offsets = [6, 0], sizes = [1, 1024], strides = [1, 1]} : vector<9x1024xbf16> to vector<1x1024xbf16>
    %squeeze3A_1433 = vector.shape_cast %slice3A_1432 : vector<1x1024xbf16> to vector<1024xbf16>
    %broadcast_in_dim3A_1434 = vector.shape_cast %squeeze3A_1433 : vector<1024xbf16> to vector<1x1024xbf16>
    %mul3A_1435 = vector.broadcast %broadcast_in_dim3A_1434 : vector<1x1024xbf16> to vector<56x1024xbf16>
    %mul3A_1436 = arith.mulf %concatenate3A_1431, %mul3A_1435 : vector<56x1024xbf16>
    %slice3A_1437 = vector.extract_strided_slice %convert_element_type3A_1388 {offsets = [0, 32], sizes = [56, 992], strides = [1, 1]} : vector<56x1024xbf16> to vector<56x992xbf16>
    %slice3A_1438 = vector.extract_strided_slice %convert_element_type3A_1388 {offsets = [0, 0], sizes = [56, 32], strides = [1, 1]} : vector<56x1024xbf16> to vector<56x32xbf16>
    %concatenate3A_1439 = tpu.concatenate %slice3A_1437, %slice3A_1438 in 1 : vector<56x992xbf16>, vector<56x32xbf16> -> vector<56x1024xbf16>
    %slice3A_1440 = vector.extract_strided_slice %convert_element_type3A {offsets = [7, 0], sizes = [1, 1024], strides = [1, 1]} : vector<9x1024xbf16> to vector<1x1024xbf16>
    %squeeze3A_1441 = vector.shape_cast %slice3A_1440 : vector<1x1024xbf16> to vector<1024xbf16>
    %broadcast_in_dim3A_1442 = vector.shape_cast %squeeze3A_1441 : vector<1024xbf16> to vector<1x1024xbf16>
    %mul3A_1443 = vector.broadcast %broadcast_in_dim3A_1442 : vector<1x1024xbf16> to vector<56x1024xbf16>
    %mul3A_1444 = arith.mulf %concatenate3A_1439, %mul3A_1443 : vector<56x1024xbf16>
    %slice3A_1445 = vector.extract_strided_slice %convert_element_type3A_1388 {offsets = [0, 33], sizes = [56, 991], strides = [1, 1]} : vector<56x1024xbf16> to vector<56x991xbf16>
    %slice3A_1446 = vector.extract_strided_slice %convert_element_type3A_1388 {offsets = [0, 0], sizes = [56, 33], strides = [1, 1]} : vector<56x1024xbf16> to vector<56x33xbf16>
    %concatenate3A_1447 = tpu.concatenate %slice3A_1445, %slice3A_1446 in 1 : vector<56x991xbf16>, vector<56x33xbf16> -> vector<56x1024xbf16>
    %slice3A_1448 = vector.extract_strided_slice %convert_element_type3A {offsets = [8, 0], sizes = [1, 1024], strides = [1, 1]} : vector<9x1024xbf16> to vector<1x1024xbf16>
    %squeeze3A_1449 = vector.shape_cast %slice3A_1448 : vector<1x1024xbf16> to vector<1024xbf16>
    %broadcast_in_dim3A_1450 = vector.shape_cast %squeeze3A_1449 : vector<1024xbf16> to vector<1x1024xbf16>
    %mul3A_1451 = vector.broadcast %broadcast_in_dim3A_1450 : vector<1x1024xbf16> to vector<56x1024xbf16>
    %mul3A_1452 = arith.mulf %concatenate3A_1447, %mul3A_1451 : vector<56x1024xbf16>
    %concatenate3A_1453 = tpu.concatenate %mul3A_1396, %mul3A_1404, %mul3A_1412, %mul3A_1420, %convert_element_type3A_1388, %mul3A_1428, %mul3A_1436, %mul3A_1444, %mul3A_1452 in 0 : vector<56x1024xbf16>, vector<56x1024xbf16>, vector<56x1024xbf16>, vector<56x1024xbf16>, vector<56x1024xbf16>, vector<56x1024xbf16>, vector<56x1024xbf16>, vector<56x1024xbf16>, vector<56x1024xbf16> -> vector<504x1024xbf16>
    %get3A_1454 = arith.index_cast %get3A_742 : i32 to index
    %get3A_1455 = arith.constant 0 : index
    %get3A_1456 = arith.constant 0 : index
    %get3A_1457 = vector.load %arg18[%get3A_1454, %get3A_1455, %get3A_1456] : memref<3x48x504xbf16, #tpu.memory_space<vmem>>, vector<1x48x504xbf16>
    %get3A_1458 = vector.shape_cast %get3A_1457 : vector<1x48x504xbf16> to vector<48x504xbf16>
    %dot_general3A_1459 = arith.constant dense<0.000000e+00> : vector<48x1024xf32>
    %dot_general3A_1460 = tpu.matmul %get3A_1458, %concatenate3A_1453, %dot_general3A_1459 {dimension_numbers = #tpu.dot_dimension_numbers<[1], [0], [0], [1], [0, 0, 1, 1], [], []>, transpose_lhs_hint = false} : vector<48x504xbf16>, vector<504x1024xbf16>, vector<48x1024xf32> -> vector<48x1024xf32>
    %get3A_1461 = arith.index_cast %get3A_742 : i32 to index
    %get3A_1462 = arith.constant 0 : index
    %get3A_1463 = arith.constant 0 : index
    %get3A_1464 = vector.load %arg19[%get3A_1461, %get3A_1462, %get3A_1463] : memref<3x48x1xf32, #tpu.memory_space<vmem>>, vector<1x48x1xf32>
    %get3A_1465 = vector.shape_cast %get3A_1464 : vector<1x48x1xf32> to vector<48x1xf32>
    %add3A_1466 = vector.broadcast %get3A_1465 : vector<48x1xf32> to vector<48x1024xf32>
    %add3A_1467 = arith.addf %dot_general3A_1460, %add3A_1466 : vector<48x1024xf32>
    %get3A_1468 = arith.index_cast %add3A_740 : i32 to index
    %get3A_1469 = memref.load %arg2[%get3A_1468] : memref<64xi32, #tpu.memory_space<smem>>
    %convert_element_type3A_1470 = arith.sitofp %get3A_1469 : i32 to f32
    %mul3A_1471 = vector.broadcast %convert_element_type3A_1470 : f32 to vector<48x1024xf32>
    %mul3A_1472 = arith.mulf %add3A_1467, %mul3A_1471 : vector<48x1024xf32>
    %swap3A_1473 = arith.constant 1 : index
    %swap3A_1474 = arith.constant 0 : index
    %swap3A_1475 = arith.constant 0 : index
    %swap3A_1476 = vector.load %arg20[%swap3A_1473, %swap3A_1474, %swap3A_1475] : memref<4x48x1024xf32, #tpu.memory_space<vmem>>, vector<1x48x1024xf32>
    %swap3A_1477 = vector.shape_cast %swap3A_1476 : vector<1x48x1024xf32> to vector<48x1024xf32>
    %swap3A_1478 = vector.shape_cast %mul3A_1472 : vector<48x1024xf32> to vector<1x48x1024xf32>
    tpu.vector_store %arg20[%swap3A_1473, %swap3A_1474, %swap3A_1475], %swap3A_1478 {strides = array<i32>} : memref<4x48x1024xf32, #tpu.memory_space<vmem>>, vector<1x48x1024xf32>,
    %mul3A_1479 = arith.constant 4 : i32
    %mul3A_1480 = arith.muli %arg0, %mul3A_1479 : i32
    %add3A_1481 = arith.constant 2 : i32
    %add3A_1482 = arith.addi %mul3A_1480, %add3A_1481 : i32
    %get3A_1483 = arith.index_cast %add3A_1482 : i32 to index
    %get3A_1484 = memref.load %arg1[%get3A_1483] : memref<64xi32, #tpu.memory_space<smem>>
    %get3A_1485 = arith.constant 2 : index
    %get3A_1486 = arith.constant 0 : index
    %get3A_1487 = arith.constant 0 : index
    %get3A_1488 = vector.load %arg3[%get3A_1485, %get3A_1486, %get3A_1487] : memref<4x3x1024xf32, #tpu.memory_space<vmem>>, vector<1x3x1024xf32>
    %get3A_1489 = vector.shape_cast %get3A_1488 : vector<1x3x1024xf32> to vector<3x1024xf32>
    %slice3A_1490 = vector.extract_strided_slice %get3A_1489 {offsets = [0, 958], sizes = [3, 66], strides = [1, 1]} : vector<3x1024xf32> to vector<3x66xf32>
    %slice3A_1491 = vector.extract_strided_slice %get3A_1489 {offsets = [0, 0], sizes = [3, 958], strides = [1, 1]} : vector<3x1024xf32> to vector<3x958xf32>
    %concatenate3A_1492 = tpu.concatenate %slice3A_1490, %slice3A_1491 in 1 : vector<3x66xf32>, vector<3x958xf32> -> vector<3x1024xf32>
    %slice3A_1493 = vector.extract_strided_slice %get3A_1 {offsets = [0, 0], sizes = [1, 1024], strides = [1, 1]} : vector<25x1024xf32> to vector<1x1024xf32>
    %squeeze3A_1494 = vector.shape_cast %slice3A_1493 : vector<1x1024xf32> to vector<1024xf32>
    %broadcast_in_dim3A_1495 = vector.shape_cast %squeeze3A_1494 : vector<1024xf32> to vector<1x1024xf32>
    %mul3A_1496 = vector.broadcast %broadcast_in_dim3A_1495 : vector<1x1024xf32> to vector<3x1024xf32>
    %mul3A_1497 = arith.mulf %concatenate3A_1492, %mul3A_1496 : vector<3x1024xf32>
    %slice3A_1498 = vector.extract_strided_slice %get3A_1489 {offsets = [0, 959], sizes = [3, 65], strides = [1, 1]} : vector<3x1024xf32> to vector<3x65xf32>
    %slice3A_1499 = vector.extract_strided_slice %get3A_1489 {offsets = [0, 0], sizes = [3, 959], strides = [1, 1]} : vector<3x1024xf32> to vector<3x959xf32>
    %concatenate3A_1500 = tpu.concatenate %slice3A_1498, %slice3A_1499 in 1 : vector<3x65xf32>, vector<3x959xf32> -> vector<3x1024xf32>
    %slice3A_1501 = vector.extract_strided_slice %get3A_1 {offsets = [1, 0], sizes = [1, 1024], strides = [1, 1]} : vector<25x1024xf32> to vector<1x1024xf32>
    %squeeze3A_1502 = vector.shape_cast %slice3A_1501 : vector<1x1024xf32> to vector<1024xf32>
    %broadcast_in_dim3A_1503 = vector.shape_cast %squeeze3A_1502 : vector<1024xf32> to vector<1x1024xf32>
    %mul3A_1504 = vector.broadcast %broadcast_in_dim3A_1503 : vector<1x1024xf32> to vector<3x1024xf32>
    %mul3A_1505 = arith.mulf %concatenate3A_1500, %mul3A_1504 : vector<3x1024xf32>
    %slice3A_1506 = vector.extract_strided_slice %get3A_1489 {offsets = [0, 960], sizes = [3, 64], strides = [1, 1]} : vector<3x1024xf32> to vector<3x64xf32>
    %slice3A_1507 = vector.extract_strided_slice %get3A_1489 {offsets = [0, 0], sizes = [3, 960], strides = [1, 1]} : vector<3x1024xf32> to vector<3x960xf32>
    %concatenate3A_1508 = tpu.concatenate %slice3A_1506, %slice3A_1507 in 1 : vector<3x64xf32>, vector<3x960xf32> -> vector<3x1024xf32>
    %slice3A_1509 = vector.extract_strided_slice %get3A_1 {offsets = [2, 0], sizes = [1, 1024], strides = [1, 1]} : vector<25x1024xf32> to vector<1x1024xf32>
    %squeeze3A_1510 = vector.shape_cast %slice3A_1509 : vector<1x1024xf32> to vector<1024xf32>
    %broadcast_in_dim3A_1511 = vector.shape_cast %squeeze3A_1510 : vector<1024xf32> to vector<1x1024xf32>
    %mul3A_1512 = vector.broadcast %broadcast_in_dim3A_1511 : vector<1x1024xf32> to vector<3x1024xf32>
    %mul3A_1513 = arith.mulf %concatenate3A_1508, %mul3A_1512 : vector<3x1024xf32>
    %slice3A_1514 = vector.extract_strided_slice %get3A_1489 {offsets = [0, 961], sizes = [3, 63], strides = [1, 1]} : vector<3x1024xf32> to vector<3x63xf32>
    %slice3A_1515 = vector.extract_strided_slice %get3A_1489 {offsets = [0, 0], sizes = [3, 961], strides = [1, 1]} : vector<3x1024xf32> to vector<3x961xf32>
    %concatenate3A_1516 = tpu.concatenate %slice3A_1514, %slice3A_1515 in 1 : vector<3x63xf32>, vector<3x961xf32> -> vector<3x1024xf32>
    %slice3A_1517 = vector.extract_strided_slice %get3A_1 {offsets = [3, 0], sizes = [1, 1024], strides = [1, 1]} : vector<25x1024xf32> to vector<1x1024xf32>
    %squeeze3A_1518 = vector.shape_cast %slice3A_1517 : vector<1x1024xf32> to vector<1024xf32>
    %broadcast_in_dim3A_1519 = vector.shape_cast %squeeze3A_1518 : vector<1024xf32> to vector<1x1024xf32>
    %mul3A_1520 = vector.broadcast %broadcast_in_dim3A_1519 : vector<1x1024xf32> to vector<3x1024xf32>
    %mul3A_1521 = arith.mulf %concatenate3A_1516, %mul3A_1520 : vector<3x1024xf32>
    %slice3A_1522 = vector.extract_strided_slice %get3A_1489 {offsets = [0, 962], sizes = [3, 62], strides = [1, 1]} : vector<3x1024xf32> to vector<3x62xf32>
    %slice3A_1523 = vector.extract_strided_slice %get3A_1489 {offsets = [0, 0], sizes = [3, 962], strides = [1, 1]} : vector<3x1024xf32> to vector<3x962xf32>
    %concatenate3A_1524 = tpu.concatenate %slice3A_1522, %slice3A_1523 in 1 : vector<3x62xf32>, vector<3x962xf32> -> vector<3x1024xf32>
    %slice3A_1525 = vector.extract_strided_slice %get3A_1 {offsets = [4, 0], sizes = [1, 1024], strides = [1, 1]} : vector<25x1024xf32> to vector<1x1024xf32>
    %squeeze3A_1526 = vector.shape_cast %slice3A_1525 : vector<1x1024xf32> to vector<1024xf32>
    %broadcast_in_dim3A_1527 = vector.shape_cast %squeeze3A_1526 : vector<1024xf32> to vector<1x1024xf32>
    %mul3A_1528 = vector.broadcast %broadcast_in_dim3A_1527 : vector<1x1024xf32> to vector<3x1024xf32>
    %mul3A_1529 = arith.mulf %concatenate3A_1524, %mul3A_1528 : vector<3x1024xf32>
    %slice3A_1530 = vector.extract_strided_slice %get3A_1489 {offsets = [0, 990], sizes = [3, 34], strides = [1, 1]} : vector<3x1024xf32> to vector<3x34xf32>
    %slice3A_1531 = vector.extract_strided_slice %get3A_1489 {offsets = [0, 0], sizes = [3, 990], strides = [1, 1]} : vector<3x1024xf32> to vector<3x990xf32>
    %concatenate3A_1532 = tpu.concatenate %slice3A_1530, %slice3A_1531 in 1 : vector<3x34xf32>, vector<3x990xf32> -> vector<3x1024xf32>
    %slice3A_1533 = vector.extract_strided_slice %get3A_1 {offsets = [5, 0], sizes = [1, 1024], strides = [1, 1]} : vector<25x1024xf32> to vector<1x1024xf32>
    %squeeze3A_1534 = vector.shape_cast %slice3A_1533 : vector<1x1024xf32> to vector<1024xf32>
    %broadcast_in_dim3A_1535 = vector.shape_cast %squeeze3A_1534 : vector<1024xf32> to vector<1x1024xf32>
    %mul3A_1536 = vector.broadcast %broadcast_in_dim3A_1535 : vector<1x1024xf32> to vector<3x1024xf32>
    %mul3A_1537 = arith.mulf %concatenate3A_1532, %mul3A_1536 : vector<3x1024xf32>
    %slice3A_1538 = vector.extract_strided_slice %get3A_1489 {offsets = [0, 991], sizes = [3, 33], strides = [1, 1]} : vector<3x1024xf32> to vector<3x33xf32>
    %slice3A_1539 = vector.extract_strided_slice %get3A_1489 {offsets = [0, 0], sizes = [3, 991], strides = [1, 1]} : vector<3x1024xf32> to vector<3x991xf32>
    %concatenate3A_1540 = tpu.concatenate %slice3A_1538, %slice3A_1539 in 1 : vector<3x33xf32>, vector<3x991xf32> -> vector<3x1024xf32>
    %slice3A_1541 = vector.extract_strided_slice %get3A_1 {offsets = [6, 0], sizes = [1, 1024], strides = [1, 1]} : vector<25x1024xf32> to vector<1x1024xf32>
    %squeeze3A_1542 = vector.shape_cast %slice3A_1541 : vector<1x1024xf32> to vector<1024xf32>
    %broadcast_in_dim3A_1543 = vector.shape_cast %squeeze3A_1542 : vector<1024xf32> to vector<1x1024xf32>
    %mul3A_1544 = vector.broadcast %broadcast_in_dim3A_1543 : vector<1x1024xf32> to vector<3x1024xf32>
    %mul3A_1545 = arith.mulf %concatenate3A_1540, %mul3A_1544 : vector<3x1024xf32>
    %slice3A_1546 = vector.extract_strided_slice %get3A_1489 {offsets = [0, 992], sizes = [3, 32], strides = [1, 1]} : vector<3x1024xf32> to vector<3x32xf32>
    %slice3A_1547 = vector.extract_strided_slice %get3A_1489 {offsets = [0, 0], sizes = [3, 992], strides = [1, 1]} : vector<3x1024xf32> to vector<3x992xf32>
    %concatenate3A_1548 = tpu.concatenate %slice3A_1546, %slice3A_1547 in 1 : vector<3x32xf32>, vector<3x992xf32> -> vector<3x1024xf32>
    %slice3A_1549 = vector.extract_strided_slice %get3A_1 {offsets = [7, 0], sizes = [1, 1024], strides = [1, 1]} : vector<25x1024xf32> to vector<1x1024xf32>
    %squeeze3A_1550 = vector.shape_cast %slice3A_1549 : vector<1x1024xf32> to vector<1024xf32>
    %broadcast_in_dim3A_1551 = vector.shape_cast %squeeze3A_1550 : vector<1024xf32> to vector<1x1024xf32>
    %mul3A_1552 = vector.broadcast %broadcast_in_dim3A_1551 : vector<1x1024xf32> to vector<3x1024xf32>
    %mul3A_1553 = arith.mulf %concatenate3A_1548, %mul3A_1552 : vector<3x1024xf32>
    %slice3A_1554 = vector.extract_strided_slice %get3A_1489 {offsets = [0, 993], sizes = [3, 31], strides = [1, 1]} : vector<3x1024xf32> to vector<3x31xf32>
    %slice3A_1555 = vector.extract_strided_slice %get3A_1489 {offsets = [0, 0], sizes = [3, 993], strides = [1, 1]} : vector<3x1024xf32> to vector<3x993xf32>
    %concatenate3A_1556 = tpu.concatenate %slice3A_1554, %slice3A_1555 in 1 : vector<3x31xf32>, vector<3x993xf32> -> vector<3x1024xf32>
    %slice3A_1557 = vector.extract_strided_slice %get3A_1 {offsets = [8, 0], sizes = [1, 1024], strides = [1, 1]} : vector<25x1024xf32> to vector<1x1024xf32>
    %squeeze3A_1558 = vector.shape_cast %slice3A_1557 : vector<1x1024xf32> to vector<1024xf32>
    %broadcast_in_dim3A_1559 = vector.shape_cast %squeeze3A_1558 : vector<1024xf32> to vector<1x1024xf32>
    %mul3A_1560 = vector.broadcast %broadcast_in_dim3A_1559 : vector<1x1024xf32> to vector<3x1024xf32>
    %mul3A_1561 = arith.mulf %concatenate3A_1556, %mul3A_1560 : vector<3x1024xf32>
    %slice3A_1562 = vector.extract_strided_slice %get3A_1489 {offsets = [0, 994], sizes = [3, 30], strides = [1, 1]} : vector<3x1024xf32> to vector<3x30xf32>
    %slice3A_1563 = vector.extract_strided_slice %get3A_1489 {offsets = [0, 0], sizes = [3, 994], strides = [1, 1]} : vector<3x1024xf32> to vector<3x994xf32>
    %concatenate3A_1564 = tpu.concatenate %slice3A_1562, %slice3A_1563 in 1 : vector<3x30xf32>, vector<3x994xf32> -> vector<3x1024xf32>
    %slice3A_1565 = vector.extract_strided_slice %get3A_1 {offsets = [9, 0], sizes = [1, 1024], strides = [1, 1]} : vector<25x1024xf32> to vector<1x1024xf32>
    %squeeze3A_1566 = vector.shape_cast %slice3A_1565 : vector<1x1024xf32> to vector<1024xf32>
    %broadcast_in_dim3A_1567 = vector.shape_cast %squeeze3A_1566 : vector<1024xf32> to vector<1x1024xf32>
    %mul3A_1568 = vector.broadcast %broadcast_in_dim3A_1567 : vector<1x1024xf32> to vector<3x1024xf32>
    %mul3A_1569 = arith.mulf %concatenate3A_1564, %mul3A_1568 : vector<3x1024xf32>
    %slice3A_1570 = vector.extract_strided_slice %get3A_1489 {offsets = [0, 1022], sizes = [3, 2], strides = [1, 1]} : vector<3x1024xf32> to vector<3x2xf32>
    %slice3A_1571 = vector.extract_strided_slice %get3A_1489 {offsets = [0, 0], sizes = [3, 1022], strides = [1, 1]} : vector<3x1024xf32> to vector<3x1022xf32>
    %concatenate3A_1572 = tpu.concatenate %slice3A_1570, %slice3A_1571 in 1 : vector<3x2xf32>, vector<3x1022xf32> -> vector<3x1024xf32>
    %slice3A_1573 = vector.extract_strided_slice %get3A_1 {offsets = [10, 0], sizes = [1, 1024], strides = [1, 1]} : vector<25x1024xf32> to vector<1x1024xf32>
    %squeeze3A_1574 = vector.shape_cast %slice3A_1573 : vector<1x1024xf32> to vector<1024xf32>
    %broadcast_in_dim3A_1575 = vector.shape_cast %squeeze3A_1574 : vector<1024xf32> to vector<1x1024xf32>
    %mul3A_1576 = vector.broadcast %broadcast_in_dim3A_1575 : vector<1x1024xf32> to vector<3x1024xf32>
    %mul3A_1577 = arith.mulf %concatenate3A_1572, %mul3A_1576 : vector<3x1024xf32>
    %slice3A_1578 = vector.extract_strided_slice %get3A_1489 {offsets = [0, 1023], sizes = [3, 1], strides = [1, 1]} : vector<3x1024xf32> to vector<3x1xf32>
    %slice3A_1579 = vector.extract_strided_slice %get3A_1489 {offsets = [0, 0], sizes = [3, 1023], strides = [1, 1]} : vector<3x1024xf32> to vector<3x1023xf32>
    %concatenate3A_1580 = tpu.concatenate %slice3A_1578, %slice3A_1579 in 1 : vector<3x1xf32>, vector<3x1023xf32> -> vector<3x1024xf32>
    %slice3A_1581 = vector.extract_strided_slice %get3A_1 {offsets = [11, 0], sizes = [1, 1024], strides = [1, 1]} : vector<25x1024xf32> to vector<1x1024xf32>
    %squeeze3A_1582 = vector.shape_cast %slice3A_1581 : vector<1x1024xf32> to vector<1024xf32>
    %broadcast_in_dim3A_1583 = vector.shape_cast %squeeze3A_1582 : vector<1024xf32> to vector<1x1024xf32>
    %mul3A_1584 = vector.broadcast %broadcast_in_dim3A_1583 : vector<1x1024xf32> to vector<3x1024xf32>
    %mul3A_1585 = arith.mulf %concatenate3A_1580, %mul3A_1584 : vector<3x1024xf32>
    %slice3A_1586 = vector.extract_strided_slice %get3A_1489 {offsets = [0, 1], sizes = [3, 1023], strides = [1, 1]} : vector<3x1024xf32> to vector<3x1023xf32>
    %slice3A_1587 = vector.extract_strided_slice %get3A_1489 {offsets = [0, 0], sizes = [3, 1], strides = [1, 1]} : vector<3x1024xf32> to vector<3x1xf32>
    %concatenate3A_1588 = tpu.concatenate %slice3A_1586, %slice3A_1587 in 1 : vector<3x1023xf32>, vector<3x1xf32> -> vector<3x1024xf32>
    %slice3A_1589 = vector.extract_strided_slice %get3A_1 {offsets = [13, 0], sizes = [1, 1024], strides = [1, 1]} : vector<25x1024xf32> to vector<1x1024xf32>
    %squeeze3A_1590 = vector.shape_cast %slice3A_1589 : vector<1x1024xf32> to vector<1024xf32>
    %broadcast_in_dim3A_1591 = vector.shape_cast %squeeze3A_1590 : vector<1024xf32> to vector<1x1024xf32>
    %mul3A_1592 = vector.broadcast %broadcast_in_dim3A_1591 : vector<1x1024xf32> to vector<3x1024xf32>
    %mul3A_1593 = arith.mulf %concatenate3A_1588, %mul3A_1592 : vector<3x1024xf32>
    %slice3A_1594 = vector.extract_strided_slice %get3A_1489 {offsets = [0, 2], sizes = [3, 1022], strides = [1, 1]} : vector<3x1024xf32> to vector<3x1022xf32>
    %slice3A_1595 = vector.extract_strided_slice %get3A_1489 {offsets = [0, 0], sizes = [3, 2], strides = [1, 1]} : vector<3x1024xf32> to vector<3x2xf32>
    %concatenate3A_1596 = tpu.concatenate %slice3A_1594, %slice3A_1595 in 1 : vector<3x1022xf32>, vector<3x2xf32> -> vector<3x1024xf32>
    %slice3A_1597 = vector.extract_strided_slice %get3A_1 {offsets = [14, 0], sizes = [1, 1024], strides = [1, 1]} : vector<25x1024xf32> to vector<1x1024xf32>
    %squeeze3A_1598 = vector.shape_cast %slice3A_1597 : vector<1x1024xf32> to vector<1024xf32>
    %broadcast_in_dim3A_1599 = vector.shape_cast %squeeze3A_1598 : vector<1024xf32> to vector<1x1024xf32>
    %mul3A_1600 = vector.broadcast %broadcast_in_dim3A_1599 : vector<1x1024xf32> to vector<3x1024xf32>
    %mul3A_1601 = arith.mulf %concatenate3A_1596, %mul3A_1600 : vector<3x1024xf32>
    %slice3A_1602 = vector.extract_strided_slice %get3A_1489 {offsets = [0, 30], sizes = [3, 994], strides = [1, 1]} : vector<3x1024xf32> to vector<3x994xf32>
    %slice3A_1603 = vector.extract_strided_slice %get3A_1489 {offsets = [0, 0], sizes = [3, 30], strides = [1, 1]} : vector<3x1024xf32> to vector<3x30xf32>
    %concatenate3A_1604 = tpu.concatenate %slice3A_1602, %slice3A_1603 in 1 : vector<3x994xf32>, vector<3x30xf32> -> vector<3x1024xf32>
    %slice3A_1605 = vector.extract_strided_slice %get3A_1 {offsets = [15, 0], sizes = [1, 1024], strides = [1, 1]} : vector<25x1024xf32> to vector<1x1024xf32>
    %squeeze3A_1606 = vector.shape_cast %slice3A_1605 : vector<1x1024xf32> to vector<1024xf32>
    %broadcast_in_dim3A_1607 = vector.shape_cast %squeeze3A_1606 : vector<1024xf32> to vector<1x1024xf32>
    %mul3A_1608 = vector.broadcast %broadcast_in_dim3A_1607 : vector<1x1024xf32> to vector<3x1024xf32>
    %mul3A_1609 = arith.mulf %concatenate3A_1604, %mul3A_1608 : vector<3x1024xf32>
    %slice3A_1610 = vector.extract_strided_slice %get3A_1489 {offsets = [0, 31], sizes = [3, 993], strides = [1, 1]} : vector<3x1024xf32> to vector<3x993xf32>
    %slice3A_1611 = vector.extract_strided_slice %get3A_1489 {offsets = [0, 0], sizes = [3, 31], strides = [1, 1]} : vector<3x1024xf32> to vector<3x31xf32>
    %concatenate3A_1612 = tpu.concatenate %slice3A_1610, %slice3A_1611 in 1 : vector<3x993xf32>, vector<3x31xf32> -> vector<3x1024xf32>
    %slice3A_1613 = vector.extract_strided_slice %get3A_1 {offsets = [16, 0], sizes = [1, 1024], strides = [1, 1]} : vector<25x1024xf32> to vector<1x1024xf32>
    %squeeze3A_1614 = vector.shape_cast %slice3A_1613 : vector<1x1024xf32> to vector<1024xf32>
    %broadcast_in_dim3A_1615 = vector.shape_cast %squeeze3A_1614 : vector<1024xf32> to vector<1x1024xf32>
    %mul3A_1616 = vector.broadcast %broadcast_in_dim3A_1615 : vector<1x1024xf32> to vector<3x1024xf32>
    %mul3A_1617 = arith.mulf %concatenate3A_1612, %mul3A_1616 : vector<3x1024xf32>
    %slice3A_1618 = vector.extract_strided_slice %get3A_1489 {offsets = [0, 32], sizes = [3, 992], strides = [1, 1]} : vector<3x1024xf32> to vector<3x992xf32>
    %slice3A_1619 = vector.extract_strided_slice %get3A_1489 {offsets = [0, 0], sizes = [3, 32], strides = [1, 1]} : vector<3x1024xf32> to vector<3x32xf32>
    %concatenate3A_1620 = tpu.concatenate %slice3A_1618, %slice3A_1619 in 1 : vector<3x992xf32>, vector<3x32xf32> -> vector<3x1024xf32>
    %slice3A_1621 = vector.extract_strided_slice %get3A_1 {offsets = [17, 0], sizes = [1, 1024], strides = [1, 1]} : vector<25x1024xf32> to vector<1x1024xf32>
    %squeeze3A_1622 = vector.shape_cast %slice3A_1621 : vector<1x1024xf32> to vector<1024xf32>
    %broadcast_in_dim3A_1623 = vector.shape_cast %squeeze3A_1622 : vector<1024xf32> to vector<1x1024xf32>
    %mul3A_1624 = vector.broadcast %broadcast_in_dim3A_1623 : vector<1x1024xf32> to vector<3x1024xf32>
    %mul3A_1625 = arith.mulf %concatenate3A_1620, %mul3A_1624 : vector<3x1024xf32>
    %slice3A_1626 = vector.extract_strided_slice %get3A_1489 {offsets = [0, 33], sizes = [3, 991], strides = [1, 1]} : vector<3x1024xf32> to vector<3x991xf32>
    %slice3A_1627 = vector.extract_strided_slice %get3A_1489 {offsets = [0, 0], sizes = [3, 33], strides = [1, 1]} : vector<3x1024xf32> to vector<3x33xf32>
    %concatenate3A_1628 = tpu.concatenate %slice3A_1626, %slice3A_1627 in 1 : vector<3x991xf32>, vector<3x33xf32> -> vector<3x1024xf32>
    %slice3A_1629 = vector.extract_strided_slice %get3A_1 {offsets = [18, 0], sizes = [1, 1024], strides = [1, 1]} : vector<25x1024xf32> to vector<1x1024xf32>
    %squeeze3A_1630 = vector.shape_cast %slice3A_1629 : vector<1x1024xf32> to vector<1024xf32>
    %broadcast_in_dim3A_1631 = vector.shape_cast %squeeze3A_1630 : vector<1024xf32> to vector<1x1024xf32>
    %mul3A_1632 = vector.broadcast %broadcast_in_dim3A_1631 : vector<1x1024xf32> to vector<3x1024xf32>
    %mul3A_1633 = arith.mulf %concatenate3A_1628, %mul3A_1632 : vector<3x1024xf32>
    %slice3A_1634 = vector.extract_strided_slice %get3A_1489 {offsets = [0, 34], sizes = [3, 990], strides = [1, 1]} : vector<3x1024xf32> to vector<3x990xf32>
    %slice3A_1635 = vector.extract_strided_slice %get3A_1489 {offsets = [0, 0], sizes = [3, 34], strides = [1, 1]} : vector<3x1024xf32> to vector<3x34xf32>
    %concatenate3A_1636 = tpu.concatenate %slice3A_1634, %slice3A_1635 in 1 : vector<3x990xf32>, vector<3x34xf32> -> vector<3x1024xf32>
    %slice3A_1637 = vector.extract_strided_slice %get3A_1 {offsets = [19, 0], sizes = [1, 1024], strides = [1, 1]} : vector<25x1024xf32> to vector<1x1024xf32>
    %squeeze3A_1638 = vector.shape_cast %slice3A_1637 : vector<1x1024xf32> to vector<1024xf32>
    %broadcast_in_dim3A_1639 = vector.shape_cast %squeeze3A_1638 : vector<1024xf32> to vector<1x1024xf32>
    %mul3A_1640 = vector.broadcast %broadcast_in_dim3A_1639 : vector<1x1024xf32> to vector<3x1024xf32>
    %mul3A_1641 = arith.mulf %concatenate3A_1636, %mul3A_1640 : vector<3x1024xf32>
    %slice3A_1642 = vector.extract_strided_slice %get3A_1489 {offsets = [0, 62], sizes = [3, 962], strides = [1, 1]} : vector<3x1024xf32> to vector<3x962xf32>
    %slice3A_1643 = vector.extract_strided_slice %get3A_1489 {offsets = [0, 0], sizes = [3, 62], strides = [1, 1]} : vector<3x1024xf32> to vector<3x62xf32>
    %concatenate3A_1644 = tpu.concatenate %slice3A_1642, %slice3A_1643 in 1 : vector<3x962xf32>, vector<3x62xf32> -> vector<3x1024xf32>
    %slice3A_1645 = vector.extract_strided_slice %get3A_1 {offsets = [20, 0], sizes = [1, 1024], strides = [1, 1]} : vector<25x1024xf32> to vector<1x1024xf32>
    %squeeze3A_1646 = vector.shape_cast %slice3A_1645 : vector<1x1024xf32> to vector<1024xf32>
    %broadcast_in_dim3A_1647 = vector.shape_cast %squeeze3A_1646 : vector<1024xf32> to vector<1x1024xf32>
    %mul3A_1648 = vector.broadcast %broadcast_in_dim3A_1647 : vector<1x1024xf32> to vector<3x1024xf32>
    %mul3A_1649 = arith.mulf %concatenate3A_1644, %mul3A_1648 : vector<3x1024xf32>
    %slice3A_1650 = vector.extract_strided_slice %get3A_1489 {offsets = [0, 63], sizes = [3, 961], strides = [1, 1]} : vector<3x1024xf32> to vector<3x961xf32>
    %slice3A_1651 = vector.extract_strided_slice %get3A_1489 {offsets = [0, 0], sizes = [3, 63], strides = [1, 1]} : vector<3x1024xf32> to vector<3x63xf32>
    %concatenate3A_1652 = tpu.concatenate %slice3A_1650, %slice3A_1651 in 1 : vector<3x961xf32>, vector<3x63xf32> -> vector<3x1024xf32>
    %slice3A_1653 = vector.extract_strided_slice %get3A_1 {offsets = [21, 0], sizes = [1, 1024], strides = [1, 1]} : vector<25x1024xf32> to vector<1x1024xf32>
    %squeeze3A_1654 = vector.shape_cast %slice3A_1653 : vector<1x1024xf32> to vector<1024xf32>
    %broadcast_in_dim3A_1655 = vector.shape_cast %squeeze3A_1654 : vector<1024xf32> to vector<1x1024xf32>
    %mul3A_1656 = vector.broadcast %broadcast_in_dim3A_1655 : vector<1x1024xf32> to vector<3x1024xf32>
    %mul3A_1657 = arith.mulf %concatenate3A_1652, %mul3A_1656 : vector<3x1024xf32>
    %slice3A_1658 = vector.extract_strided_slice %get3A_1489 {offsets = [0, 64], sizes = [3, 960], strides = [1, 1]} : vector<3x1024xf32> to vector<3x960xf32>
    %slice3A_1659 = vector.extract_strided_slice %get3A_1489 {offsets = [0, 0], sizes = [3, 64], strides = [1, 1]} : vector<3x1024xf32> to vector<3x64xf32>
    %concatenate3A_1660 = tpu.concatenate %slice3A_1658, %slice3A_1659 in 1 : vector<3x960xf32>, vector<3x64xf32> -> vector<3x1024xf32>
    %slice3A_1661 = vector.extract_strided_slice %get3A_1 {offsets = [22, 0], sizes = [1, 1024], strides = [1, 1]} : vector<25x1024xf32> to vector<1x1024xf32>
    %squeeze3A_1662 = vector.shape_cast %slice3A_1661 : vector<1x1024xf32> to vector<1024xf32>
    %broadcast_in_dim3A_1663 = vector.shape_cast %squeeze3A_1662 : vector<1024xf32> to vector<1x1024xf32>
    %mul3A_1664 = vector.broadcast %broadcast_in_dim3A_1663 : vector<1x1024xf32> to vector<3x1024xf32>
    %mul3A_1665 = arith.mulf %concatenate3A_1660, %mul3A_1664 : vector<3x1024xf32>
    %slice3A_1666 = vector.extract_strided_slice %get3A_1489 {offsets = [0, 65], sizes = [3, 959], strides = [1, 1]} : vector<3x1024xf32> to vector<3x959xf32>
    %slice3A_1667 = vector.extract_strided_slice %get3A_1489 {offsets = [0, 0], sizes = [3, 65], strides = [1, 1]} : vector<3x1024xf32> to vector<3x65xf32>
    %concatenate3A_1668 = tpu.concatenate %slice3A_1666, %slice3A_1667 in 1 : vector<3x959xf32>, vector<3x65xf32> -> vector<3x1024xf32>
    %slice3A_1669 = vector.extract_strided_slice %get3A_1 {offsets = [23, 0], sizes = [1, 1024], strides = [1, 1]} : vector<25x1024xf32> to vector<1x1024xf32>
    %squeeze3A_1670 = vector.shape_cast %slice3A_1669 : vector<1x1024xf32> to vector<1024xf32>
    %broadcast_in_dim3A_1671 = vector.shape_cast %squeeze3A_1670 : vector<1024xf32> to vector<1x1024xf32>
    %mul3A_1672 = vector.broadcast %broadcast_in_dim3A_1671 : vector<1x1024xf32> to vector<3x1024xf32>
    %mul3A_1673 = arith.mulf %concatenate3A_1668, %mul3A_1672 : vector<3x1024xf32>
    %slice3A_1674 = vector.extract_strided_slice %get3A_1489 {offsets = [0, 66], sizes = [3, 958], strides = [1, 1]} : vector<3x1024xf32> to vector<3x958xf32>
    %slice3A_1675 = vector.extract_strided_slice %get3A_1489 {offsets = [0, 0], sizes = [3, 66], strides = [1, 1]} : vector<3x1024xf32> to vector<3x66xf32>
    %concatenate3A_1676 = tpu.concatenate %slice3A_1674, %slice3A_1675 in 1 : vector<3x958xf32>, vector<3x66xf32> -> vector<3x1024xf32>
    %slice3A_1677 = vector.extract_strided_slice %get3A_1 {offsets = [24, 0], sizes = [1, 1024], strides = [1, 1]} : vector<25x1024xf32> to vector<1x1024xf32>
    %squeeze3A_1678 = vector.shape_cast %slice3A_1677 : vector<1x1024xf32> to vector<1024xf32>
    %broadcast_in_dim3A_1679 = vector.shape_cast %squeeze3A_1678 : vector<1024xf32> to vector<1x1024xf32>
    %mul3A_1680 = vector.broadcast %broadcast_in_dim3A_1679 : vector<1x1024xf32> to vector<3x1024xf32>
    %mul3A_1681 = arith.mulf %concatenate3A_1676, %mul3A_1680 : vector<3x1024xf32>
    %concatenate3A_1682 = tpu.concatenate %mul3A_1497, %mul3A_1505, %mul3A_1513, %mul3A_1521, %mul3A_1529, %mul3A_1537, %mul3A_1545, %mul3A_1553, %mul3A_1561, %mul3A_1569, %mul3A_1577, %mul3A_1585, %get3A_1489, %mul3A_1593, %mul3A_1601, %mul3A_1609, %mul3A_1617, %mul3A_1625, %mul3A_1633, %mul3A_1641, %mul3A_1649, %mul3A_1657, %mul3A_1665, %mul3A_1673, %mul3A_1681 in 0 : vector<3x1024xf32>, vector<3x1024xf32>, vector<3x1024xf32>, vector<3x1024xf32>, vector<3x1024xf32>, vector<3x1024xf32>, vector<3x1024xf32>, vector<3x1024xf32>, vector<3x1024xf32>, vector<3x1024xf32>, vector<3x1024xf32>, vector<3x1024xf32>, vector<3x1024xf32>, vector<3x1024xf32>, vector<3x1024xf32>, vector<3x1024xf32>, vector<3x1024xf32>, vector<3x1024xf32>, vector<3x1024xf32>, vector<3x1024xf32>, vector<3x1024xf32>, vector<3x1024xf32>, vector<3x1024xf32>, vector<3x1024xf32>, vector<3x1024xf32> -> vector<75x1024xf32>
    %get3A_1683 = arith.index_cast %get3A_1484 : i32 to index
    %get3A_1684 = arith.constant 0 : index
    %get3A_1685 = arith.constant 0 : index
    %get3A_1686 = vector.load %arg6[%get3A_1683, %get3A_1684, %get3A_1685] : memref<3x56x75xf32, #tpu.memory_space<vmem>>, vector<1x56x75xf32>
    %get3A_1687 = vector.shape_cast %get3A_1686 : vector<1x56x75xf32> to vector<56x75xf32>
    %dot_general3A_1688 = arith.constant dense<0.000000e+00> : vector<56x1024xf32>
    %dot_general3A_1689 = tpu.matmul %get3A_1687, %concatenate3A_1682, %dot_general3A_1688 {dimension_numbers = #tpu.dot_dimension_numbers<[1], [0], [0], [1], [0, 0, 1, 1], [], []>, transpose_lhs_hint = false} : vector<56x75xf32>, vector<75x1024xf32>, vector<56x1024xf32> -> vector<56x1024xf32>
    %get3A_1690 = arith.index_cast %get3A_1484 : i32 to index
    %get3A_1691 = arith.constant 0 : index
    %get3A_1692 = arith.constant 0 : index
    %get3A_1693 = vector.load %arg7[%get3A_1690, %get3A_1691, %get3A_1692] : memref<3x56x1xf32, #tpu.memory_space<vmem>>, vector<1x56x1xf32>
    %get3A_1694 = vector.shape_cast %get3A_1693 : vector<1x56x1xf32> to vector<56x1xf32>
    %get3A_1695 = arith.index_cast %get3A_1484 : i32 to index
    %get3A_1696 = arith.constant 0 : index
    %get3A_1697 = arith.constant 0 : index
    %get3A_1698 = vector.load %arg8[%get3A_1695, %get3A_1696, %get3A_1697] : memref<3x56x1xf32, #tpu.memory_space<vmem>>, vector<1x56x1xf32>
    %get3A_1699 = vector.shape_cast %get3A_1698 : vector<1x56x1xf32> to vector<56x1xf32>
    %add3A_1700 = vector.broadcast %get3A_1694 : vector<56x1xf32> to vector<56x1024xf32>
    %add3A_1701 = arith.addf %dot_general3A_1689, %add3A_1700 : vector<56x1024xf32>
    %ge3A_1702 = arith.constant 0.000000e+00 : f32
    %ge3A_1703 = vector.broadcast %ge3A_1702 : f32 to vector<56x1024xf32>
    %ge3A_1704 = arith.cmpf oge, %add3A_1701, %ge3A_1703 : vector<56x1024xf32>
    %mul3A_1705 = vector.broadcast %get3A_1699 : vector<56x1xf32> to vector<56x1024xf32>
    %mul3A_1706 = arith.mulf %mul3A_1705, %add3A_1701 : vector<56x1024xf32>
    %select_n3A_1707 = arith.select %ge3A_1704, %add3A_1701, %mul3A_1706 : vector<56x1024xi1>, vector<56x1024xf32>
    %get3A_1708 = arith.index_cast %get3A_1484 : i32 to index
    %get3A_1709 = arith.constant 0 : index
    %get3A_1710 = arith.constant 0 : index
    %get3A_1711 = vector.load %arg9[%get3A_1708, %get3A_1709, %get3A_1710] : memref<3x12x56xf32, #tpu.memory_space<vmem>>, vector<1x12x56xf32>
    %get3A_1712 = vector.shape_cast %get3A_1711 : vector<1x12x56xf32> to vector<12x56xf32>
    %dot_general3A_1713 = arith.constant dense<0.000000e+00> : vector<12x1024xf32>
    %dot_general3A_1714 = tpu.matmul %get3A_1712, %select_n3A_1707, %dot_general3A_1713 {dimension_numbers = #tpu.dot_dimension_numbers<[1], [0], [0], [1], [0, 0, 1, 1], [], []>, transpose_lhs_hint = false} : vector<12x56xf32>, vector<56x1024xf32>, vector<12x1024xf32> -> vector<12x1024xf32>
    %get3A_1715 = arith.index_cast %get3A_1484 : i32 to index
    %get3A_1716 = arith.constant 0 : index
    %get3A_1717 = arith.constant 0 : index
    %get3A_1718 = vector.load %arg10[%get3A_1715, %get3A_1716, %get3A_1717] : memref<3x12x1xf32, #tpu.memory_space<vmem>>, vector<1x12x1xf32>
    %get3A_1719 = vector.shape_cast %get3A_1718 : vector<1x12x1xf32> to vector<12x1xf32>
    %get3A_1720 = arith.index_cast %get3A_1484 : i32 to index
    %get3A_1721 = arith.constant 0 : index
    %get3A_1722 = arith.constant 0 : index
    %get3A_1723 = vector.load %arg11[%get3A_1720, %get3A_1721, %get3A_1722] : memref<3x12x1xf32, #tpu.memory_space<vmem>>, vector<1x12x1xf32>
    %get3A_1724 = vector.shape_cast %get3A_1723 : vector<1x12x1xf32> to vector<12x1xf32>
    %add3A_1725 = vector.broadcast %get3A_1719 : vector<12x1xf32> to vector<12x1024xf32>
    %add3A_1726 = arith.addf %dot_general3A_1714, %add3A_1725 : vector<12x1024xf32>
    %ge3A_1727 = arith.constant 0.000000e+00 : f32
    %ge3A_1728 = vector.broadcast %ge3A_1727 : f32 to vector<12x1024xf32>
    %ge3A_1729 = arith.cmpf oge, %add3A_1726, %ge3A_1728 : vector<12x1024xf32>
    %mul3A_1730 = vector.broadcast %get3A_1724 : vector<12x1xf32> to vector<12x1024xf32>
    %mul3A_1731 = arith.mulf %mul3A_1730, %add3A_1726 : vector<12x1024xf32>
    %select_n3A_1732 = arith.select %ge3A_1729, %add3A_1726, %mul3A_1731 : vector<12x1024xi1>, vector<12x1024xf32>
    %slice3A_1733 = vector.extract_strided_slice %select_n3A_1732 {offsets = [0, 991], sizes = [12, 33], strides = [1, 1]} : vector<12x1024xf32> to vector<12x33xf32>
    %slice3A_1734 = vector.extract_strided_slice %select_n3A_1732 {offsets = [0, 0], sizes = [12, 991], strides = [1, 1]} : vector<12x1024xf32> to vector<12x991xf32>
    %concatenate3A_1735 = tpu.concatenate %slice3A_1733, %slice3A_1734 in 1 : vector<12x33xf32>, vector<12x991xf32> -> vector<12x1024xf32>
    %slice3A_1736 = vector.extract_strided_slice %get3A_4 {offsets = [0, 0], sizes = [1, 1024], strides = [1, 1]} : vector<9x1024xf32> to vector<1x1024xf32>
    %squeeze3A_1737 = vector.shape_cast %slice3A_1736 : vector<1x1024xf32> to vector<1024xf32>
    %broadcast_in_dim3A_1738 = vector.shape_cast %squeeze3A_1737 : vector<1024xf32> to vector<1x1024xf32>
    %mul3A_1739 = vector.broadcast %broadcast_in_dim3A_1738 : vector<1x1024xf32> to vector<12x1024xf32>
    %mul3A_1740 = arith.mulf %concatenate3A_1735, %mul3A_1739 : vector<12x1024xf32>
    %slice3A_1741 = vector.extract_strided_slice %select_n3A_1732 {offsets = [0, 992], sizes = [12, 32], strides = [1, 1]} : vector<12x1024xf32> to vector<12x32xf32>
    %slice3A_1742 = vector.extract_strided_slice %select_n3A_1732 {offsets = [0, 0], sizes = [12, 992], strides = [1, 1]} : vector<12x1024xf32> to vector<12x992xf32>
    %concatenate3A_1743 = tpu.concatenate %slice3A_1741, %slice3A_1742 in 1 : vector<12x32xf32>, vector<12x992xf32> -> vector<12x1024xf32>
    %slice3A_1744 = vector.extract_strided_slice %get3A_4 {offsets = [1, 0], sizes = [1, 1024], strides = [1, 1]} : vector<9x1024xf32> to vector<1x1024xf32>
    %squeeze3A_1745 = vector.shape_cast %slice3A_1744 : vector<1x1024xf32> to vector<1024xf32>
    %broadcast_in_dim3A_1746 = vector.shape_cast %squeeze3A_1745 : vector<1024xf32> to vector<1x1024xf32>
    %mul3A_1747 = vector.broadcast %broadcast_in_dim3A_1746 : vector<1x1024xf32> to vector<12x1024xf32>
    %mul3A_1748 = arith.mulf %concatenate3A_1743, %mul3A_1747 : vector<12x1024xf32>
    %slice3A_1749 = vector.extract_strided_slice %select_n3A_1732 {offsets = [0, 993], sizes = [12, 31], strides = [1, 1]} : vector<12x1024xf32> to vector<12x31xf32>
    %slice3A_1750 = vector.extract_strided_slice %select_n3A_1732 {offsets = [0, 0], sizes = [12, 993], strides = [1, 1]} : vector<12x1024xf32> to vector<12x993xf32>
    %concatenate3A_1751 = tpu.concatenate %slice3A_1749, %slice3A_1750 in 1 : vector<12x31xf32>, vector<12x993xf32> -> vector<12x1024xf32>
    %slice3A_1752 = vector.extract_strided_slice %get3A_4 {offsets = [2, 0], sizes = [1, 1024], strides = [1, 1]} : vector<9x1024xf32> to vector<1x1024xf32>
    %squeeze3A_1753 = vector.shape_cast %slice3A_1752 : vector<1x1024xf32> to vector<1024xf32>
    %broadcast_in_dim3A_1754 = vector.shape_cast %squeeze3A_1753 : vector<1024xf32> to vector<1x1024xf32>
    %mul3A_1755 = vector.broadcast %broadcast_in_dim3A_1754 : vector<1x1024xf32> to vector<12x1024xf32>
    %mul3A_1756 = arith.mulf %concatenate3A_1751, %mul3A_1755 : vector<12x1024xf32>
    %slice3A_1757 = vector.extract_strided_slice %select_n3A_1732 {offsets = [0, 1023], sizes = [12, 1], strides = [1, 1]} : vector<12x1024xf32> to vector<12x1xf32>
    %slice3A_1758 = vector.extract_strided_slice %select_n3A_1732 {offsets = [0, 0], sizes = [12, 1023], strides = [1, 1]} : vector<12x1024xf32> to vector<12x1023xf32>
    %concatenate3A_1759 = tpu.concatenate %slice3A_1757, %slice3A_1758 in 1 : vector<12x1xf32>, vector<12x1023xf32> -> vector<12x1024xf32>
    %slice3A_1760 = vector.extract_strided_slice %get3A_4 {offsets = [3, 0], sizes = [1, 1024], strides = [1, 1]} : vector<9x1024xf32> to vector<1x1024xf32>
    %squeeze3A_1761 = vector.shape_cast %slice3A_1760 : vector<1x1024xf32> to vector<1024xf32>
    %broadcast_in_dim3A_1762 = vector.shape_cast %squeeze3A_1761 : vector<1024xf32> to vector<1x1024xf32>
    %mul3A_1763 = vector.broadcast %broadcast_in_dim3A_1762 : vector<1x1024xf32> to vector<12x1024xf32>
    %mul3A_1764 = arith.mulf %concatenate3A_1759, %mul3A_1763 : vector<12x1024xf32>
    %slice3A_1765 = vector.extract_strided_slice %select_n3A_1732 {offsets = [0, 1], sizes = [12, 1023], strides = [1, 1]} : vector<12x1024xf32> to vector<12x1023xf32>
    %slice3A_1766 = vector.extract_strided_slice %select_n3A_1732 {offsets = [0, 0], sizes = [12, 1], strides = [1, 1]} : vector<12x1024xf32> to vector<12x1xf32>
    %concatenate3A_1767 = tpu.concatenate %slice3A_1765, %slice3A_1766 in 1 : vector<12x1023xf32>, vector<12x1xf32> -> vector<12x1024xf32>
    %slice3A_1768 = vector.extract_strided_slice %get3A_4 {offsets = [5, 0], sizes = [1, 1024], strides = [1, 1]} : vector<9x1024xf32> to vector<1x1024xf32>
    %squeeze3A_1769 = vector.shape_cast %slice3A_1768 : vector<1x1024xf32> to vector<1024xf32>
    %broadcast_in_dim3A_1770 = vector.shape_cast %squeeze3A_1769 : vector<1024xf32> to vector<1x1024xf32>
    %mul3A_1771 = vector.broadcast %broadcast_in_dim3A_1770 : vector<1x1024xf32> to vector<12x1024xf32>
    %mul3A_1772 = arith.mulf %concatenate3A_1767, %mul3A_1771 : vector<12x1024xf32>
    %slice3A_1773 = vector.extract_strided_slice %select_n3A_1732 {offsets = [0, 31], sizes = [12, 993], strides = [1, 1]} : vector<12x1024xf32> to vector<12x993xf32>
    %slice3A_1774 = vector.extract_strided_slice %select_n3A_1732 {offsets = [0, 0], sizes = [12, 31], strides = [1, 1]} : vector<12x1024xf32> to vector<12x31xf32>
    %concatenate3A_1775 = tpu.concatenate %slice3A_1773, %slice3A_1774 in 1 : vector<12x993xf32>, vector<12x31xf32> -> vector<12x1024xf32>
    %slice3A_1776 = vector.extract_strided_slice %get3A_4 {offsets = [6, 0], sizes = [1, 1024], strides = [1, 1]} : vector<9x1024xf32> to vector<1x1024xf32>
    %squeeze3A_1777 = vector.shape_cast %slice3A_1776 : vector<1x1024xf32> to vector<1024xf32>
    %broadcast_in_dim3A_1778 = vector.shape_cast %squeeze3A_1777 : vector<1024xf32> to vector<1x1024xf32>
    %mul3A_1779 = vector.broadcast %broadcast_in_dim3A_1778 : vector<1x1024xf32> to vector<12x1024xf32>
    %mul3A_1780 = arith.mulf %concatenate3A_1775, %mul3A_1779 : vector<12x1024xf32>
    %slice3A_1781 = vector.extract_strided_slice %select_n3A_1732 {offsets = [0, 32], sizes = [12, 992], strides = [1, 1]} : vector<12x1024xf32> to vector<12x992xf32>
    %slice3A_1782 = vector.extract_strided_slice %select_n3A_1732 {offsets = [0, 0], sizes = [12, 32], strides = [1, 1]} : vector<12x1024xf32> to vector<12x32xf32>
    %concatenate3A_1783 = tpu.concatenate %slice3A_1781, %slice3A_1782 in 1 : vector<12x992xf32>, vector<12x32xf32> -> vector<12x1024xf32>
    %slice3A_1784 = vector.extract_strided_slice %get3A_4 {offsets = [7, 0], sizes = [1, 1024], strides = [1, 1]} : vector<9x1024xf32> to vector<1x1024xf32>
    %squeeze3A_1785 = vector.shape_cast %slice3A_1784 : vector<1x1024xf32> to vector<1024xf32>
    %broadcast_in_dim3A_1786 = vector.shape_cast %squeeze3A_1785 : vector<1024xf32> to vector<1x1024xf32>
    %mul3A_1787 = vector.broadcast %broadcast_in_dim3A_1786 : vector<1x1024xf32> to vector<12x1024xf32>
    %mul3A_1788 = arith.mulf %concatenate3A_1783, %mul3A_1787 : vector<12x1024xf32>
    %slice3A_1789 = vector.extract_strided_slice %select_n3A_1732 {offsets = [0, 33], sizes = [12, 991], strides = [1, 1]} : vector<12x1024xf32> to vector<12x991xf32>
    %slice3A_1790 = vector.extract_strided_slice %select_n3A_1732 {offsets = [0, 0], sizes = [12, 33], strides = [1, 1]} : vector<12x1024xf32> to vector<12x33xf32>
    %concatenate3A_1791 = tpu.concatenate %slice3A_1789, %slice3A_1790 in 1 : vector<12x991xf32>, vector<12x33xf32> -> vector<12x1024xf32>
    %slice3A_1792 = vector.extract_strided_slice %get3A_4 {offsets = [8, 0], sizes = [1, 1024], strides = [1, 1]} : vector<9x1024xf32> to vector<1x1024xf32>
    %squeeze3A_1793 = vector.shape_cast %slice3A_1792 : vector<1x1024xf32> to vector<1024xf32>
    %broadcast_in_dim3A_1794 = vector.shape_cast %squeeze3A_1793 : vector<1024xf32> to vector<1x1024xf32>
    %mul3A_1795 = vector.broadcast %broadcast_in_dim3A_1794 : vector<1x1024xf32> to vector<12x1024xf32>
    %mul3A_1796 = arith.mulf %concatenate3A_1791, %mul3A_1795 : vector<12x1024xf32>
    %concatenate3A_1797 = tpu.concatenate %mul3A_1740, %mul3A_1748, %mul3A_1756, %mul3A_1764, %select_n3A_1732, %mul3A_1772, %mul3A_1780, %mul3A_1788, %mul3A_1796 in 0 : vector<12x1024xf32>, vector<12x1024xf32>, vector<12x1024xf32>, vector<12x1024xf32>, vector<12x1024xf32>, vector<12x1024xf32>, vector<12x1024xf32>, vector<12x1024xf32>, vector<12x1024xf32> -> vector<108x1024xf32>
    %get3A_1798 = arith.index_cast %get3A_1484 : i32 to index
    %get3A_1799 = arith.constant 0 : index
    %get3A_1800 = arith.constant 0 : index
    %get3A_1801 = arith.constant 0 : index
    %get3A_1802 = vector.load %arg12[%get3A_1798, %get3A_1799, %get3A_1800, %get3A_1801] : memref<3x4x12x108xf32, #tpu.memory_space<vmem>>, vector<1x1x12x108xf32>
    %get3A_1803 = vector.shape_cast %get3A_1802 : vector<1x1x12x108xf32> to vector<12x108xf32>
    %dot_general3A_1804 = arith.constant dense<0.000000e+00> : vector<12x1024xf32>
    %dot_general3A_1805 = tpu.matmul %get3A_1803, %concatenate3A_1797, %dot_general3A_1804 {dimension_numbers = #tpu.dot_dimension_numbers<[1], [0], [0], [1], [0, 0, 1, 1], [], []>, transpose_lhs_hint = false} : vector<12x108xf32>, vector<108x1024xf32>, vector<12x1024xf32> -> vector<12x1024xf32>
    %get3A_1806 = arith.index_cast %get3A_1484 : i32 to index
    %get3A_1807 = arith.constant 0 : index
    %get3A_1808 = arith.constant 0 : index
    %get3A_1809 = arith.constant 0 : index
    %get3A_1810 = vector.load %arg13[%get3A_1806, %get3A_1807, %get3A_1808, %get3A_1809] : memref<3x4x12x1xf32, #tpu.memory_space<vmem>>, vector<1x1x12x1xf32>
    %get3A_1811 = vector.shape_cast %get3A_1810 : vector<1x1x12x1xf32> to vector<12x1xf32>
    %get3A_1812 = arith.index_cast %get3A_1484 : i32 to index
    %get3A_1813 = arith.constant 0 : index
    %get3A_1814 = arith.constant 0 : index
    %get3A_1815 = arith.constant 0 : index
    %get3A_1816 = vector.load %arg14[%get3A_1812, %get3A_1813, %get3A_1814, %get3A_1815] : memref<3x4x12x1xf32, #tpu.memory_space<vmem>>, vector<1x1x12x1xf32>
    %get3A_1817 = vector.shape_cast %get3A_1816 : vector<1x1x12x1xf32> to vector<12x1xf32>
    %add3A_1818 = vector.broadcast %get3A_1811 : vector<12x1xf32> to vector<12x1024xf32>
    %add3A_1819 = arith.addf %dot_general3A_1805, %add3A_1818 : vector<12x1024xf32>
    %ge3A_1820 = arith.constant 0.000000e+00 : f32
    %ge3A_1821 = vector.broadcast %ge3A_1820 : f32 to vector<12x1024xf32>
    %ge3A_1822 = arith.cmpf oge, %add3A_1819, %ge3A_1821 : vector<12x1024xf32>
    %mul3A_1823 = vector.broadcast %get3A_1817 : vector<12x1xf32> to vector<12x1024xf32>
    %mul3A_1824 = arith.mulf %mul3A_1823, %add3A_1819 : vector<12x1024xf32>
    %select_n3A_1825 = arith.select %ge3A_1822, %add3A_1819, %mul3A_1824 : vector<12x1024xi1>, vector<12x1024xf32>
    %slice3A_1826 = vector.extract_strided_slice %select_n3A_1825 {offsets = [0, 991], sizes = [12, 33], strides = [1, 1]} : vector<12x1024xf32> to vector<12x33xf32>
    %slice3A_1827 = vector.extract_strided_slice %select_n3A_1825 {offsets = [0, 0], sizes = [12, 991], strides = [1, 1]} : vector<12x1024xf32> to vector<12x991xf32>
    %concatenate3A_1828 = tpu.concatenate %slice3A_1826, %slice3A_1827 in 1 : vector<12x33xf32>, vector<12x991xf32> -> vector<12x1024xf32>
    %slice3A_1829 = vector.extract_strided_slice %get3A_4 {offsets = [0, 0], sizes = [1, 1024], strides = [1, 1]} : vector<9x1024xf32> to vector<1x1024xf32>
    %squeeze3A_1830 = vector.shape_cast %slice3A_1829 : vector<1x1024xf32> to vector<1024xf32>
    %broadcast_in_dim3A_1831 = vector.shape_cast %squeeze3A_1830 : vector<1024xf32> to vector<1x1024xf32>
    %mul3A_1832 = vector.broadcast %broadcast_in_dim3A_1831 : vector<1x1024xf32> to vector<12x1024xf32>
    %mul3A_1833 = arith.mulf %concatenate3A_1828, %mul3A_1832 : vector<12x1024xf32>
    %slice3A_1834 = vector.extract_strided_slice %select_n3A_1825 {offsets = [0, 992], sizes = [12, 32], strides = [1, 1]} : vector<12x1024xf32> to vector<12x32xf32>
    %slice3A_1835 = vector.extract_strided_slice %select_n3A_1825 {offsets = [0, 0], sizes = [12, 992], strides = [1, 1]} : vector<12x1024xf32> to vector<12x992xf32>
    %concatenate3A_1836 = tpu.concatenate %slice3A_1834, %slice3A_1835 in 1 : vector<12x32xf32>, vector<12x992xf32> -> vector<12x1024xf32>
    %slice3A_1837 = vector.extract_strided_slice %get3A_4 {offsets = [1, 0], sizes = [1, 1024], strides = [1, 1]} : vector<9x1024xf32> to vector<1x1024xf32>
    %squeeze3A_1838 = vector.shape_cast %slice3A_1837 : vector<1x1024xf32> to vector<1024xf32>
    %broadcast_in_dim3A_1839 = vector.shape_cast %squeeze3A_1838 : vector<1024xf32> to vector<1x1024xf32>
    %mul3A_1840 = vector.broadcast %broadcast_in_dim3A_1839 : vector<1x1024xf32> to vector<12x1024xf32>
    %mul3A_1841 = arith.mulf %concatenate3A_1836, %mul3A_1840 : vector<12x1024xf32>
    %slice3A_1842 = vector.extract_strided_slice %select_n3A_1825 {offsets = [0, 993], sizes = [12, 31], strides = [1, 1]} : vector<12x1024xf32> to vector<12x31xf32>
    %slice3A_1843 = vector.extract_strided_slice %select_n3A_1825 {offsets = [0, 0], sizes = [12, 993], strides = [1, 1]} : vector<12x1024xf32> to vector<12x993xf32>
    %concatenate3A_1844 = tpu.concatenate %slice3A_1842, %slice3A_1843 in 1 : vector<12x31xf32>, vector<12x993xf32> -> vector<12x1024xf32>
    %slice3A_1845 = vector.extract_strided_slice %get3A_4 {offsets = [2, 0], sizes = [1, 1024], strides = [1, 1]} : vector<9x1024xf32> to vector<1x1024xf32>
    %squeeze3A_1846 = vector.shape_cast %slice3A_1845 : vector<1x1024xf32> to vector<1024xf32>
    %broadcast_in_dim3A_1847 = vector.shape_cast %squeeze3A_1846 : vector<1024xf32> to vector<1x1024xf32>
    %mul3A_1848 = vector.broadcast %broadcast_in_dim3A_1847 : vector<1x1024xf32> to vector<12x1024xf32>
    %mul3A_1849 = arith.mulf %concatenate3A_1844, %mul3A_1848 : vector<12x1024xf32>
    %slice3A_1850 = vector.extract_strided_slice %select_n3A_1825 {offsets = [0, 1023], sizes = [12, 1], strides = [1, 1]} : vector<12x1024xf32> to vector<12x1xf32>
    %slice3A_1851 = vector.extract_strided_slice %select_n3A_1825 {offsets = [0, 0], sizes = [12, 1023], strides = [1, 1]} : vector<12x1024xf32> to vector<12x1023xf32>
    %concatenate3A_1852 = tpu.concatenate %slice3A_1850, %slice3A_1851 in 1 : vector<12x1xf32>, vector<12x1023xf32> -> vector<12x1024xf32>
    %slice3A_1853 = vector.extract_strided_slice %get3A_4 {offsets = [3, 0], sizes = [1, 1024], strides = [1, 1]} : vector<9x1024xf32> to vector<1x1024xf32>
    %squeeze3A_1854 = vector.shape_cast %slice3A_1853 : vector<1x1024xf32> to vector<1024xf32>
    %broadcast_in_dim3A_1855 = vector.shape_cast %squeeze3A_1854 : vector<1024xf32> to vector<1x1024xf32>
    %mul3A_1856 = vector.broadcast %broadcast_in_dim3A_1855 : vector<1x1024xf32> to vector<12x1024xf32>
    %mul3A_1857 = arith.mulf %concatenate3A_1852, %mul3A_1856 : vector<12x1024xf32>
    %slice3A_1858 = vector.extract_strided_slice %select_n3A_1825 {offsets = [0, 1], sizes = [12, 1023], strides = [1, 1]} : vector<12x1024xf32> to vector<12x1023xf32>
    %slice3A_1859 = vector.extract_strided_slice %select_n3A_1825 {offsets = [0, 0], sizes = [12, 1], strides = [1, 1]} : vector<12x1024xf32> to vector<12x1xf32>
    %concatenate3A_1860 = tpu.concatenate %slice3A_1858, %slice3A_1859 in 1 : vector<12x1023xf32>, vector<12x1xf32> -> vector<12x1024xf32>
    %slice3A_1861 = vector.extract_strided_slice %get3A_4 {offsets = [5, 0], sizes = [1, 1024], strides = [1, 1]} : vector<9x1024xf32> to vector<1x1024xf32>
    %squeeze3A_1862 = vector.shape_cast %slice3A_1861 : vector<1x1024xf32> to vector<1024xf32>
    %broadcast_in_dim3A_1863 = vector.shape_cast %squeeze3A_1862 : vector<1024xf32> to vector<1x1024xf32>
    %mul3A_1864 = vector.broadcast %broadcast_in_dim3A_1863 : vector<1x1024xf32> to vector<12x1024xf32>
    %mul3A_1865 = arith.mulf %concatenate3A_1860, %mul3A_1864 : vector<12x1024xf32>
    %slice3A_1866 = vector.extract_strided_slice %select_n3A_1825 {offsets = [0, 31], sizes = [12, 993], strides = [1, 1]} : vector<12x1024xf32> to vector<12x993xf32>
    %slice3A_1867 = vector.extract_strided_slice %select_n3A_1825 {offsets = [0, 0], sizes = [12, 31], strides = [1, 1]} : vector<12x1024xf32> to vector<12x31xf32>
    %concatenate3A_1868 = tpu.concatenate %slice3A_1866, %slice3A_1867 in 1 : vector<12x993xf32>, vector<12x31xf32> -> vector<12x1024xf32>
    %slice3A_1869 = vector.extract_strided_slice %get3A_4 {offsets = [6, 0], sizes = [1, 1024], strides = [1, 1]} : vector<9x1024xf32> to vector<1x1024xf32>
    %squeeze3A_1870 = vector.shape_cast %slice3A_1869 : vector<1x1024xf32> to vector<1024xf32>
    %broadcast_in_dim3A_1871 = vector.shape_cast %squeeze3A_1870 : vector<1024xf32> to vector<1x1024xf32>
    %mul3A_1872 = vector.broadcast %broadcast_in_dim3A_1871 : vector<1x1024xf32> to vector<12x1024xf32>
    %mul3A_1873 = arith.mulf %concatenate3A_1868, %mul3A_1872 : vector<12x1024xf32>
    %slice3A_1874 = vector.extract_strided_slice %select_n3A_1825 {offsets = [0, 32], sizes = [12, 992], strides = [1, 1]} : vector<12x1024xf32> to vector<12x992xf32>
    %slice3A_1875 = vector.extract_strided_slice %select_n3A_1825 {offsets = [0, 0], sizes = [12, 32], strides = [1, 1]} : vector<12x1024xf32> to vector<12x32xf32>
    %concatenate3A_1876 = tpu.concatenate %slice3A_1874, %slice3A_1875 in 1 : vector<12x992xf32>, vector<12x32xf32> -> vector<12x1024xf32>
    %slice3A_1877 = vector.extract_strided_slice %get3A_4 {offsets = [7, 0], sizes = [1, 1024], strides = [1, 1]} : vector<9x1024xf32> to vector<1x1024xf32>
    %squeeze3A_1878 = vector.shape_cast %slice3A_1877 : vector<1x1024xf32> to vector<1024xf32>
    %broadcast_in_dim3A_1879 = vector.shape_cast %squeeze3A_1878 : vector<1024xf32> to vector<1x1024xf32>
    %mul3A_1880 = vector.broadcast %broadcast_in_dim3A_1879 : vector<1x1024xf32> to vector<12x1024xf32>
    %mul3A_1881 = arith.mulf %concatenate3A_1876, %mul3A_1880 : vector<12x1024xf32>
    %slice3A_1882 = vector.extract_strided_slice %select_n3A_1825 {offsets = [0, 33], sizes = [12, 991], strides = [1, 1]} : vector<12x1024xf32> to vector<12x991xf32>
    %slice3A_1883 = vector.extract_strided_slice %select_n3A_1825 {offsets = [0, 0], sizes = [12, 33], strides = [1, 1]} : vector<12x1024xf32> to vector<12x33xf32>
    %concatenate3A_1884 = tpu.concatenate %slice3A_1882, %slice3A_1883 in 1 : vector<12x991xf32>, vector<12x33xf32> -> vector<12x1024xf32>
    %slice3A_1885 = vector.extract_strided_slice %get3A_4 {offsets = [8, 0], sizes = [1, 1024], strides = [1, 1]} : vector<9x1024xf32> to vector<1x1024xf32>
    %squeeze3A_1886 = vector.shape_cast %slice3A_1885 : vector<1x1024xf32> to vector<1024xf32>
    %broadcast_in_dim3A_1887 = vector.shape_cast %squeeze3A_1886 : vector<1024xf32> to vector<1x1024xf32>
    %mul3A_1888 = vector.broadcast %broadcast_in_dim3A_1887 : vector<1x1024xf32> to vector<12x1024xf32>
    %mul3A_1889 = arith.mulf %concatenate3A_1884, %mul3A_1888 : vector<12x1024xf32>
    %concatenate3A_1890 = tpu.concatenate %mul3A_1833, %mul3A_1841, %mul3A_1849, %mul3A_1857, %select_n3A_1825, %mul3A_1865, %mul3A_1873, %mul3A_1881, %mul3A_1889 in 0 : vector<12x1024xf32>, vector<12x1024xf32>, vector<12x1024xf32>, vector<12x1024xf32>, vector<12x1024xf32>, vector<12x1024xf32>, vector<12x1024xf32>, vector<12x1024xf32>, vector<12x1024xf32> -> vector<108x1024xf32>
    %get3A_1891 = arith.index_cast %get3A_1484 : i32 to index
    %get3A_1892 = arith.constant 1 : index
    %get3A_1893 = arith.constant 0 : index
    %get3A_1894 = arith.constant 0 : index
    %get3A_1895 = vector.load %arg12[%get3A_1891, %get3A_1892, %get3A_1893, %get3A_1894] : memref<3x4x12x108xf32, #tpu.memory_space<vmem>>, vector<1x1x12x108xf32>
    %get3A_1896 = vector.shape_cast %get3A_1895 : vector<1x1x12x108xf32> to vector<12x108xf32>
    %dot_general3A_1897 = arith.constant dense<0.000000e+00> : vector<12x1024xf32>
    %dot_general3A_1898 = tpu.matmul %get3A_1896, %concatenate3A_1890, %dot_general3A_1897 {dimension_numbers = #tpu.dot_dimension_numbers<[1], [0], [0], [1], [0, 0, 1, 1], [], []>, transpose_lhs_hint = false} : vector<12x108xf32>, vector<108x1024xf32>, vector<12x1024xf32> -> vector<12x1024xf32>
    %get3A_1899 = arith.index_cast %get3A_1484 : i32 to index
    %get3A_1900 = arith.constant 1 : index
    %get3A_1901 = arith.constant 0 : index
    %get3A_1902 = arith.constant 0 : index
    %get3A_1903 = vector.load %arg13[%get3A_1899, %get3A_1900, %get3A_1901, %get3A_1902] : memref<3x4x12x1xf32, #tpu.memory_space<vmem>>, vector<1x1x12x1xf32>
    %get3A_1904 = vector.shape_cast %get3A_1903 : vector<1x1x12x1xf32> to vector<12x1xf32>
    %get3A_1905 = arith.index_cast %get3A_1484 : i32 to index
    %get3A_1906 = arith.constant 1 : index
    %get3A_1907 = arith.constant 0 : index
    %get3A_1908 = arith.constant 0 : index
    %get3A_1909 = vector.load %arg14[%get3A_1905, %get3A_1906, %get3A_1907, %get3A_1908] : memref<3x4x12x1xf32, #tpu.memory_space<vmem>>, vector<1x1x12x1xf32>
    %get3A_1910 = vector.shape_cast %get3A_1909 : vector<1x1x12x1xf32> to vector<12x1xf32>
    %add3A_1911 = vector.broadcast %get3A_1904 : vector<12x1xf32> to vector<12x1024xf32>
    %add3A_1912 = arith.addf %dot_general3A_1898, %add3A_1911 : vector<12x1024xf32>
    %ge3A_1913 = arith.constant 0.000000e+00 : f32
    %ge3A_1914 = vector.broadcast %ge3A_1913 : f32 to vector<12x1024xf32>
    %ge3A_1915 = arith.cmpf oge, %add3A_1912, %ge3A_1914 : vector<12x1024xf32>
    %mul3A_1916 = vector.broadcast %get3A_1910 : vector<12x1xf32> to vector<12x1024xf32>
    %mul3A_1917 = arith.mulf %mul3A_1916, %add3A_1912 : vector<12x1024xf32>
    %select_n3A_1918 = arith.select %ge3A_1915, %add3A_1912, %mul3A_1917 : vector<12x1024xi1>, vector<12x1024xf32>
    %slice3A_1919 = vector.extract_strided_slice %select_n3A_1918 {offsets = [0, 991], sizes = [12, 33], strides = [1, 1]} : vector<12x1024xf32> to vector<12x33xf32>
    %slice3A_1920 = vector.extract_strided_slice %select_n3A_1918 {offsets = [0, 0], sizes = [12, 991], strides = [1, 1]} : vector<12x1024xf32> to vector<12x991xf32>
    %concatenate3A_1921 = tpu.concatenate %slice3A_1919, %slice3A_1920 in 1 : vector<12x33xf32>, vector<12x991xf32> -> vector<12x1024xf32>
    %slice3A_1922 = vector.extract_strided_slice %get3A_4 {offsets = [0, 0], sizes = [1, 1024], strides = [1, 1]} : vector<9x1024xf32> to vector<1x1024xf32>
    %squeeze3A_1923 = vector.shape_cast %slice3A_1922 : vector<1x1024xf32> to vector<1024xf32>
    %broadcast_in_dim3A_1924 = vector.shape_cast %squeeze3A_1923 : vector<1024xf32> to vector<1x1024xf32>
    %mul3A_1925 = vector.broadcast %broadcast_in_dim3A_1924 : vector<1x1024xf32> to vector<12x1024xf32>
    %mul3A_1926 = arith.mulf %concatenate3A_1921, %mul3A_1925 : vector<12x1024xf32>
    %slice3A_1927 = vector.extract_strided_slice %select_n3A_1918 {offsets = [0, 992], sizes = [12, 32], strides = [1, 1]} : vector<12x1024xf32> to vector<12x32xf32>
    %slice3A_1928 = vector.extract_strided_slice %select_n3A_1918 {offsets = [0, 0], sizes = [12, 992], strides = [1, 1]} : vector<12x1024xf32> to vector<12x992xf32>
    %concatenate3A_1929 = tpu.concatenate %slice3A_1927, %slice3A_1928 in 1 : vector<12x32xf32>, vector<12x992xf32> -> vector<12x1024xf32>
    %slice3A_1930 = vector.extract_strided_slice %get3A_4 {offsets = [1, 0], sizes = [1, 1024], strides = [1, 1]} : vector<9x1024xf32> to vector<1x1024xf32>
    %squeeze3A_1931 = vector.shape_cast %slice3A_1930 : vector<1x1024xf32> to vector<1024xf32>
    %broadcast_in_dim3A_1932 = vector.shape_cast %squeeze3A_1931 : vector<1024xf32> to vector<1x1024xf32>
    %mul3A_1933 = vector.broadcast %broadcast_in_dim3A_1932 : vector<1x1024xf32> to vector<12x1024xf32>
    %mul3A_1934 = arith.mulf %concatenate3A_1929, %mul3A_1933 : vector<12x1024xf32>
    %slice3A_1935 = vector.extract_strided_slice %select_n3A_1918 {offsets = [0, 993], sizes = [12, 31], strides = [1, 1]} : vector<12x1024xf32> to vector<12x31xf32>
    %slice3A_1936 = vector.extract_strided_slice %select_n3A_1918 {offsets = [0, 0], sizes = [12, 993], strides = [1, 1]} : vector<12x1024xf32> to vector<12x993xf32>
    %concatenate3A_1937 = tpu.concatenate %slice3A_1935, %slice3A_1936 in 1 : vector<12x31xf32>, vector<12x993xf32> -> vector<12x1024xf32>
    %slice3A_1938 = vector.extract_strided_slice %get3A_4 {offsets = [2, 0], sizes = [1, 1024], strides = [1, 1]} : vector<9x1024xf32> to vector<1x1024xf32>
    %squeeze3A_1939 = vector.shape_cast %slice3A_1938 : vector<1x1024xf32> to vector<1024xf32>
    %broadcast_in_dim3A_1940 = vector.shape_cast %squeeze3A_1939 : vector<1024xf32> to vector<1x1024xf32>
    %mul3A_1941 = vector.broadcast %broadcast_in_dim3A_1940 : vector<1x1024xf32> to vector<12x1024xf32>
    %mul3A_1942 = arith.mulf %concatenate3A_1937, %mul3A_1941 : vector<12x1024xf32>
    %slice3A_1943 = vector.extract_strided_slice %select_n3A_1918 {offsets = [0, 1023], sizes = [12, 1], strides = [1, 1]} : vector<12x1024xf32> to vector<12x1xf32>
    %slice3A_1944 = vector.extract_strided_slice %select_n3A_1918 {offsets = [0, 0], sizes = [12, 1023], strides = [1, 1]} : vector<12x1024xf32> to vector<12x1023xf32>
    %concatenate3A_1945 = tpu.concatenate %slice3A_1943, %slice3A_1944 in 1 : vector<12x1xf32>, vector<12x1023xf32> -> vector<12x1024xf32>
    %slice3A_1946 = vector.extract_strided_slice %get3A_4 {offsets = [3, 0], sizes = [1, 1024], strides = [1, 1]} : vector<9x1024xf32> to vector<1x1024xf32>
    %squeeze3A_1947 = vector.shape_cast %slice3A_1946 : vector<1x1024xf32> to vector<1024xf32>
    %broadcast_in_dim3A_1948 = vector.shape_cast %squeeze3A_1947 : vector<1024xf32> to vector<1x1024xf32>
    %mul3A_1949 = vector.broadcast %broadcast_in_dim3A_1948 : vector<1x1024xf32> to vector<12x1024xf32>
    %mul3A_1950 = arith.mulf %concatenate3A_1945, %mul3A_1949 : vector<12x1024xf32>
    %slice3A_1951 = vector.extract_strided_slice %select_n3A_1918 {offsets = [0, 1], sizes = [12, 1023], strides = [1, 1]} : vector<12x1024xf32> to vector<12x1023xf32>
    %slice3A_1952 = vector.extract_strided_slice %select_n3A_1918 {offsets = [0, 0], sizes = [12, 1], strides = [1, 1]} : vector<12x1024xf32> to vector<12x1xf32>
    %concatenate3A_1953 = tpu.concatenate %slice3A_1951, %slice3A_1952 in 1 : vector<12x1023xf32>, vector<12x1xf32> -> vector<12x1024xf32>
    %slice3A_1954 = vector.extract_strided_slice %get3A_4 {offsets = [5, 0], sizes = [1, 1024], strides = [1, 1]} : vector<9x1024xf32> to vector<1x1024xf32>
    %squeeze3A_1955 = vector.shape_cast %slice3A_1954 : vector<1x1024xf32> to vector<1024xf32>
    %broadcast_in_dim3A_1956 = vector.shape_cast %squeeze3A_1955 : vector<1024xf32> to vector<1x1024xf32>
    %mul3A_1957 = vector.broadcast %broadcast_in_dim3A_1956 : vector<1x1024xf32> to vector<12x1024xf32>
    %mul3A_1958 = arith.mulf %concatenate3A_1953, %mul3A_1957 : vector<12x1024xf32>
    %slice3A_1959 = vector.extract_strided_slice %select_n3A_1918 {offsets = [0, 31], sizes = [12, 993], strides = [1, 1]} : vector<12x1024xf32> to vector<12x993xf32>
    %slice3A_1960 = vector.extract_strided_slice %select_n3A_1918 {offsets = [0, 0], sizes = [12, 31], strides = [1, 1]} : vector<12x1024xf32> to vector<12x31xf32>
    %concatenate3A_1961 = tpu.concatenate %slice3A_1959, %slice3A_1960 in 1 : vector<12x993xf32>, vector<12x31xf32> -> vector<12x1024xf32>
    %slice3A_1962 = vector.extract_strided_slice %get3A_4 {offsets = [6, 0], sizes = [1, 1024], strides = [1, 1]} : vector<9x1024xf32> to vector<1x1024xf32>
    %squeeze3A_1963 = vector.shape_cast %slice3A_1962 : vector<1x1024xf32> to vector<1024xf32>
    %broadcast_in_dim3A_1964 = vector.shape_cast %squeeze3A_1963 : vector<1024xf32> to vector<1x1024xf32>
    %mul3A_1965 = vector.broadcast %broadcast_in_dim3A_1964 : vector<1x1024xf32> to vector<12x1024xf32>
    %mul3A_1966 = arith.mulf %concatenate3A_1961, %mul3A_1965 : vector<12x1024xf32>
    %slice3A_1967 = vector.extract_strided_slice %select_n3A_1918 {offsets = [0, 32], sizes = [12, 992], strides = [1, 1]} : vector<12x1024xf32> to vector<12x992xf32>
    %slice3A_1968 = vector.extract_strided_slice %select_n3A_1918 {offsets = [0, 0], sizes = [12, 32], strides = [1, 1]} : vector<12x1024xf32> to vector<12x32xf32>
    %concatenate3A_1969 = tpu.concatenate %slice3A_1967, %slice3A_1968 in 1 : vector<12x992xf32>, vector<12x32xf32> -> vector<12x1024xf32>
    %slice3A_1970 = vector.extract_strided_slice %get3A_4 {offsets = [7, 0], sizes = [1, 1024], strides = [1, 1]} : vector<9x1024xf32> to vector<1x1024xf32>
    %squeeze3A_1971 = vector.shape_cast %slice3A_1970 : vector<1x1024xf32> to vector<1024xf32>
    %broadcast_in_dim3A_1972 = vector.shape_cast %squeeze3A_1971 : vector<1024xf32> to vector<1x1024xf32>
    %mul3A_1973 = vector.broadcast %broadcast_in_dim3A_1972 : vector<1x1024xf32> to vector<12x1024xf32>
    %mul3A_1974 = arith.mulf %concatenate3A_1969, %mul3A_1973 : vector<12x1024xf32>
    %slice3A_1975 = vector.extract_strided_slice %select_n3A_1918 {offsets = [0, 33], sizes = [12, 991], strides = [1, 1]} : vector<12x1024xf32> to vector<12x991xf32>
    %slice3A_1976 = vector.extract_strided_slice %select_n3A_1918 {offsets = [0, 0], sizes = [12, 33], strides = [1, 1]} : vector<12x1024xf32> to vector<12x33xf32>
    %concatenate3A_1977 = tpu.concatenate %slice3A_1975, %slice3A_1976 in 1 : vector<12x991xf32>, vector<12x33xf32> -> vector<12x1024xf32>
    %slice3A_1978 = vector.extract_strided_slice %get3A_4 {offsets = [8, 0], sizes = [1, 1024], strides = [1, 1]} : vector<9x1024xf32> to vector<1x1024xf32>
    %squeeze3A_1979 = vector.shape_cast %slice3A_1978 : vector<1x1024xf32> to vector<1024xf32>
    %broadcast_in_dim3A_1980 = vector.shape_cast %squeeze3A_1979 : vector<1024xf32> to vector<1x1024xf32>
    %mul3A_1981 = vector.broadcast %broadcast_in_dim3A_1980 : vector<1x1024xf32> to vector<12x1024xf32>
    %mul3A_1982 = arith.mulf %concatenate3A_1977, %mul3A_1981 : vector<12x1024xf32>
    %concatenate3A_1983 = tpu.concatenate %mul3A_1926, %mul3A_1934, %mul3A_1942, %mul3A_1950, %select_n3A_1918, %mul3A_1958, %mul3A_1966, %mul3A_1974, %mul3A_1982 in 0 : vector<12x1024xf32>, vector<12x1024xf32>, vector<12x1024xf32>, vector<12x1024xf32>, vector<12x1024xf32>, vector<12x1024xf32>, vector<12x1024xf32>, vector<12x1024xf32>, vector<12x1024xf32> -> vector<108x1024xf32>
    %get3A_1984 = arith.index_cast %get3A_1484 : i32 to index
    %get3A_1985 = arith.constant 2 : index
    %get3A_1986 = arith.constant 0 : index
    %get3A_1987 = arith.constant 0 : index
    %get3A_1988 = vector.load %arg12[%get3A_1984, %get3A_1985, %get3A_1986, %get3A_1987] : memref<3x4x12x108xf32, #tpu.memory_space<vmem>>, vector<1x1x12x108xf32>
    %get3A_1989 = vector.shape_cast %get3A_1988 : vector<1x1x12x108xf32> to vector<12x108xf32>
    %dot_general3A_1990 = arith.constant dense<0.000000e+00> : vector<12x1024xf32>
    %dot_general3A_1991 = tpu.matmul %get3A_1989, %concatenate3A_1983, %dot_general3A_1990 {dimension_numbers = #tpu.dot_dimension_numbers<[1], [0], [0], [1], [0, 0, 1, 1], [], []>, transpose_lhs_hint = false} : vector<12x108xf32>, vector<108x1024xf32>, vector<12x1024xf32> -> vector<12x1024xf32>
    %get3A_1992 = arith.index_cast %get3A_1484 : i32 to index
    %get3A_1993 = arith.constant 2 : index
    %get3A_1994 = arith.constant 0 : index
    %get3A_1995 = arith.constant 0 : index
    %get3A_1996 = vector.load %arg13[%get3A_1992, %get3A_1993, %get3A_1994, %get3A_1995] : memref<3x4x12x1xf32, #tpu.memory_space<vmem>>, vector<1x1x12x1xf32>
    %get3A_1997 = vector.shape_cast %get3A_1996 : vector<1x1x12x1xf32> to vector<12x1xf32>
    %get3A_1998 = arith.index_cast %get3A_1484 : i32 to index
    %get3A_1999 = arith.constant 2 : index
    %get3A_2000 = arith.constant 0 : index
    %get3A_2001 = arith.constant 0 : index
    %get3A_2002 = vector.load %arg14[%get3A_1998, %get3A_1999, %get3A_2000, %get3A_2001] : memref<3x4x12x1xf32, #tpu.memory_space<vmem>>, vector<1x1x12x1xf32>
    %get3A_2003 = vector.shape_cast %get3A_2002 : vector<1x1x12x1xf32> to vector<12x1xf32>
    %add3A_2004 = vector.broadcast %get3A_1997 : vector<12x1xf32> to vector<12x1024xf32>
    %add3A_2005 = arith.addf %dot_general3A_1991, %add3A_2004 : vector<12x1024xf32>
    %ge3A_2006 = arith.constant 0.000000e+00 : f32
    %ge3A_2007 = vector.broadcast %ge3A_2006 : f32 to vector<12x1024xf32>
    %ge3A_2008 = arith.cmpf oge, %add3A_2005, %ge3A_2007 : vector<12x1024xf32>
    %mul3A_2009 = vector.broadcast %get3A_2003 : vector<12x1xf32> to vector<12x1024xf32>
    %mul3A_2010 = arith.mulf %mul3A_2009, %add3A_2005 : vector<12x1024xf32>
    %select_n3A_2011 = arith.select %ge3A_2008, %add3A_2005, %mul3A_2010 : vector<12x1024xi1>, vector<12x1024xf32>
    %slice3A_2012 = vector.extract_strided_slice %select_n3A_2011 {offsets = [0, 991], sizes = [12, 33], strides = [1, 1]} : vector<12x1024xf32> to vector<12x33xf32>
    %slice3A_2013 = vector.extract_strided_slice %select_n3A_2011 {offsets = [0, 0], sizes = [12, 991], strides = [1, 1]} : vector<12x1024xf32> to vector<12x991xf32>
    %concatenate3A_2014 = tpu.concatenate %slice3A_2012, %slice3A_2013 in 1 : vector<12x33xf32>, vector<12x991xf32> -> vector<12x1024xf32>
    %slice3A_2015 = vector.extract_strided_slice %get3A_4 {offsets = [0, 0], sizes = [1, 1024], strides = [1, 1]} : vector<9x1024xf32> to vector<1x1024xf32>
    %squeeze3A_2016 = vector.shape_cast %slice3A_2015 : vector<1x1024xf32> to vector<1024xf32>
    %broadcast_in_dim3A_2017 = vector.shape_cast %squeeze3A_2016 : vector<1024xf32> to vector<1x1024xf32>
    %mul3A_2018 = vector.broadcast %broadcast_in_dim3A_2017 : vector<1x1024xf32> to vector<12x1024xf32>
    %mul3A_2019 = arith.mulf %concatenate3A_2014, %mul3A_2018 : vector<12x1024xf32>
    %slice3A_2020 = vector.extract_strided_slice %select_n3A_2011 {offsets = [0, 992], sizes = [12, 32], strides = [1, 1]} : vector<12x1024xf32> to vector<12x32xf32>
    %slice3A_2021 = vector.extract_strided_slice %select_n3A_2011 {offsets = [0, 0], sizes = [12, 992], strides = [1, 1]} : vector<12x1024xf32> to vector<12x992xf32>
    %concatenate3A_2022 = tpu.concatenate %slice3A_2020, %slice3A_2021 in 1 : vector<12x32xf32>, vector<12x992xf32> -> vector<12x1024xf32>
    %slice3A_2023 = vector.extract_strided_slice %get3A_4 {offsets = [1, 0], sizes = [1, 1024], strides = [1, 1]} : vector<9x1024xf32> to vector<1x1024xf32>
    %squeeze3A_2024 = vector.shape_cast %slice3A_2023 : vector<1x1024xf32> to vector<1024xf32>
    %broadcast_in_dim3A_2025 = vector.shape_cast %squeeze3A_2024 : vector<1024xf32> to vector<1x1024xf32>
    %mul3A_2026 = vector.broadcast %broadcast_in_dim3A_2025 : vector<1x1024xf32> to vector<12x1024xf32>
    %mul3A_2027 = arith.mulf %concatenate3A_2022, %mul3A_2026 : vector<12x1024xf32>
    %slice3A_2028 = vector.extract_strided_slice %select_n3A_2011 {offsets = [0, 993], sizes = [12, 31], strides = [1, 1]} : vector<12x1024xf32> to vector<12x31xf32>
    %slice3A_2029 = vector.extract_strided_slice %select_n3A_2011 {offsets = [0, 0], sizes = [12, 993], strides = [1, 1]} : vector<12x1024xf32> to vector<12x993xf32>
    %concatenate3A_2030 = tpu.concatenate %slice3A_2028, %slice3A_2029 in 1 : vector<12x31xf32>, vector<12x993xf32> -> vector<12x1024xf32>
    %slice3A_2031 = vector.extract_strided_slice %get3A_4 {offsets = [2, 0], sizes = [1, 1024], strides = [1, 1]} : vector<9x1024xf32> to vector<1x1024xf32>
    %squeeze3A_2032 = vector.shape_cast %slice3A_2031 : vector<1x1024xf32> to vector<1024xf32>
    %broadcast_in_dim3A_2033 = vector.shape_cast %squeeze3A_2032 : vector<1024xf32> to vector<1x1024xf32>
    %mul3A_2034 = vector.broadcast %broadcast_in_dim3A_2033 : vector<1x1024xf32> to vector<12x1024xf32>
    %mul3A_2035 = arith.mulf %concatenate3A_2030, %mul3A_2034 : vector<12x1024xf32>
    %slice3A_2036 = vector.extract_strided_slice %select_n3A_2011 {offsets = [0, 1023], sizes = [12, 1], strides = [1, 1]} : vector<12x1024xf32> to vector<12x1xf32>
    %slice3A_2037 = vector.extract_strided_slice %select_n3A_2011 {offsets = [0, 0], sizes = [12, 1023], strides = [1, 1]} : vector<12x1024xf32> to vector<12x1023xf32>
    %concatenate3A_2038 = tpu.concatenate %slice3A_2036, %slice3A_2037 in 1 : vector<12x1xf32>, vector<12x1023xf32> -> vector<12x1024xf32>
    %slice3A_2039 = vector.extract_strided_slice %get3A_4 {offsets = [3, 0], sizes = [1, 1024], strides = [1, 1]} : vector<9x1024xf32> to vector<1x1024xf32>
    %squeeze3A_2040 = vector.shape_cast %slice3A_2039 : vector<1x1024xf32> to vector<1024xf32>
    %broadcast_in_dim3A_2041 = vector.shape_cast %squeeze3A_2040 : vector<1024xf32> to vector<1x1024xf32>
    %mul3A_2042 = vector.broadcast %broadcast_in_dim3A_2041 : vector<1x1024xf32> to vector<12x1024xf32>
    %mul3A_2043 = arith.mulf %concatenate3A_2038, %mul3A_2042 : vector<12x1024xf32>
    %slice3A_2044 = vector.extract_strided_slice %select_n3A_2011 {offsets = [0, 1], sizes = [12, 1023], strides = [1, 1]} : vector<12x1024xf32> to vector<12x1023xf32>
    %slice3A_2045 = vector.extract_strided_slice %select_n3A_2011 {offsets = [0, 0], sizes = [12, 1], strides = [1, 1]} : vector<12x1024xf32> to vector<12x1xf32>
    %concatenate3A_2046 = tpu.concatenate %slice3A_2044, %slice3A_2045 in 1 : vector<12x1023xf32>, vector<12x1xf32> -> vector<12x1024xf32>
    %slice3A_2047 = vector.extract_strided_slice %get3A_4 {offsets = [5, 0], sizes = [1, 1024], strides = [1, 1]} : vector<9x1024xf32> to vector<1x1024xf32>
    %squeeze3A_2048 = vector.shape_cast %slice3A_2047 : vector<1x1024xf32> to vector<1024xf32>
    %broadcast_in_dim3A_2049 = vector.shape_cast %squeeze3A_2048 : vector<1024xf32> to vector<1x1024xf32>
    %mul3A_2050 = vector.broadcast %broadcast_in_dim3A_2049 : vector<1x1024xf32> to vector<12x1024xf32>
    %mul3A_2051 = arith.mulf %concatenate3A_2046, %mul3A_2050 : vector<12x1024xf32>
    %slice3A_2052 = vector.extract_strided_slice %select_n3A_2011 {offsets = [0, 31], sizes = [12, 993], strides = [1, 1]} : vector<12x1024xf32> to vector<12x993xf32>
    %slice3A_2053 = vector.extract_strided_slice %select_n3A_2011 {offsets = [0, 0], sizes = [12, 31], strides = [1, 1]} : vector<12x1024xf32> to vector<12x31xf32>
    %concatenate3A_2054 = tpu.concatenate %slice3A_2052, %slice3A_2053 in 1 : vector<12x993xf32>, vector<12x31xf32> -> vector<12x1024xf32>
    %slice3A_2055 = vector.extract_strided_slice %get3A_4 {offsets = [6, 0], sizes = [1, 1024], strides = [1, 1]} : vector<9x1024xf32> to vector<1x1024xf32>
    %squeeze3A_2056 = vector.shape_cast %slice3A_2055 : vector<1x1024xf32> to vector<1024xf32>
    %broadcast_in_dim3A_2057 = vector.shape_cast %squeeze3A_2056 : vector<1024xf32> to vector<1x1024xf32>
    %mul3A_2058 = vector.broadcast %broadcast_in_dim3A_2057 : vector<1x1024xf32> to vector<12x1024xf32>
    %mul3A_2059 = arith.mulf %concatenate3A_2054, %mul3A_2058 : vector<12x1024xf32>
    %slice3A_2060 = vector.extract_strided_slice %select_n3A_2011 {offsets = [0, 32], sizes = [12, 992], strides = [1, 1]} : vector<12x1024xf32> to vector<12x992xf32>
    %slice3A_2061 = vector.extract_strided_slice %select_n3A_2011 {offsets = [0, 0], sizes = [12, 32], strides = [1, 1]} : vector<12x1024xf32> to vector<12x32xf32>
    %concatenate3A_2062 = tpu.concatenate %slice3A_2060, %slice3A_2061 in 1 : vector<12x992xf32>, vector<12x32xf32> -> vector<12x1024xf32>
    %slice3A_2063 = vector.extract_strided_slice %get3A_4 {offsets = [7, 0], sizes = [1, 1024], strides = [1, 1]} : vector<9x1024xf32> to vector<1x1024xf32>
    %squeeze3A_2064 = vector.shape_cast %slice3A_2063 : vector<1x1024xf32> to vector<1024xf32>
    %broadcast_in_dim3A_2065 = vector.shape_cast %squeeze3A_2064 : vector<1024xf32> to vector<1x1024xf32>
    %mul3A_2066 = vector.broadcast %broadcast_in_dim3A_2065 : vector<1x1024xf32> to vector<12x1024xf32>
    %mul3A_2067 = arith.mulf %concatenate3A_2062, %mul3A_2066 : vector<12x1024xf32>
    %slice3A_2068 = vector.extract_strided_slice %select_n3A_2011 {offsets = [0, 33], sizes = [12, 991], strides = [1, 1]} : vector<12x1024xf32> to vector<12x991xf32>
    %slice3A_2069 = vector.extract_strided_slice %select_n3A_2011 {offsets = [0, 0], sizes = [12, 33], strides = [1, 1]} : vector<12x1024xf32> to vector<12x33xf32>
    %concatenate3A_2070 = tpu.concatenate %slice3A_2068, %slice3A_2069 in 1 : vector<12x991xf32>, vector<12x33xf32> -> vector<12x1024xf32>
    %slice3A_2071 = vector.extract_strided_slice %get3A_4 {offsets = [8, 0], sizes = [1, 1024], strides = [1, 1]} : vector<9x1024xf32> to vector<1x1024xf32>
    %squeeze3A_2072 = vector.shape_cast %slice3A_2071 : vector<1x1024xf32> to vector<1024xf32>
    %broadcast_in_dim3A_2073 = vector.shape_cast %squeeze3A_2072 : vector<1024xf32> to vector<1x1024xf32>
    %mul3A_2074 = vector.broadcast %broadcast_in_dim3A_2073 : vector<1x1024xf32> to vector<12x1024xf32>
    %mul3A_2075 = arith.mulf %concatenate3A_2070, %mul3A_2074 : vector<12x1024xf32>
    %concatenate3A_2076 = tpu.concatenate %mul3A_2019, %mul3A_2027, %mul3A_2035, %mul3A_2043, %select_n3A_2011, %mul3A_2051, %mul3A_2059, %mul3A_2067, %mul3A_2075 in 0 : vector<12x1024xf32>, vector<12x1024xf32>, vector<12x1024xf32>, vector<12x1024xf32>, vector<12x1024xf32>, vector<12x1024xf32>, vector<12x1024xf32>, vector<12x1024xf32>, vector<12x1024xf32> -> vector<108x1024xf32>
    %get3A_2077 = arith.index_cast %get3A_1484 : i32 to index
    %get3A_2078 = arith.constant 3 : index
    %get3A_2079 = arith.constant 0 : index
    %get3A_2080 = arith.constant 0 : index
    %get3A_2081 = vector.load %arg12[%get3A_2077, %get3A_2078, %get3A_2079, %get3A_2080] : memref<3x4x12x108xf32, #tpu.memory_space<vmem>>, vector<1x1x12x108xf32>
    %get3A_2082 = vector.shape_cast %get3A_2081 : vector<1x1x12x108xf32> to vector<12x108xf32>
    %dot_general3A_2083 = arith.constant dense<0.000000e+00> : vector<12x1024xf32>
    %dot_general3A_2084 = tpu.matmul %get3A_2082, %concatenate3A_2076, %dot_general3A_2083 {dimension_numbers = #tpu.dot_dimension_numbers<[1], [0], [0], [1], [0, 0, 1, 1], [], []>, transpose_lhs_hint = false} : vector<12x108xf32>, vector<108x1024xf32>, vector<12x1024xf32> -> vector<12x1024xf32>
    %get3A_2085 = arith.index_cast %get3A_1484 : i32 to index
    %get3A_2086 = arith.constant 3 : index
    %get3A_2087 = arith.constant 0 : index
    %get3A_2088 = arith.constant 0 : index
    %get3A_2089 = vector.load %arg13[%get3A_2085, %get3A_2086, %get3A_2087, %get3A_2088] : memref<3x4x12x1xf32, #tpu.memory_space<vmem>>, vector<1x1x12x1xf32>
    %get3A_2090 = vector.shape_cast %get3A_2089 : vector<1x1x12x1xf32> to vector<12x1xf32>
    %get3A_2091 = arith.index_cast %get3A_1484 : i32 to index
    %get3A_2092 = arith.constant 3 : index
    %get3A_2093 = arith.constant 0 : index
    %get3A_2094 = arith.constant 0 : index
    %get3A_2095 = vector.load %arg14[%get3A_2091, %get3A_2092, %get3A_2093, %get3A_2094] : memref<3x4x12x1xf32, #tpu.memory_space<vmem>>, vector<1x1x12x1xf32>
    %get3A_2096 = vector.shape_cast %get3A_2095 : vector<1x1x12x1xf32> to vector<12x1xf32>
    %add3A_2097 = vector.broadcast %get3A_2090 : vector<12x1xf32> to vector<12x1024xf32>
    %add3A_2098 = arith.addf %dot_general3A_2084, %add3A_2097 : vector<12x1024xf32>
    %ge3A_2099 = arith.constant 0.000000e+00 : f32
    %ge3A_2100 = vector.broadcast %ge3A_2099 : f32 to vector<12x1024xf32>
    %ge3A_2101 = arith.cmpf oge, %add3A_2098, %ge3A_2100 : vector<12x1024xf32>
    %mul3A_2102 = vector.broadcast %get3A_2096 : vector<12x1xf32> to vector<12x1024xf32>
    %mul3A_2103 = arith.mulf %mul3A_2102, %add3A_2098 : vector<12x1024xf32>
    %select_n3A_2104 = arith.select %ge3A_2101, %add3A_2098, %mul3A_2103 : vector<12x1024xi1>, vector<12x1024xf32>
    %get3A_2105 = arith.index_cast %get3A_1484 : i32 to index
    %get3A_2106 = arith.constant 0 : index
    %get3A_2107 = arith.constant 0 : index
    %get3A_2108 = vector.load %arg15[%get3A_2105, %get3A_2106, %get3A_2107] : memref<3x56x12xf32, #tpu.memory_space<vmem>>, vector<1x56x12xf32>
    %get3A_2109 = vector.shape_cast %get3A_2108 : vector<1x56x12xf32> to vector<56x12xf32>
    %dot_general3A_2110 = arith.constant dense<0.000000e+00> : vector<56x1024xf32>
    %dot_general3A_2111 = tpu.matmul %get3A_2109, %select_n3A_2104, %dot_general3A_2110 {dimension_numbers = #tpu.dot_dimension_numbers<[1], [0], [0], [1], [0, 0, 1, 1], [], []>, transpose_lhs_hint = false} : vector<56x12xf32>, vector<12x1024xf32>, vector<56x1024xf32> -> vector<56x1024xf32>
    %get3A_2112 = arith.index_cast %get3A_1484 : i32 to index
    %get3A_2113 = arith.constant 0 : index
    %get3A_2114 = arith.constant 0 : index
    %get3A_2115 = vector.load %arg16[%get3A_2112, %get3A_2113, %get3A_2114] : memref<3x56x1xf32, #tpu.memory_space<vmem>>, vector<1x56x1xf32>
    %get3A_2116 = vector.shape_cast %get3A_2115 : vector<1x56x1xf32> to vector<56x1xf32>
    %get3A_2117 = arith.index_cast %get3A_1484 : i32 to index
    %get3A_2118 = arith.constant 0 : index
    %get3A_2119 = arith.constant 0 : index
    %get3A_2120 = vector.load %arg17[%get3A_2117, %get3A_2118, %get3A_2119] : memref<3x56x1xf32, #tpu.memory_space<vmem>>, vector<1x56x1xf32>
    %get3A_2121 = vector.shape_cast %get3A_2120 : vector<1x56x1xf32> to vector<56x1xf32>
    %add3A_2122 = vector.broadcast %get3A_2116 : vector<56x1xf32> to vector<56x1024xf32>
    %add3A_2123 = arith.addf %dot_general3A_2111, %add3A_2122 : vector<56x1024xf32>
    %ge3A_2124 = arith.constant 0.000000e+00 : f32
    %ge3A_2125 = vector.broadcast %ge3A_2124 : f32 to vector<56x1024xf32>
    %ge3A_2126 = arith.cmpf oge, %add3A_2123, %ge3A_2125 : vector<56x1024xf32>
    %mul3A_2127 = vector.broadcast %get3A_2121 : vector<56x1xf32> to vector<56x1024xf32>
    %mul3A_2128 = arith.mulf %mul3A_2127, %add3A_2123 : vector<56x1024xf32>
    %select_n3A_2129 = arith.select %ge3A_2126, %add3A_2123, %mul3A_2128 : vector<56x1024xi1>, vector<56x1024xf32>
    %convert_element_type3A_2130 = arith.truncf %select_n3A_2129 : vector<56x1024xf32> to vector<56x1024xbf16>
    %slice3A_2131 = vector.extract_strided_slice %convert_element_type3A_2130 {offsets = [0, 991], sizes = [56, 33], strides = [1, 1]} : vector<56x1024xbf16> to vector<56x33xbf16>
    %slice3A_2132 = vector.extract_strided_slice %convert_element_type3A_2130 {offsets = [0, 0], sizes = [56, 991], strides = [1, 1]} : vector<56x1024xbf16> to vector<56x991xbf16>
    %concatenate3A_2133 = tpu.concatenate %slice3A_2131, %slice3A_2132 in 1 : vector<56x33xbf16>, vector<56x991xbf16> -> vector<56x1024xbf16>
    %slice3A_2134 = vector.extract_strided_slice %convert_element_type3A {offsets = [0, 0], sizes = [1, 1024], strides = [1, 1]} : vector<9x1024xbf16> to vector<1x1024xbf16>
    %squeeze3A_2135 = vector.shape_cast %slice3A_2134 : vector<1x1024xbf16> to vector<1024xbf16>
    %broadcast_in_dim3A_2136 = vector.shape_cast %squeeze3A_2135 : vector<1024xbf16> to vector<1x1024xbf16>
    %mul3A_2137 = vector.broadcast %broadcast_in_dim3A_2136 : vector<1x1024xbf16> to vector<56x1024xbf16>
    %mul3A_2138 = arith.mulf %concatenate3A_2133, %mul3A_2137 : vector<56x1024xbf16>
    %slice3A_2139 = vector.extract_strided_slice %convert_element_type3A_2130 {offsets = [0, 992], sizes = [56, 32], strides = [1, 1]} : vector<56x1024xbf16> to vector<56x32xbf16>
    %slice3A_2140 = vector.extract_strided_slice %convert_element_type3A_2130 {offsets = [0, 0], sizes = [56, 992], strides = [1, 1]} : vector<56x1024xbf16> to vector<56x992xbf16>
    %concatenate3A_2141 = tpu.concatenate %slice3A_2139, %slice3A_2140 in 1 : vector<56x32xbf16>, vector<56x992xbf16> -> vector<56x1024xbf16>
    %slice3A_2142 = vector.extract_strided_slice %convert_element_type3A {offsets = [1, 0], sizes = [1, 1024], strides = [1, 1]} : vector<9x1024xbf16> to vector<1x1024xbf16>
    %squeeze3A_2143 = vector.shape_cast %slice3A_2142 : vector<1x1024xbf16> to vector<1024xbf16>
    %broadcast_in_dim3A_2144 = vector.shape_cast %squeeze3A_2143 : vector<1024xbf16> to vector<1x1024xbf16>
    %mul3A_2145 = vector.broadcast %broadcast_in_dim3A_2144 : vector<1x1024xbf16> to vector<56x1024xbf16>
    %mul3A_2146 = arith.mulf %concatenate3A_2141, %mul3A_2145 : vector<56x1024xbf16>
    %slice3A_2147 = vector.extract_strided_slice %convert_element_type3A_2130 {offsets = [0, 993], sizes = [56, 31], strides = [1, 1]} : vector<56x1024xbf16> to vector<56x31xbf16>
    %slice3A_2148 = vector.extract_strided_slice %convert_element_type3A_2130 {offsets = [0, 0], sizes = [56, 993], strides = [1, 1]} : vector<56x1024xbf16> to vector<56x993xbf16>
    %concatenate3A_2149 = tpu.concatenate %slice3A_2147, %slice3A_2148 in 1 : vector<56x31xbf16>, vector<56x993xbf16> -> vector<56x1024xbf16>
    %slice3A_2150 = vector.extract_strided_slice %convert_element_type3A {offsets = [2, 0], sizes = [1, 1024], strides = [1, 1]} : vector<9x1024xbf16> to vector<1x1024xbf16>
    %squeeze3A_2151 = vector.shape_cast %slice3A_2150 : vector<1x1024xbf16> to vector<1024xbf16>
    %broadcast_in_dim3A_2152 = vector.shape_cast %squeeze3A_2151 : vector<1024xbf16> to vector<1x1024xbf16>
    %mul3A_2153 = vector.broadcast %broadcast_in_dim3A_2152 : vector<1x1024xbf16> to vector<56x1024xbf16>
    %mul3A_2154 = arith.mulf %concatenate3A_2149, %mul3A_2153 : vector<56x1024xbf16>
    %slice3A_2155 = vector.extract_strided_slice %convert_element_type3A_2130 {offsets = [0, 1023], sizes = [56, 1], strides = [1, 1]} : vector<56x1024xbf16> to vector<56x1xbf16>
    %slice3A_2156 = vector.extract_strided_slice %convert_element_type3A_2130 {offsets = [0, 0], sizes = [56, 1023], strides = [1, 1]} : vector<56x1024xbf16> to vector<56x1023xbf16>
    %concatenate3A_2157 = tpu.concatenate %slice3A_2155, %slice3A_2156 in 1 : vector<56x1xbf16>, vector<56x1023xbf16> -> vector<56x1024xbf16>
    %slice3A_2158 = vector.extract_strided_slice %convert_element_type3A {offsets = [3, 0], sizes = [1, 1024], strides = [1, 1]} : vector<9x1024xbf16> to vector<1x1024xbf16>
    %squeeze3A_2159 = vector.shape_cast %slice3A_2158 : vector<1x1024xbf16> to vector<1024xbf16>
    %broadcast_in_dim3A_2160 = vector.shape_cast %squeeze3A_2159 : vector<1024xbf16> to vector<1x1024xbf16>
    %mul3A_2161 = vector.broadcast %broadcast_in_dim3A_2160 : vector<1x1024xbf16> to vector<56x1024xbf16>
    %mul3A_2162 = arith.mulf %concatenate3A_2157, %mul3A_2161 : vector<56x1024xbf16>
    %slice3A_2163 = vector.extract_strided_slice %convert_element_type3A_2130 {offsets = [0, 1], sizes = [56, 1023], strides = [1, 1]} : vector<56x1024xbf16> to vector<56x1023xbf16>
    %slice3A_2164 = vector.extract_strided_slice %convert_element_type3A_2130 {offsets = [0, 0], sizes = [56, 1], strides = [1, 1]} : vector<56x1024xbf16> to vector<56x1xbf16>
    %concatenate3A_2165 = tpu.concatenate %slice3A_2163, %slice3A_2164 in 1 : vector<56x1023xbf16>, vector<56x1xbf16> -> vector<56x1024xbf16>
    %slice3A_2166 = vector.extract_strided_slice %convert_element_type3A {offsets = [5, 0], sizes = [1, 1024], strides = [1, 1]} : vector<9x1024xbf16> to vector<1x1024xbf16>
    %squeeze3A_2167 = vector.shape_cast %slice3A_2166 : vector<1x1024xbf16> to vector<1024xbf16>
    %broadcast_in_dim3A_2168 = vector.shape_cast %squeeze3A_2167 : vector<1024xbf16> to vector<1x1024xbf16>
    %mul3A_2169 = vector.broadcast %broadcast_in_dim3A_2168 : vector<1x1024xbf16> to vector<56x1024xbf16>
    %mul3A_2170 = arith.mulf %concatenate3A_2165, %mul3A_2169 : vector<56x1024xbf16>
    %slice3A_2171 = vector.extract_strided_slice %convert_element_type3A_2130 {offsets = [0, 31], sizes = [56, 993], strides = [1, 1]} : vector<56x1024xbf16> to vector<56x993xbf16>
    %slice3A_2172 = vector.extract_strided_slice %convert_element_type3A_2130 {offsets = [0, 0], sizes = [56, 31], strides = [1, 1]} : vector<56x1024xbf16> to vector<56x31xbf16>
    %concatenate3A_2173 = tpu.concatenate %slice3A_2171, %slice3A_2172 in 1 : vector<56x993xbf16>, vector<56x31xbf16> -> vector<56x1024xbf16>
    %slice3A_2174 = vector.extract_strided_slice %convert_element_type3A {offsets = [6, 0], sizes = [1, 1024], strides = [1, 1]} : vector<9x1024xbf16> to vector<1x1024xbf16>
    %squeeze3A_2175 = vector.shape_cast %slice3A_2174 : vector<1x1024xbf16> to vector<1024xbf16>
    %broadcast_in_dim3A_2176 = vector.shape_cast %squeeze3A_2175 : vector<1024xbf16> to vector<1x1024xbf16>
    %mul3A_2177 = vector.broadcast %broadcast_in_dim3A_2176 : vector<1x1024xbf16> to vector<56x1024xbf16>
    %mul3A_2178 = arith.mulf %concatenate3A_2173, %mul3A_2177 : vector<56x1024xbf16>
    %slice3A_2179 = vector.extract_strided_slice %convert_element_type3A_2130 {offsets = [0, 32], sizes = [56, 992], strides = [1, 1]} : vector<56x1024xbf16> to vector<56x992xbf16>
    %slice3A_2180 = vector.extract_strided_slice %convert_element_type3A_2130 {offsets = [0, 0], sizes = [56, 32], strides = [1, 1]} : vector<56x1024xbf16> to vector<56x32xbf16>
    %concatenate3A_2181 = tpu.concatenate %slice3A_2179, %slice3A_2180 in 1 : vector<56x992xbf16>, vector<56x32xbf16> -> vector<56x1024xbf16>
    %slice3A_2182 = vector.extract_strided_slice %convert_element_type3A {offsets = [7, 0], sizes = [1, 1024], strides = [1, 1]} : vector<9x1024xbf16> to vector<1x1024xbf16>
    %squeeze3A_2183 = vector.shape_cast %slice3A_2182 : vector<1x1024xbf16> to vector<1024xbf16>
    %broadcast_in_dim3A_2184 = vector.shape_cast %squeeze3A_2183 : vector<1024xbf16> to vector<1x1024xbf16>
    %mul3A_2185 = vector.broadcast %broadcast_in_dim3A_2184 : vector<1x1024xbf16> to vector<56x1024xbf16>
    %mul3A_2186 = arith.mulf %concatenate3A_2181, %mul3A_2185 : vector<56x1024xbf16>
    %slice3A_2187 = vector.extract_strided_slice %convert_element_type3A_2130 {offsets = [0, 33], sizes = [56, 991], strides = [1, 1]} : vector<56x1024xbf16> to vector<56x991xbf16>
    %slice3A_2188 = vector.extract_strided_slice %convert_element_type3A_2130 {offsets = [0, 0], sizes = [56, 33], strides = [1, 1]} : vector<56x1024xbf16> to vector<56x33xbf16>
    %concatenate3A_2189 = tpu.concatenate %slice3A_2187, %slice3A_2188 in 1 : vector<56x991xbf16>, vector<56x33xbf16> -> vector<56x1024xbf16>
    %slice3A_2190 = vector.extract_strided_slice %convert_element_type3A {offsets = [8, 0], sizes = [1, 1024], strides = [1, 1]} : vector<9x1024xbf16> to vector<1x1024xbf16>
    %squeeze3A_2191 = vector.shape_cast %slice3A_2190 : vector<1x1024xbf16> to vector<1024xbf16>
    %broadcast_in_dim3A_2192 = vector.shape_cast %squeeze3A_2191 : vector<1024xbf16> to vector<1x1024xbf16>
    %mul3A_2193 = vector.broadcast %broadcast_in_dim3A_2192 : vector<1x1024xbf16> to vector<56x1024xbf16>
    %mul3A_2194 = arith.mulf %concatenate3A_2189, %mul3A_2193 : vector<56x1024xbf16>
    %concatenate3A_2195 = tpu.concatenate %mul3A_2138, %mul3A_2146, %mul3A_2154, %mul3A_2162, %convert_element_type3A_2130, %mul3A_2170, %mul3A_2178, %mul3A_2186, %mul3A_2194 in 0 : vector<56x1024xbf16>, vector<56x1024xbf16>, vector<56x1024xbf16>, vector<56x1024xbf16>, vector<56x1024xbf16>, vector<56x1024xbf16>, vector<56x1024xbf16>, vector<56x1024xbf16>, vector<56x1024xbf16> -> vector<504x1024xbf16>
    %get3A_2196 = arith.index_cast %get3A_1484 : i32 to index
    %get3A_2197 = arith.constant 0 : index
    %get3A_2198 = arith.constant 0 : index
    %get3A_2199 = vector.load %arg18[%get3A_2196, %get3A_2197, %get3A_2198] : memref<3x48x504xbf16, #tpu.memory_space<vmem>>, vector<1x48x504xbf16>
    %get3A_2200 = vector.shape_cast %get3A_2199 : vector<1x48x504xbf16> to vector<48x504xbf16>
    %dot_general3A_2201 = arith.constant dense<0.000000e+00> : vector<48x1024xf32>
    %dot_general3A_2202 = tpu.matmul %get3A_2200, %concatenate3A_2195, %dot_general3A_2201 {dimension_numbers = #tpu.dot_dimension_numbers<[1], [0], [0], [1], [0, 0, 1, 1], [], []>, transpose_lhs_hint = false} : vector<48x504xbf16>, vector<504x1024xbf16>, vector<48x1024xf32> -> vector<48x1024xf32>
    %get3A_2203 = arith.index_cast %get3A_1484 : i32 to index
    %get3A_2204 = arith.constant 0 : index
    %get3A_2205 = arith.constant 0 : index
    %get3A_2206 = vector.load %arg19[%get3A_2203, %get3A_2204, %get3A_2205] : memref<3x48x1xf32, #tpu.memory_space<vmem>>, vector<1x48x1xf32>
    %get3A_2207 = vector.shape_cast %get3A_2206 : vector<1x48x1xf32> to vector<48x1xf32>
    %add3A_2208 = vector.broadcast %get3A_2207 : vector<48x1xf32> to vector<48x1024xf32>
    %add3A_2209 = arith.addf %dot_general3A_2202, %add3A_2208 : vector<48x1024xf32>
    %get3A_2210 = arith.index_cast %add3A_1482 : i32 to index
    %get3A_2211 = memref.load %arg2[%get3A_2210] : memref<64xi32, #tpu.memory_space<smem>>
    %convert_element_type3A_2212 = arith.sitofp %get3A_2211 : i32 to f32
    %mul3A_2213 = vector.broadcast %convert_element_type3A_2212 : f32 to vector<48x1024xf32>
    %mul3A_2214 = arith.mulf %add3A_2209, %mul3A_2213 : vector<48x1024xf32>
    %swap3A_2215 = arith.constant 2 : index
    %swap3A_2216 = arith.constant 0 : index
    %swap3A_2217 = arith.constant 0 : index
    %swap3A_2218 = vector.load %arg20[%swap3A_2215, %swap3A_2216, %swap3A_2217] : memref<4x48x1024xf32, #tpu.memory_space<vmem>>, vector<1x48x1024xf32>
    %swap3A_2219 = vector.shape_cast %swap3A_2218 : vector<1x48x1024xf32> to vector<48x1024xf32>
    %swap3A_2220 = vector.shape_cast %mul3A_2214 : vector<48x1024xf32> to vector<1x48x1024xf32>
    tpu.vector_store %arg20[%swap3A_2215, %swap3A_2216, %swap3A_2217], %swap3A_2220 {strides = array<i32>} : memref<4x48x1024xf32, #tpu.memory_space<vmem>>, vector<1x48x1024xf32>,
    %mul3A_2221 = arith.constant 4 : i32
    %mul3A_2222 = arith.muli %arg0, %mul3A_2221 : i32
    %add3A_2223 = arith.constant 3 : i32
    %add3A_2224 = arith.addi %mul3A_2222, %add3A_2223 : i32
    %get3A_2225 = arith.index_cast %add3A_2224 : i32 to index
    %get3A_2226 = memref.load %arg1[%get3A_2225] : memref<64xi32, #tpu.memory_space<smem>>
    %get3A_2227 = arith.constant 3 : index
    %get3A_2228 = arith.constant 0 : index
    %get3A_2229 = arith.constant 0 : index
    %get3A_2230 = vector.load %arg3[%get3A_2227, %get3A_2228, %get3A_2229] : memref<4x3x1024xf32, #tpu.memory_space<vmem>>, vector<1x3x1024xf32>
    %get3A_2231 = vector.shape_cast %get3A_2230 : vector<1x3x1024xf32> to vector<3x1024xf32>
    %slice3A_2232 = vector.extract_strided_slice %get3A_2231 {offsets = [0, 958], sizes = [3, 66], strides = [1, 1]} : vector<3x1024xf32> to vector<3x66xf32>
    %slice3A_2233 = vector.extract_strided_slice %get3A_2231 {offsets = [0, 0], sizes = [3, 958], strides = [1, 1]} : vector<3x1024xf32> to vector<3x958xf32>
    %concatenate3A_2234 = tpu.concatenate %slice3A_2232, %slice3A_2233 in 1 : vector<3x66xf32>, vector<3x958xf32> -> vector<3x1024xf32>
    %slice3A_2235 = vector.extract_strided_slice %get3A_1 {offsets = [0, 0], sizes = [1, 1024], strides = [1, 1]} : vector<25x1024xf32> to vector<1x1024xf32>
    %squeeze3A_2236 = vector.shape_cast %slice3A_2235 : vector<1x1024xf32> to vector<1024xf32>
    %broadcast_in_dim3A_2237 = vector.shape_cast %squeeze3A_2236 : vector<1024xf32> to vector<1x1024xf32>
    %mul3A_2238 = vector.broadcast %broadcast_in_dim3A_2237 : vector<1x1024xf32> to vector<3x1024xf32>
    %mul3A_2239 = arith.mulf %concatenate3A_2234, %mul3A_2238 : vector<3x1024xf32>
    %slice3A_2240 = vector.extract_strided_slice %get3A_2231 {offsets = [0, 959], sizes = [3, 65], strides = [1, 1]} : vector<3x1024xf32> to vector<3x65xf32>
    %slice3A_2241 = vector.extract_strided_slice %get3A_2231 {offsets = [0, 0], sizes = [3, 959], strides = [1, 1]} : vector<3x1024xf32> to vector<3x959xf32>
    %concatenate3A_2242 = tpu.concatenate %slice3A_2240, %slice3A_2241 in 1 : vector<3x65xf32>, vector<3x959xf32> -> vector<3x1024xf32>
    %slice3A_2243 = vector.extract_strided_slice %get3A_1 {offsets = [1, 0], sizes = [1, 1024], strides = [1, 1]} : vector<25x1024xf32> to vector<1x1024xf32>
    %squeeze3A_2244 = vector.shape_cast %slice3A_2243 : vector<1x1024xf32> to vector<1024xf32>
    %broadcast_in_dim3A_2245 = vector.shape_cast %squeeze3A_2244 : vector<1024xf32> to vector<1x1024xf32>
    %mul3A_2246 = vector.broadcast %broadcast_in_dim3A_2245 : vector<1x1024xf32> to vector<3x1024xf32>
    %mul3A_2247 = arith.mulf %concatenate3A_2242, %mul3A_2246 : vector<3x1024xf32>
    %slice3A_2248 = vector.extract_strided_slice %get3A_2231 {offsets = [0, 960], sizes = [3, 64], strides = [1, 1]} : vector<3x1024xf32> to vector<3x64xf32>
    %slice3A_2249 = vector.extract_strided_slice %get3A_2231 {offsets = [0, 0], sizes = [3, 960], strides = [1, 1]} : vector<3x1024xf32> to vector<3x960xf32>
    %concatenate3A_2250 = tpu.concatenate %slice3A_2248, %slice3A_2249 in 1 : vector<3x64xf32>, vector<3x960xf32> -> vector<3x1024xf32>
    %slice3A_2251 = vector.extract_strided_slice %get3A_1 {offsets = [2, 0], sizes = [1, 1024], strides = [1, 1]} : vector<25x1024xf32> to vector<1x1024xf32>
    %squeeze3A_2252 = vector.shape_cast %slice3A_2251 : vector<1x1024xf32> to vector<1024xf32>
    %broadcast_in_dim3A_2253 = vector.shape_cast %squeeze3A_2252 : vector<1024xf32> to vector<1x1024xf32>
    %mul3A_2254 = vector.broadcast %broadcast_in_dim3A_2253 : vector<1x1024xf32> to vector<3x1024xf32>
    %mul3A_2255 = arith.mulf %concatenate3A_2250, %mul3A_2254 : vector<3x1024xf32>
    %slice3A_2256 = vector.extract_strided_slice %get3A_2231 {offsets = [0, 961], sizes = [3, 63], strides = [1, 1]} : vector<3x1024xf32> to vector<3x63xf32>
    %slice3A_2257 = vector.extract_strided_slice %get3A_2231 {offsets = [0, 0], sizes = [3, 961], strides = [1, 1]} : vector<3x1024xf32> to vector<3x961xf32>
    %concatenate3A_2258 = tpu.concatenate %slice3A_2256, %slice3A_2257 in 1 : vector<3x63xf32>, vector<3x961xf32> -> vector<3x1024xf32>
    %slice3A_2259 = vector.extract_strided_slice %get3A_1 {offsets = [3, 0], sizes = [1, 1024], strides = [1, 1]} : vector<25x1024xf32> to vector<1x1024xf32>
    %squeeze3A_2260 = vector.shape_cast %slice3A_2259 : vector<1x1024xf32> to vector<1024xf32>
    %broadcast_in_dim3A_2261 = vector.shape_cast %squeeze3A_2260 : vector<1024xf32> to vector<1x1024xf32>
    %mul3A_2262 = vector.broadcast %broadcast_in_dim3A_2261 : vector<1x1024xf32> to vector<3x1024xf32>
    %mul3A_2263 = arith.mulf %concatenate3A_2258, %mul3A_2262 : vector<3x1024xf32>
    %slice3A_2264 = vector.extract_strided_slice %get3A_2231 {offsets = [0, 962], sizes = [3, 62], strides = [1, 1]} : vector<3x1024xf32> to vector<3x62xf32>
    %slice3A_2265 = vector.extract_strided_slice %get3A_2231 {offsets = [0, 0], sizes = [3, 962], strides = [1, 1]} : vector<3x1024xf32> to vector<3x962xf32>
    %concatenate3A_2266 = tpu.concatenate %slice3A_2264, %slice3A_2265 in 1 : vector<3x62xf32>, vector<3x962xf32> -> vector<3x1024xf32>
    %slice3A_2267 = vector.extract_strided_slice %get3A_1 {offsets = [4, 0], sizes = [1, 1024], strides = [1, 1]} : vector<25x1024xf32> to vector<1x1024xf32>
    %squeeze3A_2268 = vector.shape_cast %slice3A_2267 : vector<1x1024xf32> to vector<1024xf32>
    %broadcast_in_dim3A_2269 = vector.shape_cast %squeeze3A_2268 : vector<1024xf32> to vector<1x1024xf32>
    %mul3A_2270 = vector.broadcast %broadcast_in_dim3A_2269 : vector<1x1024xf32> to vector<3x1024xf32>
    %mul3A_2271 = arith.mulf %concatenate3A_2266, %mul3A_2270 : vector<3x1024xf32>
    %slice3A_2272 = vector.extract_strided_slice %get3A_2231 {offsets = [0, 990], sizes = [3, 34], strides = [1, 1]} : vector<3x1024xf32> to vector<3x34xf32>
    %slice3A_2273 = vector.extract_strided_slice %get3A_2231 {offsets = [0, 0], sizes = [3, 990], strides = [1, 1]} : vector<3x1024xf32> to vector<3x990xf32>
    %concatenate3A_2274 = tpu.concatenate %slice3A_2272, %slice3A_2273 in 1 : vector<3x34xf32>, vector<3x990xf32> -> vector<3x1024xf32>
    %slice3A_2275 = vector.extract_strided_slice %get3A_1 {offsets = [5, 0], sizes = [1, 1024], strides = [1, 1]} : vector<25x1024xf32> to vector<1x1024xf32>
    %squeeze3A_2276 = vector.shape_cast %slice3A_2275 : vector<1x1024xf32> to vector<1024xf32>
    %broadcast_in_dim3A_2277 = vector.shape_cast %squeeze3A_2276 : vector<1024xf32> to vector<1x1024xf32>
    %mul3A_2278 = vector.broadcast %broadcast_in_dim3A_2277 : vector<1x1024xf32> to vector<3x1024xf32>
    %mul3A_2279 = arith.mulf %concatenate3A_2274, %mul3A_2278 : vector<3x1024xf32>
    %slice3A_2280 = vector.extract_strided_slice %get3A_2231 {offsets = [0, 991], sizes = [3, 33], strides = [1, 1]} : vector<3x1024xf32> to vector<3x33xf32>
    %slice3A_2281 = vector.extract_strided_slice %get3A_2231 {offsets = [0, 0], sizes = [3, 991], strides = [1, 1]} : vector<3x1024xf32> to vector<3x991xf32>
    %concatenate3A_2282 = tpu.concatenate %slice3A_2280, %slice3A_2281 in 1 : vector<3x33xf32>, vector<3x991xf32> -> vector<3x1024xf32>
    %slice3A_2283 = vector.extract_strided_slice %get3A_1 {offsets = [6, 0], sizes = [1, 1024], strides = [1, 1]} : vector<25x1024xf32> to vector<1x1024xf32>
    %squeeze3A_2284 = vector.shape_cast %slice3A_2283 : vector<1x1024xf32> to vector<1024xf32>
    %broadcast_in_dim3A_2285 = vector.shape_cast %squeeze3A_2284 : vector<1024xf32> to vector<1x1024xf32>
    %mul3A_2286 = vector.broadcast %broadcast_in_dim3A_2285 : vector<1x1024xf32> to vector<3x1024xf32>
    %mul3A_2287 = arith.mulf %concatenate3A_2282, %mul3A_2286 : vector<3x1024xf32>
    %slice3A_2288 = vector.extract_strided_slice %get3A_2231 {offsets = [0, 992], sizes = [3, 32], strides = [1, 1]} : vector<3x1024xf32> to vector<3x32xf32>
    %slice3A_2289 = vector.extract_strided_slice %get3A_2231 {offsets = [0, 0], sizes = [3, 992], strides = [1, 1]} : vector<3x1024xf32> to vector<3x992xf32>
    %concatenate3A_2290 = tpu.concatenate %slice3A_2288, %slice3A_2289 in 1 : vector<3x32xf32>, vector<3x992xf32> -> vector<3x1024xf32>
    %slice3A_2291 = vector.extract_strided_slice %get3A_1 {offsets = [7, 0], sizes = [1, 1024], strides = [1, 1]} : vector<25x1024xf32> to vector<1x1024xf32>
    %squeeze3A_2292 = vector.shape_cast %slice3A_2291 : vector<1x1024xf32> to vector<1024xf32>
    %broadcast_in_dim3A_2293 = vector.shape_cast %squeeze3A_2292 : vector<1024xf32> to vector<1x1024xf32>
    %mul3A_2294 = vector.broadcast %broadcast_in_dim3A_2293 : vector<1x1024xf32> to vector<3x1024xf32>
    %mul3A_2295 = arith.mulf %concatenate3A_2290, %mul3A_2294 : vector<3x1024xf32>
    %slice3A_2296 = vector.extract_strided_slice %get3A_2231 {offsets = [0, 993], sizes = [3, 31], strides = [1, 1]} : vector<3x1024xf32> to vector<3x31xf32>
    %slice3A_2297 = vector.extract_strided_slice %get3A_2231 {offsets = [0, 0], sizes = [3, 993], strides = [1, 1]} : vector<3x1024xf32> to vector<3x993xf32>
    %concatenate3A_2298 = tpu.concatenate %slice3A_2296, %slice3A_2297 in 1 : vector<3x31xf32>, vector<3x993xf32> -> vector<3x1024xf32>
    %slice3A_2299 = vector.extract_strided_slice %get3A_1 {offsets = [8, 0], sizes = [1, 1024], strides = [1, 1]} : vector<25x1024xf32> to vector<1x1024xf32>
    %squeeze3A_2300 = vector.shape_cast %slice3A_2299 : vector<1x1024xf32> to vector<1024xf32>
    %broadcast_in_dim3A_2301 = vector.shape_cast %squeeze3A_2300 : vector<1024xf32> to vector<1x1024xf32>
    %mul3A_2302 = vector.broadcast %broadcast_in_dim3A_2301 : vector<1x1024xf32> to vector<3x1024xf32>
    %mul3A_2303 = arith.mulf %concatenate3A_2298, %mul3A_2302 : vector<3x1024xf32>
    %slice3A_2304 = vector.extract_strided_slice %get3A_2231 {offsets = [0, 994], sizes = [3, 30], strides = [1, 1]} : vector<3x1024xf32> to vector<3x30xf32>
    %slice3A_2305 = vector.extract_strided_slice %get3A_2231 {offsets = [0, 0], sizes = [3, 994], strides = [1, 1]} : vector<3x1024xf32> to vector<3x994xf32>
    %concatenate3A_2306 = tpu.concatenate %slice3A_2304, %slice3A_2305 in 1 : vector<3x30xf32>, vector<3x994xf32> -> vector<3x1024xf32>
    %slice3A_2307 = vector.extract_strided_slice %get3A_1 {offsets = [9, 0], sizes = [1, 1024], strides = [1, 1]} : vector<25x1024xf32> to vector<1x1024xf32>
    %squeeze3A_2308 = vector.shape_cast %slice3A_2307 : vector<1x1024xf32> to vector<1024xf32>
    %broadcast_in_dim3A_2309 = vector.shape_cast %squeeze3A_2308 : vector<1024xf32> to vector<1x1024xf32>
    %mul3A_2310 = vector.broadcast %broadcast_in_dim3A_2309 : vector<1x1024xf32> to vector<3x1024xf32>
    %mul3A_2311 = arith.mulf %concatenate3A_2306, %mul3A_2310 : vector<3x1024xf32>
    %slice3A_2312 = vector.extract_strided_slice %get3A_2231 {offsets = [0, 1022], sizes = [3, 2], strides = [1, 1]} : vector<3x1024xf32> to vector<3x2xf32>
    %slice3A_2313 = vector.extract_strided_slice %get3A_2231 {offsets = [0, 0], sizes = [3, 1022], strides = [1, 1]} : vector<3x1024xf32> to vector<3x1022xf32>
    %concatenate3A_2314 = tpu.concatenate %slice3A_2312, %slice3A_2313 in 1 : vector<3x2xf32>, vector<3x1022xf32> -> vector<3x1024xf32>
    %slice3A_2315 = vector.extract_strided_slice %get3A_1 {offsets = [10, 0], sizes = [1, 1024], strides = [1, 1]} : vector<25x1024xf32> to vector<1x1024xf32>
    %squeeze3A_2316 = vector.shape_cast %slice3A_2315 : vector<1x1024xf32> to vector<1024xf32>
    %broadcast_in_dim3A_2317 = vector.shape_cast %squeeze3A_2316 : vector<1024xf32> to vector<1x1024xf32>
    %mul3A_2318 = vector.broadcast %broadcast_in_dim3A_2317 : vector<1x1024xf32> to vector<3x1024xf32>
    %mul3A_2319 = arith.mulf %concatenate3A_2314, %mul3A_2318 : vector<3x1024xf32>
    %slice3A_2320 = vector.extract_strided_slice %get3A_2231 {offsets = [0, 1023], sizes = [3, 1], strides = [1, 1]} : vector<3x1024xf32> to vector<3x1xf32>
    %slice3A_2321 = vector.extract_strided_slice %get3A_2231 {offsets = [0, 0], sizes = [3, 1023], strides = [1, 1]} : vector<3x1024xf32> to vector<3x1023xf32>
    %concatenate3A_2322 = tpu.concatenate %slice3A_2320, %slice3A_2321 in 1 : vector<3x1xf32>, vector<3x1023xf32> -> vector<3x1024xf32>
    %slice3A_2323 = vector.extract_strided_slice %get3A_1 {offsets = [11, 0], sizes = [1, 1024], strides = [1, 1]} : vector<25x1024xf32> to vector<1x1024xf32>
    %squeeze3A_2324 = vector.shape_cast %slice3A_2323 : vector<1x1024xf32> to vector<1024xf32>
    %broadcast_in_dim3A_2325 = vector.shape_cast %squeeze3A_2324 : vector<1024xf32> to vector<1x1024xf32>
    %mul3A_2326 = vector.broadcast %broadcast_in_dim3A_2325 : vector<1x1024xf32> to vector<3x1024xf32>
    %mul3A_2327 = arith.mulf %concatenate3A_2322, %mul3A_2326 : vector<3x1024xf32>
    %slice3A_2328 = vector.extract_strided_slice %get3A_2231 {offsets = [0, 1], sizes = [3, 1023], strides = [1, 1]} : vector<3x1024xf32> to vector<3x1023xf32>
    %slice3A_2329 = vector.extract_strided_slice %get3A_2231 {offsets = [0, 0], sizes = [3, 1], strides = [1, 1]} : vector<3x1024xf32> to vector<3x1xf32>
    %concatenate3A_2330 = tpu.concatenate %slice3A_2328, %slice3A_2329 in 1 : vector<3x1023xf32>, vector<3x1xf32> -> vector<3x1024xf32>
    %slice3A_2331 = vector.extract_strided_slice %get3A_1 {offsets = [13, 0], sizes = [1, 1024], strides = [1, 1]} : vector<25x1024xf32> to vector<1x1024xf32>
    %squeeze3A_2332 = vector.shape_cast %slice3A_2331 : vector<1x1024xf32> to vector<1024xf32>
    %broadcast_in_dim3A_2333 = vector.shape_cast %squeeze3A_2332 : vector<1024xf32> to vector<1x1024xf32>
    %mul3A_2334 = vector.broadcast %broadcast_in_dim3A_2333 : vector<1x1024xf32> to vector<3x1024xf32>
    %mul3A_2335 = arith.mulf %concatenate3A_2330, %mul3A_2334 : vector<3x1024xf32>
    %slice3A_2336 = vector.extract_strided_slice %get3A_2231 {offsets = [0, 2], sizes = [3, 1022], strides = [1, 1]} : vector<3x1024xf32> to vector<3x1022xf32>
    %slice3A_2337 = vector.extract_strided_slice %get3A_2231 {offsets = [0, 0], sizes = [3, 2], strides = [1, 1]} : vector<3x1024xf32> to vector<3x2xf32>
    %concatenate3A_2338 = tpu.concatenate %slice3A_2336, %slice3A_2337 in 1 : vector<3x1022xf32>, vector<3x2xf32> -> vector<3x1024xf32>
    %slice3A_2339 = vector.extract_strided_slice %get3A_1 {offsets = [14, 0], sizes = [1, 1024], strides = [1, 1]} : vector<25x1024xf32> to vector<1x1024xf32>
    %squeeze3A_2340 = vector.shape_cast %slice3A_2339 : vector<1x1024xf32> to vector<1024xf32>
    %broadcast_in_dim3A_2341 = vector.shape_cast %squeeze3A_2340 : vector<1024xf32> to vector<1x1024xf32>
    %mul3A_2342 = vector.broadcast %broadcast_in_dim3A_2341 : vector<1x1024xf32> to vector<3x1024xf32>
    %mul3A_2343 = arith.mulf %concatenate3A_2338, %mul3A_2342 : vector<3x1024xf32>
    %slice3A_2344 = vector.extract_strided_slice %get3A_2231 {offsets = [0, 30], sizes = [3, 994], strides = [1, 1]} : vector<3x1024xf32> to vector<3x994xf32>
    %slice3A_2345 = vector.extract_strided_slice %get3A_2231 {offsets = [0, 0], sizes = [3, 30], strides = [1, 1]} : vector<3x1024xf32> to vector<3x30xf32>
    %concatenate3A_2346 = tpu.concatenate %slice3A_2344, %slice3A_2345 in 1 : vector<3x994xf32>, vector<3x30xf32> -> vector<3x1024xf32>
    %slice3A_2347 = vector.extract_strided_slice %get3A_1 {offsets = [15, 0], sizes = [1, 1024], strides = [1, 1]} : vector<25x1024xf32> to vector<1x1024xf32>
    %squeeze3A_2348 = vector.shape_cast %slice3A_2347 : vector<1x1024xf32> to vector<1024xf32>
    %broadcast_in_dim3A_2349 = vector.shape_cast %squeeze3A_2348 : vector<1024xf32> to vector<1x1024xf32>
    %mul3A_2350 = vector.broadcast %broadcast_in_dim3A_2349 : vector<1x1024xf32> to vector<3x1024xf32>
    %mul3A_2351 = arith.mulf %concatenate3A_2346, %mul3A_2350 : vector<3x1024xf32>
    %slice3A_2352 = vector.extract_strided_slice %get3A_2231 {offsets = [0, 31], sizes = [3, 993], strides = [1, 1]} : vector<3x1024xf32> to vector<3x993xf32>
    %slice3A_2353 = vector.extract_strided_slice %get3A_2231 {offsets = [0, 0], sizes = [3, 31], strides = [1, 1]} : vector<3x1024xf32> to vector<3x31xf32>
    %concatenate3A_2354 = tpu.concatenate %slice3A_2352, %slice3A_2353 in 1 : vector<3x993xf32>, vector<3x31xf32> -> vector<3x1024xf32>
    %slice3A_2355 = vector.extract_strided_slice %get3A_1 {offsets = [16, 0], sizes = [1, 1024], strides = [1, 1]} : vector<25x1024xf32> to vector<1x1024xf32>
    %squeeze3A_2356 = vector.shape_cast %slice3A_2355 : vector<1x1024xf32> to vector<1024xf32>
    %broadcast_in_dim3A_2357 = vector.shape_cast %squeeze3A_2356 : vector<1024xf32> to vector<1x1024xf32>
    %mul3A_2358 = vector.broadcast %broadcast_in_dim3A_2357 : vector<1x1024xf32> to vector<3x1024xf32>
    %mul3A_2359 = arith.mulf %concatenate3A_2354, %mul3A_2358 : vector<3x1024xf32>
    %slice3A_2360 = vector.extract_strided_slice %get3A_2231 {offsets = [0, 32], sizes = [3, 992], strides = [1, 1]} : vector<3x1024xf32> to vector<3x992xf32>
    %slice3A_2361 = vector.extract_strided_slice %get3A_2231 {offsets = [0, 0], sizes = [3, 32], strides = [1, 1]} : vector<3x1024xf32> to vector<3x32xf32>
    %concatenate3A_2362 = tpu.concatenate %slice3A_2360, %slice3A_2361 in 1 : vector<3x992xf32>, vector<3x32xf32> -> vector<3x1024xf32>
    %slice3A_2363 = vector.extract_strided_slice %get3A_1 {offsets = [17, 0], sizes = [1, 1024], strides = [1, 1]} : vector<25x1024xf32> to vector<1x1024xf32>
    %squeeze3A_2364 = vector.shape_cast %slice3A_2363 : vector<1x1024xf32> to vector<1024xf32>
    %broadcast_in_dim3A_2365 = vector.shape_cast %squeeze3A_2364 : vector<1024xf32> to vector<1x1024xf32>
    %mul3A_2366 = vector.broadcast %broadcast_in_dim3A_2365 : vector<1x1024xf32> to vector<3x1024xf32>
    %mul3A_2367 = arith.mulf %concatenate3A_2362, %mul3A_2366 : vector<3x1024xf32>
    %slice3A_2368 = vector.extract_strided_slice %get3A_2231 {offsets = [0, 33], sizes = [3, 991], strides = [1, 1]} : vector<3x1024xf32> to vector<3x991xf32>
    %slice3A_2369 = vector.extract_strided_slice %get3A_2231 {offsets = [0, 0], sizes = [3, 33], strides = [1, 1]} : vector<3x1024xf32> to vector<3x33xf32>
    %concatenate3A_2370 = tpu.concatenate %slice3A_2368, %slice3A_2369 in 1 : vector<3x991xf32>, vector<3x33xf32> -> vector<3x1024xf32>
    %slice3A_2371 = vector.extract_strided_slice %get3A_1 {offsets = [18, 0], sizes = [1, 1024], strides = [1, 1]} : vector<25x1024xf32> to vector<1x1024xf32>
    %squeeze3A_2372 = vector.shape_cast %slice3A_2371 : vector<1x1024xf32> to vector<1024xf32>
    %broadcast_in_dim3A_2373 = vector.shape_cast %squeeze3A_2372 : vector<1024xf32> to vector<1x1024xf32>
    %mul3A_2374 = vector.broadcast %broadcast_in_dim3A_2373 : vector<1x1024xf32> to vector<3x1024xf32>
    %mul3A_2375 = arith.mulf %concatenate3A_2370, %mul3A_2374 : vector<3x1024xf32>
    %slice3A_2376 = vector.extract_strided_slice %get3A_2231 {offsets = [0, 34], sizes = [3, 990], strides = [1, 1]} : vector<3x1024xf32> to vector<3x990xf32>
    %slice3A_2377 = vector.extract_strided_slice %get3A_2231 {offsets = [0, 0], sizes = [3, 34], strides = [1, 1]} : vector<3x1024xf32> to vector<3x34xf32>
    %concatenate3A_2378 = tpu.concatenate %slice3A_2376, %slice3A_2377 in 1 : vector<3x990xf32>, vector<3x34xf32> -> vector<3x1024xf32>
    %slice3A_2379 = vector.extract_strided_slice %get3A_1 {offsets = [19, 0], sizes = [1, 1024], strides = [1, 1]} : vector<25x1024xf32> to vector<1x1024xf32>
    %squeeze3A_2380 = vector.shape_cast %slice3A_2379 : vector<1x1024xf32> to vector<1024xf32>
    %broadcast_in_dim3A_2381 = vector.shape_cast %squeeze3A_2380 : vector<1024xf32> to vector<1x1024xf32>
    %mul3A_2382 = vector.broadcast %broadcast_in_dim3A_2381 : vector<1x1024xf32> to vector<3x1024xf32>
    %mul3A_2383 = arith.mulf %concatenate3A_2378, %mul3A_2382 : vector<3x1024xf32>
    %slice3A_2384 = vector.extract_strided_slice %get3A_2231 {offsets = [0, 62], sizes = [3, 962], strides = [1, 1]} : vector<3x1024xf32> to vector<3x962xf32>
    %slice3A_2385 = vector.extract_strided_slice %get3A_2231 {offsets = [0, 0], sizes = [3, 62], strides = [1, 1]} : vector<3x1024xf32> to vector<3x62xf32>
    %concatenate3A_2386 = tpu.concatenate %slice3A_2384, %slice3A_2385 in 1 : vector<3x962xf32>, vector<3x62xf32> -> vector<3x1024xf32>
    %slice3A_2387 = vector.extract_strided_slice %get3A_1 {offsets = [20, 0], sizes = [1, 1024], strides = [1, 1]} : vector<25x1024xf32> to vector<1x1024xf32>
    %squeeze3A_2388 = vector.shape_cast %slice3A_2387 : vector<1x1024xf32> to vector<1024xf32>
    %broadcast_in_dim3A_2389 = vector.shape_cast %squeeze3A_2388 : vector<1024xf32> to vector<1x1024xf32>
    %mul3A_2390 = vector.broadcast %broadcast_in_dim3A_2389 : vector<1x1024xf32> to vector<3x1024xf32>
    %mul3A_2391 = arith.mulf %concatenate3A_2386, %mul3A_2390 : vector<3x1024xf32>
    %slice3A_2392 = vector.extract_strided_slice %get3A_2231 {offsets = [0, 63], sizes = [3, 961], strides = [1, 1]} : vector<3x1024xf32> to vector<3x961xf32>
    %slice3A_2393 = vector.extract_strided_slice %get3A_2231 {offsets = [0, 0], sizes = [3, 63], strides = [1, 1]} : vector<3x1024xf32> to vector<3x63xf32>
    %concatenate3A_2394 = tpu.concatenate %slice3A_2392, %slice3A_2393 in 1 : vector<3x961xf32>, vector<3x63xf32> -> vector<3x1024xf32>
    %slice3A_2395 = vector.extract_strided_slice %get3A_1 {offsets = [21, 0], sizes = [1, 1024], strides = [1, 1]} : vector<25x1024xf32> to vector<1x1024xf32>
    %squeeze3A_2396 = vector.shape_cast %slice3A_2395 : vector<1x1024xf32> to vector<1024xf32>
    %broadcast_in_dim3A_2397 = vector.shape_cast %squeeze3A_2396 : vector<1024xf32> to vector<1x1024xf32>
    %mul3A_2398 = vector.broadcast %broadcast_in_dim3A_2397 : vector<1x1024xf32> to vector<3x1024xf32>
    %mul3A_2399 = arith.mulf %concatenate3A_2394, %mul3A_2398 : vector<3x1024xf32>
    %slice3A_2400 = vector.extract_strided_slice %get3A_2231 {offsets = [0, 64], sizes = [3, 960], strides = [1, 1]} : vector<3x1024xf32> to vector<3x960xf32>
    %slice3A_2401 = vector.extract_strided_slice %get3A_2231 {offsets = [0, 0], sizes = [3, 64], strides = [1, 1]} : vector<3x1024xf32> to vector<3x64xf32>
    %concatenate3A_2402 = tpu.concatenate %slice3A_2400, %slice3A_2401 in 1 : vector<3x960xf32>, vector<3x64xf32> -> vector<3x1024xf32>
    %slice3A_2403 = vector.extract_strided_slice %get3A_1 {offsets = [22, 0], sizes = [1, 1024], strides = [1, 1]} : vector<25x1024xf32> to vector<1x1024xf32>
    %squeeze3A_2404 = vector.shape_cast %slice3A_2403 : vector<1x1024xf32> to vector<1024xf32>
    %broadcast_in_dim3A_2405 = vector.shape_cast %squeeze3A_2404 : vector<1024xf32> to vector<1x1024xf32>
    %mul3A_2406 = vector.broadcast %broadcast_in_dim3A_2405 : vector<1x1024xf32> to vector<3x1024xf32>
    %mul3A_2407 = arith.mulf %concatenate3A_2402, %mul3A_2406 : vector<3x1024xf32>
    %slice3A_2408 = vector.extract_strided_slice %get3A_2231 {offsets = [0, 65], sizes = [3, 959], strides = [1, 1]} : vector<3x1024xf32> to vector<3x959xf32>
    %slice3A_2409 = vector.extract_strided_slice %get3A_2231 {offsets = [0, 0], sizes = [3, 65], strides = [1, 1]} : vector<3x1024xf32> to vector<3x65xf32>
    %concatenate3A_2410 = tpu.concatenate %slice3A_2408, %slice3A_2409 in 1 : vector<3x959xf32>, vector<3x65xf32> -> vector<3x1024xf32>
    %slice3A_2411 = vector.extract_strided_slice %get3A_1 {offsets = [23, 0], sizes = [1, 1024], strides = [1, 1]} : vector<25x1024xf32> to vector<1x1024xf32>
    %squeeze3A_2412 = vector.shape_cast %slice3A_2411 : vector<1x1024xf32> to vector<1024xf32>
    %broadcast_in_dim3A_2413 = vector.shape_cast %squeeze3A_2412 : vector<1024xf32> to vector<1x1024xf32>
    %mul3A_2414 = vector.broadcast %broadcast_in_dim3A_2413 : vector<1x1024xf32> to vector<3x1024xf32>
    %mul3A_2415 = arith.mulf %concatenate3A_2410, %mul3A_2414 : vector<3x1024xf32>
    %slice3A_2416 = vector.extract_strided_slice %get3A_2231 {offsets = [0, 66], sizes = [3, 958], strides = [1, 1]} : vector<3x1024xf32> to vector<3x958xf32>
    %slice3A_2417 = vector.extract_strided_slice %get3A_2231 {offsets = [0, 0], sizes = [3, 66], strides = [1, 1]} : vector<3x1024xf32> to vector<3x66xf32>
    %concatenate3A_2418 = tpu.concatenate %slice3A_2416, %slice3A_2417 in 1 : vector<3x958xf32>, vector<3x66xf32> -> vector<3x1024xf32>
    %slice3A_2419 = vector.extract_strided_slice %get3A_1 {offsets = [24, 0], sizes = [1, 1024], strides = [1, 1]} : vector<25x1024xf32> to vector<1x1024xf32>
    %squeeze3A_2420 = vector.shape_cast %slice3A_2419 : vector<1x1024xf32> to vector<1024xf32>
    %broadcast_in_dim3A_2421 = vector.shape_cast %squeeze3A_2420 : vector<1024xf32> to vector<1x1024xf32>
    %mul3A_2422 = vector.broadcast %broadcast_in_dim3A_2421 : vector<1x1024xf32> to vector<3x1024xf32>
    %mul3A_2423 = arith.mulf %concatenate3A_2418, %mul3A_2422 : vector<3x1024xf32>
    %concatenate3A_2424 = tpu.concatenate %mul3A_2239, %mul3A_2247, %mul3A_2255, %mul3A_2263, %mul3A_2271, %mul3A_2279, %mul3A_2287, %mul3A_2295, %mul3A_2303, %mul3A_2311, %mul3A_2319, %mul3A_2327, %get3A_2231, %mul3A_2335, %mul3A_2343, %mul3A_2351, %mul3A_2359, %mul3A_2367, %mul3A_2375, %mul3A_2383, %mul3A_2391, %mul3A_2399, %mul3A_2407, %mul3A_2415, %mul3A_2423 in 0 : vector<3x1024xf32>, vector<3x1024xf32>, vector<3x1024xf32>, vector<3x1024xf32>, vector<3x1024xf32>, vector<3x1024xf32>, vector<3x1024xf32>, vector<3x1024xf32>, vector<3x1024xf32>, vector<3x1024xf32>, vector<3x1024xf32>, vector<3x1024xf32>, vector<3x1024xf32>, vector<3x1024xf32>, vector<3x1024xf32>, vector<3x1024xf32>, vector<3x1024xf32>, vector<3x1024xf32>, vector<3x1024xf32>, vector<3x1024xf32>, vector<3x1024xf32>, vector<3x1024xf32>, vector<3x1024xf32>, vector<3x1024xf32>, vector<3x1024xf32> -> vector<75x1024xf32>
    %get3A_2425 = arith.index_cast %get3A_2226 : i32 to index
    %get3A_2426 = arith.constant 0 : index
    %get3A_2427 = arith.constant 0 : index
    %get3A_2428 = vector.load %arg6[%get3A_2425, %get3A_2426, %get3A_2427] : memref<3x56x75xf32, #tpu.memory_space<vmem>>, vector<1x56x75xf32>
    %get3A_2429 = vector.shape_cast %get3A_2428 : vector<1x56x75xf32> to vector<56x75xf32>
    %dot_general3A_2430 = arith.constant dense<0.000000e+00> : vector<56x1024xf32>
    %dot_general3A_2431 = tpu.matmul %get3A_2429, %concatenate3A_2424, %dot_general3A_2430 {dimension_numbers = #tpu.dot_dimension_numbers<[1], [0], [0], [1], [0, 0, 1, 1], [], []>, transpose_lhs_hint = false} : vector<56x75xf32>, vector<75x1024xf32>, vector<56x1024xf32> -> vector<56x1024xf32>
    %get3A_2432 = arith.index_cast %get3A_2226 : i32 to index
    %get3A_2433 = arith.constant 0 : index
    %get3A_2434 = arith.constant 0 : index
    %get3A_2435 = vector.load %arg7[%get3A_2432, %get3A_2433, %get3A_2434] : memref<3x56x1xf32, #tpu.memory_space<vmem>>, vector<1x56x1xf32>
    %get3A_2436 = vector.shape_cast %get3A_2435 : vector<1x56x1xf32> to vector<56x1xf32>
    %get3A_2437 = arith.index_cast %get3A_2226 : i32 to index
    %get3A_2438 = arith.constant 0 : index
    %get3A_2439 = arith.constant 0 : index
    %get3A_2440 = vector.load %arg8[%get3A_2437, %get3A_2438, %get3A_2439] : memref<3x56x1xf32, #tpu.memory_space<vmem>>, vector<1x56x1xf32>
    %get3A_2441 = vector.shape_cast %get3A_2440 : vector<1x56x1xf32> to vector<56x1xf32>
    %add3A_2442 = vector.broadcast %get3A_2436 : vector<56x1xf32> to vector<56x1024xf32>
    %add3A_2443 = arith.addf %dot_general3A_2431, %add3A_2442 : vector<56x1024xf32>
    %ge3A_2444 = arith.constant 0.000000e+00 : f32
    %ge3A_2445 = vector.broadcast %ge3A_2444 : f32 to vector<56x1024xf32>
    %ge3A_2446 = arith.cmpf oge, %add3A_2443, %ge3A_2445 : vector<56x1024xf32>
    %mul3A_2447 = vector.broadcast %get3A_2441 : vector<56x1xf32> to vector<56x1024xf32>
    %mul3A_2448 = arith.mulf %mul3A_2447, %add3A_2443 : vector<56x1024xf32>
    %select_n3A_2449 = arith.select %ge3A_2446, %add3A_2443, %mul3A_2448 : vector<56x1024xi1>, vector<56x1024xf32>
    %get3A_2450 = arith.index_cast %get3A_2226 : i32 to index
    %get3A_2451 = arith.constant 0 : index
    %get3A_2452 = arith.constant 0 : index
    %get3A_2453 = vector.load %arg9[%get3A_2450, %get3A_2451, %get3A_2452] : memref<3x12x56xf32, #tpu.memory_space<vmem>>, vector<1x12x56xf32>
    %get3A_2454 = vector.shape_cast %get3A_2453 : vector<1x12x56xf32> to vector<12x56xf32>
    %dot_general3A_2455 = arith.constant dense<0.000000e+00> : vector<12x1024xf32>
    %dot_general3A_2456 = tpu.matmul %get3A_2454, %select_n3A_2449, %dot_general3A_2455 {dimension_numbers = #tpu.dot_dimension_numbers<[1], [0], [0], [1], [0, 0, 1, 1], [], []>, transpose_lhs_hint = false} : vector<12x56xf32>, vector<56x1024xf32>, vector<12x1024xf32> -> vector<12x1024xf32>
    %get3A_2457 = arith.index_cast %get3A_2226 : i32 to index
    %get3A_2458 = arith.constant 0 : index
    %get3A_2459 = arith.constant 0 : index
    %get3A_2460 = vector.load %arg10[%get3A_2457, %get3A_2458, %get3A_2459] : memref<3x12x1xf32, #tpu.memory_space<vmem>>, vector<1x12x1xf32>
    %get3A_2461 = vector.shape_cast %get3A_2460 : vector<1x12x1xf32> to vector<12x1xf32>
    %get3A_2462 = arith.index_cast %get3A_2226 : i32 to index
    %get3A_2463 = arith.constant 0 : index
    %get3A_2464 = arith.constant 0 : index
    %get3A_2465 = vector.load %arg11[%get3A_2462, %get3A_2463, %get3A_2464] : memref<3x12x1xf32, #tpu.memory_space<vmem>>, vector<1x12x1xf32>
    %get3A_2466 = vector.shape_cast %get3A_2465 : vector<1x12x1xf32> to vector<12x1xf32>
    %add3A_2467 = vector.broadcast %get3A_2461 : vector<12x1xf32> to vector<12x1024xf32>
    %add3A_2468 = arith.addf %dot_general3A_2456, %add3A_2467 : vector<12x1024xf32>
    %ge3A_2469 = arith.constant 0.000000e+00 : f32
    %ge3A_2470 = vector.broadcast %ge3A_2469 : f32 to vector<12x1024xf32>
    %ge3A_2471 = arith.cmpf oge, %add3A_2468, %ge3A_2470 : vector<12x1024xf32>
    %mul3A_2472 = vector.broadcast %get3A_2466 : vector<12x1xf32> to vector<12x1024xf32>
    %mul3A_2473 = arith.mulf %mul3A_2472, %add3A_2468 : vector<12x1024xf32>
    %select_n3A_2474 = arith.select %ge3A_2471, %add3A_2468, %mul3A_2473 : vector<12x1024xi1>, vector<12x1024xf32>
    %slice3A_2475 = vector.extract_strided_slice %select_n3A_2474 {offsets = [0, 991], sizes = [12, 33], strides = [1, 1]} : vector<12x1024xf32> to vector<12x33xf32>
    %slice3A_2476 = vector.extract_strided_slice %select_n3A_2474 {offsets = [0, 0], sizes = [12, 991], strides = [1, 1]} : vector<12x1024xf32> to vector<12x991xf32>
    %concatenate3A_2477 = tpu.concatenate %slice3A_2475, %slice3A_2476 in 1 : vector<12x33xf32>, vector<12x991xf32> -> vector<12x1024xf32>
    %slice3A_2478 = vector.extract_strided_slice %get3A_4 {offsets = [0, 0], sizes = [1, 1024], strides = [1, 1]} : vector<9x1024xf32> to vector<1x1024xf32>
    %squeeze3A_2479 = vector.shape_cast %slice3A_2478 : vector<1x1024xf32> to vector<1024xf32>
    %broadcast_in_dim3A_2480 = vector.shape_cast %squeeze3A_2479 : vector<1024xf32> to vector<1x1024xf32>
    %mul3A_2481 = vector.broadcast %broadcast_in_dim3A_2480 : vector<1x1024xf32> to vector<12x1024xf32>
    %mul3A_2482 = arith.mulf %concatenate3A_2477, %mul3A_2481 : vector<12x1024xf32>
    %slice3A_2483 = vector.extract_strided_slice %select_n3A_2474 {offsets = [0, 992], sizes = [12, 32], strides = [1, 1]} : vector<12x1024xf32> to vector<12x32xf32>
    %slice3A_2484 = vector.extract_strided_slice %select_n3A_2474 {offsets = [0, 0], sizes = [12, 992], strides = [1, 1]} : vector<12x1024xf32> to vector<12x992xf32>
    %concatenate3A_2485 = tpu.concatenate %slice3A_2483, %slice3A_2484 in 1 : vector<12x32xf32>, vector<12x992xf32> -> vector<12x1024xf32>
    %slice3A_2486 = vector.extract_strided_slice %get3A_4 {offsets = [1, 0], sizes = [1, 1024], strides = [1, 1]} : vector<9x1024xf32> to vector<1x1024xf32>
    %squeeze3A_2487 = vector.shape_cast %slice3A_2486 : vector<1x1024xf32> to vector<1024xf32>
    %broadcast_in_dim3A_2488 = vector.shape_cast %squeeze3A_2487 : vector<1024xf32> to vector<1x1024xf32>
    %mul3A_2489 = vector.broadcast %broadcast_in_dim3A_2488 : vector<1x1024xf32> to vector<12x1024xf32>
    %mul3A_2490 = arith.mulf %concatenate3A_2485, %mul3A_2489 : vector<12x1024xf32>
    %slice3A_2491 = vector.extract_strided_slice %select_n3A_2474 {offsets = [0, 993], sizes = [12, 31], strides = [1, 1]} : vector<12x1024xf32> to vector<12x31xf32>
    %slice3A_2492 = vector.extract_strided_slice %select_n3A_2474 {offsets = [0, 0], sizes = [12, 993], strides = [1, 1]} : vector<12x1024xf32> to vector<12x993xf32>
    %concatenate3A_2493 = tpu.concatenate %slice3A_2491, %slice3A_2492 in 1 : vector<12x31xf32>, vector<12x993xf32> -> vector<12x1024xf32>
    %slice3A_2494 = vector.extract_strided_slice %get3A_4 {offsets = [2, 0], sizes = [1, 1024], strides = [1, 1]} : vector<9x1024xf32> to vector<1x1024xf32>
    %squeeze3A_2495 = vector.shape_cast %slice3A_2494 : vector<1x1024xf32> to vector<1024xf32>
    %broadcast_in_dim3A_2496 = vector.shape_cast %squeeze3A_2495 : vector<1024xf32> to vector<1x1024xf32>
    %mul3A_2497 = vector.broadcast %broadcast_in_dim3A_2496 : vector<1x1024xf32> to vector<12x1024xf32>
    %mul3A_2498 = arith.mulf %concatenate3A_2493, %mul3A_2497 : vector<12x1024xf32>
    %slice3A_2499 = vector.extract_strided_slice %select_n3A_2474 {offsets = [0, 1023], sizes = [12, 1], strides = [1, 1]} : vector<12x1024xf32> to vector<12x1xf32>
    %slice3A_2500 = vector.extract_strided_slice %select_n3A_2474 {offsets = [0, 0], sizes = [12, 1023], strides = [1, 1]} : vector<12x1024xf32> to vector<12x1023xf32>
    %concatenate3A_2501 = tpu.concatenate %slice3A_2499, %slice3A_2500 in 1 : vector<12x1xf32>, vector<12x1023xf32> -> vector<12x1024xf32>
    %slice3A_2502 = vector.extract_strided_slice %get3A_4 {offsets = [3, 0], sizes = [1, 1024], strides = [1, 1]} : vector<9x1024xf32> to vector<1x1024xf32>
    %squeeze3A_2503 = vector.shape_cast %slice3A_2502 : vector<1x1024xf32> to vector<1024xf32>
    %broadcast_in_dim3A_2504 = vector.shape_cast %squeeze3A_2503 : vector<1024xf32> to vector<1x1024xf32>
    %mul3A_2505 = vector.broadcast %broadcast_in_dim3A_2504 : vector<1x1024xf32> to vector<12x1024xf32>
    %mul3A_2506 = arith.mulf %concatenate3A_2501, %mul3A_2505 : vector<12x1024xf32>
    %slice3A_2507 = vector.extract_strided_slice %select_n3A_2474 {offsets = [0, 1], sizes = [12, 1023], strides = [1, 1]} : vector<12x1024xf32> to vector<12x1023xf32>
    %slice3A_2508 = vector.extract_strided_slice %select_n3A_2474 {offsets = [0, 0], sizes = [12, 1], strides = [1, 1]} : vector<12x1024xf32> to vector<12x1xf32>
    %concatenate3A_2509 = tpu.concatenate %slice3A_2507, %slice3A_2508 in 1 : vector<12x1023xf32>, vector<12x1xf32> -> vector<12x1024xf32>
    %slice3A_2510 = vector.extract_strided_slice %get3A_4 {offsets = [5, 0], sizes = [1, 1024], strides = [1, 1]} : vector<9x1024xf32> to vector<1x1024xf32>
    %squeeze3A_2511 = vector.shape_cast %slice3A_2510 : vector<1x1024xf32> to vector<1024xf32>
    %broadcast_in_dim3A_2512 = vector.shape_cast %squeeze3A_2511 : vector<1024xf32> to vector<1x1024xf32>
    %mul3A_2513 = vector.broadcast %broadcast_in_dim3A_2512 : vector<1x1024xf32> to vector<12x1024xf32>
    %mul3A_2514 = arith.mulf %concatenate3A_2509, %mul3A_2513 : vector<12x1024xf32>
    %slice3A_2515 = vector.extract_strided_slice %select_n3A_2474 {offsets = [0, 31], sizes = [12, 993], strides = [1, 1]} : vector<12x1024xf32> to vector<12x993xf32>
    %slice3A_2516 = vector.extract_strided_slice %select_n3A_2474 {offsets = [0, 0], sizes = [12, 31], strides = [1, 1]} : vector<12x1024xf32> to vector<12x31xf32>
    %concatenate3A_2517 = tpu.concatenate %slice3A_2515, %slice3A_2516 in 1 : vector<12x993xf32>, vector<12x31xf32> -> vector<12x1024xf32>
    %slice3A_2518 = vector.extract_strided_slice %get3A_4 {offsets = [6, 0], sizes = [1, 1024], strides = [1, 1]} : vector<9x1024xf32> to vector<1x1024xf32>
    %squeeze3A_2519 = vector.shape_cast %slice3A_2518 : vector<1x1024xf32> to vector<1024xf32>
    %broadcast_in_dim3A_2520 = vector.shape_cast %squeeze3A_2519 : vector<1024xf32> to vector<1x1024xf32>
    %mul3A_2521 = vector.broadcast %broadcast_in_dim3A_2520 : vector<1x1024xf32> to vector<12x1024xf32>
    %mul3A_2522 = arith.mulf %concatenate3A_2517, %mul3A_2521 : vector<12x1024xf32>
    %slice3A_2523 = vector.extract_strided_slice %select_n3A_2474 {offsets = [0, 32], sizes = [12, 992], strides = [1, 1]} : vector<12x1024xf32> to vector<12x992xf32>
    %slice3A_2524 = vector.extract_strided_slice %select_n3A_2474 {offsets = [0, 0], sizes = [12, 32], strides = [1, 1]} : vector<12x1024xf32> to vector<12x32xf32>
    %concatenate3A_2525 = tpu.concatenate %slice3A_2523, %slice3A_2524 in 1 : vector<12x992xf32>, vector<12x32xf32> -> vector<12x1024xf32>
    %slice3A_2526 = vector.extract_strided_slice %get3A_4 {offsets = [7, 0], sizes = [1, 1024], strides = [1, 1]} : vector<9x1024xf32> to vector<1x1024xf32>
    %squeeze3A_2527 = vector.shape_cast %slice3A_2526 : vector<1x1024xf32> to vector<1024xf32>
    %broadcast_in_dim3A_2528 = vector.shape_cast %squeeze3A_2527 : vector<1024xf32> to vector<1x1024xf32>
    %mul3A_2529 = vector.broadcast %broadcast_in_dim3A_2528 : vector<1x1024xf32> to vector<12x1024xf32>
    %mul3A_2530 = arith.mulf %concatenate3A_2525, %mul3A_2529 : vector<12x1024xf32>
    %slice3A_2531 = vector.extract_strided_slice %select_n3A_2474 {offsets = [0, 33], sizes = [12, 991], strides = [1, 1]} : vector<12x1024xf32> to vector<12x991xf32>
    %slice3A_2532 = vector.extract_strided_slice %select_n3A_2474 {offsets = [0, 0], sizes = [12, 33], strides = [1, 1]} : vector<12x1024xf32> to vector<12x33xf32>
    %concatenate3A_2533 = tpu.concatenate %slice3A_2531, %slice3A_2532 in 1 : vector<12x991xf32>, vector<12x33xf32> -> vector<12x1024xf32>
    %slice3A_2534 = vector.extract_strided_slice %get3A_4 {offsets = [8, 0], sizes = [1, 1024], strides = [1, 1]} : vector<9x1024xf32> to vector<1x1024xf32>
    %squeeze3A_2535 = vector.shape_cast %slice3A_2534 : vector<1x1024xf32> to vector<1024xf32>
    %broadcast_in_dim3A_2536 = vector.shape_cast %squeeze3A_2535 : vector<1024xf32> to vector<1x1024xf32>
    %mul3A_2537 = vector.broadcast %broadcast_in_dim3A_2536 : vector<1x1024xf32> to vector<12x1024xf32>
    %mul3A_2538 = arith.mulf %concatenate3A_2533, %mul3A_2537 : vector<12x1024xf32>
    %concatenate3A_2539 = tpu.concatenate %mul3A_2482, %mul3A_2490, %mul3A_2498, %mul3A_2506, %select_n3A_2474, %mul3A_2514, %mul3A_2522, %mul3A_2530, %mul3A_2538 in 0 : vector<12x1024xf32>, vector<12x1024xf32>, vector<12x1024xf32>, vector<12x1024xf32>, vector<12x1024xf32>, vector<12x1024xf32>, vector<12x1024xf32>, vector<12x1024xf32>, vector<12x1024xf32> -> vector<108x1024xf32>
    %get3A_2540 = arith.index_cast %get3A_2226 : i32 to index
    %get3A_2541 = arith.constant 0 : index
    %get3A_2542 = arith.constant 0 : index
    %get3A_2543 = arith.constant 0 : index
    %get3A_2544 = vector.load %arg12[%get3A_2540, %get3A_2541, %get3A_2542, %get3A_2543] : memref<3x4x12x108xf32, #tpu.memory_space<vmem>>, vector<1x1x12x108xf32>
    %get3A_2545 = vector.shape_cast %get3A_2544 : vector<1x1x12x108xf32> to vector<12x108xf32>
    %dot_general3A_2546 = arith.constant dense<0.000000e+00> : vector<12x1024xf32>
    %dot_general3A_2547 = tpu.matmul %get3A_2545, %concatenate3A_2539, %dot_general3A_2546 {dimension_numbers = #tpu.dot_dimension_numbers<[1], [0], [0], [1], [0, 0, 1, 1], [], []>, transpose_lhs_hint = false} : vector<12x108xf32>, vector<108x1024xf32>, vector<12x1024xf32> -> vector<12x1024xf32>
    %get3A_2548 = arith.index_cast %get3A_2226 : i32 to index
    %get3A_2549 = arith.constant 0 : index
    %get3A_2550 = arith.constant 0 : index
    %get3A_2551 = arith.constant 0 : index
    %get3A_2552 = vector.load %arg13[%get3A_2548, %get3A_2549, %get3A_2550, %get3A_2551] : memref<3x4x12x1xf32, #tpu.memory_space<vmem>>, vector<1x1x12x1xf32>
    %get3A_2553 = vector.shape_cast %get3A_2552 : vector<1x1x12x1xf32> to vector<12x1xf32>
    %get3A_2554 = arith.index_cast %get3A_2226 : i32 to index
    %get3A_2555 = arith.constant 0 : index
    %get3A_2556 = arith.constant 0 : index
    %get3A_2557 = arith.constant 0 : index
    %get3A_2558 = vector.load %arg14[%get3A_2554, %get3A_2555, %get3A_2556, %get3A_2557] : memref<3x4x12x1xf32, #tpu.memory_space<vmem>>, vector<1x1x12x1xf32>
    %get3A_2559 = vector.shape_cast %get3A_2558 : vector<1x1x12x1xf32> to vector<12x1xf32>
    %add3A_2560 = vector.broadcast %get3A_2553 : vector<12x1xf32> to vector<12x1024xf32>
    %add3A_2561 = arith.addf %dot_general3A_2547, %add3A_2560 : vector<12x1024xf32>
    %ge3A_2562 = arith.constant 0.000000e+00 : f32
    %ge3A_2563 = vector.broadcast %ge3A_2562 : f32 to vector<12x1024xf32>
    %ge3A_2564 = arith.cmpf oge, %add3A_2561, %ge3A_2563 : vector<12x1024xf32>
    %mul3A_2565 = vector.broadcast %get3A_2559 : vector<12x1xf32> to vector<12x1024xf32>
    %mul3A_2566 = arith.mulf %mul3A_2565, %add3A_2561 : vector<12x1024xf32>
    %select_n3A_2567 = arith.select %ge3A_2564, %add3A_2561, %mul3A_2566 : vector<12x1024xi1>, vector<12x1024xf32>
    %slice3A_2568 = vector.extract_strided_slice %select_n3A_2567 {offsets = [0, 991], sizes = [12, 33], strides = [1, 1]} : vector<12x1024xf32> to vector<12x33xf32>
    %slice3A_2569 = vector.extract_strided_slice %select_n3A_2567 {offsets = [0, 0], sizes = [12, 991], strides = [1, 1]} : vector<12x1024xf32> to vector<12x991xf32>
    %concatenate3A_2570 = tpu.concatenate %slice3A_2568, %slice3A_2569 in 1 : vector<12x33xf32>, vector<12x991xf32> -> vector<12x1024xf32>
    %slice3A_2571 = vector.extract_strided_slice %get3A_4 {offsets = [0, 0], sizes = [1, 1024], strides = [1, 1]} : vector<9x1024xf32> to vector<1x1024xf32>
    %squeeze3A_2572 = vector.shape_cast %slice3A_2571 : vector<1x1024xf32> to vector<1024xf32>
    %broadcast_in_dim3A_2573 = vector.shape_cast %squeeze3A_2572 : vector<1024xf32> to vector<1x1024xf32>
    %mul3A_2574 = vector.broadcast %broadcast_in_dim3A_2573 : vector<1x1024xf32> to vector<12x1024xf32>
    %mul3A_2575 = arith.mulf %concatenate3A_2570, %mul3A_2574 : vector<12x1024xf32>
    %slice3A_2576 = vector.extract_strided_slice %select_n3A_2567 {offsets = [0, 992], sizes = [12, 32], strides = [1, 1]} : vector<12x1024xf32> to vector<12x32xf32>
    %slice3A_2577 = vector.extract_strided_slice %select_n3A_2567 {offsets = [0, 0], sizes = [12, 992], strides = [1, 1]} : vector<12x1024xf32> to vector<12x992xf32>
    %concatenate3A_2578 = tpu.concatenate %slice3A_2576, %slice3A_2577 in 1 : vector<12x32xf32>, vector<12x992xf32> -> vector<12x1024xf32>
    %slice3A_2579 = vector.extract_strided_slice %get3A_4 {offsets = [1, 0], sizes = [1, 1024], strides = [1, 1]} : vector<9x1024xf32> to vector<1x1024xf32>
    %squeeze3A_2580 = vector.shape_cast %slice3A_2579 : vector<1x1024xf32> to vector<1024xf32>
    %broadcast_in_dim3A_2581 = vector.shape_cast %squeeze3A_2580 : vector<1024xf32> to vector<1x1024xf32>
    %mul3A_2582 = vector.broadcast %broadcast_in_dim3A_2581 : vector<1x1024xf32> to vector<12x1024xf32>
    %mul3A_2583 = arith.mulf %concatenate3A_2578, %mul3A_2582 : vector<12x1024xf32>
    %slice3A_2584 = vector.extract_strided_slice %select_n3A_2567 {offsets = [0, 993], sizes = [12, 31], strides = [1, 1]} : vector<12x1024xf32> to vector<12x31xf32>
    %slice3A_2585 = vector.extract_strided_slice %select_n3A_2567 {offsets = [0, 0], sizes = [12, 993], strides = [1, 1]} : vector<12x1024xf32> to vector<12x993xf32>
    %concatenate3A_2586 = tpu.concatenate %slice3A_2584, %slice3A_2585 in 1 : vector<12x31xf32>, vector<12x993xf32> -> vector<12x1024xf32>
    %slice3A_2587 = vector.extract_strided_slice %get3A_4 {offsets = [2, 0], sizes = [1, 1024], strides = [1, 1]} : vector<9x1024xf32> to vector<1x1024xf32>
    %squeeze3A_2588 = vector.shape_cast %slice3A_2587 : vector<1x1024xf32> to vector<1024xf32>
    %broadcast_in_dim3A_2589 = vector.shape_cast %squeeze3A_2588 : vector<1024xf32> to vector<1x1024xf32>
    %mul3A_2590 = vector.broadcast %broadcast_in_dim3A_2589 : vector<1x1024xf32> to vector<12x1024xf32>
    %mul3A_2591 = arith.mulf %concatenate3A_2586, %mul3A_2590 : vector<12x1024xf32>
    %slice3A_2592 = vector.extract_strided_slice %select_n3A_2567 {offsets = [0, 1023], sizes = [12, 1], strides = [1, 1]} : vector<12x1024xf32> to vector<12x1xf32>
    %slice3A_2593 = vector.extract_strided_slice %select_n3A_2567 {offsets = [0, 0], sizes = [12, 1023], strides = [1, 1]} : vector<12x1024xf32> to vector<12x1023xf32>
    %concatenate3A_2594 = tpu.concatenate %slice3A_2592, %slice3A_2593 in 1 : vector<12x1xf32>, vector<12x1023xf32> -> vector<12x1024xf32>
    %slice3A_2595 = vector.extract_strided_slice %get3A_4 {offsets = [3, 0], sizes = [1, 1024], strides = [1, 1]} : vector<9x1024xf32> to vector<1x1024xf32>
    %squeeze3A_2596 = vector.shape_cast %slice3A_2595 : vector<1x1024xf32> to vector<1024xf32>
    %broadcast_in_dim3A_2597 = vector.shape_cast %squeeze3A_2596 : vector<1024xf32> to vector<1x1024xf32>
    %mul3A_2598 = vector.broadcast %broadcast_in_dim3A_2597 : vector<1x1024xf32> to vector<12x1024xf32>
    %mul3A_2599 = arith.mulf %concatenate3A_2594, %mul3A_2598 : vector<12x1024xf32>
    %slice3A_2600 = vector.extract_strided_slice %select_n3A_2567 {offsets = [0, 1], sizes = [12, 1023], strides = [1, 1]} : vector<12x1024xf32> to vector<12x1023xf32>
    %slice3A_2601 = vector.extract_strided_slice %select_n3A_2567 {offsets = [0, 0], sizes = [12, 1], strides = [1, 1]} : vector<12x1024xf32> to vector<12x1xf32>
    %concatenate3A_2602 = tpu.concatenate %slice3A_2600, %slice3A_2601 in 1 : vector<12x1023xf32>, vector<12x1xf32> -> vector<12x1024xf32>
    %slice3A_2603 = vector.extract_strided_slice %get3A_4 {offsets = [5, 0], sizes = [1, 1024], strides = [1, 1]} : vector<9x1024xf32> to vector<1x1024xf32>
    %squeeze3A_2604 = vector.shape_cast %slice3A_2603 : vector<1x1024xf32> to vector<1024xf32>
    %broadcast_in_dim3A_2605 = vector.shape_cast %squeeze3A_2604 : vector<1024xf32> to vector<1x1024xf32>
    %mul3A_2606 = vector.broadcast %broadcast_in_dim3A_2605 : vector<1x1024xf32> to vector<12x1024xf32>
    %mul3A_2607 = arith.mulf %concatenate3A_2602, %mul3A_2606 : vector<12x1024xf32>
    %slice3A_2608 = vector.extract_strided_slice %select_n3A_2567 {offsets = [0, 31], sizes = [12, 993], strides = [1, 1]} : vector<12x1024xf32> to vector<12x993xf32>
    %slice3A_2609 = vector.extract_strided_slice %select_n3A_2567 {offsets = [0, 0], sizes = [12, 31], strides = [1, 1]} : vector<12x1024xf32> to vector<12x31xf32>
    %concatenate3A_2610 = tpu.concatenate %slice3A_2608, %slice3A_2609 in 1 : vector<12x993xf32>, vector<12x31xf32> -> vector<12x1024xf32>
    %slice3A_2611 = vector.extract_strided_slice %get3A_4 {offsets = [6, 0], sizes = [1, 1024], strides = [1, 1]} : vector<9x1024xf32> to vector<1x1024xf32>
    %squeeze3A_2612 = vector.shape_cast %slice3A_2611 : vector<1x1024xf32> to vector<1024xf32>
    %broadcast_in_dim3A_2613 = vector.shape_cast %squeeze3A_2612 : vector<1024xf32> to vector<1x1024xf32>
    %mul3A_2614 = vector.broadcast %broadcast_in_dim3A_2613 : vector<1x1024xf32> to vector<12x1024xf32>
    %mul3A_2615 = arith.mulf %concatenate3A_2610, %mul3A_2614 : vector<12x1024xf32>
    %slice3A_2616 = vector.extract_strided_slice %select_n3A_2567 {offsets = [0, 32], sizes = [12, 992], strides = [1, 1]} : vector<12x1024xf32> to vector<12x992xf32>
    %slice3A_2617 = vector.extract_strided_slice %select_n3A_2567 {offsets = [0, 0], sizes = [12, 32], strides = [1, 1]} : vector<12x1024xf32> to vector<12x32xf32>
    %concatenate3A_2618 = tpu.concatenate %slice3A_2616, %slice3A_2617 in 1 : vector<12x992xf32>, vector<12x32xf32> -> vector<12x1024xf32>
    %slice3A_2619 = vector.extract_strided_slice %get3A_4 {offsets = [7, 0], sizes = [1, 1024], strides = [1, 1]} : vector<9x1024xf32> to vector<1x1024xf32>
    %squeeze3A_2620 = vector.shape_cast %slice3A_2619 : vector<1x1024xf32> to vector<1024xf32>
    %broadcast_in_dim3A_2621 = vector.shape_cast %squeeze3A_2620 : vector<1024xf32> to vector<1x1024xf32>
    %mul3A_2622 = vector.broadcast %broadcast_in_dim3A_2621 : vector<1x1024xf32> to vector<12x1024xf32>
    %mul3A_2623 = arith.mulf %concatenate3A_2618, %mul3A_2622 : vector<12x1024xf32>
    %slice3A_2624 = vector.extract_strided_slice %select_n3A_2567 {offsets = [0, 33], sizes = [12, 991], strides = [1, 1]} : vector<12x1024xf32> to vector<12x991xf32>
    %slice3A_2625 = vector.extract_strided_slice %select_n3A_2567 {offsets = [0, 0], sizes = [12, 33], strides = [1, 1]} : vector<12x1024xf32> to vector<12x33xf32>
    %concatenate3A_2626 = tpu.concatenate %slice3A_2624, %slice3A_2625 in 1 : vector<12x991xf32>, vector<12x33xf32> -> vector<12x1024xf32>
    %slice3A_2627 = vector.extract_strided_slice %get3A_4 {offsets = [8, 0], sizes = [1, 1024], strides = [1, 1]} : vector<9x1024xf32> to vector<1x1024xf32>
    %squeeze3A_2628 = vector.shape_cast %slice3A_2627 : vector<1x1024xf32> to vector<1024xf32>
    %broadcast_in_dim3A_2629 = vector.shape_cast %squeeze3A_2628 : vector<1024xf32> to vector<1x1024xf32>
    %mul3A_2630 = vector.broadcast %broadcast_in_dim3A_2629 : vector<1x1024xf32> to vector<12x1024xf32>
    %mul3A_2631 = arith.mulf %concatenate3A_2626, %mul3A_2630 : vector<12x1024xf32>
    %concatenate3A_2632 = tpu.concatenate %mul3A_2575, %mul3A_2583, %mul3A_2591, %mul3A_2599, %select_n3A_2567, %mul3A_2607, %mul3A_2615, %mul3A_2623, %mul3A_2631 in 0 : vector<12x1024xf32>, vector<12x1024xf32>, vector<12x1024xf32>, vector<12x1024xf32>, vector<12x1024xf32>, vector<12x1024xf32>, vector<12x1024xf32>, vector<12x1024xf32>, vector<12x1024xf32> -> vector<108x1024xf32>
    %get3A_2633 = arith.index_cast %get3A_2226 : i32 to index
    %get3A_2634 = arith.constant 1 : index
    %get3A_2635 = arith.constant 0 : index
    %get3A_2636 = arith.constant 0 : index
    %get3A_2637 = vector.load %arg12[%get3A_2633, %get3A_2634, %get3A_2635, %get3A_2636] : memref<3x4x12x108xf32, #tpu.memory_space<vmem>>, vector<1x1x12x108xf32>
    %get3A_2638 = vector.shape_cast %get3A_2637 : vector<1x1x12x108xf32> to vector<12x108xf32>
    %dot_general3A_2639 = arith.constant dense<0.000000e+00> : vector<12x1024xf32>
    %dot_general3A_2640 = tpu.matmul %get3A_2638, %concatenate3A_2632, %dot_general3A_2639 {dimension_numbers = #tpu.dot_dimension_numbers<[1], [0], [0], [1], [0, 0, 1, 1], [], []>, transpose_lhs_hint = false} : vector<12x108xf32>, vector<108x1024xf32>, vector<12x1024xf32> -> vector<12x1024xf32>
    %get3A_2641 = arith.index_cast %get3A_2226 : i32 to index
    %get3A_2642 = arith.constant 1 : index
    %get3A_2643 = arith.constant 0 : index
    %get3A_2644 = arith.constant 0 : index
    %get3A_2645 = vector.load %arg13[%get3A_2641, %get3A_2642, %get3A_2643, %get3A_2644] : memref<3x4x12x1xf32, #tpu.memory_space<vmem>>, vector<1x1x12x1xf32>
    %get3A_2646 = vector.shape_cast %get3A_2645 : vector<1x1x12x1xf32> to vector<12x1xf32>
    %get3A_2647 = arith.index_cast %get3A_2226 : i32 to index
    %get3A_2648 = arith.constant 1 : index
    %get3A_2649 = arith.constant 0 : index
    %get3A_2650 = arith.constant 0 : index
    %get3A_2651 = vector.load %arg14[%get3A_2647, %get3A_2648, %get3A_2649, %get3A_2650] : memref<3x4x12x1xf32, #tpu.memory_space<vmem>>, vector<1x1x12x1xf32>
    %get3A_2652 = vector.shape_cast %get3A_2651 : vector<1x1x12x1xf32> to vector<12x1xf32>
    %add3A_2653 = vector.broadcast %get3A_2646 : vector<12x1xf32> to vector<12x1024xf32>
    %add3A_2654 = arith.addf %dot_general3A_2640, %add3A_2653 : vector<12x1024xf32>
    %ge3A_2655 = arith.constant 0.000000e+00 : f32
    %ge3A_2656 = vector.broadcast %ge3A_2655 : f32 to vector<12x1024xf32>
    %ge3A_2657 = arith.cmpf oge, %add3A_2654, %ge3A_2656 : vector<12x1024xf32>
    %mul3A_2658 = vector.broadcast %get3A_2652 : vector<12x1xf32> to vector<12x1024xf32>
    %mul3A_2659 = arith.mulf %mul3A_2658, %add3A_2654 : vector<12x1024xf32>
    %select_n3A_2660 = arith.select %ge3A_2657, %add3A_2654, %mul3A_2659 : vector<12x1024xi1>, vector<12x1024xf32>
    %slice3A_2661 = vector.extract_strided_slice %select_n3A_2660 {offsets = [0, 991], sizes = [12, 33], strides = [1, 1]} : vector<12x1024xf32> to vector<12x33xf32>
    %slice3A_2662 = vector.extract_strided_slice %select_n3A_2660 {offsets = [0, 0], sizes = [12, 991], strides = [1, 1]} : vector<12x1024xf32> to vector<12x991xf32>
    %concatenate3A_2663 = tpu.concatenate %slice3A_2661, %slice3A_2662 in 1 : vector<12x33xf32>, vector<12x991xf32> -> vector<12x1024xf32>
    %slice3A_2664 = vector.extract_strided_slice %get3A_4 {offsets = [0, 0], sizes = [1, 1024], strides = [1, 1]} : vector<9x1024xf32> to vector<1x1024xf32>
    %squeeze3A_2665 = vector.shape_cast %slice3A_2664 : vector<1x1024xf32> to vector<1024xf32>
    %broadcast_in_dim3A_2666 = vector.shape_cast %squeeze3A_2665 : vector<1024xf32> to vector<1x1024xf32>
    %mul3A_2667 = vector.broadcast %broadcast_in_dim3A_2666 : vector<1x1024xf32> to vector<12x1024xf32>
    %mul3A_2668 = arith.mulf %concatenate3A_2663, %mul3A_2667 : vector<12x1024xf32>
    %slice3A_2669 = vector.extract_strided_slice %select_n3A_2660 {offsets = [0, 992], sizes = [12, 32], strides = [1, 1]} : vector<12x1024xf32> to vector<12x32xf32>
    %slice3A_2670 = vector.extract_strided_slice %select_n3A_2660 {offsets = [0, 0], sizes = [12, 992], strides = [1, 1]} : vector<12x1024xf32> to vector<12x992xf32>
    %concatenate3A_2671 = tpu.concatenate %slice3A_2669, %slice3A_2670 in 1 : vector<12x32xf32>, vector<12x992xf32> -> vector<12x1024xf32>
    %slice3A_2672 = vector.extract_strided_slice %get3A_4 {offsets = [1, 0], sizes = [1, 1024], strides = [1, 1]} : vector<9x1024xf32> to vector<1x1024xf32>
    %squeeze3A_2673 = vector.shape_cast %slice3A_2672 : vector<1x1024xf32> to vector<1024xf32>
    %broadcast_in_dim3A_2674 = vector.shape_cast %squeeze3A_2673 : vector<1024xf32> to vector<1x1024xf32>
    %mul3A_2675 = vector.broadcast %broadcast_in_dim3A_2674 : vector<1x1024xf32> to vector<12x1024xf32>
    %mul3A_2676 = arith.mulf %concatenate3A_2671, %mul3A_2675 : vector<12x1024xf32>
    %slice3A_2677 = vector.extract_strided_slice %select_n3A_2660 {offsets = [0, 993], sizes = [12, 31], strides = [1, 1]} : vector<12x1024xf32> to vector<12x31xf32>
    %slice3A_2678 = vector.extract_strided_slice %select_n3A_2660 {offsets = [0, 0], sizes = [12, 993], strides = [1, 1]} : vector<12x1024xf32> to vector<12x993xf32>
    %concatenate3A_2679 = tpu.concatenate %slice3A_2677, %slice3A_2678 in 1 : vector<12x31xf32>, vector<12x993xf32> -> vector<12x1024xf32>
    %slice3A_2680 = vector.extract_strided_slice %get3A_4 {offsets = [2, 0], sizes = [1, 1024], strides = [1, 1]} : vector<9x1024xf32> to vector<1x1024xf32>
    %squeeze3A_2681 = vector.shape_cast %slice3A_2680 : vector<1x1024xf32> to vector<1024xf32>
    %broadcast_in_dim3A_2682 = vector.shape_cast %squeeze3A_2681 : vector<1024xf32> to vector<1x1024xf32>
    %mul3A_2683 = vector.broadcast %broadcast_in_dim3A_2682 : vector<1x1024xf32> to vector<12x1024xf32>
    %mul3A_2684 = arith.mulf %concatenate3A_2679, %mul3A_2683 : vector<12x1024xf32>
    %slice3A_2685 = vector.extract_strided_slice %select_n3A_2660 {offsets = [0, 1023], sizes = [12, 1], strides = [1, 1]} : vector<12x1024xf32> to vector<12x1xf32>
    %slice3A_2686 = vector.extract_strided_slice %select_n3A_2660 {offsets = [0, 0], sizes = [12, 1023], strides = [1, 1]} : vector<12x1024xf32> to vector<12x1023xf32>
    %concatenate3A_2687 = tpu.concatenate %slice3A_2685, %slice3A_2686 in 1 : vector<12x1xf32>, vector<12x1023xf32> -> vector<12x1024xf32>
    %slice3A_2688 = vector.extract_strided_slice %get3A_4 {offsets = [3, 0], sizes = [1, 1024], strides = [1, 1]} : vector<9x1024xf32> to vector<1x1024xf32>
    %squeeze3A_2689 = vector.shape_cast %slice3A_2688 : vector<1x1024xf32> to vector<1024xf32>
    %broadcast_in_dim3A_2690 = vector.shape_cast %squeeze3A_2689 : vector<1024xf32> to vector<1x1024xf32>
    %mul3A_2691 = vector.broadcast %broadcast_in_dim3A_2690 : vector<1x1024xf32> to vector<12x1024xf32>
    %mul3A_2692 = arith.mulf %concatenate3A_2687, %mul3A_2691 : vector<12x1024xf32>
    %slice3A_2693 = vector.extract_strided_slice %select_n3A_2660 {offsets = [0, 1], sizes = [12, 1023], strides = [1, 1]} : vector<12x1024xf32> to vector<12x1023xf32>
    %slice3A_2694 = vector.extract_strided_slice %select_n3A_2660 {offsets = [0, 0], sizes = [12, 1], strides = [1, 1]} : vector<12x1024xf32> to vector<12x1xf32>
    %concatenate3A_2695 = tpu.concatenate %slice3A_2693, %slice3A_2694 in 1 : vector<12x1023xf32>, vector<12x1xf32> -> vector<12x1024xf32>
    %slice3A_2696 = vector.extract_strided_slice %get3A_4 {offsets = [5, 0], sizes = [1, 1024], strides = [1, 1]} : vector<9x1024xf32> to vector<1x1024xf32>
    %squeeze3A_2697 = vector.shape_cast %slice3A_2696 : vector<1x1024xf32> to vector<1024xf32>
    %broadcast_in_dim3A_2698 = vector.shape_cast %squeeze3A_2697 : vector<1024xf32> to vector<1x1024xf32>
    %mul3A_2699 = vector.broadcast %broadcast_in_dim3A_2698 : vector<1x1024xf32> to vector<12x1024xf32>
    %mul3A_2700 = arith.mulf %concatenate3A_2695, %mul3A_2699 : vector<12x1024xf32>
    %slice3A_2701 = vector.extract_strided_slice %select_n3A_2660 {offsets = [0, 31], sizes = [12, 993], strides = [1, 1]} : vector<12x1024xf32> to vector<12x993xf32>
    %slice3A_2702 = vector.extract_strided_slice %select_n3A_2660 {offsets = [0, 0], sizes = [12, 31], strides = [1, 1]} : vector<12x1024xf32> to vector<12x31xf32>
    %concatenate3A_2703 = tpu.concatenate %slice3A_2701, %slice3A_2702 in 1 : vector<12x993xf32>, vector<12x31xf32> -> vector<12x1024xf32>
    %slice3A_2704 = vector.extract_strided_slice %get3A_4 {offsets = [6, 0], sizes = [1, 1024], strides = [1, 1]} : vector<9x1024xf32> to vector<1x1024xf32>
    %squeeze3A_2705 = vector.shape_cast %slice3A_2704 : vector<1x1024xf32> to vector<1024xf32>
    %broadcast_in_dim3A_2706 = vector.shape_cast %squeeze3A_2705 : vector<1024xf32> to vector<1x1024xf32>
    %mul3A_2707 = vector.broadcast %broadcast_in_dim3A_2706 : vector<1x1024xf32> to vector<12x1024xf32>
    %mul3A_2708 = arith.mulf %concatenate3A_2703, %mul3A_2707 : vector<12x1024xf32>
    %slice3A_2709 = vector.extract_strided_slice %select_n3A_2660 {offsets = [0, 32], sizes = [12, 992], strides = [1, 1]} : vector<12x1024xf32> to vector<12x992xf32>
    %slice3A_2710 = vector.extract_strided_slice %select_n3A_2660 {offsets = [0, 0], sizes = [12, 32], strides = [1, 1]} : vector<12x1024xf32> to vector<12x32xf32>
    %concatenate3A_2711 = tpu.concatenate %slice3A_2709, %slice3A_2710 in 1 : vector<12x992xf32>, vector<12x32xf32> -> vector<12x1024xf32>
    %slice3A_2712 = vector.extract_strided_slice %get3A_4 {offsets = [7, 0], sizes = [1, 1024], strides = [1, 1]} : vector<9x1024xf32> to vector<1x1024xf32>
    %squeeze3A_2713 = vector.shape_cast %slice3A_2712 : vector<1x1024xf32> to vector<1024xf32>
    %broadcast_in_dim3A_2714 = vector.shape_cast %squeeze3A_2713 : vector<1024xf32> to vector<1x1024xf32>
    %mul3A_2715 = vector.broadcast %broadcast_in_dim3A_2714 : vector<1x1024xf32> to vector<12x1024xf32>
    %mul3A_2716 = arith.mulf %concatenate3A_2711, %mul3A_2715 : vector<12x1024xf32>
    %slice3A_2717 = vector.extract_strided_slice %select_n3A_2660 {offsets = [0, 33], sizes = [12, 991], strides = [1, 1]} : vector<12x1024xf32> to vector<12x991xf32>
    %slice3A_2718 = vector.extract_strided_slice %select_n3A_2660 {offsets = [0, 0], sizes = [12, 33], strides = [1, 1]} : vector<12x1024xf32> to vector<12x33xf32>
    %concatenate3A_2719 = tpu.concatenate %slice3A_2717, %slice3A_2718 in 1 : vector<12x991xf32>, vector<12x33xf32> -> vector<12x1024xf32>
    %slice3A_2720 = vector.extract_strided_slice %get3A_4 {offsets = [8, 0], sizes = [1, 1024], strides = [1, 1]} : vector<9x1024xf32> to vector<1x1024xf32>
    %squeeze3A_2721 = vector.shape_cast %slice3A_2720 : vector<1x1024xf32> to vector<1024xf32>
    %broadcast_in_dim3A_2722 = vector.shape_cast %squeeze3A_2721 : vector<1024xf32> to vector<1x1024xf32>
    %mul3A_2723 = vector.broadcast %broadcast_in_dim3A_2722 : vector<1x1024xf32> to vector<12x1024xf32>
    %mul3A_2724 = arith.mulf %concatenate3A_2719, %mul3A_2723 : vector<12x1024xf32>
    %concatenate3A_2725 = tpu.concatenate %mul3A_2668, %mul3A_2676, %mul3A_2684, %mul3A_2692, %select_n3A_2660, %mul3A_2700, %mul3A_2708, %mul3A_2716, %mul3A_2724 in 0 : vector<12x1024xf32>, vector<12x1024xf32>, vector<12x1024xf32>, vector<12x1024xf32>, vector<12x1024xf32>, vector<12x1024xf32>, vector<12x1024xf32>, vector<12x1024xf32>, vector<12x1024xf32> -> vector<108x1024xf32>
    %get3A_2726 = arith.index_cast %get3A_2226 : i32 to index
    %get3A_2727 = arith.constant 2 : index
    %get3A_2728 = arith.constant 0 : index
    %get3A_2729 = arith.constant 0 : index
    %get3A_2730 = vector.load %arg12[%get3A_2726, %get3A_2727, %get3A_2728, %get3A_2729] : memref<3x4x12x108xf32, #tpu.memory_space<vmem>>, vector<1x1x12x108xf32>
    %get3A_2731 = vector.shape_cast %get3A_2730 : vector<1x1x12x108xf32> to vector<12x108xf32>
    %dot_general3A_2732 = arith.constant dense<0.000000e+00> : vector<12x1024xf32>
    %dot_general3A_2733 = tpu.matmul %get3A_2731, %concatenate3A_2725, %dot_general3A_2732 {dimension_numbers = #tpu.dot_dimension_numbers<[1], [0], [0], [1], [0, 0, 1, 1], [], []>, transpose_lhs_hint = false} : vector<12x108xf32>, vector<108x1024xf32>, vector<12x1024xf32> -> vector<12x1024xf32>
    %get3A_2734 = arith.index_cast %get3A_2226 : i32 to index
    %get3A_2735 = arith.constant 2 : index
    %get3A_2736 = arith.constant 0 : index
    %get3A_2737 = arith.constant 0 : index
    %get3A_2738 = vector.load %arg13[%get3A_2734, %get3A_2735, %get3A_2736, %get3A_2737] : memref<3x4x12x1xf32, #tpu.memory_space<vmem>>, vector<1x1x12x1xf32>
    %get3A_2739 = vector.shape_cast %get3A_2738 : vector<1x1x12x1xf32> to vector<12x1xf32>
    %get3A_2740 = arith.index_cast %get3A_2226 : i32 to index
    %get3A_2741 = arith.constant 2 : index
    %get3A_2742 = arith.constant 0 : index
    %get3A_2743 = arith.constant 0 : index
    %get3A_2744 = vector.load %arg14[%get3A_2740, %get3A_2741, %get3A_2742, %get3A_2743] : memref<3x4x12x1xf32, #tpu.memory_space<vmem>>, vector<1x1x12x1xf32>
    %get3A_2745 = vector.shape_cast %get3A_2744 : vector<1x1x12x1xf32> to vector<12x1xf32>
    %add3A_2746 = vector.broadcast %get3A_2739 : vector<12x1xf32> to vector<12x1024xf32>
    %add3A_2747 = arith.addf %dot_general3A_2733, %add3A_2746 : vector<12x1024xf32>
    %ge3A_2748 = arith.constant 0.000000e+00 : f32
    %ge3A_2749 = vector.broadcast %ge3A_2748 : f32 to vector<12x1024xf32>
    %ge3A_2750 = arith.cmpf oge, %add3A_2747, %ge3A_2749 : vector<12x1024xf32>
    %mul3A_2751 = vector.broadcast %get3A_2745 : vector<12x1xf32> to vector<12x1024xf32>
    %mul3A_2752 = arith.mulf %mul3A_2751, %add3A_2747 : vector<12x1024xf32>
    %select_n3A_2753 = arith.select %ge3A_2750, %add3A_2747, %mul3A_2752 : vector<12x1024xi1>, vector<12x1024xf32>
    %slice3A_2754 = vector.extract_strided_slice %select_n3A_2753 {offsets = [0, 991], sizes = [12, 33], strides = [1, 1]} : vector<12x1024xf32> to vector<12x33xf32>
    %slice3A_2755 = vector.extract_strided_slice %select_n3A_2753 {offsets = [0, 0], sizes = [12, 991], strides = [1, 1]} : vector<12x1024xf32> to vector<12x991xf32>
    %concatenate3A_2756 = tpu.concatenate %slice3A_2754, %slice3A_2755 in 1 : vector<12x33xf32>, vector<12x991xf32> -> vector<12x1024xf32>
    %slice3A_2757 = vector.extract_strided_slice %get3A_4 {offsets = [0, 0], sizes = [1, 1024], strides = [1, 1]} : vector<9x1024xf32> to vector<1x1024xf32>
    %squeeze3A_2758 = vector.shape_cast %slice3A_2757 : vector<1x1024xf32> to vector<1024xf32>
    %broadcast_in_dim3A_2759 = vector.shape_cast %squeeze3A_2758 : vector<1024xf32> to vector<1x1024xf32>
    %mul3A_2760 = vector.broadcast %broadcast_in_dim3A_2759 : vector<1x1024xf32> to vector<12x1024xf32>
    %mul3A_2761 = arith.mulf %concatenate3A_2756, %mul3A_2760 : vector<12x1024xf32>
    %slice3A_2762 = vector.extract_strided_slice %select_n3A_2753 {offsets = [0, 992], sizes = [12, 32], strides = [1, 1]} : vector<12x1024xf32> to vector<12x32xf32>
    %slice3A_2763 = vector.extract_strided_slice %select_n3A_2753 {offsets = [0, 0], sizes = [12, 992], strides = [1, 1]} : vector<12x1024xf32> to vector<12x992xf32>
    %concatenate3A_2764 = tpu.concatenate %slice3A_2762, %slice3A_2763 in 1 : vector<12x32xf32>, vector<12x992xf32> -> vector<12x1024xf32>
    %slice3A_2765 = vector.extract_strided_slice %get3A_4 {offsets = [1, 0], sizes = [1, 1024], strides = [1, 1]} : vector<9x1024xf32> to vector<1x1024xf32>
    %squeeze3A_2766 = vector.shape_cast %slice3A_2765 : vector<1x1024xf32> to vector<1024xf32>
    %broadcast_in_dim3A_2767 = vector.shape_cast %squeeze3A_2766 : vector<1024xf32> to vector<1x1024xf32>
    %mul3A_2768 = vector.broadcast %broadcast_in_dim3A_2767 : vector<1x1024xf32> to vector<12x1024xf32>
    %mul3A_2769 = arith.mulf %concatenate3A_2764, %mul3A_2768 : vector<12x1024xf32>
    %slice3A_2770 = vector.extract_strided_slice %select_n3A_2753 {offsets = [0, 993], sizes = [12, 31], strides = [1, 1]} : vector<12x1024xf32> to vector<12x31xf32>
    %slice3A_2771 = vector.extract_strided_slice %select_n3A_2753 {offsets = [0, 0], sizes = [12, 993], strides = [1, 1]} : vector<12x1024xf32> to vector<12x993xf32>
    %concatenate3A_2772 = tpu.concatenate %slice3A_2770, %slice3A_2771 in 1 : vector<12x31xf32>, vector<12x993xf32> -> vector<12x1024xf32>
    %slice3A_2773 = vector.extract_strided_slice %get3A_4 {offsets = [2, 0], sizes = [1, 1024], strides = [1, 1]} : vector<9x1024xf32> to vector<1x1024xf32>
    %squeeze3A_2774 = vector.shape_cast %slice3A_2773 : vector<1x1024xf32> to vector<1024xf32>
    %broadcast_in_dim3A_2775 = vector.shape_cast %squeeze3A_2774 : vector<1024xf32> to vector<1x1024xf32>
    %mul3A_2776 = vector.broadcast %broadcast_in_dim3A_2775 : vector<1x1024xf32> to vector<12x1024xf32>
    %mul3A_2777 = arith.mulf %concatenate3A_2772, %mul3A_2776 : vector<12x1024xf32>
    %slice3A_2778 = vector.extract_strided_slice %select_n3A_2753 {offsets = [0, 1023], sizes = [12, 1], strides = [1, 1]} : vector<12x1024xf32> to vector<12x1xf32>
    %slice3A_2779 = vector.extract_strided_slice %select_n3A_2753 {offsets = [0, 0], sizes = [12, 1023], strides = [1, 1]} : vector<12x1024xf32> to vector<12x1023xf32>
    %concatenate3A_2780 = tpu.concatenate %slice3A_2778, %slice3A_2779 in 1 : vector<12x1xf32>, vector<12x1023xf32> -> vector<12x1024xf32>
    %slice3A_2781 = vector.extract_strided_slice %get3A_4 {offsets = [3, 0], sizes = [1, 1024], strides = [1, 1]} : vector<9x1024xf32> to vector<1x1024xf32>
    %squeeze3A_2782 = vector.shape_cast %slice3A_2781 : vector<1x1024xf32> to vector<1024xf32>
    %broadcast_in_dim3A_2783 = vector.shape_cast %squeeze3A_2782 : vector<1024xf32> to vector<1x1024xf32>
    %mul3A_2784 = vector.broadcast %broadcast_in_dim3A_2783 : vector<1x1024xf32> to vector<12x1024xf32>
    %mul3A_2785 = arith.mulf %concatenate3A_2780, %mul3A_2784 : vector<12x1024xf32>
    %slice3A_2786 = vector.extract_strided_slice %select_n3A_2753 {offsets = [0, 1], sizes = [12, 1023], strides = [1, 1]} : vector<12x1024xf32> to vector<12x1023xf32>
    %slice3A_2787 = vector.extract_strided_slice %select_n3A_2753 {offsets = [0, 0], sizes = [12, 1], strides = [1, 1]} : vector<12x1024xf32> to vector<12x1xf32>
    %concatenate3A_2788 = tpu.concatenate %slice3A_2786, %slice3A_2787 in 1 : vector<12x1023xf32>, vector<12x1xf32> -> vector<12x1024xf32>
    %slice3A_2789 = vector.extract_strided_slice %get3A_4 {offsets = [5, 0], sizes = [1, 1024], strides = [1, 1]} : vector<9x1024xf32> to vector<1x1024xf32>
    %squeeze3A_2790 = vector.shape_cast %slice3A_2789 : vector<1x1024xf32> to vector<1024xf32>
    %broadcast_in_dim3A_2791 = vector.shape_cast %squeeze3A_2790 : vector<1024xf32> to vector<1x1024xf32>
    %mul3A_2792 = vector.broadcast %broadcast_in_dim3A_2791 : vector<1x1024xf32> to vector<12x1024xf32>
    %mul3A_2793 = arith.mulf %concatenate3A_2788, %mul3A_2792 : vector<12x1024xf32>
    %slice3A_2794 = vector.extract_strided_slice %select_n3A_2753 {offsets = [0, 31], sizes = [12, 993], strides = [1, 1]} : vector<12x1024xf32> to vector<12x993xf32>
    %slice3A_2795 = vector.extract_strided_slice %select_n3A_2753 {offsets = [0, 0], sizes = [12, 31], strides = [1, 1]} : vector<12x1024xf32> to vector<12x31xf32>
    %concatenate3A_2796 = tpu.concatenate %slice3A_2794, %slice3A_2795 in 1 : vector<12x993xf32>, vector<12x31xf32> -> vector<12x1024xf32>
    %slice3A_2797 = vector.extract_strided_slice %get3A_4 {offsets = [6, 0], sizes = [1, 1024], strides = [1, 1]} : vector<9x1024xf32> to vector<1x1024xf32>
    %squeeze3A_2798 = vector.shape_cast %slice3A_2797 : vector<1x1024xf32> to vector<1024xf32>
    %broadcast_in_dim3A_2799 = vector.shape_cast %squeeze3A_2798 : vector<1024xf32> to vector<1x1024xf32>
    %mul3A_2800 = vector.broadcast %broadcast_in_dim3A_2799 : vector<1x1024xf32> to vector<12x1024xf32>
    %mul3A_2801 = arith.mulf %concatenate3A_2796, %mul3A_2800 : vector<12x1024xf32>
    %slice3A_2802 = vector.extract_strided_slice %select_n3A_2753 {offsets = [0, 32], sizes = [12, 992], strides = [1, 1]} : vector<12x1024xf32> to vector<12x992xf32>
    %slice3A_2803 = vector.extract_strided_slice %select_n3A_2753 {offsets = [0, 0], sizes = [12, 32], strides = [1, 1]} : vector<12x1024xf32> to vector<12x32xf32>
    %concatenate3A_2804 = tpu.concatenate %slice3A_2802, %slice3A_2803 in 1 : vector<12x992xf32>, vector<12x32xf32> -> vector<12x1024xf32>
    %slice3A_2805 = vector.extract_strided_slice %get3A_4 {offsets = [7, 0], sizes = [1, 1024], strides = [1, 1]} : vector<9x1024xf32> to vector<1x1024xf32>
    %squeeze3A_2806 = vector.shape_cast %slice3A_2805 : vector<1x1024xf32> to vector<1024xf32>
    %broadcast_in_dim3A_2807 = vector.shape_cast %squeeze3A_2806 : vector<1024xf32> to vector<1x1024xf32>
    %mul3A_2808 = vector.broadcast %broadcast_in_dim3A_2807 : vector<1x1024xf32> to vector<12x1024xf32>
    %mul3A_2809 = arith.mulf %concatenate3A_2804, %mul3A_2808 : vector<12x1024xf32>
    %slice3A_2810 = vector.extract_strided_slice %select_n3A_2753 {offsets = [0, 33], sizes = [12, 991], strides = [1, 1]} : vector<12x1024xf32> to vector<12x991xf32>
    %slice3A_2811 = vector.extract_strided_slice %select_n3A_2753 {offsets = [0, 0], sizes = [12, 33], strides = [1, 1]} : vector<12x1024xf32> to vector<12x33xf32>
    %concatenate3A_2812 = tpu.concatenate %slice3A_2810, %slice3A_2811 in 1 : vector<12x991xf32>, vector<12x33xf32> -> vector<12x1024xf32>
    %slice3A_2813 = vector.extract_strided_slice %get3A_4 {offsets = [8, 0], sizes = [1, 1024], strides = [1, 1]} : vector<9x1024xf32> to vector<1x1024xf32>
    %squeeze3A_2814 = vector.shape_cast %slice3A_2813 : vector<1x1024xf32> to vector<1024xf32>
    %broadcast_in_dim3A_2815 = vector.shape_cast %squeeze3A_2814 : vector<1024xf32> to vector<1x1024xf32>
    %mul3A_2816 = vector.broadcast %broadcast_in_dim3A_2815 : vector<1x1024xf32> to vector<12x1024xf32>
    %mul3A_2817 = arith.mulf %concatenate3A_2812, %mul3A_2816 : vector<12x1024xf32>
    %concatenate3A_2818 = tpu.concatenate %mul3A_2761, %mul3A_2769, %mul3A_2777, %mul3A_2785, %select_n3A_2753, %mul3A_2793, %mul3A_2801, %mul3A_2809, %mul3A_2817 in 0 : vector<12x1024xf32>, vector<12x1024xf32>, vector<12x1024xf32>, vector<12x1024xf32>, vector<12x1024xf32>, vector<12x1024xf32>, vector<12x1024xf32>, vector<12x1024xf32>, vector<12x1024xf32> -> vector<108x1024xf32>
    %get3A_2819 = arith.index_cast %get3A_2226 : i32 to index
    %get3A_2820 = arith.constant 3 : index
    %get3A_2821 = arith.constant 0 : index
    %get3A_2822 = arith.constant 0 : index
    %get3A_2823 = vector.load %arg12[%get3A_2819, %get3A_2820, %get3A_2821, %get3A_2822] : memref<3x4x12x108xf32, #tpu.memory_space<vmem>>, vector<1x1x12x108xf32>
    %get3A_2824 = vector.shape_cast %get3A_2823 : vector<1x1x12x108xf32> to vector<12x108xf32>
    %dot_general3A_2825 = arith.constant dense<0.000000e+00> : vector<12x1024xf32>
    %dot_general3A_2826 = tpu.matmul %get3A_2824, %concatenate3A_2818, %dot_general3A_2825 {dimension_numbers = #tpu.dot_dimension_numbers<[1], [0], [0], [1], [0, 0, 1, 1], [], []>, transpose_lhs_hint = false} : vector<12x108xf32>, vector<108x1024xf32>, vector<12x1024xf32> -> vector<12x1024xf32>
    %get3A_2827 = arith.index_cast %get3A_2226 : i32 to index
    %get3A_2828 = arith.constant 3 : index
    %get3A_2829 = arith.constant 0 : index
    %get3A_2830 = arith.constant 0 : index
    %get3A_2831 = vector.load %arg13[%get3A_2827, %get3A_2828, %get3A_2829, %get3A_2830] : memref<3x4x12x1xf32, #tpu.memory_space<vmem>>, vector<1x1x12x1xf32>
    %get3A_2832 = vector.shape_cast %get3A_2831 : vector<1x1x12x1xf32> to vector<12x1xf32>
    %get3A_2833 = arith.index_cast %get3A_2226 : i32 to index
    %get3A_2834 = arith.constant 3 : index
    %get3A_2835 = arith.constant 0 : index
    %get3A_2836 = arith.constant 0 : index
    %get3A_2837 = vector.load %arg14[%get3A_2833, %get3A_2834, %get3A_2835, %get3A_2836] : memref<3x4x12x1xf32, #tpu.memory_space<vmem>>, vector<1x1x12x1xf32>
    %get3A_2838 = vector.shape_cast %get3A_2837 : vector<1x1x12x1xf32> to vector<12x1xf32>
    %add3A_2839 = vector.broadcast %get3A_2832 : vector<12x1xf32> to vector<12x1024xf32>
    %add3A_2840 = arith.addf %dot_general3A_2826, %add3A_2839 : vector<12x1024xf32>
    %ge3A_2841 = arith.constant 0.000000e+00 : f32
    %ge3A_2842 = vector.broadcast %ge3A_2841 : f32 to vector<12x1024xf32>
    %ge3A_2843 = arith.cmpf oge, %add3A_2840, %ge3A_2842 : vector<12x1024xf32>
    %mul3A_2844 = vector.broadcast %get3A_2838 : vector<12x1xf32> to vector<12x1024xf32>
    %mul3A_2845 = arith.mulf %mul3A_2844, %add3A_2840 : vector<12x1024xf32>
    %select_n3A_2846 = arith.select %ge3A_2843, %add3A_2840, %mul3A_2845 : vector<12x1024xi1>, vector<12x1024xf32>
    %get3A_2847 = arith.index_cast %get3A_2226 : i32 to index
    %get3A_2848 = arith.constant 0 : index
    %get3A_2849 = arith.constant 0 : index
    %get3A_2850 = vector.load %arg15[%get3A_2847, %get3A_2848, %get3A_2849] : memref<3x56x12xf32, #tpu.memory_space<vmem>>, vector<1x56x12xf32>
    %get3A_2851 = vector.shape_cast %get3A_2850 : vector<1x56x12xf32> to vector<56x12xf32>
    %dot_general3A_2852 = arith.constant dense<0.000000e+00> : vector<56x1024xf32>
    %dot_general3A_2853 = tpu.matmul %get3A_2851, %select_n3A_2846, %dot_general3A_2852 {dimension_numbers = #tpu.dot_dimension_numbers<[1], [0], [0], [1], [0, 0, 1, 1], [], []>, transpose_lhs_hint = false} : vector<56x12xf32>, vector<12x1024xf32>, vector<56x1024xf32> -> vector<56x1024xf32>
    %get3A_2854 = arith.index_cast %get3A_2226 : i32 to index
    %get3A_2855 = arith.constant 0 : index
    %get3A_2856 = arith.constant 0 : index
    %get3A_2857 = vector.load %arg16[%get3A_2854, %get3A_2855, %get3A_2856] : memref<3x56x1xf32, #tpu.memory_space<vmem>>, vector<1x56x1xf32>
    %get3A_2858 = vector.shape_cast %get3A_2857 : vector<1x56x1xf32> to vector<56x1xf32>
    %get3A_2859 = arith.index_cast %get3A_2226 : i32 to index
    %get3A_2860 = arith.constant 0 : index
    %get3A_2861 = arith.constant 0 : index
    %get3A_2862 = vector.load %arg17[%get3A_2859, %get3A_2860, %get3A_2861] : memref<3x56x1xf32, #tpu.memory_space<vmem>>, vector<1x56x1xf32>
    %get3A_2863 = vector.shape_cast %get3A_2862 : vector<1x56x1xf32> to vector<56x1xf32>
    %add3A_2864 = vector.broadcast %get3A_2858 : vector<56x1xf32> to vector<56x1024xf32>
    %add3A_2865 = arith.addf %dot_general3A_2853, %add3A_2864 : vector<56x1024xf32>
    %ge3A_2866 = arith.constant 0.000000e+00 : f32
    %ge3A_2867 = vector.broadcast %ge3A_2866 : f32 to vector<56x1024xf32>
    %ge3A_2868 = arith.cmpf oge, %add3A_2865, %ge3A_2867 : vector<56x1024xf32>
    %mul3A_2869 = vector.broadcast %get3A_2863 : vector<56x1xf32> to vector<56x1024xf32>
    %mul3A_2870 = arith.mulf %mul3A_2869, %add3A_2865 : vector<56x1024xf32>
    %select_n3A_2871 = arith.select %ge3A_2868, %add3A_2865, %mul3A_2870 : vector<56x1024xi1>, vector<56x1024xf32>
    %convert_element_type3A_2872 = arith.truncf %select_n3A_2871 : vector<56x1024xf32> to vector<56x1024xbf16>
    %slice3A_2873 = vector.extract_strided_slice %convert_element_type3A_2872 {offsets = [0, 991], sizes = [56, 33], strides = [1, 1]} : vector<56x1024xbf16> to vector<56x33xbf16>
    %slice3A_2874 = vector.extract_strided_slice %convert_element_type3A_2872 {offsets = [0, 0], sizes = [56, 991], strides = [1, 1]} : vector<56x1024xbf16> to vector<56x991xbf16>
    %concatenate3A_2875 = tpu.concatenate %slice3A_2873, %slice3A_2874 in 1 : vector<56x33xbf16>, vector<56x991xbf16> -> vector<56x1024xbf16>
    %slice3A_2876 = vector.extract_strided_slice %convert_element_type3A {offsets = [0, 0], sizes = [1, 1024], strides = [1, 1]} : vector<9x1024xbf16> to vector<1x1024xbf16>
    %squeeze3A_2877 = vector.shape_cast %slice3A_2876 : vector<1x1024xbf16> to vector<1024xbf16>
    %broadcast_in_dim3A_2878 = vector.shape_cast %squeeze3A_2877 : vector<1024xbf16> to vector<1x1024xbf16>
    %mul3A_2879 = vector.broadcast %broadcast_in_dim3A_2878 : vector<1x1024xbf16> to vector<56x1024xbf16>
    %mul3A_2880 = arith.mulf %concatenate3A_2875, %mul3A_2879 : vector<56x1024xbf16>
    %slice3A_2881 = vector.extract_strided_slice %convert_element_type3A_2872 {offsets = [0, 992], sizes = [56, 32], strides = [1, 1]} : vector<56x1024xbf16> to vector<56x32xbf16>
    %slice3A_2882 = vector.extract_strided_slice %convert_element_type3A_2872 {offsets = [0, 0], sizes = [56, 992], strides = [1, 1]} : vector<56x1024xbf16> to vector<56x992xbf16>
    %concatenate3A_2883 = tpu.concatenate %slice3A_2881, %slice3A_2882 in 1 : vector<56x32xbf16>, vector<56x992xbf16> -> vector<56x1024xbf16>
    %slice3A_2884 = vector.extract_strided_slice %convert_element_type3A {offsets = [1, 0], sizes = [1, 1024], strides = [1, 1]} : vector<9x1024xbf16> to vector<1x1024xbf16>
    %squeeze3A_2885 = vector.shape_cast %slice3A_2884 : vector<1x1024xbf16> to vector<1024xbf16>
    %broadcast_in_dim3A_2886 = vector.shape_cast %squeeze3A_2885 : vector<1024xbf16> to vector<1x1024xbf16>
    %mul3A_2887 = vector.broadcast %broadcast_in_dim3A_2886 : vector<1x1024xbf16> to vector<56x1024xbf16>
    %mul3A_2888 = arith.mulf %concatenate3A_2883, %mul3A_2887 : vector<56x1024xbf16>
    %slice3A_2889 = vector.extract_strided_slice %convert_element_type3A_2872 {offsets = [0, 993], sizes = [56, 31], strides = [1, 1]} : vector<56x1024xbf16> to vector<56x31xbf16>
    %slice3A_2890 = vector.extract_strided_slice %convert_element_type3A_2872 {offsets = [0, 0], sizes = [56, 993], strides = [1, 1]} : vector<56x1024xbf16> to vector<56x993xbf16>
    %concatenate3A_2891 = tpu.concatenate %slice3A_2889, %slice3A_2890 in 1 : vector<56x31xbf16>, vector<56x993xbf16> -> vector<56x1024xbf16>
    %slice3A_2892 = vector.extract_strided_slice %convert_element_type3A {offsets = [2, 0], sizes = [1, 1024], strides = [1, 1]} : vector<9x1024xbf16> to vector<1x1024xbf16>
    %squeeze3A_2893 = vector.shape_cast %slice3A_2892 : vector<1x1024xbf16> to vector<1024xbf16>
    %broadcast_in_dim3A_2894 = vector.shape_cast %squeeze3A_2893 : vector<1024xbf16> to vector<1x1024xbf16>
    %mul3A_2895 = vector.broadcast %broadcast_in_dim3A_2894 : vector<1x1024xbf16> to vector<56x1024xbf16>
    %mul3A_2896 = arith.mulf %concatenate3A_2891, %mul3A_2895 : vector<56x1024xbf16>
    %slice3A_2897 = vector.extract_strided_slice %convert_element_type3A_2872 {offsets = [0, 1023], sizes = [56, 1], strides = [1, 1]} : vector<56x1024xbf16> to vector<56x1xbf16>
    %slice3A_2898 = vector.extract_strided_slice %convert_element_type3A_2872 {offsets = [0, 0], sizes = [56, 1023], strides = [1, 1]} : vector<56x1024xbf16> to vector<56x1023xbf16>
    %concatenate3A_2899 = tpu.concatenate %slice3A_2897, %slice3A_2898 in 1 : vector<56x1xbf16>, vector<56x1023xbf16> -> vector<56x1024xbf16>
    %slice3A_2900 = vector.extract_strided_slice %convert_element_type3A {offsets = [3, 0], sizes = [1, 1024], strides = [1, 1]} : vector<9x1024xbf16> to vector<1x1024xbf16>
    %squeeze3A_2901 = vector.shape_cast %slice3A_2900 : vector<1x1024xbf16> to vector<1024xbf16>
    %broadcast_in_dim3A_2902 = vector.shape_cast %squeeze3A_2901 : vector<1024xbf16> to vector<1x1024xbf16>
    %mul3A_2903 = vector.broadcast %broadcast_in_dim3A_2902 : vector<1x1024xbf16> to vector<56x1024xbf16>
    %mul3A_2904 = arith.mulf %concatenate3A_2899, %mul3A_2903 : vector<56x1024xbf16>
    %slice3A_2905 = vector.extract_strided_slice %convert_element_type3A_2872 {offsets = [0, 1], sizes = [56, 1023], strides = [1, 1]} : vector<56x1024xbf16> to vector<56x1023xbf16>
    %slice3A_2906 = vector.extract_strided_slice %convert_element_type3A_2872 {offsets = [0, 0], sizes = [56, 1], strides = [1, 1]} : vector<56x1024xbf16> to vector<56x1xbf16>
    %concatenate3A_2907 = tpu.concatenate %slice3A_2905, %slice3A_2906 in 1 : vector<56x1023xbf16>, vector<56x1xbf16> -> vector<56x1024xbf16>
    %slice3A_2908 = vector.extract_strided_slice %convert_element_type3A {offsets = [5, 0], sizes = [1, 1024], strides = [1, 1]} : vector<9x1024xbf16> to vector<1x1024xbf16>
    %squeeze3A_2909 = vector.shape_cast %slice3A_2908 : vector<1x1024xbf16> to vector<1024xbf16>
    %broadcast_in_dim3A_2910 = vector.shape_cast %squeeze3A_2909 : vector<1024xbf16> to vector<1x1024xbf16>
    %mul3A_2911 = vector.broadcast %broadcast_in_dim3A_2910 : vector<1x1024xbf16> to vector<56x1024xbf16>
    %mul3A_2912 = arith.mulf %concatenate3A_2907, %mul3A_2911 : vector<56x1024xbf16>
    %slice3A_2913 = vector.extract_strided_slice %convert_element_type3A_2872 {offsets = [0, 31], sizes = [56, 993], strides = [1, 1]} : vector<56x1024xbf16> to vector<56x993xbf16>
    %slice3A_2914 = vector.extract_strided_slice %convert_element_type3A_2872 {offsets = [0, 0], sizes = [56, 31], strides = [1, 1]} : vector<56x1024xbf16> to vector<56x31xbf16>
    %concatenate3A_2915 = tpu.concatenate %slice3A_2913, %slice3A_2914 in 1 : vector<56x993xbf16>, vector<56x31xbf16> -> vector<56x1024xbf16>
    %slice3A_2916 = vector.extract_strided_slice %convert_element_type3A {offsets = [6, 0], sizes = [1, 1024], strides = [1, 1]} : vector<9x1024xbf16> to vector<1x1024xbf16>
    %squeeze3A_2917 = vector.shape_cast %slice3A_2916 : vector<1x1024xbf16> to vector<1024xbf16>
    %broadcast_in_dim3A_2918 = vector.shape_cast %squeeze3A_2917 : vector<1024xbf16> to vector<1x1024xbf16>
    %mul3A_2919 = vector.broadcast %broadcast_in_dim3A_2918 : vector<1x1024xbf16> to vector<56x1024xbf16>
    %mul3A_2920 = arith.mulf %concatenate3A_2915, %mul3A_2919 : vector<56x1024xbf16>
    %slice3A_2921 = vector.extract_strided_slice %convert_element_type3A_2872 {offsets = [0, 32], sizes = [56, 992], strides = [1, 1]} : vector<56x1024xbf16> to vector<56x992xbf16>
    %slice3A_2922 = vector.extract_strided_slice %convert_element_type3A_2872 {offsets = [0, 0], sizes = [56, 32], strides = [1, 1]} : vector<56x1024xbf16> to vector<56x32xbf16>
    %concatenate3A_2923 = tpu.concatenate %slice3A_2921, %slice3A_2922 in 1 : vector<56x992xbf16>, vector<56x32xbf16> -> vector<56x1024xbf16>
    %slice3A_2924 = vector.extract_strided_slice %convert_element_type3A {offsets = [7, 0], sizes = [1, 1024], strides = [1, 1]} : vector<9x1024xbf16> to vector<1x1024xbf16>
    %squeeze3A_2925 = vector.shape_cast %slice3A_2924 : vector<1x1024xbf16> to vector<1024xbf16>
    %broadcast_in_dim3A_2926 = vector.shape_cast %squeeze3A_2925 : vector<1024xbf16> to vector<1x1024xbf16>
    %mul3A_2927 = vector.broadcast %broadcast_in_dim3A_2926 : vector<1x1024xbf16> to vector<56x1024xbf16>
    %mul3A_2928 = arith.mulf %concatenate3A_2923, %mul3A_2927 : vector<56x1024xbf16>
    %slice3A_2929 = vector.extract_strided_slice %convert_element_type3A_2872 {offsets = [0, 33], sizes = [56, 991], strides = [1, 1]} : vector<56x1024xbf16> to vector<56x991xbf16>
    %slice3A_2930 = vector.extract_strided_slice %convert_element_type3A_2872 {offsets = [0, 0], sizes = [56, 33], strides = [1, 1]} : vector<56x1024xbf16> to vector<56x33xbf16>
    %concatenate3A_2931 = tpu.concatenate %slice3A_2929, %slice3A_2930 in 1 : vector<56x991xbf16>, vector<56x33xbf16> -> vector<56x1024xbf16>
    %slice3A_2932 = vector.extract_strided_slice %convert_element_type3A {offsets = [8, 0], sizes = [1, 1024], strides = [1, 1]} : vector<9x1024xbf16> to vector<1x1024xbf16>
    %squeeze3A_2933 = vector.shape_cast %slice3A_2932 : vector<1x1024xbf16> to vector<1024xbf16>
    %broadcast_in_dim3A_2934 = vector.shape_cast %squeeze3A_2933 : vector<1024xbf16> to vector<1x1024xbf16>
    %mul3A_2935 = vector.broadcast %broadcast_in_dim3A_2934 : vector<1x1024xbf16> to vector<56x1024xbf16>
    %mul3A_2936 = arith.mulf %concatenate3A_2931, %mul3A_2935 : vector<56x1024xbf16>
    %concatenate3A_2937 = tpu.concatenate %mul3A_2880, %mul3A_2888, %mul3A_2896, %mul3A_2904, %convert_element_type3A_2872, %mul3A_2912, %mul3A_2920, %mul3A_2928, %mul3A_2936 in 0 : vector<56x1024xbf16>, vector<56x1024xbf16>, vector<56x1024xbf16>, vector<56x1024xbf16>, vector<56x1024xbf16>, vector<56x1024xbf16>, vector<56x1024xbf16>, vector<56x1024xbf16>, vector<56x1024xbf16> -> vector<504x1024xbf16>
    %get3A_2938 = arith.index_cast %get3A_2226 : i32 to index
    %get3A_2939 = arith.constant 0 : index
    %get3A_2940 = arith.constant 0 : index
    %get3A_2941 = vector.load %arg18[%get3A_2938, %get3A_2939, %get3A_2940] : memref<3x48x504xbf16, #tpu.memory_space<vmem>>, vector<1x48x504xbf16>
    %get3A_2942 = vector.shape_cast %get3A_2941 : vector<1x48x504xbf16> to vector<48x504xbf16>
    %dot_general3A_2943 = arith.constant dense<0.000000e+00> : vector<48x1024xf32>
    %dot_general3A_2944 = tpu.matmul %get3A_2942, %concatenate3A_2937, %dot_general3A_2943 {dimension_numbers = #tpu.dot_dimension_numbers<[1], [0], [0], [1], [0, 0, 1, 1], [], []>, transpose_lhs_hint = false} : vector<48x504xbf16>, vector<504x1024xbf16>, vector<48x1024xf32> -> vector<48x1024xf32>
    %get3A_2945 = arith.index_cast %get3A_2226 : i32 to index
    %get3A_2946 = arith.constant 0 : index
    %get3A_2947 = arith.constant 0 : index
    %get3A_2948 = vector.load %arg19[%get3A_2945, %get3A_2946, %get3A_2947] : memref<3x48x1xf32, #tpu.memory_space<vmem>>, vector<1x48x1xf32>
    %get3A_2949 = vector.shape_cast %get3A_2948 : vector<1x48x1xf32> to vector<48x1xf32>
    %add3A_2950 = vector.broadcast %get3A_2949 : vector<48x1xf32> to vector<48x1024xf32>
    %add3A_2951 = arith.addf %dot_general3A_2944, %add3A_2950 : vector<48x1024xf32>
    %get3A_2952 = arith.index_cast %add3A_2224 : i32 to index
    %get3A_2953 = memref.load %arg2[%get3A_2952] : memref<64xi32, #tpu.memory_space<smem>>
    %convert_element_type3A_2954 = arith.sitofp %get3A_2953 : i32 to f32
    %mul3A_2955 = vector.broadcast %convert_element_type3A_2954 : f32 to vector<48x1024xf32>
    %mul3A_2956 = arith.mulf %add3A_2951, %mul3A_2955 : vector<48x1024xf32>
    %swap3A_2957 = arith.constant 3 : index
    %swap3A_2958 = arith.constant 0 : index
    %swap3A_2959 = arith.constant 0 : index
    %swap3A_2960 = vector.load %arg20[%swap3A_2957, %swap3A_2958, %swap3A_2959] : memref<4x48x1024xf32, #tpu.memory_space<vmem>>, vector<1x48x1024xf32>
    %swap3A_2961 = vector.shape_cast %swap3A_2960 : vector<1x48x1024xf32> to vector<48x1024xf32>
    %swap3A_2962 = vector.shape_cast %mul3A_2956 : vector<48x1024xf32> to vector<1x48x1024xf32>
    tpu.vector_store %arg20[%swap3A_2957, %swap3A_2958, %swap3A_2959], %swap3A_2962 {strides = array<i32>} : memref<4x48x1024xf32, #tpu.memory_space<vmem>>, vector<1x48x1024xf32>,
    return
  }
  func.func @transform_0(%arg0: i32, %arg1: memref<64xi32, #tpu.memory_space<smem>>, %arg2: memref<64xi32, #tpu.memory_space<smem>>) -> (i32, i32, i32) {
    %c0_i32 = arith.constant 0 : i32
    %c0_i32_0 = arith.constant 0 : i32
    %c0_i32_1 = arith.constant 0 : i32
    return %arg0, %c0_i32, %c0_i32_0 : i32, i32, i32
  }
  func.func @transform_1(%arg0: i32, %arg1: memref<64xi32, #tpu.memory_space<smem>>, %arg2: memref<64xi32, #tpu.memory_space<smem>>) -> (i32, i32) {
    %c0_i32 = arith.constant 0 : i32
    %c0_i32_0 = arith.constant 0 : i32
    %c0_i32_1 = arith.constant 0 : i32
    return %c0_i32, %c0_i32_0 : i32, i32
  }
  func.func @transform_2(%arg0: i32, %arg1: memref<64xi32, #tpu.memory_space<smem>>, %arg2: memref<64xi32, #tpu.memory_space<smem>>) -> (i32, i32) {
    %c0_i32 = arith.constant 0 : i32
    %c0_i32_0 = arith.constant 0 : i32
    %c0_i32_1 = arith.constant 0 : i32
    return %c0_i32, %c0_i32_0 : i32, i32
  }
  func.func @transform_3(%arg0: i32, %arg1: memref<64xi32, #tpu.memory_space<smem>>, %arg2: memref<64xi32, #tpu.memory_space<smem>>) -> (i32, i32, i32) {
    %c0_i32 = arith.constant 0 : i32
    %c0_i32_0 = arith.constant 0 : i32
    %c0_i32_1 = arith.constant 0 : i32
    %c0_i32_2 = arith.constant 0 : i32
    return %c0_i32, %c0_i32_0, %c0_i32_1 : i32, i32, i32
  }
  func.func @transform_4(%arg0: i32, %arg1: memref<64xi32, #tpu.memory_space<smem>>, %arg2: memref<64xi32, #tpu.memory_space<smem>>) -> (i32, i32, i32) {
    %c0_i32 = arith.constant 0 : i32
    %c0_i32_0 = arith.constant 0 : i32
    %c0_i32_1 = arith.constant 0 : i32
    %c0_i32_2 = arith.constant 0 : i32
    return %c0_i32, %c0_i32_0, %c0_i32_1 : i32, i32, i32
  }
  func.func @transform_5(%arg0: i32, %arg1: memref<64xi32, #tpu.memory_space<smem>>, %arg2: memref<64xi32, #tpu.memory_space<smem>>) -> (i32, i32, i32) {
    %c0_i32 = arith.constant 0 : i32
    %c0_i32_0 = arith.constant 0 : i32
    %c0_i32_1 = arith.constant 0 : i32
    %c0_i32_2 = arith.constant 0 : i32
    return %c0_i32, %c0_i32_0, %c0_i32_1 : i32, i32, i32
  }
  func.func @transform_6(%arg0: i32, %arg1: memref<64xi32, #tpu.memory_space<smem>>, %arg2: memref<64xi32, #tpu.memory_space<smem>>) -> (i32, i32, i32) {
    %c0_i32 = arith.constant 0 : i32
    %c0_i32_0 = arith.constant 0 : i32
    %c0_i32_1 = arith.constant 0 : i32
    %c0_i32_2 = arith.constant 0 : i32
    return %c0_i32, %c0_i32_0, %c0_i32_1 : i32, i32, i32
  }
  func.func @transform_7(%arg0: i32, %arg1: memref<64xi32, #tpu.memory_space<smem>>, %arg2: memref<64xi32, #tpu.memory_space<smem>>) -> (i32, i32, i32) {
    %c0_i32 = arith.constant 0 : i32
    %c0_i32_0 = arith.constant 0 : i32
    %c0_i32_1 = arith.constant 0 : i32
    %c0_i32_2 = arith.constant 0 : i32
    return %c0_i32, %c0_i32_0, %c0_i32_1 : i32, i32, i32
  }
  func.func @transform_8(%arg0: i32, %arg1: memref<64xi32, #tpu.memory_space<smem>>, %arg2: memref<64xi32, #tpu.memory_space<smem>>) -> (i32, i32, i32) {
    %c0_i32 = arith.constant 0 : i32
    %c0_i32_0 = arith.constant 0 : i32
    %c0_i32_1 = arith.constant 0 : i32
    %c0_i32_2 = arith.constant 0 : i32
    return %c0_i32, %c0_i32_0, %c0_i32_1 : i32, i32, i32
  }
  func.func @transform_9(%arg0: i32, %arg1: memref<64xi32, #tpu.memory_space<smem>>, %arg2: memref<64xi32, #tpu.memory_space<smem>>) -> (i32, i32, i32, i32) {
    %c0_i32 = arith.constant 0 : i32
    %c0_i32_0 = arith.constant 0 : i32
    %c0_i32_1 = arith.constant 0 : i32
    %c0_i32_2 = arith.constant 0 : i32
    %c0_i32_3 = arith.constant 0 : i32
    return %c0_i32, %c0_i32_0, %c0_i32_1, %c0_i32_2 : i32, i32, i32, i32
  }
  func.func @transform_10(%arg0: i32, %arg1: memref<64xi32, #tpu.memory_space<smem>>, %arg2: memref<64xi32, #tpu.memory_space<smem>>) -> (i32, i32, i32, i32) {
    %c0_i32 = arith.constant 0 : i32
    %c0_i32_0 = arith.constant 0 : i32
    %c0_i32_1 = arith.constant 0 : i32
    %c0_i32_2 = arith.constant 0 : i32
    %c0_i32_3 = arith.constant 0 : i32
    return %c0_i32, %c0_i32_0, %c0_i32_1, %c0_i32_2 : i32, i32, i32, i32
  }
  func.func @transform_11(%arg0: i32, %arg1: memref<64xi32, #tpu.memory_space<smem>>, %arg2: memref<64xi32, #tpu.memory_space<smem>>) -> (i32, i32, i32, i32) {
    %c0_i32 = arith.constant 0 : i32
    %c0_i32_0 = arith.constant 0 : i32
    %c0_i32_1 = arith.constant 0 : i32
    %c0_i32_2 = arith.constant 0 : i32
    %c0_i32_3 = arith.constant 0 : i32
    return %c0_i32, %c0_i32_0, %c0_i32_1, %c0_i32_2 : i32, i32, i32, i32
  }
  func.func @transform_12(%arg0: i32, %arg1: memref<64xi32, #tpu.memory_space<smem>>, %arg2: memref<64xi32, #tpu.memory_space<smem>>) -> (i32, i32, i32) {
    %c0_i32 = arith.constant 0 : i32
    %c0_i32_0 = arith.constant 0 : i32
    %c0_i32_1 = arith.constant 0 : i32
    %c0_i32_2 = arith.constant 0 : i32
    return %c0_i32, %c0_i32_0, %c0_i32_1 : i32, i32, i32
  }
  func.func @transform_13(%arg0: i32, %arg1: memref<64xi32, #tpu.memory_space<smem>>, %arg2: memref<64xi32, #tpu.memory_space<smem>>) -> (i32, i32, i32) {
    %c0_i32 = arith.constant 0 : i32
    %c0_i32_0 = arith.constant 0 : i32
    %c0_i32_1 = arith.constant 0 : i32
    %c0_i32_2 = arith.constant 0 : i32
    return %c0_i32, %c0_i32_0, %c0_i32_1 : i32, i32, i32
  }
  func.func @transform_14(%arg0: i32, %arg1: memref<64xi32, #tpu.memory_space<smem>>, %arg2: memref<64xi32, #tpu.memory_space<smem>>) -> (i32, i32, i32) {
    %c0_i32 = arith.constant 0 : i32
    %c0_i32_0 = arith.constant 0 : i32
    %c0_i32_1 = arith.constant 0 : i32
    %c0_i32_2 = arith.constant 0 : i32
    return %c0_i32, %c0_i32_0, %c0_i32_1 : i32, i32, i32
  }
  func.func @transform_15(%arg0: i32, %arg1: memref<64xi32, #tpu.memory_space<smem>>, %arg2: memref<64xi32, #tpu.memory_space<smem>>) -> (i32, i32, i32) {
    %c0_i32 = arith.constant 0 : i32
    %c0_i32_0 = arith.constant 0 : i32
    %c0_i32_1 = arith.constant 0 : i32
    %c0_i32_2 = arith.constant 0 : i32
    return %c0_i32, %c0_i32_0, %c0_i32_1 : i32, i32, i32
  }
  func.func @transform_16(%arg0: i32, %arg1: memref<64xi32, #tpu.memory_space<smem>>, %arg2: memref<64xi32, #tpu.memory_space<smem>>) -> (i32, i32, i32) {
    %c0_i32 = arith.constant 0 : i32
    %c0_i32_0 = arith.constant 0 : i32
    %c0_i32_1 = arith.constant 0 : i32
    %c0_i32_2 = arith.constant 0 : i32
    return %c0_i32, %c0_i32_0, %c0_i32_1 : i32, i32, i32
  }
  func.func @transform_17(%arg0: i32, %arg1: memref<64xi32, #tpu.memory_space<smem>>, %arg2: memref<64xi32, #tpu.memory_space<smem>>) -> (i32, i32, i32) {
    %c0_i32 = arith.constant 0 : i32
    %c0_i32_0 = arith.constant 0 : i32
    %c0_i32_1 = arith.constant 0 : i32
    return %arg0, %c0_i32, %c0_i32_0 : i32, i32, i32
  }
}

</mosaic_0001>

<sc_bundles>
// kernel: gather_offload_async_start.1
scs
__scs_entry_jumppad:
0x0: {  	(pc) =	sbr.rel $0x88, $3  }
0x1: {  	(tag) =	ssettag $0x0;
	lr =	simm.s32 $0x1  }
0x2: {  	[smem:$0x3F4F] =	sst lr;
	_ =	strace $0xD0000000  }
0x3: {  	_ = 	snop  }
0x4: {  	_ = 	snop  }
0x5: {  	_ = 	snop  }
0x6: {  	_ = 	snop  }
0x7: {  	_ = 	snop  }
__scs_overlays_trampoline_lowered:
0x8: {  	[smem:$0x3F5E] =	sst s0  }
0x9: {  	[smem:$0x3F5F] =	sst s1  }
0xa: {  	[smem:$0x3F60] =	sst s2  }
0xb: {  	[smem:$0x3F61] =	sst s3  }
0xc: {  	[smem:$0x3F62] =	sst s4  }
0xd: {  	[smem:$0x3F63] =	sst s5  }
0xe: {  	[smem:$0x3F64] =	sst s6  }
0xf: {  	[smem:$0x3F65] =	sst s7  }
0x10: {  	[smem:$0x3F66] =	sst s8  }
0x11: {  	[smem:$0x3F67] =	sst s9;
	s0 =	simm.s32 @!p0 $0x0  }
0x12: {  	s1 =	sld [smem:$0x3F4D];
	s0 =	simm.s32 @p0 $0x1  }
0x13: {  	[smem:$0x3F68] =	sst s0;
	s0 =	simm.s32 @!p1 $0x0  }
0x14: {  	s2 =	sld [smem:$0x3F4C];
	s0 =	simm.s32 @p1 $0x1  }
0x15: {  	[smem:$0x3F69] =	sst s0;
	s0 =	simm.s32 @!p2 $0x0  }
0x16: {  	s3 =	sld [smem:$0x3FDB];
	s0 =	simm.s32 @p2 $0x1  }
0x17: {  	s4 =	simm.s32 $0x1BF5;
	[smem:$0x3F6B] =	sst s0  }
0x18: {  	s0 =	sld [smem:$0x3F4E];
	_ =	swait.ge [sflag:s4], $0x0  }
0x19: {  	s7 =	sld [smem:$0x3F4F]  }
0x1a: {  	s8 =	sadd.s32 $0xFFFFE003, lr  }
0x1b: {  	s9 =	sadd.s32 $0xFFFFFEF7, lr;
	s5 =	simm.s32 $0xFFFFFFFF;
	p2 =	slt.u32 s8, $0xFFFFF086  }
0x1c: {  	p1 =	slt.u32 s9, $0xF7A;
	s5 =	simm.s32 @!p2 $0x0  }
0x1d: {  	s5 =	simm.s32 @p1 $0x1;
	p0 =	seq.s32 s7, s2  }
0x1e: {  	s7 =	smul.u32 @!p0 $0xF7A, s2;
	p2 =	seq.s32 @!p0 s5, $0x0  }
0x1f: {  	s9 =	smul.u32 $0xF7A, s1;
	s8 =	simm.s32 @!p0 $0x1BF5;
	p2 =	por !p2, p0  }
0x20: {  	[sflag:s8] =	ssyncset.s32 @!p0 $0xFFFFF086;
	s6 =	sadd.s32 @!p0 s3, s7;
	s7 =	simm.s32 @!p0 $0x108  }
0x21: {  	s3 =	sadd.s32 s3, s9;
	s6 =	sadd.s32 @!p0 $0x88, s6;
	s7 =	simm.s32 @p2 $0x1082  }
0x22: {  	[simem:s7], [sflag:s8] =	dma.local @!p0 [hbm:s6], $0xF7A  }
0x23: {  	s9 =	sor.u32 $0xD0000000, s2;
	s6 =	simm.s32 $0x108;
	_ =	swait.ge @!p0 [sflag:s8], $0x0  }
0x24: {  	s3 =	sadd.s32 $0x88, s3;
	s6 =	simm.s32 @!p1 $0x1082;
	[sflag:s4] =	ssyncset.s32 $0xFFFFF086  }
0x25: {  	[simem:s6], [sflag:s4] =	dma.local [hbm:s3], $0xF7A  }
0x26: {  	[smem:$0x3F4F] =	sst s1;
	(tag) =	ssettag s2;
	_ =	strace s9  }
0x27: {  	s1 =	sld [smem:$0x3F5F]  }
0x28: {  	s2 =	sld [smem:$0x3F60]  }
0x29: {  	s4 =	sld [smem:$0x3F62]  }
0x2a: {  	p0 =	seq.s32 s5, $0x0;
	s5 =	sld [smem:$0x3F63]  }
0x2b: {  	s6 =	sld [smem:$0x3F64]  }
0x2c: {  	s7 =	sld [smem:$0x3F65]  }
0x2d: {  	s3 =	simm.s32 $0x108;
	s8 =	sld [smem:$0x3F66]  }
0x2e: {  	s3 =	simm.s32 @!p0 $0x1082;
	s9 =	sld [smem:$0x3F67]  }
0x2f: {  	lr =	sadd.s32 s0, s3;
	s0 =	sld [smem:$0x3F5E]  }
0x30: {  	s3 =	sld [smem:$0x3F61]  }
0x31: {  	[smem:$0x3F6A] =	sst s10  }
0x32: {  	s10 =	sld [smem:$0x3F68];
	_ =	sdelay $0x3  }
0x33: {  	p0 =	seq.s32 s10, $0x1;
	s10 =	sld [smem:$0x3F6A];
	_ =	sdelay $0x3  }
0x34: {  	[smem:$0x3F6A] =	sst s10  }
0x35: {  	s10 =	sld [smem:$0x3F69];
	_ =	sdelay $0x3  }
0x36: {  	p1 =	seq.s32 s10, $0x1;
	s10 =	sld [smem:$0x3F6A];
	_ =	sdelay $0x3  }
0x37: {  	[smem:$0x3F6A] =	sst s10  }
0x38: {  	s10 =	sld [smem:$0x3F6B]  }
0x39: {  	_ = 	snop;
	(pc) =	sbr.ind lr, $3  }
0x3a: {  	_ = 	snop  }
0x3b: {  	_ = 	snop  }
0x3c: {  	p2 =	seq.s32 s10, $0x1;
	s10 =	sld [smem:$0x3F6A]  }
0x3d: {  	_ =	shalt  }
0x3e: {  	_ =	shalt  }
0x3f: {  	_ =	shalt  }
0x40: {  	_ =	shalt  }
0x41: {  	_ =	shalt  }
0x42: {  	_ =	shalt  }
0x43: {  	_ =	shalt  }
0x44: {  	_ =	shalt  }
0x45: {  	_ =	shalt  }
0x46: {  	_ =	shalt  }
0x47: {  	_ =	shalt  }
0x48: {  	_ =	shalt  }
0x49: {  	_ =	shalt  }
0x4a: {  	_ =	shalt  }
0x4b: {  	_ =	shalt  }
0x4c: {  	_ =	shalt  }
0x4d: {  	_ =	shalt  }
0x4e: {  	_ =	shalt  }
0x4f: {  	_ =	shalt  }
0x50: {  	_ =	shalt  }
0x51: {  	_ =	shalt  }
0x52: {  	_ =	shalt  }
0x53: {  	_ =	shalt  }
0x54: {  	_ =	shalt  }
0x55: {  	_ =	shalt  }
0x56: {  	_ =	shalt  }
0x57: {  	_ =	shalt  }
0x58: {  	_ =	shalt  }
0x59: {  	_ =	shalt  }
0x5a: {  	_ =	shalt  }
0x5b: {  	_ =	shalt  }
0x5c: {  	_ =	shalt  }
0x5d: {  	_ =	shalt  }
0x5e: {  	_ =	shalt  }
0x5f: {  	_ =	shalt  }
0x60: {  	_ =	shalt  }
0x61: {  	_ =	shalt  }
0x62: {  	_ =	shalt  }
0x63: {  	_ =	shalt  }
0x64: {  	_ =	shalt  }
0x65: {  	_ =	shalt  }
0x66: {  	_ =	shalt  }
0x67: {  	_ =	shalt  }
0x68: {  	_ =	shalt  }
0x69: {  	_ =	shalt  }
0x6a: {  	_ =	shalt  }
0x6b: {  	_ =	shalt  }
0x6c: {  	_ =	shalt  }
0x6d: {  	_ =	shalt  }
0x6e: {  	_ =	shalt  }
0x6f: {  	_ =	shalt  }
0x70: {  	_ =	shalt  }
0x71: {  	_ =	shalt  }
0x72: {  	_ =	shalt  }
0x73: {  	_ =	shalt  }
0x74: {  	_ =	shalt  }
0x75: {  	_ =	shalt  }
0x76: {  	_ =	shalt  }
0x77: {  	_ =	shalt  }
0x78: {  	_ =	shalt  }
0x79: {  	_ =	shalt  }
0x7a: {  	_ =	shalt  }
0x7b: {  	_ =	shalt  }
0x7c: {  	_ =	shalt  }
0x7d: {  	_ =	shalt  }
0x7e: {  	_ =	shalt  }
0x7f: {  	_ =	shalt  }
0x80: {  	_ =	shalt  }
0x81: {  	_ =	shalt  }
0x82: {  	_ =	shalt  }
0x83: {  	_ =	shalt  }
0x84: {  	_ =	shalt  }
0x85: {  	_ =	shalt  }
0x86: {  	_ =	shalt  }
0x87: {  	_ =	shalt  }
.Lfunc_end0:
.L_simem_size_0:
called_computation.1_lowered:
.L_overlay_start_0:
0x88: {  	s2 =	sld [smem:$0x3FD9]  }
0x89: {  	s3 =	sld [smem:$0x3FFE];
	_ =	sdelay $0x1  }
0x8a: {  	s1 =	srdreg.scid  }
0x8b: {  	s0 =	sand.u32 $0x1, s1  }
0x8c: {  	s16 =	sshll.u32 s0, $0xA;
	s2 =	sadd.s32 s3, s2  }
0x8d: {  	s2 =	sadd.s32 s2, s16  }
0x8e: {  	[smem:$0x3F76] =	sst s2  }
0x8f: {  	_ = 	snop  }
0x90: {  	(tm) =	ssettm $0x1  }
0x91: {  	s17 =	sld [smem:$0x3FFB];
	_ =	sdelay $0x3  }
0x92: {  	_ =	strace s17  }
0x93: {  	s2 =	sld [smem:$0x3FFC];
	_ =	sdelay $0x3  }
0x94: {  	_ =	strace s2  }
0x95: {  	s2 =	sld [smem:$0x3FFD];
	_ =	sdelay $0x3  }
0x96: {  	_ =	strace s2  }
0x97: {  	_ =	strace $0x8FFFFFFF  }
0x98: {  	s18 =	sld [smem:$0x3FDB];
	_ =	sdelay $0x1  }
0x99: {  	s19 =	simm.s32 $_scs_section_size  }
0x9a: {  	s4 =	simm.s32 $_size__tile_overlayer_lowered;
	s5 =	simm.s32 $_tile_overlayer_lowered  }
0x9b: {  	s22 =	simm.s32 $0x1BFF;
	s21 =	sshll.u32 s5, $0x1;
	s2 =	sadd.s32 s19, s18  }
0x9c: {  	s6 =	simm.s32 $0x0;
	s20 =	sshll.u32 s4, $0x1;
	s4 =	sadd.s32 s21, s2  }
0x9d: {  	[timem:s6], [sflag:s22] =	dma.local [hbm:s4], s20  }
0x9e: {  	_ =	swait.ge [sflag:s22], s20  }
0x9f: {  	s3 =	ssub.s32 $0x0, s20;
	[sflag:s22] =	ssyncset.done $0x0  }
0xa0: {  	[sflag:s22] =	ssyncadd.s32 s3;
	_ =	sdelay $0x1  }
0xa1: {  	s23 =	simm.s32 $0x1B8B  }
0xa2: {  	_ =	swait.ge [sflag:s23], $0x1  }
0xa3: {  	[sflag:s23] =	ssyncset.done $0x0  }
0xa4: {  	s25 =	simm.s32 $0x1B8E;
	s24 =	sld [smem:$0x3FFE];
	[sflag:s23] =	ssyncadd.s32 $0xFFFFFFFF  }
0xa5: {  	s26 =	simm.s32 $execute0_lowered;
	[smem:$0x3FD2] =	sst s25  }
0xa6: {  	s4 =	sshll.u32 s26, $0x1;
	_ =	strace $0x80000046;
	[dreg:$0x1] =	wrdreg $0xFFFFFFFF  }
0xa7: {  	s28 =	simm.s32 $_size_execute0_lowered;
	s2 =	sadd.s32 s2, s4;
	[dreg:$0x0] =	wrdreg $0x0  }
0xa8: {  	s4 =	sshll.u32 s28, $0x1;
	[dreg:$0x2] =	wrdreg s2  }
0xa9: {  	[dreg:$0x3] =	wrdreg s4  }
0xaa: {  	[dreg:$0x4] =	wrdreg $0xC0  }
0xab: {  	_ =	task [dreg:s6], $0x5FFFF  }
0xac: {  	[dreg:$0x1] =	wrdreg $0xFFFFFFFF  }
0xad: {  	[dreg:$0x0] =	wrdreg $0x60  }
0xae: {  	[dreg:$0x2] =	wrdreg s24  }
0xaf: {  	[dreg:$0x3] =	wrdreg $0xA  }
0xb0: {  	_ =	task.clear_ibuf [dreg:s6], $0x4FFFF;
	_ =	strace $0x90000046  }
0xb1: {  	s29 =	simm.s32 $0xA;
	_ =	strace $0x80000048  }
0xb2: {  	_ =	swait.ge [sflag:s29], $0x1  }
0xb3: {  	[sflag:s29] =	ssyncadd.s32 $0xFFFFFFFF  }
0xb4: {  	_ =	strace $0x90000048  }
0xb5: {  	_ =	sfence  }
0xb6: {  	s30 =	sld [smem:$0x0];
	_ =	sdelay $0x2  }
0xb7: {  	s31 =	sshll.u32 s1, $0xD;
	s1 =	sshrl.u32 s1, $0x2  }
0xb8: {  	s3 =	sand.u32 $0x4000, s31;
	s1 =	sadd.s32 s1, s30  }
0xb9: {  	s0 =	sor.u32 s3, s0;
	s1 =	sshll.u32 s1, $0x11  }
0xba: {  	s0 =	sor.u32 s1, s0  }
0xbb: {  	s0 =	sadd.s32 $0x8F2B, s0  }
0xbc: {  	[sflag:s0] =	ssyncadd.remote.s32 $0x1  }
0xbd: {  	_ =	sfence.sel $0xFFFF  }
0xbe: {  	[dreg:$0x0] =	wrdreg $0xFFFFFFFF;
	(pc) =	sbr.abs _section_cstart, $3  }
0xbf: {  	[dreg:$0x1] =	wrdreg $0xFFFFFFFF  }
0xc0: {  	_ =	task.clear_ibuf [dreg:s6], $0x2FFFF;
	_ =	strace $0x9FFFFFFF  }
0xc1: {  	(tm) =	ssettm $0x7FFFFFFF  }
tec
execute0_lowered:
.L_overlay_start_1:
0x0: {  	(tag) =	ssettag $0x1  }
0x1: {  	s8 =	rddreg [dreg:$0x0];
	s1 =	stileid.u32  }
0x2: {  	s2 =	srdreg.scid;
	s0 =	rddreg [dreg:$0x1]  }
0x3: {  	_ =	strace $0x80000047;
	s5 =	simm.s32 $0x1;
	s9 =	simm.s32 $0x1  }
0x4: {  	s10 =	simm.s32 $0x3;
	s2 =	sand.u32 $0x1, s2;
	s3 =	sshll.u32 s1, $0x1  }
0x5: {  	s13 =	simm.s32 $0x0;
	s12 =	simm.s32 $0x0;
	s6 =	sor.u32 s3, s2  }
0x6: {  	[sflag:s5] =	ssyncpa.u1 $0x0;
	s2 =	sadd.s32 $0x8E00, s8;
	s4 =	smul.u32 $0x30, s6  }
0x7: {  	s3 =	sadd.s32 $0x13000, s8;
	p0 =	slt.u32 s6, $0xB;
	s6 =	simm.s32 $0x600  }
.Ltmp0:
0x8: {  	s6 =	simm.s32 @!p0 $0x0;
	s7 =	ssub.s32 $0x7E0, s4;
	(pc) =	sbr.rel .LBB2_1-.Ltmp0, $4  }
0x9: {  	s9 =	simm.s32 @!p0 $0x0;
	p0 =	sne.s32 s7, s6;
	s7 =	simm.s32 $0x1  }
0xa: {  	s8 =	sadd.s32 $0x13200, s8;
	s6 =	simm.s32 $0x2;
	s7 =	simm.s32 @!p0 $0x0  }
0xb: {  	s11 =	smov.u32 s4;
	[sflag:s6] =	ssyncpa.u1 $0x0;
	s7 =	sadd.s32 s9, s7  }
0xc: {  	vm0 =	vmmov $0xffff;
	[sflag:s10] =	ssyncpa.u1 $0x0;
	s10 =	simm.s32 $0x0;
	s9 =	sadd.s32 $0x1, s7  }
.LBB2_4:
0xd: {  	v3 =	vmul.u32 $0x18200, v3;
	v4 =	vshll.u32 v1, $0x2  }
0xe: {  	v2 =	vshll.u32 v2, $0x7;
	v4 =	vand.u32 $0xFFFFFE00, v4  }
0xf: {  	v2 =	vand.u32 $0x180, v2;
	v3 =	vadd.s32 v3, v4  }
0x10: {  	v63 =	vand.u32 $0x7F, v1;
	v2 =	vor.u32 v2, v3  }
0x11: {  	v1 =	vor.u32 v63, v2;
	_ =	sdelay $0x2  }
0x12: {  	[tilespmem:s15], [sflag:$0x1] =	stream.indirect_vreg.gather [hbm4b:s2+s10], $0x1, v0, vm0, $0x4038;
	[tilespmem:$0xC0] =	vst v63  }
0x13: {  	(ifvalue) =	ssetifvalue $0x7FFFFFFF;
	s29 =	sadd.s32 $0x10, s15  }
0x14: {  	[tilespmem:s29], [sflag:$0x1] =	stream.indirect_vreg.gather [hbm4b:s2+s10], $0x1, v1, vm0, $0x4038;
	[tilespmem:$0xC0] =	vst v63  }
0x15: {  	_ =	swait.ge [sflag:s5], $0x30  }
0x16: {  	s30 =	sshrl.u32 s13, $0x3;
	[sflag:s5] =	ssyncset.done $0x0  }
0x17: {  	s31 =	sand.u32 $0x7, s13;
	s15 =	sadd.s32 s8, s30;
	[sflag:s5] =	ssyncadd.s32 $0xFFFFFFD0  }
0x18: {  	[hbm4b:s15+s31] =	stream.linear.scatter [tilespmem:s14], [sflag:$0x3], $0x30, $0x38;
	[tilespmem:$0xC0] =	vst v63  }
.LBB2_5:
0x19: {  	s15 =	sadd.s32 $0x600, s11  }
0x1a: {  	p1 =	sgt.s32 s15, $0x7DF  }
0x1b: {  	s15 =	smov.u32 @p1 s4;
	p1 =	sne.s32 s12, s9  }
.Ltmp1:
0x1c: {  	p0 =	slt.u32 s12, $0x2;
	(pc) =	sbr.rel @!p1 .LBB2_6-.Ltmp1, $4  }
0x1d: {  	s14 =	simm.s32 @!p0 $0x3  }
0x1e: {  	_ =	swait.ge @!p0 [sflag:s14], $0x30  }
0x1f: {  	s16 =	sadd.s32 $0x1, s12;
	s13 =	smov.u32 s11;
	[sflag:s14] =	ssyncset.done @!p0 $0x0  }
0x20: {  	s12 =	smov.u32 s16;
	s11 =	smov.u32 s15;
	[sflag:s14] =	ssyncadd.s32 @!p0 $0xFFFFFFD0  }
.LBB2_1:
0x21: {  	p0 =	sge.u32 s12, s7  }
0x22: {  	s14 =	sxor.u32 @!p0 $0x1, s12  }
0x23: {  	s14 =	smul.u32 @!p0 $0xC0, s14  }
0x24: {  	s31 =	sadd.s32 $0xFFFFFFFF, s12;
	s15 =	sshrl.u32 @!p0 s11, $0x3  }
0x25: {  	s16 =	sand.u32 @!p0 $0x7, s11;
	s15 =	sadd.s32 @!p0 s3, s15;
	s14 =	sshra.s32 @!p0 s14, $0x2  }
0x26: {  	[tilespmem:s14], [sflag:$0x2] =	stream.linear.gather @!p0 [hbm4b:s15+s16], $0x30, $0x38;
	[tilespmem:$0xC0] =	vst v63  }
0x27: {  	p0 =	sge.u32 s31, s7  }
.Ltmp2:
0x28: {  	_ = 	snop;
	(pc) =	sbr.rel @p0 .LBB2_5-.Ltmp2, $1  }
0x29: {  	_ =	sdelay $0x3  }
0x2a: {  	s14 =	sand.u32 $0x1, s12  }
0x2b: {  	_ =	swait.ge [sflag:s6], $0x30;
	p0 =	seq.s32 s14, $0x1;
	s14 =	simm.s32 $0x30  }
0x2c: {  	[sflag:s6] =	ssyncset.done $0x0;
	s14 =	simm.s32 @!p0 $0x0  }
0x2d: {  	[sflag:s6] =	ssyncadd.s32 $0xFFFFFFD0;
	(ifvalue) =	ssetifvalue $0x7FFFFFFF;
	v0 =	vld.msk [tilespmem:s14+$0x0 ss:$0x1], $0xffff;
	_ =	sdelay $0x4  }
0x2e: {  	vm1 =	veq.s32 v0, $0x80000000;
	v1 =	vand.u32 $0x3, v0;
	v0 =	vshrl.u32 v0, $0x2  }
0x2f: {  	v1 =	vsel vm1, $0xFFFFFFFF, v1;
	v0 =	vand.u32 $0x7FFF, v0  }
0x30: {  	v0 =	vsel vm1, $0xFFFFFFFF, v0;
	v2 =	vshrl.u32 v1, $0x2  }
0x31: {  	s15 =	sadd.s32 $0x10, s14;
	v2 =	vmul.u32 $0x18200, v2;
	v4 =	vshll.u32 v0, $0x2  }
0x32: {  	v3 =	vld.msk [tilespmem:s15+$0x0 ss:$0x1], $0xffff;
	v1 =	vshll.u32 v1, $0x7;
	v4 =	vand.u32 $0xFFFFFE00, v4  }
0x33: {  	v1 =	vand.u32 $0x180, v1;
	v2 =	vadd.s32 v2, v4  }
0x34: {  	v0 =	vand.u32 $0x7F, v0;
	v1 =	vor.u32 v1, v2  }
0x35: {  	v0 =	vor.u32 v0, v1;
	_ =	sdelay $0x1  }
0x36: {  	vm1 =	veq.s32 v3, $0x80000000;
	v2 =	vand.u32 $0x3, v3;
	v3 =	vshrl.u32 v3, $0x2  }
0x37: {  	s16 =	simm.s32 $0x10;
	s14 =	sadd.s32 $0x60, s14;
	v2 =	vsel vm1, $0xFFFFFFFF, v2;
	v3 =	vand.u32 $0x7FFF, v3  }
0x38: {  	s17 =	sadd.s32 $0x10, s15;
	(ifvalue) =	ssetifvalue $0x7FFFFFFF;
	s15 =	smov.u32 s14;
	v1 =	vsel vm1, $0xFFFFFFFF, v3;
	v3 =	vshrl.u32 v2, $0x2  }
.LBB2_3:
0x39: {  	v4 =	vld.msk [tilespmem:s17+$0x0 ss:$0x1], $0xffff;
	v3 =	vmul.u32 $0x18200, v3;
	v5 =	vshll.u32 v1, $0x2;
	[tilespmem:s15], [sflag:$0x1] =	stream.indirect_vreg.gather [hbm4b:s2+s10], $0x1, v0, vm0, $0x4038  }
0x3a: {  	s16 =	sadd.s32 $0x10, s16;
	v2 =	vshll.u32 v2, $0x7;
	v0 =	vand.u32 $0xFFFFFE00, v5  }
0x3b: {  	p0 =	slt.u32 s16, $0x20;
	v2 =	vand.u32 $0x180, v2;
	v0 =	vadd.s32 v3, v0  }
0x3c: {  	v1 =	vand.u32 $0x7F, v1;
	v0 =	vor.u32 v2, v0  }
.Ltmp3:
0x3d: {  	v0 =	vor.u32 v1, v0;
	(pc) =	sbr.rel @p0 .LBB2_3-.Ltmp3, $4  }
0x3e: {  	_ = 	snop  }
0x3f: {  	vm1 =	veq.s32 v4, $0x80000000;
	v1 =	vand.u32 $0x3, v4;
	v3 =	vshrl.u32 v4, $0x2  }
0x40: {  	v2 =	vsel vm1, $0xFFFFFFFF, v1;
	v1 =	vand.u32 $0x7FFF, v3  }
0x41: {  	s17 =	sadd.s32 $0x10, s17;
	s15 =	sadd.s32 $0x10, s15;
	v1 =	vsel vm1, $0xFFFFFFFF, v1;
	v3 =	vshrl.u32 v2, $0x2;
	(ifvalue) =	ssetifvalue $0x7FFFFFFF  }
.Ltmp4:
0x42: {  	_ = 	snop;
	(pc) =	sbr.rel .LBB2_4-.Ltmp4, $1  }
0x43: {  	_ =	sdelay $0x3  }
.LBB2_6:
0x44: {  	_ =	sfence.sel $0x180000  }
0x45: {  	s2 =	simm.s32 $0x2;
	[bflag:$0x0] =	sbarrier.arrive $0xFFFF  }
0x46: {  	s30 =	simm.s32 $0x3;
	[sflag:s2] =	ssyncpa.u1 $0x1  }
0x47: {  	s31 =	simm.s32 $0x1;
	[sflag:s30] =	ssyncpa.u1 $0x1  }
0x48: {  	[sflag:s31] =	ssyncpa.u1 $0x1  }
0x49: {  	p0 =	sne.s32 s1, $0x0;
	_ =	strace $0x90000047  }
0x4a: {  	s0 =	sadd.s32 @!p0 $0x100000, s0;
	[bflag:$0x2] =	sbarrier.arrive $0xFFFF  }
0x4b: {  	[sflag:s0] =	ssyncadd.tile.s32 @!p0 $0x1;
	_ =	shalt  }
.Lfunc_end2:
_tile_overlayer_lowered:
.L_overlay_start_2:
0x4c: {  	(tag) =	ssettag $0x2  }
0x4d: {  	s0 =	rddreg [dreg:$0x0];
	s2 =	stileid.u32  }
0x4e: {  	s1 =	rddreg [dreg:$0x1];
	p0 =	sne.s32 s2, $0x0  }
0x4f: {  	s3 =	rddreg [dreg:$0x2];
	[bflag:$0x3] =	sbarrier.arrive $0xFFFF;
	s2 =	simm.s32 @!p0 $0x1C01  }
0x50: {  	[timem:s3], [sflag:s2] =	dma.local @!p0 [hbm:s0], s1  }
0x51: {  	s0 =	simm.s32 @!p0 $0x1  }
0x52: {  	_ =	swait.ge @!p0 [sflag:s0], s1  }
0x53: {  	s1 =	ssub.s32 @!p0 $0x0, s1;
	[sflag:s0] =	ssyncset.done @!p0 $0x0  }
0x54: {  	[sflag:s0] =	ssyncadd.s32 @!p0 s1  }
0x55: {  	[bflag:$0x3] =	sbarrier.arrive $0xFFFF  }
0x56: {  	_ =	shalt  }

// kernel: gather_offload_async_start.2
scs
__scs_entry_jumppad:
0x0: {  	(pc) =	sbr.rel $0x88, $3  }
0x1: {  	(tag) =	ssettag $0x0;
	lr =	simm.s32 $0x1  }
0x2: {  	[smem:$0x3F4F] =	sst lr;
	_ =	strace $0xD0000000  }
0x3: {  	_ = 	snop  }
0x4: {  	_ = 	snop  }
0x5: {  	_ = 	snop  }
0x6: {  	_ = 	snop  }
0x7: {  	_ = 	snop  }
__scs_overlays_trampoline_lowered:
0x8: {  	[smem:$0x3F5E] =	sst s0  }
0x9: {  	[smem:$0x3F5F] =	sst s1  }
0xa: {  	[smem:$0x3F60] =	sst s2  }
0xb: {  	[smem:$0x3F61] =	sst s3  }
0xc: {  	[smem:$0x3F62] =	sst s4  }
0xd: {  	[smem:$0x3F63] =	sst s5  }
0xe: {  	[smem:$0x3F64] =	sst s6  }
0xf: {  	[smem:$0x3F65] =	sst s7  }
0x10: {  	[smem:$0x3F66] =	sst s8  }
0x11: {  	[smem:$0x3F67] =	sst s9;
	s0 =	simm.s32 @!p0 $0x0  }
0x12: {  	s1 =	sld [smem:$0x3F4D];
	s0 =	simm.s32 @p0 $0x1  }
0x13: {  	[smem:$0x3F68] =	sst s0;
	s0 =	simm.s32 @!p1 $0x0  }
0x14: {  	s2 =	sld [smem:$0x3F4C];
	s0 =	simm.s32 @p1 $0x1  }
0x15: {  	[smem:$0x3F69] =	sst s0;
	s0 =	simm.s32 @!p2 $0x0  }
0x16: {  	s3 =	sld [smem:$0x3FDB];
	s0 =	simm.s32 @p2 $0x1  }
0x17: {  	s4 =	simm.s32 $0x1BF5;
	[smem:$0x3F6B] =	sst s0  }
0x18: {  	s0 =	sld [smem:$0x3F4E];
	_ =	swait.ge [sflag:s4], $0x0  }
0x19: {  	s7 =	sld [smem:$0x3F4F]  }
0x1a: {  	s8 =	sadd.s32 $0xFFFFE003, lr  }
0x1b: {  	s9 =	sadd.s32 $0xFFFFFEF7, lr;
	s5 =	simm.s32 $0xFFFFFFFF;
	p2 =	slt.u32 s8, $0xFFFFF086  }
0x1c: {  	p1 =	slt.u32 s9, $0xF7A;
	s5 =	simm.s32 @!p2 $0x0  }
0x1d: {  	s5 =	simm.s32 @p1 $0x1;
	p0 =	seq.s32 s7, s2  }
0x1e: {  	s7 =	smul.u32 @!p0 $0xF7A, s2;
	p2 =	seq.s32 @!p0 s5, $0x0  }
0x1f: {  	s9 =	smul.u32 $0xF7A, s1;
	s8 =	simm.s32 @!p0 $0x1BF5;
	p2 =	por !p2, p0  }
0x20: {  	[sflag:s8] =	ssyncset.s32 @!p0 $0xFFFFF086;
	s6 =	sadd.s32 @!p0 s3, s7;
	s7 =	simm.s32 @!p0 $0x108  }
0x21: {  	s3 =	sadd.s32 s3, s9;
	s6 =	sadd.s32 @!p0 $0x88, s6;
	s7 =	simm.s32 @p2 $0x1082  }
0x22: {  	[simem:s7], [sflag:s8] =	dma.local @!p0 [hbm:s6], $0xF7A  }
0x23: {  	s9 =	sor.u32 $0xD0000000, s2;
	s6 =	simm.s32 $0x108;
	_ =	swait.ge @!p0 [sflag:s8], $0x0  }
0x24: {  	s3 =	sadd.s32 $0x88, s3;
	s6 =	simm.s32 @!p1 $0x1082;
	[sflag:s4] =	ssyncset.s32 $0xFFFFF086  }
0x25: {  	[simem:s6], [sflag:s4] =	dma.local [hbm:s3], $0xF7A  }
0x26: {  	[smem:$0x3F4F] =	sst s1;
	(tag) =	ssettag s2;
	_ =	strace s9  }
0x27: {  	s1 =	sld [smem:$0x3F5F]  }
0x28: {  	s2 =	sld [smem:$0x3F60]  }
0x29: {  	s4 =	sld [smem:$0x3F62]  }
0x2a: {  	p0 =	seq.s32 s5, $0x0;
	s5 =	sld [smem:$0x3F63]  }
0x2b: {  	s6 =	sld [smem:$0x3F64]  }
0x2c: {  	s7 =	sld [smem:$0x3F65]  }
0x2d: {  	s3 =	simm.s32 $0x108;
	s8 =	sld [smem:$0x3F66]  }
0x2e: {  	s3 =	simm.s32 @!p0 $0x1082;
	s9 =	sld [smem:$0x3F67]  }
0x2f: {  	lr =	sadd.s32 s0, s3;
	s0 =	sld [smem:$0x3F5E]  }
0x30: {  	s3 =	sld [smem:$0x3F61]  }
0x31: {  	[smem:$0x3F6A] =	sst s10  }
0x32: {  	s10 =	sld [smem:$0x3F68];
	_ =	sdelay $0x3  }
0x33: {  	p0 =	seq.s32 s10, $0x1;
	s10 =	sld [smem:$0x3F6A];
	_ =	sdelay $0x3  }
0x34: {  	[smem:$0x3F6A] =	sst s10  }
0x35: {  	s10 =	sld [smem:$0x3F69];
	_ =	sdelay $0x3  }
0x36: {  	p1 =	seq.s32 s10, $0x1;
	s10 =	sld [smem:$0x3F6A];
	_ =	sdelay $0x3  }
0x37: {  	[smem:$0x3F6A] =	sst s10  }
0x38: {  	s10 =	sld [smem:$0x3F6B]  }
0x39: {  	_ = 	snop;
	(pc) =	sbr.ind lr, $3  }
0x3a: {  	_ = 	snop  }
0x3b: {  	_ = 	snop  }
0x3c: {  	p2 =	seq.s32 s10, $0x1;
	s10 =	sld [smem:$0x3F6A]  }
0x3d: {  	_ =	shalt  }
0x3e: {  	_ =	shalt  }
0x3f: {  	_ =	shalt  }
0x40: {  	_ =	shalt  }
0x41: {  	_ =	shalt  }
0x42: {  	_ =	shalt  }
0x43: {  	_ =	shalt  }
0x44: {  	_ =	shalt  }
0x45: {  	_ =	shalt  }
0x46: {  	_ =	shalt  }
0x47: {  	_ =	shalt  }
0x48: {  	_ =	shalt  }
0x49: {  	_ =	shalt  }
0x4a: {  	_ =	shalt  }
0x4b: {  	_ =	shalt  }
0x4c: {  	_ =	shalt  }
0x4d: {  	_ =	shalt  }
0x4e: {  	_ =	shalt  }
0x4f: {  	_ =	shalt  }
0x50: {  	_ =	shalt  }
0x51: {  	_ =	shalt  }
0x52: {  	_ =	shalt  }
0x53: {  	_ =	shalt  }
0x54: {  	_ =	shalt  }
0x55: {  	_ =	shalt  }
0x56: {  	_ =	shalt  }
0x57: {  	_ =	shalt  }
0x58: {  	_ =	shalt  }
0x59: {  	_ =	shalt  }
0x5a: {  	_ =	shalt  }
0x5b: {  	_ =	shalt  }
0x5c: {  	_ =	shalt  }
0x5d: {  	_ =	shalt  }
0x5e: {  	_ =	shalt  }
0x5f: {  	_ =	shalt  }
0x60: {  	_ =	shalt  }
0x61: {  	_ =	shalt  }
0x62: {  	_ =	shalt  }
0x63: {  	_ =	shalt  }
0x64: {  	_ =	shalt  }
0x65: {  	_ =	shalt  }
0x66: {  	_ =	shalt  }
0x67: {  	_ =	shalt  }
0x68: {  	_ =	shalt  }
0x69: {  	_ =	shalt  }
0x6a: {  	_ =	shalt  }
0x6b: {  	_ =	shalt  }
0x6c: {  	_ =	shalt  }
0x6d: {  	_ =	shalt  }
0x6e: {  	_ =	shalt  }
0x6f: {  	_ =	shalt  }
0x70: {  	_ =	shalt  }
0x71: {  	_ =	shalt  }
0x72: {  	_ =	shalt  }
0x73: {  	_ =	shalt  }
0x74: {  	_ =	shalt  }
0x75: {  	_ =	shalt  }
0x76: {  	_ =	shalt  }
0x77: {  	_ =	shalt  }
0x78: {  	_ =	shalt  }
0x79: {  	_ =	shalt  }
0x7a: {  	_ =	shalt  }
0x7b: {  	_ =	shalt  }
0x7c: {  	_ =	shalt  }
0x7d: {  	_ =	shalt  }
0x7e: {  	_ =	shalt  }
0x7f: {  	_ =	shalt  }
0x80: {  	_ =	shalt  }
0x81: {  	_ =	shalt  }
0x82: {  	_ =	shalt  }
0x83: {  	_ =	shalt  }
0x84: {  	_ =	shalt  }
0x85: {  	_ =	shalt  }
0x86: {  	_ =	shalt  }
0x87: {  	_ =	shalt  }
.Lfunc_end0:
.L_simem_size_0:
called_computation.2_lowered:
.L_overlay_start_0:
0x88: {  	s2 =	sld [smem:$0x3FD9]  }
0x89: {  	s3 =	sld [smem:$0x3FFE];
	_ =	sdelay $0x1  }
0x8a: {  	s1 =	srdreg.scid  }
0x8b: {  	s0 =	sand.u32 $0x1, s1  }
0x8c: {  	s16 =	sshll.u32 s0, $0xA;
	s2 =	sadd.s32 s3, s2  }
0x8d: {  	s2 =	sadd.s32 s2, s16  }
0x8e: {  	[smem:$0x3F76] =	sst s2  }
0x8f: {  	_ = 	snop  }
0x90: {  	(tm) =	ssettm $0x1  }
0x91: {  	s17 =	sld [smem:$0x3FFB];
	_ =	sdelay $0x3  }
0x92: {  	_ =	strace s17  }
0x93: {  	s2 =	sld [smem:$0x3FFC];
	_ =	sdelay $0x3  }
0x94: {  	_ =	strace s2  }
0x95: {  	s2 =	sld [smem:$0x3FFD];
	_ =	sdelay $0x3  }
0x96: {  	_ =	strace s2  }
0x97: {  	_ =	strace $0x8FFFFFFF  }
0x98: {  	s18 =	sld [smem:$0x3FDB];
	_ =	sdelay $0x1  }
0x99: {  	s19 =	simm.s32 $_scs_section_size  }
0x9a: {  	s4 =	simm.s32 $_size__tile_overlayer_lowered;
	s5 =	simm.s32 $_tile_overlayer_lowered  }
0x9b: {  	s22 =	simm.s32 $0x1BFF;
	s21 =	sshll.u32 s5, $0x1;
	s2 =	sadd.s32 s19, s18  }
0x9c: {  	s6 =	simm.s32 $0x0;
	s20 =	sshll.u32 s4, $0x1;
	s4 =	sadd.s32 s21, s2  }
0x9d: {  	[timem:s6], [sflag:s22] =	dma.local [hbm:s4], s20  }
0x9e: {  	_ =	swait.ge [sflag:s22], s20  }
0x9f: {  	s3 =	ssub.s32 $0x0, s20;
	[sflag:s22] =	ssyncset.done $0x0  }
0xa0: {  	[sflag:s22] =	ssyncadd.s32 s3;
	_ =	sdelay $0x1  }
0xa1: {  	s23 =	simm.s32 $0x1B8B  }
0xa2: {  	_ =	swait.ge [sflag:s23], $0x1  }
0xa3: {  	[sflag:s23] =	ssyncset.done $0x0  }
0xa4: {  	s25 =	simm.s32 $0x1B8E;
	s24 =	sld [smem:$0x3FFE];
	[sflag:s23] =	ssyncadd.s32 $0xFFFFFFFF  }
0xa5: {  	s26 =	simm.s32 $execute0_lowered;
	[smem:$0x3FD2] =	sst s25  }
0xa6: {  	s4 =	sshll.u32 s26, $0x1;
	_ =	strace $0x8000004C;
	[dreg:$0x1] =	wrdreg $0xFFFFFFFF  }
0xa7: {  	s28 =	simm.s32 $_size_execute0_lowered;
	s2 =	sadd.s32 s2, s4;
	[dreg:$0x0] =	wrdreg $0x0  }
0xa8: {  	s4 =	sshll.u32 s28, $0x1;
	[dreg:$0x2] =	wrdreg s2  }
0xa9: {  	[dreg:$0x3] =	wrdreg s4  }
0xaa: {  	[dreg:$0x4] =	wrdreg $0xC0  }
0xab: {  	_ =	task [dreg:s6], $0x5FFFF  }
0xac: {  	[dreg:$0x1] =	wrdreg $0xFFFFFFFF  }
0xad: {  	[dreg:$0x0] =	wrdreg $0x60  }
0xae: {  	[dreg:$0x2] =	wrdreg s24  }
0xaf: {  	[dreg:$0x3] =	wrdreg $0x9  }
0xb0: {  	_ =	task.clear_ibuf [dreg:s6], $0x4FFFF;
	_ =	strace $0x9000004C  }
0xb1: {  	s29 =	simm.s32 $0x9;
	_ =	strace $0x8000004E  }
0xb2: {  	_ =	swait.ge [sflag:s29], $0x1  }
0xb3: {  	[sflag:s29] =	ssyncadd.s32 $0xFFFFFFFF  }
0xb4: {  	_ =	strace $0x9000004E  }
0xb5: {  	_ =	sfence  }
0xb6: {  	s30 =	sld [smem:$0x0];
	_ =	sdelay $0x2  }
0xb7: {  	s31 =	sshll.u32 s1, $0xD;
	s1 =	sshrl.u32 s1, $0x2  }
0xb8: {  	s3 =	sand.u32 $0x4000, s31;
	s1 =	sadd.s32 s1, s30  }
0xb9: {  	s0 =	sor.u32 s3, s0;
	s1 =	sshll.u32 s1, $0x11  }
0xba: {  	s0 =	sor.u32 s1, s0  }
0xbb: {  	s0 =	sadd.s32 $0x8F2B, s0  }
0xbc: {  	[sflag:s0] =	ssyncadd.remote.s32 $0x1  }
0xbd: {  	_ =	sfence.sel $0xFFFF  }
0xbe: {  	[dreg:$0x0] =	wrdreg $0xFFFFFFFF;
	(pc) =	sbr.abs _section_cstart, $3  }
0xbf: {  	[dreg:$0x1] =	wrdreg $0xFFFFFFFF  }
0xc0: {  	_ =	task.clear_ibuf [dreg:s6], $0x2FFFF;
	_ =	strace $0x9FFFFFFF  }
0xc1: {  	(tm) =	ssettm $0x7FFFFFFF  }
tec
execute0_lowered:
.L_overlay_start_1:
0x0: {  	(tag) =	ssettag $0x1  }
0x1: {  	s8 =	rddreg [dreg:$0x0];
	s1 =	stileid.u32  }
0x2: {  	s2 =	srdreg.scid;
	s0 =	rddreg [dreg:$0x1]  }
0x3: {  	_ =	strace $0x8000004D;
	s5 =	simm.s32 $0x1;
	s9 =	simm.s32 $0x1  }
0x4: {  	s10 =	simm.s32 $0x3;
	s2 =	sand.u32 $0x1, s2;
	s3 =	sshll.u32 s1, $0x1  }
0x5: {  	s13 =	simm.s32 $0x0;
	s12 =	simm.s32 $0x0;
	s6 =	sor.u32 s3, s2  }
0x6: {  	[sflag:s5] =	ssyncpa.u1 $0x0;
	s2 =	sadd.s32 $0x8E00, s8;
	s4 =	smul.u32 $0x1B0, s6  }
0x7: {  	s3 =	sadd.s32 $0x14800, s8;
	p0 =	slt.u32 s6, $0x5;
	s6 =	simm.s32 $0x3600  }
.Ltmp0:
0x8: {  	s6 =	simm.s32 @!p0 $0x0;
	s7 =	ssub.s32 $0x3CC0, s4;
	(pc) =	sbr.rel .LBB2_1-.Ltmp0, $4  }
0x9: {  	s9 =	simm.s32 @!p0 $0x0;
	p0 =	sne.s32 s7, s6;
	s7 =	simm.s32 $0x1  }
0xa: {  	s8 =	sadd.s32 $0x15000, s8;
	s6 =	simm.s32 $0x2;
	s7 =	simm.s32 @!p0 $0x0  }
0xb: {  	s11 =	smov.u32 s4;
	[sflag:s6] =	ssyncpa.u1 $0x0;
	s7 =	sadd.s32 s9, s7  }
0xc: {  	vm0 =	vmmov $0xffff;
	[sflag:s10] =	ssyncpa.u1 $0x0;
	s10 =	simm.s32 $0x0;
	s9 =	sadd.s32 $0x1, s7  }
.LBB2_4:
0xd: {  	vm1 =	veq.s32 v4, $0x80000000;
	v56 =	vand.u32 $0x3, v4;
	v6 =	vand.u32 $0x7FFF, v6  }
0xe: {  	v2 =	vor.u32 v2, v5;
	v59 =	vshrl.u32 v1, $0x2;
	v60 =	vand.u32 $0x3, v1  }
0xf: {  	v4 =	vsel vm1, $0xFFFFFFFF, v56;
	v6 =	vsel vm1, $0xFFFFFFFF, v6;
	v2 =	vor.u32 v3, v2  }
0x10: {  	vm1 =	veq.s32 v1, $0x80000000;
	v5 =	vand.u32 $0x7FFF, v59;
	v7 =	vshrl.u32 v4, $0x2  }
0x11: {  	v57 =	vshll.u32 v6, $0x2;
	v4 =	vshll.u32 v4, $0x7;
	v1 =	vsel vm1, $0xFFFFFFFF, v60  }
0x12: {  	v5 =	vsel vm1, $0xFFFFFFFF, v5;
	v6 =	vand.u32 $0x7F, v6;
	v7 =	vmul.u32 $0x18200, v7  }
0x13: {  	v58 =	vand.u32 $0xFFFFFE00, v57;
	v4 =	vand.u32 $0x180, v4;
	v61 =	vshrl.u32 v1, $0x2  }
0x14: {  	v62 =	vshll.u32 v5, $0x2;
	v3 =	vadd.s32 v7, v58;
	v7 =	vmul.u32 $0x18200, v61  }
0x15: {  	v1 =	vshll.u32 v1, $0x7;
	v3 =	vor.u32 v4, v3;
	v4 =	vand.u32 $0xFFFFFE00, v62  }
0x16: {  	v1 =	vand.u32 $0x180, v1;
	v3 =	vor.u32 v6, v3;
	v4 =	vadd.s32 v7, v4  }
0x17: {  	[tilespmem:s16], [sflag:$0x1] =	stream.indirect_vreg.gather [hbm4b:s2+s10], $0x1, v0, vm0, $0x4038;
	v63 =	vand.u32 $0x7F, v5;
	v1 =	vor.u32 v1, v4;
	[tilespmem:$0x6C0] =	vst v63  }
0x18: {  	s15 =	sadd.s32 $0x10, s15;
	(ifvalue) =	ssetifvalue $0x7FFFFFFF;
	v0 =	vor.u32 v63, v1  }
0x19: {  	[tilespmem:s15], [sflag:$0x1] =	stream.indirect_vreg.gather [hbm4b:s2+s10], $0x1, v2, vm0, $0x4038;
	[tilespmem:$0x6C0] =	vst v63  }
0x1a: {  	s15 =	sadd.s32 $0x10, s15;
	(ifvalue) =	ssetifvalue $0x7FFFFFFF  }
0x1b: {  	[tilespmem:s15], [sflag:$0x1] =	stream.indirect_vreg.gather [hbm4b:s2+s10], $0x1, v3, vm0, $0x4038;
	[tilespmem:$0x6C0] =	vst v63  }
0x1c: {  	s15 =	sadd.s32 $0x10, s15;
	(ifvalue) =	ssetifvalue $0x7FFFFFFF  }
0x1d: {  	[tilespmem:s15], [sflag:$0x1] =	stream.indirect_vreg.gather [hbm4b:s2+s10], $0x1, v0, vm0, $0x4038;
	[tilespmem:$0x6C0] =	vst v63  }
0x1e: {  	_ =	swait.ge [sflag:s5], $0x1B0  }
0x1f: {  	s30 =	sshrl.u32 s13, $0x3;
	[sflag:s5] =	ssyncset.done $0x0  }
0x20: {  	s31 =	sand.u32 $0x7, s13;
	s15 =	sadd.s32 s8, s30;
	[sflag:s5] =	ssyncadd.s32 $0xFFFFFE50  }
0x21: {  	[hbm4b:s15+s31] =	stream.linear.scatter [tilespmem:s14], [sflag:$0x3], $0x1B0, $0x38;
	[tilespmem:$0x6C0] =	vst v63  }
.LBB2_5:
0x22: {  	s15 =	sadd.s32 $0x3600, s11  }
0x23: {  	p1 =	sgt.s32 s15, $0x3CBF  }
0x24: {  	s15 =	smov.u32 @p1 s4;
	p1 =	sne.s32 s12, s9  }
.Ltmp1:
0x25: {  	p0 =	slt.u32 s12, $0x2;
	(pc) =	sbr.rel @!p1 .LBB2_6-.Ltmp1, $4  }
0x26: {  	s14 =	simm.s32 @!p0 $0x3  }
0x27: {  	_ =	swait.ge @!p0 [sflag:s14], $0x1B0  }
0x28: {  	s16 =	sadd.s32 $0x1, s12;
	s13 =	smov.u32 s11;
	[sflag:s14] =	ssyncset.done @!p0 $0x0  }
0x29: {  	s12 =	smov.u32 s16;
	s11 =	smov.u32 s15;
	[sflag:s14] =	ssyncadd.s32 @!p0 $0xFFFFFE50  }
.LBB2_1:
0x2a: {  	p0 =	sge.u32 s12, s7  }
0x2b: {  	s14 =	sxor.u32 @!p0 $0x1, s12  }
0x2c: {  	s14 =	smul.u32 @!p0 $0x6C0, s14  }
0x2d: {  	s31 =	sadd.s32 $0xFFFFFFFF, s12;
	s15 =	sshrl.u32 @!p0 s11, $0x3  }
0x2e: {  	s16 =	sand.u32 @!p0 $0x7, s11;
	s15 =	sadd.s32 @!p0 s3, s15;
	s14 =	sshra.s32 @!p0 s14, $0x2  }
0x2f: {  	[tilespmem:s14], [sflag:$0x2] =	stream.linear.gather @!p0 [hbm4b:s15+s16], $0x1B0, $0x38;
	[tilespmem:$0x6C0] =	vst v63  }
0x30: {  	p0 =	sge.u32 s31, s7  }
.Ltmp2:
0x31: {  	_ = 	snop;
	(pc) =	sbr.rel @p0 .LBB2_5-.Ltmp2, $1  }
0x32: {  	_ =	sdelay $0x3  }
0x33: {  	s14 =	sand.u32 $0x1, s12  }
0x34: {  	_ =	swait.ge [sflag:s6], $0x1B0;
	p0 =	seq.s32 s14, $0x1;
	s14 =	simm.s32 $0x1B0  }
0x35: {  	[sflag:s6] =	ssyncset.done $0x0;
	s14 =	simm.s32 @!p0 $0x0  }
0x36: {  	[sflag:s6] =	ssyncadd.s32 $0xFFFFFE50;
	(ifvalue) =	ssetifvalue $0x7FFFFFFF;
	v0 =	vld.msk [tilespmem:s14+$0x0 ss:$0x1], $0xffff  }
0x37: {  	s15 =	sadd.s32 $0x10, s14  }
0x38: {  	v1 =	vld.msk [tilespmem:s15+$0x0 ss:$0x1], $0xffff;
	_ =	sdelay $0x2  }
0x39: {  	v2 =	vshrl.u32 v0, $0x2  }
0x3a: {  	vm1 =	veq.s32 v0, $0x80000000;
	v0 =	vand.u32 $0x3, v0;
	v2 =	vand.u32 $0x7FFF, v2  }
0x3b: {  	v0 =	vsel vm1, $0xFFFFFFFF, v0;
	v6 =	vshrl.u32 v1, $0x2;
	v2 =	vsel vm1, $0xFFFFFFFF, v2  }
0x3c: {  	v3 =	vshrl.u32 v0, $0x2;
	v0 =	vshll.u32 v0, $0x7;
	vm1 =	veq.s32 v1, $0x80000000  }
0x3d: {  	s15 =	sadd.s32 $0x10, s15;
	v1 =	vand.u32 $0x3, v1;
	v4 =	vshll.u32 v2, $0x2;
	v3 =	vmul.u32 $0x18200, v3  }
0x3e: {  	v0 =	vand.u32 $0x180, v0;
	v7 =	vand.u32 $0x7F, v2;
	v5 =	vand.u32 $0xFFFFFE00, v4;
	v4 =	vld.msk [tilespmem:s15+$0x0 ss:$0x1], $0xffff  }
0x3f: {  	v1 =	vsel vm1, $0xFFFFFFFF, v1;
	v2 =	vadd.s32 v3, v5;
	v3 =	vand.u32 $0x7FFF, v6  }
0x40: {  	v3 =	vsel vm1, $0xFFFFFFFF, v3;
	v0 =	vor.u32 v0, v2;
	v2 =	vshrl.u32 v1, $0x2  }
0x41: {  	v1 =	vshll.u32 v1, $0x7;
	v5 =	vshll.u32 v3, $0x2;
	v8 =	vmul.u32 $0x18200, v2  }
0x42: {  	s18 =	simm.s32 $0x30;
	s14 =	sadd.s32 $0x360, s14;
	s17 =	sadd.s32 $0x10, s15;
	v2 =	vand.u32 $0x180, v1;
	v0 =	vor.u32 v7, v0;
	v5 =	vand.u32 $0xFFFFFE00, v5  }
0x43: {  	s16 =	smov.u32 s14;
	s15 =	smov.u32 s14;
	v1 =	vld.msk [tilespmem:s17+$0x0 ss:$0x1], $0xffff;
	v3 =	vand.u32 $0x7F, v3;
	(ifvalue) =	ssetifvalue $0x7FFFFFFF;
	v6 =	vshrl.u32 v4, $0x2;
	v5 =	vadd.s32 v8, v5  }
.LBB2_3:
0x44: {  	s18 =	sadd.s32 $0x10, s18  }
0x45: {  	vm1 =	veq.s32 v4, $0x80000000;
	v4 =	vand.u32 $0x3, v4;
	v6 =	vand.u32 $0x7FFF, v6;
	s15 =	sadd.s32 $0x10, s15;
	p0 =	slt.u32 s18, $0x1A0  }
.Ltmp3:
0x46: {  	v5 =	vor.u32 v2, v5;
	v4 =	vsel vm1, $0xFFFFFFFF, v4;
	v7 =	vsel vm1, $0xFFFFFFFF, v6;
	(pc) =	sbr.rel @p0 .LBB2_3-.Ltmp3, $4  }
0x47: {  	v2 =	vshrl.u32 v4, $0x2;
	v6 =	vshll.u32 v7, $0x2;
	v4 =	vshll.u32 v4, $0x7;
	[tilespmem:s16], [sflag:$0x1] =	stream.indirect_vreg.gather [hbm4b:s2+s10], $0x1, v0, vm0, $0x4038;
	[tilespmem:$0x6C0] =	vst v63  }
0x48: {  	v0 =	vor.u32 v3, v5;
	s16 =	smov.u32 s15;
	v8 =	vmul.u32 $0x18200, v2;
	v2 =	vand.u32 $0x180, v4  }
0x49: {  	s17 =	sadd.s32 $0x10, s17;
	v9 =	vand.u32 $0xFFFFFE00, v6  }
0x4a: {  	v3 =	vand.u32 $0x7F, v7;
	v6 =	vshrl.u32 v1, $0x2;
	v5 =	vadd.s32 v8, v9;
	(ifvalue) =	ssetifvalue $0x7FFFFFFF;
	v4 =	vmovc v1;
	v1 =	vld.msk [tilespmem:s17+$0x0 ss:$0x1], $0xffff  }
.Ltmp4:
0x4b: {  	_ = 	snop;
	(pc) =	sbr.rel .LBB2_4-.Ltmp4, $1  }
0x4c: {  	_ =	sdelay $0x3  }
.LBB2_6:
0x4d: {  	_ =	sfence.sel $0x180000  }
0x4e: {  	s2 =	simm.s32 $0x2;
	[bflag:$0x0] =	sbarrier.arrive $0xFFFF  }
0x4f: {  	s30 =	simm.s32 $0x3;
	[sflag:s2] =	ssyncpa.u1 $0x1  }
0x50: {  	s31 =	simm.s32 $0x1;
	[sflag:s30] =	ssyncpa.u1 $0x1  }
0x51: {  	[sflag:s31] =	ssyncpa.u1 $0x1  }
0x52: {  	p0 =	sne.s32 s1, $0x0;
	_ =	strace $0x9000004D  }
0x53: {  	s0 =	sadd.s32 @!p0 $0x100000, s0;
	[bflag:$0x2] =	sbarrier.arrive $0xFFFF  }
0x54: {  	[sflag:s0] =	ssyncadd.tile.s32 @!p0 $0x1;
	_ =	shalt  }
.Lfunc_end2:
_tile_overlayer_lowered:
.L_overlay_start_2:
0x55: {  	(tag) =	ssettag $0x2  }
0x56: {  	s0 =	rddreg [dreg:$0x0];
	s2 =	stileid.u32  }
0x57: {  	s1 =	rddreg [dreg:$0x1];
	p0 =	sne.s32 s2, $0x0  }
0x58: {  	s3 =	rddreg [dreg:$0x2];
	[bflag:$0x3] =	sbarrier.arrive $0xFFFF;
	s2 =	simm.s32 @!p0 $0x1C01  }
0x59: {  	[timem:s3], [sflag:s2] =	dma.local @!p0 [hbm:s0], s1  }
0x5a: {  	s0 =	simm.s32 @!p0 $0x1  }
0x5b: {  	_ =	swait.ge @!p0 [sflag:s0], s1  }
0x5c: {  	s1 =	ssub.s32 @!p0 $0x0, s1;
	[sflag:s0] =	ssyncset.done @!p0 $0x0  }
0x5d: {  	[sflag:s0] =	ssyncadd.s32 @!p0 s1  }
0x5e: {  	[bflag:$0x3] =	sbarrier.arrive $0xFFFF  }
0x5f: {  	_ =	shalt  }

// kernel: gather_offload_async_start.3
scs
__scs_entry_jumppad:
0x0: {  	(pc) =	sbr.rel $0x88, $3  }
0x1: {  	(tag) =	ssettag $0x0;
	lr =	simm.s32 $0x1  }
0x2: {  	[smem:$0x3F4F] =	sst lr;
	_ =	strace $0xD0000000  }
0x3: {  	_ = 	snop  }
0x4: {  	_ = 	snop  }
0x5: {  	_ = 	snop  }
0x6: {  	_ = 	snop  }
0x7: {  	_ = 	snop  }
__scs_overlays_trampoline_lowered:
0x8: {  	[smem:$0x3F5E] =	sst s0  }
0x9: {  	[smem:$0x3F5F] =	sst s1  }
0xa: {  	[smem:$0x3F60] =	sst s2  }
0xb: {  	[smem:$0x3F61] =	sst s3  }
0xc: {  	[smem:$0x3F62] =	sst s4  }
0xd: {  	[smem:$0x3F63] =	sst s5  }
0xe: {  	[smem:$0x3F64] =	sst s6  }
0xf: {  	[smem:$0x3F65] =	sst s7  }
0x10: {  	[smem:$0x3F66] =	sst s8  }
0x11: {  	[smem:$0x3F67] =	sst s9;
	s0 =	simm.s32 @!p0 $0x0  }
0x12: {  	s1 =	sld [smem:$0x3F4D];
	s0 =	simm.s32 @p0 $0x1  }
0x13: {  	[smem:$0x3F68] =	sst s0;
	s0 =	simm.s32 @!p1 $0x0  }
0x14: {  	s2 =	sld [smem:$0x3F4C];
	s0 =	simm.s32 @p1 $0x1  }
0x15: {  	[smem:$0x3F69] =	sst s0;
	s0 =	simm.s32 @!p2 $0x0  }
0x16: {  	s3 =	sld [smem:$0x3FDB];
	s0 =	simm.s32 @p2 $0x1  }
0x17: {  	s4 =	simm.s32 $0x1BF5;
	[smem:$0x3F6B] =	sst s0  }
0x18: {  	s0 =	sld [smem:$0x3F4E];
	_ =	swait.ge [sflag:s4], $0x0  }
0x19: {  	s7 =	sld [smem:$0x3F4F]  }
0x1a: {  	s8 =	sadd.s32 $0xFFFFE003, lr  }
0x1b: {  	s9 =	sadd.s32 $0xFFFFFEF7, lr;
	s5 =	simm.s32 $0xFFFFFFFF;
	p2 =	slt.u32 s8, $0xFFFFF086  }
0x1c: {  	p1 =	slt.u32 s9, $0xF7A;
	s5 =	simm.s32 @!p2 $0x0  }
0x1d: {  	s5 =	simm.s32 @p1 $0x1;
	p0 =	seq.s32 s7, s2  }
0x1e: {  	s7 =	smul.u32 @!p0 $0xF7A, s2;
	p2 =	seq.s32 @!p0 s5, $0x0  }
0x1f: {  	s9 =	smul.u32 $0xF7A, s1;
	s8 =	simm.s32 @!p0 $0x1BF5;
	p2 =	por !p2, p0  }
0x20: {  	[sflag:s8] =	ssyncset.s32 @!p0 $0xFFFFF086;
	s6 =	sadd.s32 @!p0 s3, s7;
	s7 =	simm.s32 @!p0 $0x108  }
0x21: {  	s3 =	sadd.s32 s3, s9;
	s6 =	sadd.s32 @!p0 $0x88, s6;
	s7 =	simm.s32 @p2 $0x1082  }
0x22: {  	[simem:s7], [sflag:s8] =	dma.local @!p0 [hbm:s6], $0xF7A  }
0x23: {  	s9 =	sor.u32 $0xD0000000, s2;
	s6 =	simm.s32 $0x108;
	_ =	swait.ge @!p0 [sflag:s8], $0x0  }
0x24: {  	s3 =	sadd.s32 $0x88, s3;
	s6 =	simm.s32 @!p1 $0x1082;
	[sflag:s4] =	ssyncset.s32 $0xFFFFF086  }
0x25: {  	[simem:s6], [sflag:s4] =	dma.local [hbm:s3], $0xF7A  }
0x26: {  	[smem:$0x3F4F] =	sst s1;
	(tag) =	ssettag s2;
	_ =	strace s9  }
0x27: {  	s1 =	sld [smem:$0x3F5F]  }
0x28: {  	s2 =	sld [smem:$0x3F60]  }
0x29: {  	s4 =	sld [smem:$0x3F62]  }
0x2a: {  	p0 =	seq.s32 s5, $0x0;
	s5 =	sld [smem:$0x3F63]  }
0x2b: {  	s6 =	sld [smem:$0x3F64]  }
0x2c: {  	s7 =	sld [smem:$0x3F65]  }
0x2d: {  	s3 =	simm.s32 $0x108;
	s8 =	sld [smem:$0x3F66]  }
0x2e: {  	s3 =	simm.s32 @!p0 $0x1082;
	s9 =	sld [smem:$0x3F67]  }
0x2f: {  	lr =	sadd.s32 s0, s3;
	s0 =	sld [smem:$0x3F5E]  }
0x30: {  	s3 =	sld [smem:$0x3F61]  }
0x31: {  	[smem:$0x3F6A] =	sst s10  }
0x32: {  	s10 =	sld [smem:$0x3F68];
	_ =	sdelay $0x3  }
0x33: {  	p0 =	seq.s32 s10, $0x1;
	s10 =	sld [smem:$0x3F6A];
	_ =	sdelay $0x3  }
0x34: {  	[smem:$0x3F6A] =	sst s10  }
0x35: {  	s10 =	sld [smem:$0x3F69];
	_ =	sdelay $0x3  }
0x36: {  	p1 =	seq.s32 s10, $0x1;
	s10 =	sld [smem:$0x3F6A];
	_ =	sdelay $0x3  }
0x37: {  	[smem:$0x3F6A] =	sst s10  }
0x38: {  	s10 =	sld [smem:$0x3F6B]  }
0x39: {  	_ = 	snop;
	(pc) =	sbr.ind lr, $3  }
0x3a: {  	_ = 	snop  }
0x3b: {  	_ = 	snop  }
0x3c: {  	p2 =	seq.s32 s10, $0x1;
	s10 =	sld [smem:$0x3F6A]  }
0x3d: {  	_ =	shalt  }
0x3e: {  	_ =	shalt  }
0x3f: {  	_ =	shalt  }
0x40: {  	_ =	shalt  }
0x41: {  	_ =	shalt  }
0x42: {  	_ =	shalt  }
0x43: {  	_ =	shalt  }
0x44: {  	_ =	shalt  }
0x45: {  	_ =	shalt  }
0x46: {  	_ =	shalt  }
0x47: {  	_ =	shalt  }
0x48: {  	_ =	shalt  }
0x49: {  	_ =	shalt  }
0x4a: {  	_ =	shalt  }
0x4b: {  	_ =	shalt  }
0x4c: {  	_ =	shalt  }
0x4d: {  	_ =	shalt  }
0x4e: {  	_ =	shalt  }
0x4f: {  	_ =	shalt  }
0x50: {  	_ =	shalt  }
0x51: {  	_ =	shalt  }
0x52: {  	_ =	shalt  }
0x53: {  	_ =	shalt  }
0x54: {  	_ =	shalt  }
0x55: {  	_ =	shalt  }
0x56: {  	_ =	shalt  }
0x57: {  	_ =	shalt  }
0x58: {  	_ =	shalt  }
0x59: {  	_ =	shalt  }
0x5a: {  	_ =	shalt  }
0x5b: {  	_ =	shalt  }
0x5c: {  	_ =	shalt  }
0x5d: {  	_ =	shalt  }
0x5e: {  	_ =	shalt  }
0x5f: {  	_ =	shalt  }
0x60: {  	_ =	shalt  }
0x61: {  	_ =	shalt  }
0x62: {  	_ =	shalt  }
0x63: {  	_ =	shalt  }
0x64: {  	_ =	shalt  }
0x65: {  	_ =	shalt  }
0x66: {  	_ =	shalt  }
0x67: {  	_ =	shalt  }
0x68: {  	_ =	shalt  }
0x69: {  	_ =	shalt  }
0x6a: {  	_ =	shalt  }
0x6b: {  	_ =	shalt  }
0x6c: {  	_ =	shalt  }
0x6d: {  	_ =	shalt  }
0x6e: {  	_ =	shalt  }
0x6f: {  	_ =	shalt  }
0x70: {  	_ =	shalt  }
0x71: {  	_ =	shalt  }
0x72: {  	_ =	shalt  }
0x73: {  	_ =	shalt  }
0x74: {  	_ =	shalt  }
0x75: {  	_ =	shalt  }
0x76: {  	_ =	shalt  }
0x77: {  	_ =	shalt  }
0x78: {  	_ =	shalt  }
0x79: {  	_ =	shalt  }
0x7a: {  	_ =	shalt  }
0x7b: {  	_ =	shalt  }
0x7c: {  	_ =	shalt  }
0x7d: {  	_ =	shalt  }
0x7e: {  	_ =	shalt  }
0x7f: {  	_ =	shalt  }
0x80: {  	_ =	shalt  }
0x81: {  	_ =	shalt  }
0x82: {  	_ =	shalt  }
0x83: {  	_ =	shalt  }
0x84: {  	_ =	shalt  }
0x85: {  	_ =	shalt  }
0x86: {  	_ =	shalt  }
0x87: {  	_ =	shalt  }
.Lfunc_end0:
.L_simem_size_0:
called_computation.3_lowered:
.L_overlay_start_0:
0x88: {  	s2 =	sld [smem:$0x3FD9]  }
0x89: {  	s3 =	sld [smem:$0x3FFE];
	_ =	sdelay $0x1  }
0x8a: {  	s1 =	srdreg.scid  }
0x8b: {  	s0 =	sand.u32 $0x1, s1  }
0x8c: {  	s17 =	sshll.u32 s0, $0xA;
	s2 =	sadd.s32 s3, s2  }
0x8d: {  	s2 =	sadd.s32 s2, s17  }
0x8e: {  	[smem:$0x3F76] =	sst s2  }
0x8f: {  	_ = 	snop  }
0x90: {  	(tm) =	ssettm $0x1  }
0x91: {  	s18 =	sld [smem:$0x3FFB];
	_ =	sdelay $0x3  }
0x92: {  	_ =	strace s18  }
0x93: {  	s2 =	sld [smem:$0x3FFC];
	_ =	sdelay $0x3  }
0x94: {  	_ =	strace s2  }
0x95: {  	s2 =	sld [smem:$0x3FFD];
	_ =	sdelay $0x3  }
0x96: {  	_ =	strace s2  }
0x97: {  	_ =	strace $0x8FFFFFFF  }
0x98: {  	s19 =	sld [smem:$0x3FDB];
	_ =	sdelay $0x1  }
0x99: {  	s20 =	simm.s32 $_scs_section_size  }
0x9a: {  	s4 =	simm.s32 $_size__tile_overlayer_lowered;
	s5 =	simm.s32 $_tile_overlayer_lowered  }
0x9b: {  	s6 =	simm.s32 $0x1BFF;
	s21 =	sshll.u32 s5, $0x1;
	s3 =	sadd.s32 s20, s19  }
0x9c: {  	s22 =	simm.s32 $0x0;
	s4 =	sshll.u32 s4, $0x1;
	s5 =	sadd.s32 s21, s3  }
0x9d: {  	[timem:s22], [sflag:s6] =	dma.local [hbm:s5], s4  }
0x9e: {  	_ =	swait.ge [sflag:s6], s4  }
0x9f: {  	s4 =	ssub.s32 $0x0, s4;
	[sflag:s6] =	ssyncset.done $0x0  }
0xa0: {  	[sflag:s6] =	ssyncadd.s32 s4;
	_ =	sdelay $0x1  }
0xa1: {  	s23 =	simm.s32 $0x1B8B  }
0xa2: {  	_ =	swait.ge [sflag:s23], $0x1  }
0xa3: {  	[sflag:s23] =	ssyncset.done $0x0  }
0xa4: {  	[sflag:s23] =	ssyncadd.s32 $0xFFFFFFFF  }
0xa5: {  	s4 =	sld [smem:$0x0]  }
0xa6: {  	s5 =	sand.u32 $0xFFFFFFFE, s1  }
0xa7: {  	p0 =	sne.s32 s1, s5  }
0xa8: {  	s5 =	sshll.u32 @p0 s5, $0xE  }
0xa9: {  	s5 =	sadd.s32 @p0 $0x11B8D, s5;
	s6 =	sshll.u32 @p0 s4, $0x11  }
0xaa: {  	s5 =	sor.u32 @p0 s6, s5  }
0xab: {  	[sflag:s5] =	ssyncadd.remote.s32 @p0 $0x1;
	_ =	sdelay $0x1  }
0xac: {  	s5 =	simm.s32 @p0 $0x1B8D  }
0xad: {  	_ =	swait.eq @p0 [sflag:s5], $0x1  }
0xae: {  	[sflag:s5] =	ssyncadd.s32 @p0 $0xFFFFFFFF  }
0xaf: {  	s6 =	sshll.u32 @!p0 s1, $0xE  }
0xb0: {  	s6 =	sor.u32 @!p0 $0x4000, s6;
	s5 =	simm.s32 @!p0 $0x1B8D  }
0xb1: {  	s4 =	sshll.u32 @!p0 s4, $0x11;
	s6 =	sadd.s32 @!p0 $0x11B8D, s6;
	_ =	swait.eq @!p0 [sflag:s5], $0x1  }
0xb2: {  	s4 =	sor.u32 @!p0 s4, s6;
	[sflag:s5] =	ssyncadd.s32 @!p0 $0xFFFFFFFF  }
0xb3: {  	s25 =	simm.s32 $0x1B8E;
	s24 =	sld [smem:$0x3FFE];
	[sflag:s4] =	ssyncadd.remote.s32 @!p0 $0x1  }
0xb4: {  	s26 =	simm.s32 $execute0_lowered;
	[smem:$0x3FD2] =	sst s25  }
0xb5: {  	s5 =	sshll.u32 s26, $0x1;
	_ =	strace $0x8000004F;
	[dreg:$0x1] =	wrdreg $0xFFFFFFFF  }
0xb6: {  	s28 =	simm.s32 $_size_execute0_lowered;
	s3 =	sadd.s32 s3, s5;
	[dreg:$0x0] =	wrdreg $0x0  }
0xb7: {  	s5 =	sshll.u32 s28, $0x1;
	[dreg:$0x2] =	wrdreg s3  }
0xb8: {  	[dreg:$0x3] =	wrdreg s5  }
0xb9: {  	[dreg:$0x4] =	wrdreg $0xC0  }
0xba: {  	_ =	task [dreg:s22], $0x5FFFF  }
0xbb: {  	[dreg:$0x1] =	wrdreg $0xFFFFFFFF  }
0xbc: {  	[dreg:$0x0] =	wrdreg $0x60  }
0xbd: {  	[dreg:$0x2] =	wrdreg s24  }
0xbe: {  	[dreg:$0x3] =	wrdreg $0xA  }
0xbf: {  	_ =	task.clear_ibuf [dreg:s22], $0x4FFFF;
	_ =	strace $0x9000004F  }
0xc0: {  	s29 =	simm.s32 $0xA;
	_ =	strace $0x80000051  }
0xc1: {  	_ =	swait.ge [sflag:s29], $0x1  }
0xc2: {  	[sflag:s29] =	ssyncadd.s32 $0xFFFFFFFF  }
0xc3: {  	_ =	strace $0x90000051  }
0xc4: {  	_ =	sfence  }
0xc5: {  	s30 =	sld [smem:$0x0];
	_ =	sdelay $0x2  }
0xc6: {  	s31 =	sshll.u32 s1, $0xD;
	s1 =	sshrl.u32 s1, $0x2  }
0xc7: {  	s4 =	sand.u32 $0x4000, s31;
	s1 =	sadd.s32 s1, s30  }
0xc8: {  	s0 =	sor.u32 s4, s0;
	s1 =	sshll.u32 s1, $0x11  }
0xc9: {  	s0 =	sor.u32 s1, s0  }
0xca: {  	s0 =	sadd.s32 $0x8F2B, s0  }
0xcb: {  	[sflag:s0] =	ssyncadd.remote.s32 $0x1  }
0xcc: {  	_ =	sfence.sel $0xFFFF  }
0xcd: {  	[dreg:$0x0] =	wrdreg $0xFFFFFFFF;
	(pc) =	sbr.abs _section_cstart, $3  }
0xce: {  	[dreg:$0x1] =	wrdreg $0xFFFFFFFF  }
0xcf: {  	_ =	task.clear_ibuf [dreg:s22], $0x2FFFF;
	_ =	strace $0x9FFFFFFF  }
0xd0: {  	(tm) =	ssettm $0x7FFFFFFF  }
0xd1: {  	_ =	shalt  }
tec
execute0_lowered:
.L_overlay_start_1:
0x0: {  	(tag) =	ssettag $0x1  }
0x1: {  	s8 =	rddreg [dreg:$0x0];
	s1 =	stileid.u32  }
0x2: {  	s2 =	srdreg.scid;
	s0 =	rddreg [dreg:$0x1]  }
0x3: {  	_ =	strace $0x80000050;
	s5 =	simm.s32 $0x1;
	s9 =	simm.s32 $0x1  }
0x4: {  	s10 =	simm.s32 $0x3;
	s2 =	sand.u32 $0x1, s2;
	s3 =	sshll.u32 s1, $0x1  }
0x5: {  	s13 =	simm.s32 $0x0;
	s12 =	simm.s32 $0x0;
	s6 =	sor.u32 s3, s2  }
0x6: {  	[sflag:s5] =	ssyncpa.u1 $0x0;
	s2 =	sadd.s32 $0x8E00, s8;
	s4 =	smul.u32 $0x30, s6  }
0x7: {  	s3 =	sadd.s32 $0x13C00, s8;
	p0 =	slt.u32 s6, $0xB;
	s6 =	simm.s32 $0x600  }
.Ltmp0:
0x8: {  	s6 =	simm.s32 @!p0 $0x0;
	s7 =	ssub.s32 $0x7E0, s4;
	(pc) =	sbr.rel .LBB2_1-.Ltmp0, $4  }
0x9: {  	s9 =	simm.s32 @!p0 $0x0;
	p0 =	sne.s32 s7, s6;
	s7 =	simm.s32 $0x1  }
0xa: {  	s8 =	sadd.s32 $0x13E00, s8;
	s6 =	simm.s32 $0x2;
	s7 =	simm.s32 @!p0 $0x0  }
0xb: {  	s11 =	smov.u32 s4;
	[sflag:s6] =	ssyncpa.u1 $0x0;
	s7 =	sadd.s32 s9, s7  }
0xc: {  	vm0 =	vmmov $0xffff;
	[sflag:s10] =	ssyncpa.u1 $0x0;
	s10 =	simm.s32 $0x0;
	s9 =	sadd.s32 $0x1, s7  }
.LBB2_4:
0xd: {  	v3 =	vmul.u32 $0x18200, v3;
	v4 =	vshll.u32 v1, $0x2  }
0xe: {  	v2 =	vshll.u32 v2, $0x7;
	v4 =	vand.u32 $0xFFFFFE00, v4  }
0xf: {  	v2 =	vand.u32 $0x180, v2;
	v3 =	vadd.s32 v3, v4  }
0x10: {  	v63 =	vand.u32 $0x7F, v1;
	v2 =	vor.u32 v2, v3  }
0x11: {  	v1 =	vor.u32 v63, v2;
	_ =	sdelay $0x2  }
0x12: {  	[tilespmem:s15], [sflag:$0x1] =	stream.indirect_vreg.gather [hbm4b:s2+s10], $0x1, v0, vm0, $0x4038;
	[tilespmem:$0xC0] =	vst v63  }
0x13: {  	(ifvalue) =	ssetifvalue $0x7FFFFFFF;
	s29 =	sadd.s32 $0x10, s15  }
0x14: {  	[tilespmem:s29], [sflag:$0x1] =	stream.indirect_vreg.gather [hbm4b:s2+s10], $0x1, v1, vm0, $0x4038;
	[tilespmem:$0xC0] =	vst v63  }
0x15: {  	_ =	swait.ge [sflag:s5], $0x30  }
0x16: {  	s30 =	sshrl.u32 s13, $0x3;
	[sflag:s5] =	ssyncset.done $0x0  }
0x17: {  	s31 =	sand.u32 $0x7, s13;
	s15 =	sadd.s32 s8, s30;
	[sflag:s5] =	ssyncadd.s32 $0xFFFFFFD0  }
0x18: {  	[hbm4b:s15+s31] =	stream.linear.scatter [tilespmem:s14], [sflag:$0x3], $0x30, $0x38;
	[tilespmem:$0xC0] =	vst v63  }
.LBB2_5:
0x19: {  	s15 =	sadd.s32 $0x600, s11  }
0x1a: {  	p1 =	sgt.s32 s15, $0x7DF  }
0x1b: {  	s15 =	smov.u32 @p1 s4;
	p1 =	sne.s32 s12, s9  }
.Ltmp1:
0x1c: {  	p0 =	slt.u32 s12, $0x2;
	(pc) =	sbr.rel @!p1 .LBB2_6-.Ltmp1, $4  }
0x1d: {  	s14 =	simm.s32 @!p0 $0x3  }
0x1e: {  	_ =	swait.ge @!p0 [sflag:s14], $0x30  }
0x1f: {  	s16 =	sadd.s32 $0x1, s12;
	s13 =	smov.u32 s11;
	[sflag:s14] =	ssyncset.done @!p0 $0x0  }
0x20: {  	s12 =	smov.u32 s16;
	s11 =	smov.u32 s15;
	[sflag:s14] =	ssyncadd.s32 @!p0 $0xFFFFFFD0  }
.LBB2_1:
0x21: {  	p0 =	sge.u32 s12, s7  }
0x22: {  	s14 =	sxor.u32 @!p0 $0x1, s12  }
0x23: {  	s14 =	smul.u32 @!p0 $0xC0, s14  }
0x24: {  	s31 =	sadd.s32 $0xFFFFFFFF, s12;
	s15 =	sshrl.u32 @!p0 s11, $0x3  }
0x25: {  	s16 =	sand.u32 @!p0 $0x7, s11;
	s15 =	sadd.s32 @!p0 s3, s15;
	s14 =	sshra.s32 @!p0 s14, $0x2  }
0x26: {  	[tilespmem:s14], [sflag:$0x2] =	stream.linear.gather @!p0 [hbm4b:s15+s16], $0x30, $0x38;
	[tilespmem:$0xC0] =	vst v63  }
0x27: {  	p0 =	sge.u32 s31, s7  }
.Ltmp2:
0x28: {  	_ = 	snop;
	(pc) =	sbr.rel @p0 .LBB2_5-.Ltmp2, $1  }
0x29: {  	_ =	sdelay $0x3  }
0x2a: {  	s14 =	sand.u32 $0x1, s12  }
0x2b: {  	_ =	swait.ge [sflag:s6], $0x30;
	p0 =	seq.s32 s14, $0x1;
	s14 =	simm.s32 $0x30  }
0x2c: {  	[sflag:s6] =	ssyncset.done $0x0;
	s14 =	simm.s32 @!p0 $0x0  }
0x2d: {  	[sflag:s6] =	ssyncadd.s32 $0xFFFFFFD0;
	(ifvalue) =	ssetifvalue $0x7FFFFFFF;
	v0 =	vld.msk [tilespmem:s14+$0x0 ss:$0x1], $0xffff;
	_ =	sdelay $0x4  }
0x2e: {  	vm1 =	veq.s32 v0, $0x80000000;
	v1 =	vand.u32 $0x3, v0;
	v0 =	vshrl.u32 v0, $0x2  }
0x2f: {  	v1 =	vsel vm1, $0xFFFFFFFF, v1;
	v0 =	vand.u32 $0x7FFF, v0  }
0x30: {  	v0 =	vsel vm1, $0xFFFFFFFF, v0;
	v2 =	vshrl.u32 v1, $0x2  }
0x31: {  	s15 =	sadd.s32 $0x10, s14;
	v2 =	vmul.u32 $0x18200, v2;
	v4 =	vshll.u32 v0, $0x2  }
0x32: {  	v3 =	vld.msk [tilespmem:s15+$0x0 ss:$0x1], $0xffff;
	v1 =	vshll.u32 v1, $0x7;
	v4 =	vand.u32 $0xFFFFFE00, v4  }
0x33: {  	v1 =	vand.u32 $0x180, v1;
	v2 =	vadd.s32 v2, v4  }
0x34: {  	v0 =	vand.u32 $0x7F, v0;
	v1 =	vor.u32 v1, v2  }
0x35: {  	v0 =	vor.u32 v0, v1;
	_ =	sdelay $0x1  }
0x36: {  	vm1 =	veq.s32 v3, $0x80000000;
	v2 =	vand.u32 $0x3, v3;
	v3 =	vshrl.u32 v3, $0x2  }
0x37: {  	s16 =	simm.s32 $0x10;
	s14 =	sadd.s32 $0x60, s14;
	v2 =	vsel vm1, $0xFFFFFFFF, v2;
	v3 =	vand.u32 $0x7FFF, v3  }
0x38: {  	s17 =	sadd.s32 $0x10, s15;
	(ifvalue) =	ssetifvalue $0x7FFFFFFF;
	s15 =	smov.u32 s14;
	v1 =	vsel vm1, $0xFFFFFFFF, v3;
	v3 =	vshrl.u32 v2, $0x2  }
.LBB2_3:
0x39: {  	v4 =	vld.msk [tilespmem:s17+$0x0 ss:$0x1], $0xffff;
	v3 =	vmul.u32 $0x18200, v3;
	v5 =	vshll.u32 v1, $0x2;
	[tilespmem:s15], [sflag:$0x1] =	stream.indirect_vreg.gather [hbm4b:s2+s10], $0x1, v0, vm0, $0x4038  }
0x3a: {  	s16 =	sadd.s32 $0x10, s16;
	v2 =	vshll.u32 v2, $0x7;
	v0 =	vand.u32 $0xFFFFFE00, v5  }
0x3b: {  	p0 =	slt.u32 s16, $0x20;
	v2 =	vand.u32 $0x180, v2;
	v0 =	vadd.s32 v3, v0  }
0x3c: {  	v1 =	vand.u32 $0x7F, v1;
	v0 =	vor.u32 v2, v0  }
.Ltmp3:
0x3d: {  	v0 =	vor.u32 v1, v0;
	(pc) =	sbr.rel @p0 .LBB2_3-.Ltmp3, $4  }
0x3e: {  	_ = 	snop  }
0x3f: {  	vm1 =	veq.s32 v4, $0x80000000;
	v1 =	vand.u32 $0x3, v4;
	v3 =	vshrl.u32 v4, $0x2  }
0x40: {  	v2 =	vsel vm1, $0xFFFFFFFF, v1;
	v1 =	vand.u32 $0x7FFF, v3  }
0x41: {  	s17 =	sadd.s32 $0x10, s17;
	s15 =	sadd.s32 $0x10, s15;
	v1 =	vsel vm1, $0xFFFFFFFF, v1;
	v3 =	vshrl.u32 v2, $0x2;
	(ifvalue) =	ssetifvalue $0x7FFFFFFF  }
.Ltmp4:
0x42: {  	_ = 	snop;
	(pc) =	sbr.rel .LBB2_4-.Ltmp4, $1  }
0x43: {  	_ =	sdelay $0x3  }
.LBB2_6:
0x44: {  	_ =	sfence.sel $0x180000  }
0x45: {  	s2 =	simm.s32 $0x2;
	[bflag:$0x0] =	sbarrier.arrive $0xFFFF  }
0x46: {  	s30 =	simm.s32 $0x3;
	[sflag:s2] =	ssyncpa.u1 $0x1  }
0x47: {  	s31 =	simm.s32 $0x1;
	[sflag:s30] =	ssyncpa.u1 $0x1  }
0x48: {  	[sflag:s31] =	ssyncpa.u1 $0x1  }
0x49: {  	p0 =	sne.s32 s1, $0x0;
	_ =	strace $0x90000050  }
0x4a: {  	s0 =	sadd.s32 @!p0 $0x100000, s0;
	[bflag:$0x2] =	sbarrier.arrive $0xFFFF  }
0x4b: {  	[sflag:s0] =	ssyncadd.tile.s32 @!p0 $0x1;
	_ =	shalt  }
.Lfunc_end2:
_tile_overlayer_lowered:
.L_overlay_start_2:
0x4c: {  	(tag) =	ssettag $0x2  }
0x4d: {  	s0 =	rddreg [dreg:$0x0];
	s2 =	stileid.u32  }
0x4e: {  	s1 =	rddreg [dreg:$0x1];
	p0 =	sne.s32 s2, $0x0  }
0x4f: {  	s3 =	rddreg [dreg:$0x2];
	[bflag:$0x3] =	sbarrier.arrive $0xFFFF;
	s2 =	simm.s32 @!p0 $0x1C01  }
0x50: {  	[timem:s3], [sflag:s2] =	dma.local @!p0 [hbm:s0], s1  }
0x51: {  	s0 =	simm.s32 @!p0 $0x1  }
0x52: {  	_ =	swait.ge @!p0 [sflag:s0], s1  }
0x53: {  	s1 =	ssub.s32 @!p0 $0x0, s1;
	[sflag:s0] =	ssyncset.done @!p0 $0x0  }
0x54: {  	[sflag:s0] =	ssyncadd.s32 @!p0 s1  }
0x55: {  	[bflag:$0x3] =	sbarrier.arrive $0xFFFF  }
0x56: {  	_ =	shalt  }

// kernel: gather_offload_async_start
scs
__scs_entry_jumppad:
0x0: {  	(pc) =	sbr.rel $0x88, $3  }
0x1: {  	(tag) =	ssettag $0x0;
	lr =	simm.s32 $0x1  }
0x2: {  	[smem:$0x3F4F] =	sst lr;
	_ =	strace $0xD0000000  }
0x3: {  	_ = 	snop  }
0x4: {  	_ = 	snop  }
0x5: {  	_ = 	snop  }
0x6: {  	_ = 	snop  }
0x7: {  	_ = 	snop  }
__scs_overlays_trampoline_lowered:
0x8: {  	[smem:$0x3F5E] =	sst s0  }
0x9: {  	[smem:$0x3F5F] =	sst s1  }
0xa: {  	[smem:$0x3F60] =	sst s2  }
0xb: {  	[smem:$0x3F61] =	sst s3  }
0xc: {  	[smem:$0x3F62] =	sst s4  }
0xd: {  	[smem:$0x3F63] =	sst s5  }
0xe: {  	[smem:$0x3F64] =	sst s6  }
0xf: {  	[smem:$0x3F65] =	sst s7  }
0x10: {  	[smem:$0x3F66] =	sst s8  }
0x11: {  	[smem:$0x3F67] =	sst s9;
	s0 =	simm.s32 @!p0 $0x0  }
0x12: {  	s1 =	sld [smem:$0x3F4D];
	s0 =	simm.s32 @p0 $0x1  }
0x13: {  	[smem:$0x3F68] =	sst s0;
	s0 =	simm.s32 @!p1 $0x0  }
0x14: {  	s2 =	sld [smem:$0x3F4C];
	s0 =	simm.s32 @p1 $0x1  }
0x15: {  	[smem:$0x3F69] =	sst s0;
	s0 =	simm.s32 @!p2 $0x0  }
0x16: {  	s3 =	sld [smem:$0x3FDB];
	s0 =	simm.s32 @p2 $0x1  }
0x17: {  	s4 =	simm.s32 $0x1BF5;
	[smem:$0x3F6B] =	sst s0  }
0x18: {  	s0 =	sld [smem:$0x3F4E];
	_ =	swait.ge [sflag:s4], $0x0  }
0x19: {  	s7 =	sld [smem:$0x3F4F]  }
0x1a: {  	s8 =	sadd.s32 $0xFFFFE003, lr  }
0x1b: {  	s9 =	sadd.s32 $0xFFFFFEF7, lr;
	s5 =	simm.s32 $0xFFFFFFFF;
	p2 =	slt.u32 s8, $0xFFFFF086  }
0x1c: {  	p1 =	slt.u32 s9, $0xF7A;
	s5 =	simm.s32 @!p2 $0x0  }
0x1d: {  	s5 =	simm.s32 @p1 $0x1;
	p0 =	seq.s32 s7, s2  }
0x1e: {  	s7 =	smul.u32 @!p0 $0xF7A, s2;
	p2 =	seq.s32 @!p0 s5, $0x0  }
0x1f: {  	s9 =	smul.u32 $0xF7A, s1;
	s8 =	simm.s32 @!p0 $0x1BF5;
	p2 =	por !p2, p0  }
0x20: {  	[sflag:s8] =	ssyncset.s32 @!p0 $0xFFFFF086;
	s6 =	sadd.s32 @!p0 s3, s7;
	s7 =	simm.s32 @!p0 $0x108  }
0x21: {  	s3 =	sadd.s32 s3, s9;
	s6 =	sadd.s32 @!p0 $0x88, s6;
	s7 =	simm.s32 @p2 $0x1082  }
0x22: {  	[simem:s7], [sflag:s8] =	dma.local @!p0 [hbm:s6], $0xF7A  }
0x23: {  	s9 =	sor.u32 $0xD0000000, s2;
	s6 =	simm.s32 $0x108;
	_ =	swait.ge @!p0 [sflag:s8], $0x0  }
0x24: {  	s3 =	sadd.s32 $0x88, s3;
	s6 =	simm.s32 @!p1 $0x1082;
	[sflag:s4] =	ssyncset.s32 $0xFFFFF086  }
0x25: {  	[simem:s6], [sflag:s4] =	dma.local [hbm:s3], $0xF7A  }
0x26: {  	[smem:$0x3F4F] =	sst s1;
	(tag) =	ssettag s2;
	_ =	strace s9  }
0x27: {  	s1 =	sld [smem:$0x3F5F]  }
0x28: {  	s2 =	sld [smem:$0x3F60]  }
0x29: {  	s4 =	sld [smem:$0x3F62]  }
0x2a: {  	p0 =	seq.s32 s5, $0x0;
	s5 =	sld [smem:$0x3F63]  }
0x2b: {  	s6 =	sld [smem:$0x3F64]  }
0x2c: {  	s7 =	sld [smem:$0x3F65]  }
0x2d: {  	s3 =	simm.s32 $0x108;
	s8 =	sld [smem:$0x3F66]  }
0x2e: {  	s3 =	simm.s32 @!p0 $0x1082;
	s9 =	sld [smem:$0x3F67]  }
0x2f: {  	lr =	sadd.s32 s0, s3;
	s0 =	sld [smem:$0x3F5E]  }
0x30: {  	s3 =	sld [smem:$0x3F61]  }
0x31: {  	[smem:$0x3F6A] =	sst s10  }
0x32: {  	s10 =	sld [smem:$0x3F68];
	_ =	sdelay $0x3  }
0x33: {  	p0 =	seq.s32 s10, $0x1;
	s10 =	sld [smem:$0x3F6A];
	_ =	sdelay $0x3  }
0x34: {  	[smem:$0x3F6A] =	sst s10  }
0x35: {  	s10 =	sld [smem:$0x3F69];
	_ =	sdelay $0x3  }
0x36: {  	p1 =	seq.s32 s10, $0x1;
	s10 =	sld [smem:$0x3F6A];
	_ =	sdelay $0x3  }
0x37: {  	[smem:$0x3F6A] =	sst s10  }
0x38: {  	s10 =	sld [smem:$0x3F6B]  }
0x39: {  	_ = 	snop;
	(pc) =	sbr.ind lr, $3  }
0x3a: {  	_ = 	snop  }
0x3b: {  	_ = 	snop  }
0x3c: {  	p2 =	seq.s32 s10, $0x1;
	s10 =	sld [smem:$0x3F6A]  }
0x3d: {  	_ =	shalt  }
0x3e: {  	_ =	shalt  }
0x3f: {  	_ =	shalt  }
0x40: {  	_ =	shalt  }
0x41: {  	_ =	shalt  }
0x42: {  	_ =	shalt  }
0x43: {  	_ =	shalt  }
0x44: {  	_ =	shalt  }
0x45: {  	_ =	shalt  }
0x46: {  	_ =	shalt  }
0x47: {  	_ =	shalt  }
0x48: {  	_ =	shalt  }
0x49: {  	_ =	shalt  }
0x4a: {  	_ =	shalt  }
0x4b: {  	_ =	shalt  }
0x4c: {  	_ =	shalt  }
0x4d: {  	_ =	shalt  }
0x4e: {  	_ =	shalt  }
0x4f: {  	_ =	shalt  }
0x50: {  	_ =	shalt  }
0x51: {  	_ =	shalt  }
0x52: {  	_ =	shalt  }
0x53: {  	_ =	shalt  }
0x54: {  	_ =	shalt  }
0x55: {  	_ =	shalt  }
0x56: {  	_ =	shalt  }
0x57: {  	_ =	shalt  }
0x58: {  	_ =	shalt  }
0x59: {  	_ =	shalt  }
0x5a: {  	_ =	shalt  }
0x5b: {  	_ =	shalt  }
0x5c: {  	_ =	shalt  }
0x5d: {  	_ =	shalt  }
0x5e: {  	_ =	shalt  }
0x5f: {  	_ =	shalt  }
0x60: {  	_ =	shalt  }
0x61: {  	_ =	shalt  }
0x62: {  	_ =	shalt  }
0x63: {  	_ =	shalt  }
0x64: {  	_ =	shalt  }
0x65: {  	_ =	shalt  }
0x66: {  	_ =	shalt  }
0x67: {  	_ =	shalt  }
0x68: {  	_ =	shalt  }
0x69: {  	_ =	shalt  }
0x6a: {  	_ =	shalt  }
0x6b: {  	_ =	shalt  }
0x6c: {  	_ =	shalt  }
0x6d: {  	_ =	shalt  }
0x6e: {  	_ =	shalt  }
0x6f: {  	_ =	shalt  }
0x70: {  	_ =	shalt  }
0x71: {  	_ =	shalt  }
0x72: {  	_ =	shalt  }
0x73: {  	_ =	shalt  }
0x74: {  	_ =	shalt  }
0x75: {  	_ =	shalt  }
0x76: {  	_ =	shalt  }
0x77: {  	_ =	shalt  }
0x78: {  	_ =	shalt  }
0x79: {  	_ =	shalt  }
0x7a: {  	_ =	shalt  }
0x7b: {  	_ =	shalt  }
0x7c: {  	_ =	shalt  }
0x7d: {  	_ =	shalt  }
0x7e: {  	_ =	shalt  }
0x7f: {  	_ =	shalt  }
0x80: {  	_ =	shalt  }
0x81: {  	_ =	shalt  }
0x82: {  	_ =	shalt  }
0x83: {  	_ =	shalt  }
0x84: {  	_ =	shalt  }
0x85: {  	_ =	shalt  }
0x86: {  	_ =	shalt  }
0x87: {  	_ =	shalt  }
.Lfunc_end0:
.L_simem_size_0:
called_computation_lowered:
.L_overlay_start_0:
0x88: {  	s0 =	sld [smem:$0x3FD9]  }
0x89: {  	s1 =	sld [smem:$0x3FFE];
	_ =	sdelay $0x3  }
0x8a: {  	s0 =	sadd.s32 s1, s0  }
0x8b: {  	[smem:$0x3F76] =	sst s0  }
0x8c: {  	_ = 	snop  }
0x8d: {  	(tm) =	ssettm $0x1  }
0x8e: {  	s15 =	sld [smem:$0x3FFB];
	_ =	sdelay $0x3  }
0x8f: {  	_ =	strace s15  }
0x90: {  	s0 =	sld [smem:$0x3FFC];
	_ =	sdelay $0x3  }
0x91: {  	_ =	strace s0  }
0x92: {  	s0 =	sld [smem:$0x3FFD];
	_ =	sdelay $0x3  }
0x93: {  	_ =	strace s0  }
0x94: {  	_ =	strace $0x8FFFFFFF  }
0x95: {  	s16 =	sld [smem:$0x3FDB];
	_ =	sdelay $0x1  }
0x96: {  	s17 =	simm.s32 $_scs_section_size  }
0x97: {  	s2 =	simm.s32 $_size__tile_overlayer_lowered;
	s3 =	simm.s32 $_tile_overlayer_lowered  }
0x98: {  	s20 =	simm.s32 $0x1BFF;
	s19 =	sshll.u32 s3, $0x1;
	s0 =	sadd.s32 s17, s16  }
0x99: {  	s4 =	simm.s32 $0x0;
	s18 =	sshll.u32 s2, $0x1;
	s2 =	sadd.s32 s19, s0  }
0x9a: {  	[timem:s4], [sflag:s20] =	dma.local [hbm:s2], s18  }
0x9b: {  	_ =	swait.ge [sflag:s20], s18  }
0x9c: {  	s1 =	ssub.s32 $0x0, s18;
	[sflag:s20] =	ssyncset.done $0x0  }
0x9d: {  	[sflag:s20] =	ssyncadd.s32 s1;
	_ =	sdelay $0x1  }
0x9e: {  	s21 =	simm.s32 $0x1B8B  }
0x9f: {  	_ =	swait.ge [sflag:s21], $0x1  }
0xa0: {  	[sflag:s21] =	ssyncset.done $0x0  }
0xa1: {  	s23 =	simm.s32 $0x1B8E;
	s22 =	sld [smem:$0x3FFE];
	[sflag:s21] =	ssyncadd.s32 $0xFFFFFFFF  }
0xa2: {  	s24 =	simm.s32 $execute0_lowered;
	[smem:$0x3FD2] =	sst s23  }
0xa3: {  	s2 =	sshll.u32 s24, $0x1;
	_ =	strace $0x80000049;
	[dreg:$0x1] =	wrdreg $0xFFFFFFFF  }
0xa4: {  	s25 =	simm.s32 $_size_execute0_lowered;
	s0 =	sadd.s32 s0, s2;
	[dreg:$0x0] =	wrdreg $0x0  }
0xa5: {  	s2 =	sshll.u32 s25, $0x1;
	[dreg:$0x2] =	wrdreg s0  }
0xa6: {  	[dreg:$0x3] =	wrdreg s2  }
0xa7: {  	[dreg:$0x4] =	wrdreg $0xC0  }
0xa8: {  	_ =	task [dreg:s4], $0x5FFFF  }
0xa9: {  	[dreg:$0x1] =	wrdreg $0xFFFFFFFF  }
0xaa: {  	[dreg:$0x0] =	wrdreg $0x60  }
0xab: {  	[dreg:$0x2] =	wrdreg s22  }
0xac: {  	[dreg:$0x3] =	wrdreg $0x9  }
0xad: {  	_ =	task.clear_ibuf [dreg:s4], $0x4FFFF;
	_ =	strace $0x90000049  }
0xae: {  	s26 =	simm.s32 $0x9;
	_ =	strace $0x8000004B  }
0xaf: {  	_ =	swait.ge [sflag:s26], $0x1  }
0xb0: {  	[sflag:s26] =	ssyncadd.s32 $0xFFFFFFFF  }
0xb1: {  	_ =	strace $0x9000004B  }
0xb2: {  	_ =	sfence  }
0xb3: {  	s28 =	sld [smem:$0x0];
	_ =	sdelay $0x1  }
0xb4: {  	s29 =	srdreg.scid  }
0xb5: {  	s30 =	sshll.u32 s29, $0xD;
	s31 =	sshrl.u32 s29, $0x2  }
0xb6: {  	s1 =	sand.u32 $0x1, s29;
	s2 =	sand.u32 $0x4000, s30;
	s0 =	sadd.s32 s31, s28  }
0xb7: {  	s1 =	sor.u32 s2, s1;
	s0 =	sshll.u32 s0, $0x11  }
0xb8: {  	s0 =	sor.u32 s0, s1  }
0xb9: {  	s0 =	sadd.s32 $0x8F2B, s0  }
0xba: {  	[sflag:s0] =	ssyncadd.remote.s32 $0x1  }
0xbb: {  	_ =	sfence.sel $0xFFFF  }
0xbc: {  	[dreg:$0x0] =	wrdreg $0xFFFFFFFF;
	(pc) =	sbr.abs _section_cstart, $3  }
0xbd: {  	[dreg:$0x1] =	wrdreg $0xFFFFFFFF  }
0xbe: {  	_ =	task.clear_ibuf [dreg:s4], $0x2FFFF;
	_ =	strace $0x9FFFFFFF  }
0xbf: {  	(tm) =	ssettm $0x7FFFFFFF  }
tec
execute0_lowered:
.L_overlay_start_1:
0x0: {  	(tag) =	ssettag $0x1  }
0x1: {  	s5 =	rddreg [dreg:$0x0]  }
0x2: {  	s0 =	rddreg [dreg:$0x1]  }
0x3: {  	_ =	strace $0x8000004A;
	s1 =	stileid.u32;
	s6 =	simm.s32 $0x1  }
0x4: {  	s8 =	simm.s32 $0x2;
	s30 =	simm.s32 $0x3;
	s12 =	simm.s32 $0x0  }
0x5: {  	s9 =	simm.s32 $0x0;
	s10 =	simm.s32 $0x0;
	s4 =	sshll.u32 s1, $0x4  }
0x6: {  	s2 =	sadd.s32 $0x8E00, s5;
	s3 =	sadd.s32 $0x13400, s5;
	s7 =	ssub.s32 $0x3130, s4  }
0x7: {  	s5 =	sadd.s32 $0x13C00, s5;
	[sflag:s6] =	ssyncpa.u1 $0x0;
	s6 =	sshrl.u32 s7, $0x8  }
0x8: {  	[sflag:s8] =	ssyncpa.u1 $0x0;
	s11 =	smov.u32 s4;
	s31 =	sshll.u32 s6, $0x4  }
0x9: {  	[sflag:s30] =	ssyncpa.u1 $0x0;
	s7 =	sor.u32 $0x2, s6;
	s8 =	sadd.s32 $0x30, s31  }
.LBB2_1:
0xa: {  	p0 =	sgt.u32 s10, s6  }
0xb: {  	s13 =	sxor.u32 @!p0 $0xFFFFFFFF, s9;
	s14 =	sshrl.u32 @!p0 s11, $0x3  }
0xc: {  	s15 =	sand.u32 @!p0 $0x7, s11;
	s13 =	sand.u32 @!p0 $0x10, s13;
	s14 =	sadd.s32 @!p0 s3, s14  }
0xd: {  	[tilespmem:s13], [sflag:$0x2] =	stream.linear.gather @!p0 [hbm4b:s14+s15], $0x10, $0x38;
	[tilespmem:$0x40] =	vst v63  }
0xe: {  	p0 =	seq.s32 s9, $0x0  }
0xf: {  	p1 =	sge.u32 @!p0 s10, s7  }
0x10: {  	p0 =	por p1, p0  }
0x11: {  	s13 =	simm.s32 @!p0 $0x2  }
0x12: {  	_ =	swait.ge @!p0 [sflag:s13], $0x10  }
0x13: {  	[sflag:s13] =	ssyncset.done @!p0 $0x0  }
0x14: {  	[sflag:s13] =	ssyncadd.s32 @!p0 $0xFFFFFFF0;
	s13 =	sand.u32 @!p0 $0x10, s9  }
0x15: {  	(ifvalue) =	ssetifvalue @!p0 $0x7FFFFFFF;
	v0 =	vld.msk @!p0 [tilespmem:s13+$0x0 ss:$0x1], $0xffff;
	_ =	sdelay $0x4  }
0x16: {  	vm0 =	veq.s32 @!p0 v0, $0x80000000;
	v1 =	vand.u32 @!p0 $0x3, v0;
	v0 =	vshrl.u32 @!p0 v0, $0x2  }
0x17: {  	v1 =	vsel @!p0 vm0, $0xFFFFFFFF, v1;
	v0 =	vand.u32 @!p0 $0x7FFF, v0  }
0x18: {  	v0 =	vsel @!p0 vm0, $0xFFFFFFFF, v0;
	v2 =	vshrl.u32 @!p0 v1, $0x2  }
0x19: {  	v2 =	vmul.u32 @!p0 $0x18200, v2;
	v3 =	vshll.u32 @!p0 v0, $0x2  }
0x1a: {  	v1 =	vshll.u32 @!p0 v1, $0x7;
	v3 =	vand.u32 @!p0 $0xFFFFFE00, v3  }
0x1b: {  	v1 =	vand.u32 @!p0 $0x180, v1;
	v2 =	vadd.s32 @!p0 v2, v3  }
0x1c: {  	v0 =	vand.u32 @!p0 $0x7F, v0;
	v1 =	vor.u32 @!p0 v1, v2  }
0x1d: {  	v0 =	vor.u32 @!p0 v0, v1;
	_ =	sdelay $0x3  }
0x1e: {  	s14 =	simm.s32 @!p0 $0x0;
	s13 =	sor.u32 @!p0 $0x20, s13;
	(ifvalue) =	ssetifvalue @!p0 $0x7FFFFFFF;
	vm0 =	vmmov @!p0 $0xffff  }
0x1f: {  	[tilespmem:s13], [sflag:$0x1] =	stream.indirect_vreg.gather @!p0 [hbm4b:s2+s14], $0x1, v0, vm0, $0x4038;
	[tilespmem:$0x40] =	vst v63  }
0x20: {  	s14 =	simm.s32 @!p0 $0x1  }
0x21: {  	_ =	swait.ge @!p0 [sflag:s14], $0x10  }
0x22: {  	s15 =	sshrl.u32 @!p0 s12, $0x3;
	[sflag:s14] =	ssyncset.done @!p0 $0x0  }
0x23: {  	s12 =	sand.u32 @!p0 $0x7, s12;
	[sflag:s14] =	ssyncadd.s32 @!p0 $0xFFFFFFF0;
	s14 =	sadd.s32 @!p0 s5, s15  }
0x24: {  	[hbm4b:s14+s12] =	stream.linear.scatter @!p0 [tilespmem:s13], [sflag:$0x3], $0x10, $0x38;
	[tilespmem:$0x40] =	vst v63  }
0x25: {  	s14 =	sadd.s32 $0x100, s11  }
0x26: {  	s9 =	sadd.s32 $0x10, s9;
	p1 =	sgt.s32 s14, $0x3137  }
0x27: {  	s14 =	smov.u32 @p1 s4;
	p1 =	sne.s32 s8, s9  }
.Ltmp0:
0x28: {  	p0 =	slt.u32 s10, $0x2;
	(pc) =	sbr.rel @p1 .LBB2_1-.Ltmp0, $4  }
0x29: {  	s13 =	simm.s32 @!p0 $0x3  }
0x2a: {  	_ =	swait.ge @!p0 [sflag:s13], $0x10  }
0x2b: {  	s12 =	smov.u32 s11;
	[sflag:s13] =	ssyncset.done @!p0 $0x0  }
0x2c: {  	s10 =	sadd.s32 $0x1, s10;
	s11 =	smov.u32 s14;
	[sflag:s13] =	ssyncadd.s32 @!p0 $0xFFFFFFF0  }
0x2d: {  	_ =	sfence.sel $0x180000  }
0x2e: {  	s2 =	simm.s32 $0x2;
	[bflag:$0x0] =	sbarrier.arrive $0xFFFF  }
0x2f: {  	s30 =	simm.s32 $0x3;
	[sflag:s2] =	ssyncpa.u1 $0x1  }
0x30: {  	s31 =	simm.s32 $0x1;
	[sflag:s30] =	ssyncpa.u1 $0x1  }
0x31: {  	[sflag:s31] =	ssyncpa.u1 $0x1  }
0x32: {  	p0 =	sne.s32 s1, $0x0;
	_ =	strace $0x9000004A  }
0x33: {  	s0 =	sadd.s32 @!p0 $0x100000, s0;
	[bflag:$0x2] =	sbarrier.arrive $0xFFFF  }
0x34: {  	[sflag:s0] =	ssyncadd.tile.s32 @!p0 $0x1;
	_ =	shalt  }
.Lfunc_end2:
_tile_overlayer_lowered:
.L_overlay_start_2:
0x35: {  	(tag) =	ssettag $0x2  }
0x36: {  	s0 =	rddreg [dreg:$0x0];
	s2 =	stileid.u32  }
0x37: {  	s1 =	rddreg [dreg:$0x1];
	p0 =	sne.s32 s2, $0x0  }
0x38: {  	s3 =	rddreg [dreg:$0x2];
	[bflag:$0x3] =	sbarrier.arrive $0xFFFF;
	s2 =	simm.s32 @!p0 $0x1C01  }
0x39: {  	[timem:s3], [sflag:s2] =	dma.local @!p0 [hbm:s0], s1  }
0x3a: {  	s0 =	simm.s32 @!p0 $0x1  }
0x3b: {  	_ =	swait.ge @!p0 [sflag:s0], s1  }
0x3c: {  	s1 =	ssub.s32 @!p0 $0x0, s1;
	[sflag:s0] =	ssyncset.done @!p0 $0x0  }
0x3d: {  	[sflag:s0] =	ssyncadd.s32 @!p0 s1  }
0x3e: {  	[bflag:$0x3] =	sbarrier.arrive $0xFFFF  }
0x3f: {  	_ =	shalt  }

</sc_bundles>
